<compile_context>
chip_gen: v7x
topology: tpu7x:2x2x1
jax: 0.10.2.dev20260603
libtpu: 0.0.44.dev20260713+nightly
codegen_flags: <defaults>
</compile_context>

<pallas_src>
import functools
import math

import jax
import jax.numpy as jnp
from jax import lax
from jax.experimental import pallas as pl
from jax.experimental.pallas import tpu as pltpu, tpu_sc as plsc

N = 100000
D = 128
HALF = 64
MAX_LEN = 10000

NC = 2
NS = 16
NW = NC * NS
L = 16

B = 128
NBLK = (N + B - 1) // B
STEPS = (NBLK + NW - 1) // NW
LAST_R0 = N - B
NB = 4

P1_CHUNK = 6256
P1_LAST = N - P1_CHUNK
P1_ITERS = P1_CHUNK // L


def _shuf(v, perm):
    return lax.gather(
        v, perm[:, None],
        dimension_numbers=lax.GatherDimensionNumbers(
            offset_dims=(), collapsed_slice_dims=(0,), start_index_map=(0,)),
        slice_sizes=(1,),
        mode=lax.GatherScatterMode.PROMISE_IN_BOUNDS)


def _sc_body(x_hbm, y_hbm, pe_hbm, out_hbm,
             xbuf, ybuf, pbuf, allbuf, shared, xv, yv, idxx, idxy,
             rowsx, rowsy, semp, semg, semo):
    c = lax.axis_index("c")
    s = lax.axis_index("s")
    wid = s * NC + c

    off = jnp.minimum(s * P1_CHUNK, P1_LAST)
    pltpu.sync_copy(x_hbm.at[pl.ds(off, P1_CHUNK)], xbuf)
    pltpu.sync_copy(y_hbm.at[pl.ds(off, P1_CHUNK)], ybuf)

    def red_body(i, carry):
        mnx, mxx, mny, mxy = carry
        xk = xbuf[pl.ds(i * L, L)]
        yk = ybuf[pl.ds(i * L, L)]
        return (jnp.minimum(mnx, xk), jnp.maximum(mxx, xk),
                jnp.minimum(mny, yk), jnp.maximum(mxy, yk))

    x0 = xbuf[pl.ds(0, L)]
    y0 = ybuf[pl.ds(0, L)]
    mnx, mxx, mny, mxy = lax.fori_loop(
        1, P1_ITERS, red_body, (x0, x0, y0, y0))
    pbuf[0, :] = mnx
    pbuf[1, :] = mxx
    pbuf[2, :] = mny
    pbuf[3, :] = mxy

    pltpu.sync_copy(pbuf, shared.at[s])
    plsc.subcore_barrier()
    pltpu.sync_copy(shared, allbuf)

    mnx, mxx, mny, mxy = allbuf[0, 0, :], allbuf[0, 1, :], allbuf[0, 2, :], allbuf[0, 3, :]
    for t in range(1, NS):
        mnx = jnp.minimum(mnx, allbuf[t, 0, :])
        mxx = jnp.maximum(mxx, allbuf[t, 1, :])
        mny = jnp.minimum(mny, allbuf[t, 2, :])
        mxy = jnp.maximum(mxy, allbuf[t, 3, :])
    lane = lax.iota(jnp.int32, L)
    for sh in (8, 4, 2, 1):
        perm = lax.bitwise_xor(lane, sh)
        mnx = jnp.minimum(mnx, _shuf(mnx, perm))
        mxx = jnp.maximum(mxx, _shuf(mxx, perm))
        mny = jnp.minimum(mny, _shuf(mny, perm))
        mxy = jnp.maximum(mxy, _shuf(mxy, perm))
    mnx_s = mnx
    dx_s = mxx - mnx + 1e-8
    mny_s = mny
    dy_s = mxy - mny + 1e-8

    def _row0(i):
        b = jnp.minimum(wid + i * NW, NBLK - 1)
        return jnp.minimum(b * B, LAST_R0)

    def _quantize(p):
        for k in range(B // L):
            xn = (xv[p][pl.ds(k * L, L)] - mnx_s) / dx_s
            yn = (yv[p][pl.ds(k * L, L)] - mny_s) / dy_s
            idxx[p][pl.ds(k * L, L)] = jnp.clip(
                (xn * float(MAX_LEN)).astype(jnp.int32), 0, MAX_LEN - 1)
            idxy[p][pl.ds(k * L, L)] = jnp.clip(
                (yn * float(MAX_LEN)).astype(jnp.int32), 0, MAX_LEN - 1)

    def _issue_gather(p):
        pltpu.async_copy(pe_hbm.at[idxx[p]], rowsx[p], semg[p])
        pltpu.async_copy(pe_hbm.at[idxy[p]], rowsy[p], semg[p])

    def _drain_gather(p):
        pltpu.make_async_copy(pe_hbm.at[idxx[p]], rowsx[p], semg[p]).wait()
        pltpu.make_async_copy(pe_hbm.at[idxy[p]], rowsy[p], semg[p]).wait()

    def _issue_writeout(p, r0):
        pltpu.async_copy(rowsx[p],
                         out_hbm.at[pl.ds(r0, B), pl.ds(0, HALF)], semo[p])
        pltpu.async_copy(rowsy[p],
                         out_hbm.at[pl.ds(r0, B), pl.ds(HALF, HALF)], semo[p])

    def _drain_writeout(p):
        pltpu.make_async_copy(
            rowsx[p], out_hbm.at[pl.ds(0, B), pl.ds(0, HALF)], semo[p]).wait()
        pltpu.make_async_copy(
            rowsy[p], out_hbm.at[pl.ds(0, B), pl.ds(HALF, HALF)],
            semo[p]).wait()

    def _issue_pos(p, r0):
        pltpu.async_copy(x_hbm.at[pl.ds(r0, B)], xv[p], semp[p])
        pltpu.async_copy(y_hbm.at[pl.ds(r0, B)], yv[p], semp[p])

    def _drain_pos(p):
        pltpu.make_async_copy(x_hbm.at[pl.ds(0, B)], xv[p], semp[p]).wait()
        pltpu.make_async_copy(y_hbm.at[pl.ds(0, B)], yv[p], semp[p]).wait()

    for i in range(NB):
        r0 = _row0(i)
        pltpu.sync_copy(x_hbm.at[pl.ds(r0, B)], xv[i])
        pltpu.sync_copy(y_hbm.at[pl.ds(r0, B)], yv[i])
        _quantize(i)
        _issue_gather(i)
        _issue_pos(i, _row0(i + NB))
    for i in (0, 1):
        _drain_gather(i)
        _issue_writeout(i, _row0(i))

    def phase(i, p):
        q = (p - 2) % NB
        _drain_pos(p)
        _quantize(p)
        _issue_pos(p, _row0(i + NB))
        _drain_writeout(p)
        _issue_gather(p)
        _drain_gather(q)
        _issue_writeout(q, _row0(i - 2))

    def pipe_body(j, carry):
        for p in range(NB):
            phase(NB + NB * j + p, p)
        return carry

    NROUND = (STEPS - 1 - NB) // NB + 1
    lax.fori_loop(0, NROUND, pipe_body, 0)
    imax = NB * (NROUND + 1) - 1
    for i in (imax - 1, imax):
        p = i % NB
        _drain_gather(p)
        _issue_writeout(p, _row0(i))
    for p in range(NB):
        _drain_pos(p)
        _drain_writeout(p)


@functools.partial(jax.jit, static_argnames=())
def _encode(x, y, pe_half):
    mesh = plsc.VectorSubcoreMesh(core_axis_name="c", subcore_axis_name="s")
    run = pl.kernel(
        _sc_body,
        mesh=mesh,
        compiler_params=pltpu.CompilerParams(use_tc_tiling_on_sc=False),
        out_type=jax.ShapeDtypeStruct((N, D), jnp.float32),
        scratch_types=[
            pltpu.VMEM((P1_CHUNK,), jnp.float32),
            pltpu.VMEM((P1_CHUNK,), jnp.float32),
            pltpu.VMEM((4, L), jnp.float32),
            pltpu.VMEM((NS, 4, L), jnp.float32),
            pltpu.VMEM_SHARED((NS, 4, L), jnp.float32),
            [pltpu.VMEM((B,), jnp.float32)] * NB,
            [pltpu.VMEM((B,), jnp.float32)] * NB,
            [pltpu.VMEM((B,), jnp.int32)] * NB,
            [pltpu.VMEM((B,), jnp.int32)] * NB,
            [pltpu.VMEM((B, HALF), jnp.float32)] * NB,
            [pltpu.VMEM((B, HALF), jnp.float32)] * NB,
            [pltpu.SemaphoreType.DMA] * NB,
            [pltpu.SemaphoreType.DMA] * NB,
            [pltpu.SemaphoreType.DMA] * NB,
        ],
    )
    return run(x, y, pe_half)


def kernel(positions, pe):
    if positions.ndim == 1:
        positions = positions[None, :]
    x = positions[:, 0]
    y = positions[:, 1]
    pe_half = pe[:, :HALF]
    return _encode(x, y, pe_half)

# --- scband reference (transcript-rebuilt; emitter-appended) ---
"""Pipeline reference for scband-positional-encoder-48842368090158 (READ-ONLY COPY).

The authoritative reference and input builder live on the scoring server;
editing this copy changes nothing except your own understanding.
"""

import jax, jax.numpy as jnp
import numpy as np
import math

D_MODEL = 128
MAX_LEN = 10000
TEMPERATURE = 1.0


def _build_pe(max_len, d_model):
    position = jnp.arange(0, max_len, dtype=jnp.float32)[:, None]
    div_term = jnp.exp(jnp.arange(0, d_model, 2).astype(jnp.float32) * (-math.log(10000.0) / d_model))
    pe = jnp.zeros((max_len, d_model), dtype=jnp.float32)
    pe = pe.at[:, 0::2].set(jnp.sin(position * div_term))
    pe = pe.at[:, 1::2].set(jnp.cos(position * div_term))
    return pe


def setup_inputs(seed: int = 0) -> dict:
    key = jax.random.key(seed)
    k1, _ = jax.random.split(key)
    positions = jax.random.uniform(k1, (100000, 2), dtype=jnp.float32) * 50000.0
    pe = _build_pe(MAX_LEN, D_MODEL)
    return {"positions": positions, "pe": pe}


def reference(positions, pe):
    if positions.ndim == 1:
        positions = positions[None, :]
    max_len = pe.shape[0]
    d_model = pe.shape[1]
    half = d_model // 2
    x_pos = positions[:, 0]
    y_pos = positions[:, 1]
    x_norm = (x_pos - x_pos.min()) / (x_pos.max() - x_pos.min() + 1e-08)
    y_norm = (y_pos - y_pos.min()) / (y_pos.max() - y_pos.min() + 1e-08)
    x_scaled = jax.lax.stop_gradient(jnp.clip((x_norm * max_len).astype(jnp.int32), 0, max_len - 1))
    y_scaled = jax.lax.stop_gradient(jnp.clip((y_norm * max_len).astype(jnp.int32), 0, max_len - 1))
    x_enc = jnp.take(pe, x_scaled, axis=0)
    y_enc = jnp.take(pe, y_scaled, axis=0)
    pos_enc = jnp.concatenate([x_enc[:, :half], y_enc[:, :half]], axis=1)
    return pos_enc / TEMPERATURE

if __name__ == "__main__":
    import jax
    _d = setup_inputs()
    print(jax.jit(kernel)(*tuple(_d.values())))

</pallas_src>

<mosaic_0001>
#map = affine_map<(d0, d1) -> (0)>
#map1 = affine_map<(d0, d1) -> (0, 0)>
module attributes {stable_mosaic.version = 14 : i64} {
  func.func @_sc_body(%arg0: i32, %arg1: i32, %arg2: memref<100000xf32, #tpu.memory_space<hbm>>, %arg3: memref<100000xf32, #tpu.memory_space<hbm>>, %arg4: memref<10000x64xf32, #tpu.memory_space<hbm>>, %arg5: memref<100000x128xf32, #tpu.memory_space<hbm>>, %arg6: memref<6256xf32, #tpu.memory_space<vmem>>, %arg7: memref<6256xf32, #tpu.memory_space<vmem>>, %arg8: memref<4x16xf32, #tpu.memory_space<vmem>>, %arg9: memref<16x4x16xf32, #tpu.memory_space<vmem>>, %arg10: memref<16x4x16xf32, #tpu.memory_space<vmem_shared>>, %arg11: memref<128xf32, #tpu.memory_space<vmem>>, %arg12: memref<128xf32, #tpu.memory_space<vmem>>, %arg13: memref<128xf32, #tpu.memory_space<vmem>>, %arg14: memref<128xf32, #tpu.memory_space<vmem>>, %arg15: memref<128xf32, #tpu.memory_space<vmem>>, %arg16: memref<128xf32, #tpu.memory_space<vmem>>, %arg17: memref<128xf32, #tpu.memory_space<vmem>>, %arg18: memref<128xf32, #tpu.memory_space<vmem>>, %arg19: memref<128xi32, #tpu.memory_space<vmem>>, %arg20: memref<128xi32, #tpu.memory_space<vmem>>, %arg21: memref<128xi32, #tpu.memory_space<vmem>>, %arg22: memref<128xi32, #tpu.memory_space<vmem>>, %arg23: memref<128xi32, #tpu.memory_space<vmem>>, %arg24: memref<128xi32, #tpu.memory_space<vmem>>, %arg25: memref<128xi32, #tpu.memory_space<vmem>>, %arg26: memref<128xi32, #tpu.memory_space<vmem>>, %arg27: memref<128x64xf32, #tpu.memory_space<vmem>>, %arg28: memref<128x64xf32, #tpu.memory_space<vmem>>, %arg29: memref<128x64xf32, #tpu.memory_space<vmem>>, %arg30: memref<128x64xf32, #tpu.memory_space<vmem>>, %arg31: memref<128x64xf32, #tpu.memory_space<vmem>>, %arg32: memref<128x64xf32, #tpu.memory_space<vmem>>, %arg33: memref<128x64xf32, #tpu.memory_space<vmem>>, %arg34: memref<128x64xf32, #tpu.memory_space<vmem>>, %arg35: memref<!tpu.dma_semaphore, #tpu.memory_space<semaphore_mem>>, %arg36: memref<!tpu.dma_semaphore, #tpu.memory_space<semaphore_mem>>, %arg37: memref<!tpu.dma_semaphore, #tpu.memory_space<semaphore_mem>>, %arg38: memref<!tpu.dma_semaphore, #tpu.memory_space<semaphore_mem>>, %arg39: memref<!tpu.dma_semaphore, #tpu.memory_space<semaphore_mem>>, %arg40: memref<!tpu.dma_semaphore, #tpu.memory_space<semaphore_mem>>, %arg41: memref<!tpu.dma_semaphore, #tpu.memory_space<semaphore_mem>>, %arg42: memref<!tpu.dma_semaphore, #tpu.memory_space<semaphore_mem>>, %arg43: memref<!tpu.dma_semaphore, #tpu.memory_space<semaphore_mem>>, %arg44: memref<!tpu.dma_semaphore, #tpu.memory_space<semaphore_mem>>, %arg45: memref<!tpu.dma_semaphore, #tpu.memory_space<semaphore_mem>>, %arg46: memref<!tpu.dma_semaphore, #tpu.memory_space<semaphore_mem>>) attributes {dimension_semantics = [#tpu.dimension_semantics<core_parallel>, #tpu.dimension_semantics<subcore_parallel>], iteration_bounds = array<i64: 2, 16>, scalar_prefetch = 0 : i64, scratch_operands = 41 : i64, tpu.core_type = #tpu.core_type<sc_vector_subcore>, window_params = [{transform_indices = #map}, {transform_indices = #map}, {transform_indices = #map1}, {transform_indices = #map1}]} {
    %mul3A = arith.constant 2 : i32
    %mul3A_0 = arith.muli %arg1, %mul3A : i32
    %add3A = arith.addi %mul3A_0, %arg0 : i32
    %mul3A_1 = arith.constant 6256 : i32
    %mul3A_2 = arith.muli %arg1, %mul3A_1 : i32
    %min3A = arith.constant 93744 : i32
    %min3A_3 = arith.minsi %mul3A_2, %min3A : i32
    "tpu.region"() ({
      %run_scoped3A = tpu.sem_alloc : memref<!tpu.dma_semaphore, #tpu.memory_space<semaphore_mem>>
      %dma_start3A_2113 = tpu.memref_slice %arg2[%min3A_3] : memref<100000xf32, #tpu.memory_space<hbm>> -> memref<6256xf32, #tpu.memory_space<hbm>>
      %dma_start3A_2114 = tpu.memref_slice %arg2[%min3A_3] : memref<100000xf32, #tpu.memory_space<hbm>> -> memref<6256xf32, #tpu.memory_space<hbm>>
      tpu.enqueue_dma source(%dma_start3A_2114 : memref<6256xf32, #tpu.memory_space<hbm>>) target(%arg6 : memref<6256xf32, #tpu.memory_space<vmem>>) target_semaphore(%run_scoped3A : memref<!tpu.dma_semaphore, #tpu.memory_space<semaphore_mem>>)
      %dma_wait3A_2115 = tpu.memref_slice %arg2[%min3A_3] : memref<100000xf32, #tpu.memory_space<hbm>> -> memref<6256xf32, #tpu.memory_space<hbm>>
      %dma_wait3A_2116 = tpu.memref_slice %arg2[%min3A_3] : memref<100000xf32, #tpu.memory_space<hbm>> -> memref<6256xf32, #tpu.memory_space<hbm>>
      tpu.wait_dma2 semaphore(%run_scoped3A : memref<!tpu.dma_semaphore, #tpu.memory_space<semaphore_mem>>) src(%dma_wait3A_2116 : memref<6256xf32, #tpu.memory_space<hbm>>) dst(%arg6 : memref<6256xf32, #tpu.memory_space<vmem>>)
      tpu.yield
    }) : () -> ()
    "tpu.region"() ({
      %run_scoped3A = tpu.sem_alloc : memref<!tpu.dma_semaphore, #tpu.memory_space<semaphore_mem>>
      %dma_start3A_2113 = tpu.memref_slice %arg3[%min3A_3] : memref<100000xf32, #tpu.memory_space<hbm>> -> memref<6256xf32, #tpu.memory_space<hbm>>
      %dma_start3A_2114 = tpu.memref_slice %arg3[%min3A_3] : memref<100000xf32, #tpu.memory_space<hbm>> -> memref<6256xf32, #tpu.memory_space<hbm>>
      tpu.enqueue_dma source(%dma_start3A_2114 : memref<6256xf32, #tpu.memory_space<hbm>>) target(%arg7 : memref<6256xf32, #tpu.memory_space<vmem>>) target_semaphore(%run_scoped3A : memref<!tpu.dma_semaphore, #tpu.memory_space<semaphore_mem>>)
      %dma_wait3A_2115 = tpu.memref_slice %arg3[%min3A_3] : memref<100000xf32, #tpu.memory_space<hbm>> -> memref<6256xf32, #tpu.memory_space<hbm>>
      %dma_wait3A_2116 = tpu.memref_slice %arg3[%min3A_3] : memref<100000xf32, #tpu.memory_space<hbm>> -> memref<6256xf32, #tpu.memory_space<hbm>>
      tpu.wait_dma2 semaphore(%run_scoped3A : memref<!tpu.dma_semaphore, #tpu.memory_space<semaphore_mem>>) src(%dma_wait3A_2116 : memref<6256xf32, #tpu.memory_space<hbm>>) dst(%arg7 : memref<6256xf32, #tpu.memory_space<vmem>>)
      tpu.yield
    }) : () -> ()
    %get3A = arith.constant 0 : index
    %get3A_4 = tpu.vector_load %arg6[%get3A] {strides = array<i32>} : memref<6256xf32, #tpu.memory_space<vmem>>, vector<16xf32>,
    %get3A_5 = vector.shape_cast %get3A_4 : vector<16xf32> to vector<16xf32>
    %get3A_6 = arith.constant 0 : index
    %get3A_7 = tpu.vector_load %arg7[%get3A_6] {strides = array<i32>} : memref<6256xf32, #tpu.memory_space<vmem>>, vector<16xf32>,
    %get3A_8 = vector.shape_cast %get3A_7 : vector<16xf32> to vector<16xf32>
    %scan3A = arith.constant 1 : i32
    %scan3A_9 = arith.constant 390 : i32
    %scan3A_10 = arith.addi %scan3A, %scan3A_9 : i32
    %scan3A_11 = arith.constant 1 : i32
    %scan3A_12:4 = scf.for %scan3A_2113 = %scan3A to %scan3A_10 step %scan3A_11 iter_args(%scan3A_2114 = %get3A_5, %scan3A_2115 = %get3A_5, %scan3A_2116 = %get3A_8, %scan3A_2117 = %get3A_8) -> (vector<16xf32>, vector<16xf32>, vector<16xf32>, vector<16xf32>)  : i32 {
      %mul3A_2118 = arith.constant 16 : i32
      %mul3A_2119 = arith.muli %scan3A_2113, %mul3A_2118 : i32
      %get3A_2120 = arith.index_cast %mul3A_2119 : i32 to index
      %get3A_2121 = tpu.vector_load %arg6[%get3A_2120] {strides = array<i32>} : memref<6256xf32, #tpu.memory_space<vmem>>, vector<16xf32>,
      %get3A_2122 = vector.shape_cast %get3A_2121 : vector<16xf32> to vector<16xf32>
      %mul3A_2123 = arith.constant 16 : i32
      %mul3A_2124 = arith.muli %scan3A_2113, %mul3A_2123 : i32
      %get3A_2125 = arith.index_cast %mul3A_2124 : i32 to index
      %get3A_2126 = tpu.vector_load %arg7[%get3A_2125] {strides = array<i32>} : memref<6256xf32, #tpu.memory_space<vmem>>, vector<16xf32>,
      %get3A_2127 = vector.shape_cast %get3A_2126 : vector<16xf32> to vector<16xf32>
      %min3A_2128 = arith.minimumf %scan3A_2114, %get3A_2122 : vector<16xf32>
      %max3A_2129 = arith.maximumf %scan3A_2115, %get3A_2122 : vector<16xf32>
      %min3A_2130 = arith.minimumf %scan3A_2116, %get3A_2127 : vector<16xf32>
      %max3A_2131 = arith.maximumf %scan3A_2117, %get3A_2127 : vector<16xf32>
      scf.yield %min3A_2128, %max3A_2129, %min3A_2130, %max3A_2131 : vector<16xf32>, vector<16xf32>, vector<16xf32>, vector<16xf32>
    }
    %scan3A_13 = arith.constant 390 : i32
    %swap3A = arith.constant 0 : i32
    %swap3A_14 = arith.index_cast %swap3A : i32 to index
    %swap3A_15 = arith.constant 0 : index
    %swap3A_16 = tpu.vector_load %arg8[%swap3A_14, %swap3A_15] {strides = array<i32>} : memref<4x16xf32, #tpu.memory_space<vmem>>, vector<1x16xf32>,
    %swap3A_17 = vector.shape_cast %swap3A_16 : vector<1x16xf32> to vector<16xf32>
    %swap3A_18 = vector.shape_cast %scan3A_12#0 : vector<16xf32> to vector<1x16xf32>
    tpu.vector_store %arg8[%swap3A_14, %swap3A_15], %swap3A_18 {strides = array<i32>} : memref<4x16xf32, #tpu.memory_space<vmem>>, vector<1x16xf32>,
    %swap3A_19 = arith.constant 1 : i32
    %swap3A_20 = arith.index_cast %swap3A_19 : i32 to index
    %swap3A_21 = arith.constant 0 : index
    %swap3A_22 = tpu.vector_load %arg8[%swap3A_20, %swap3A_21] {strides = array<i32>} : memref<4x16xf32, #tpu.memory_space<vmem>>, vector<1x16xf32>,
    %swap3A_23 = vector.shape_cast %swap3A_22 : vector<1x16xf32> to vector<16xf32>
    %swap3A_24 = vector.shape_cast %scan3A_12#1 : vector<16xf32> to vector<1x16xf32>
    tpu.vector_store %arg8[%swap3A_20, %swap3A_21], %swap3A_24 {strides = array<i32>} : memref<4x16xf32, #tpu.memory_space<vmem>>, vector<1x16xf32>,
    %swap3A_25 = arith.constant 2 : i32
    %swap3A_26 = arith.index_cast %swap3A_25 : i32 to index
    %swap3A_27 = arith.constant 0 : index
    %swap3A_28 = tpu.vector_load %arg8[%swap3A_26, %swap3A_27] {strides = array<i32>} : memref<4x16xf32, #tpu.memory_space<vmem>>, vector<1x16xf32>,
    %swap3A_29 = vector.shape_cast %swap3A_28 : vector<1x16xf32> to vector<16xf32>
    %swap3A_30 = vector.shape_cast %scan3A_12#2 : vector<16xf32> to vector<1x16xf32>
    tpu.vector_store %arg8[%swap3A_26, %swap3A_27], %swap3A_30 {strides = array<i32>} : memref<4x16xf32, #tpu.memory_space<vmem>>, vector<1x16xf32>,
    %swap3A_31 = arith.constant 3 : i32
    %swap3A_32 = arith.index_cast %swap3A_31 : i32 to index
    %swap3A_33 = arith.constant 0 : index
    %swap3A_34 = tpu.vector_load %arg8[%swap3A_32, %swap3A_33] {strides = array<i32>} : memref<4x16xf32, #tpu.memory_space<vmem>>, vector<1x16xf32>,
    %swap3A_35 = vector.shape_cast %swap3A_34 : vector<1x16xf32> to vector<16xf32>
    %swap3A_36 = vector.shape_cast %scan3A_12#3 : vector<16xf32> to vector<1x16xf32>
    tpu.vector_store %arg8[%swap3A_32, %swap3A_33], %swap3A_36 {strides = array<i32>} : memref<4x16xf32, #tpu.memory_space<vmem>>, vector<1x16xf32>,
    "tpu.region"() ({
      %run_scoped3A = tpu.sem_alloc : memref<!tpu.dma_semaphore, #tpu.memory_space<semaphore_mem>>
      %dma_start3A_2113 = arith.constant 0 : i32
      %dma_start3A_2114 = arith.constant 0 : i32
      %dma_start3A_2115 = tpu.memref_slice %arg10[%arg1, %dma_start3A_2113, %dma_start3A_2114] : memref<16x4x16xf32, #tpu.memory_space<vmem_shared>> -> memref<1x4x16xf32, #tpu.memory_space<vmem_shared>>
      %dma_start3A_2116 = tpu.memref_squeeze %dma_start3A_2115 : memref<1x4x16xf32, #tpu.memory_space<vmem_shared>> -> memref<4x16xf32, #tpu.memory_space<vmem_shared>>
      %dma_start3A_2117 = arith.constant 0 : i32
      %dma_start3A_2118 = arith.constant 0 : i32
      %dma_start3A_2119 = tpu.memref_slice %arg10[%arg1, %dma_start3A_2117, %dma_start3A_2118] : memref<16x4x16xf32, #tpu.memory_space<vmem_shared>> -> memref<1x4x16xf32, #tpu.memory_space<vmem_shared>>
      %dma_start3A_2120 = tpu.memref_squeeze %dma_start3A_2119 : memref<1x4x16xf32, #tpu.memory_space<vmem_shared>> -> memref<4x16xf32, #tpu.memory_space<vmem_shared>>
      tpu.enqueue_dma source(%arg8 : memref<4x16xf32, #tpu.memory_space<vmem>>) target(%dma_start3A_2120 : memref<4x16xf32, #tpu.memory_space<vmem_shared>>) target_semaphore(%run_scoped3A : memref<!tpu.dma_semaphore, #tpu.memory_space<semaphore_mem>>)
      %dma_wait3A_2121 = arith.constant 0 : i32
      %dma_wait3A_2122 = arith.constant 0 : i32
      %dma_wait3A_2123 = tpu.memref_slice %arg10[%arg1, %dma_wait3A_2121, %dma_wait3A_2122] : memref<16x4x16xf32, #tpu.memory_space<vmem_shared>> -> memref<1x4x16xf32, #tpu.memory_space<vmem_shared>>
      %dma_wait3A_2124 = tpu.memref_squeeze %dma_wait3A_2123 : memref<1x4x16xf32, #tpu.memory_space<vmem_shared>> -> memref<4x16xf32, #tpu.memory_space<vmem_shared>>
      %dma_wait3A_2125 = arith.constant 0 : i32
      %dma_wait3A_2126 = arith.constant 0 : i32
      %dma_wait3A_2127 = tpu.memref_slice %arg10[%arg1, %dma_wait3A_2125, %dma_wait3A_2126] : memref<16x4x16xf32, #tpu.memory_space<vmem_shared>> -> memref<1x4x16xf32, #tpu.memory_space<vmem_shared>>
      %dma_wait3A_2128 = tpu.memref_squeeze %dma_wait3A_2127 : memref<1x4x16xf32, #tpu.memory_space<vmem_shared>> -> memref<4x16xf32, #tpu.memory_space<vmem_shared>>
      tpu.wait_dma2 semaphore(%run_scoped3A : memref<!tpu.dma_semaphore, #tpu.memory_space<semaphore_mem>>) src(%arg8 : memref<4x16xf32, #tpu.memory_space<vmem>>) dst(%dma_wait3A_2128 : memref<4x16xf32, #tpu.memory_space<vmem_shared>>)
      tpu.yield
    }) : () -> ()
    %barrier3A = arith.constant 0 : index
    tpu.barrier barrier_id(%barrier3A)
    "tpu.region"() ({
      %run_scoped3A = tpu.sem_alloc : memref<!tpu.dma_semaphore, #tpu.memory_space<semaphore_mem>>
      tpu.enqueue_dma source(%arg10 : memref<16x4x16xf32, #tpu.memory_space<vmem_shared>>) target(%arg9 : memref<16x4x16xf32, #tpu.memory_space<vmem>>) target_semaphore(%run_scoped3A : memref<!tpu.dma_semaphore, #tpu.memory_space<semaphore_mem>>)
      tpu.wait_dma2 semaphore(%run_scoped3A : memref<!tpu.dma_semaphore, #tpu.memory_space<semaphore_mem>>) src(%arg10 : memref<16x4x16xf32, #tpu.memory_space<vmem_shared>>) dst(%arg9 : memref<16x4x16xf32, #tpu.memory_space<vmem>>)
      tpu.yield
    }) : () -> ()
    %get3A_37 = arith.constant 0 : i32
    %get3A_38 = arith.constant 0 : i32
    %get3A_39 = arith.index_cast %get3A_37 : i32 to index
    %get3A_40 = arith.index_cast %get3A_38 : i32 to index
    %get3A_41 = arith.constant 0 : index
    %get3A_42 = tpu.vector_load %arg9[%get3A_39, %get3A_40, %get3A_41] {strides = array<i32>} : memref<16x4x16xf32, #tpu.memory_space<vmem>>, vector<1x1x16xf32>,
    %get3A_43 = vector.shape_cast %get3A_42 : vector<1x1x16xf32> to vector<16xf32>
    %get3A_44 = arith.constant 0 : i32
    %get3A_45 = arith.constant 1 : i32
    %get3A_46 = arith.index_cast %get3A_44 : i32 to index
    %get3A_47 = arith.index_cast %get3A_45 : i32 to index
    %get3A_48 = arith.constant 0 : index
    %get3A_49 = tpu.vector_load %arg9[%get3A_46, %get3A_47, %get3A_48] {strides = array<i32>} : memref<16x4x16xf32, #tpu.memory_space<vmem>>, vector<1x1x16xf32>,
    %get3A_50 = vector.shape_cast %get3A_49 : vector<1x1x16xf32> to vector<16xf32>
    %get3A_51 = arith.constant 0 : i32
    %get3A_52 = arith.constant 2 : i32
    %get3A_53 = arith.index_cast %get3A_51 : i32 to index
    %get3A_54 = arith.index_cast %get3A_52 : i32 to index
    %get3A_55 = arith.constant 0 : index
    %get3A_56 = tpu.vector_load %arg9[%get3A_53, %get3A_54, %get3A_55] {strides = array<i32>} : memref<16x4x16xf32, #tpu.memory_space<vmem>>, vector<1x1x16xf32>,
    %get3A_57 = vector.shape_cast %get3A_56 : vector<1x1x16xf32> to vector<16xf32>
    %get3A_58 = arith.constant 0 : i32
    %get3A_59 = arith.constant 3 : i32
    %get3A_60 = arith.index_cast %get3A_58 : i32 to index
    %get3A_61 = arith.index_cast %get3A_59 : i32 to index
    %get3A_62 = arith.constant 0 : index
    %get3A_63 = tpu.vector_load %arg9[%get3A_60, %get3A_61, %get3A_62] {strides = array<i32>} : memref<16x4x16xf32, #tpu.memory_space<vmem>>, vector<1x1x16xf32>,
    %get3A_64 = vector.shape_cast %get3A_63 : vector<1x1x16xf32> to vector<16xf32>
    %get3A_65 = arith.constant 1 : i32
    %get3A_66 = arith.constant 0 : i32
    %get3A_67 = arith.index_cast %get3A_65 : i32 to index
    %get3A_68 = arith.index_cast %get3A_66 : i32 to index
    %get3A_69 = arith.constant 0 : index
    %get3A_70 = tpu.vector_load %arg9[%get3A_67, %get3A_68, %get3A_69] {strides = array<i32>} : memref<16x4x16xf32, #tpu.memory_space<vmem>>, vector<1x1x16xf32>,
    %get3A_71 = vector.shape_cast %get3A_70 : vector<1x1x16xf32> to vector<16xf32>
    %min3A_72 = arith.minimumf %get3A_43, %get3A_71 : vector<16xf32>
    %get3A_73 = arith.constant 1 : i32
    %get3A_74 = arith.constant 1 : i32
    %get3A_75 = arith.index_cast %get3A_73 : i32 to index
    %get3A_76 = arith.index_cast %get3A_74 : i32 to index
    %get3A_77 = arith.constant 0 : index
    %get3A_78 = tpu.vector_load %arg9[%get3A_75, %get3A_76, %get3A_77] {strides = array<i32>} : memref<16x4x16xf32, #tpu.memory_space<vmem>>, vector<1x1x16xf32>,
    %get3A_79 = vector.shape_cast %get3A_78 : vector<1x1x16xf32> to vector<16xf32>
    %max3A = arith.maximumf %get3A_50, %get3A_79 : vector<16xf32>
    %get3A_80 = arith.constant 1 : i32
    %get3A_81 = arith.constant 2 : i32
    %get3A_82 = arith.index_cast %get3A_80 : i32 to index
    %get3A_83 = arith.index_cast %get3A_81 : i32 to index
    %get3A_84 = arith.constant 0 : index
    %get3A_85 = tpu.vector_load %arg9[%get3A_82, %get3A_83, %get3A_84] {strides = array<i32>} : memref<16x4x16xf32, #tpu.memory_space<vmem>>, vector<1x1x16xf32>,
    %get3A_86 = vector.shape_cast %get3A_85 : vector<1x1x16xf32> to vector<16xf32>
    %min3A_87 = arith.minimumf %get3A_57, %get3A_86 : vector<16xf32>
    %get3A_88 = arith.constant 1 : i32
    %get3A_89 = arith.constant 3 : i32
    %get3A_90 = arith.index_cast %get3A_88 : i32 to index
    %get3A_91 = arith.index_cast %get3A_89 : i32 to index
    %get3A_92 = arith.constant 0 : index
    %get3A_93 = tpu.vector_load %arg9[%get3A_90, %get3A_91, %get3A_92] {strides = array<i32>} : memref<16x4x16xf32, #tpu.memory_space<vmem>>, vector<1x1x16xf32>,
    %get3A_94 = vector.shape_cast %get3A_93 : vector<1x1x16xf32> to vector<16xf32>
    %max3A_95 = arith.maximumf %get3A_64, %get3A_94 : vector<16xf32>
    %get3A_96 = arith.constant 2 : i32
    %get3A_97 = arith.constant 0 : i32
    %get3A_98 = arith.index_cast %get3A_96 : i32 to index
    %get3A_99 = arith.index_cast %get3A_97 : i32 to index
    %get3A_100 = arith.constant 0 : index
    %get3A_101 = tpu.vector_load %arg9[%get3A_98, %get3A_99, %get3A_100] {strides = array<i32>} : memref<16x4x16xf32, #tpu.memory_space<vmem>>, vector<1x1x16xf32>,
    %get3A_102 = vector.shape_cast %get3A_101 : vector<1x1x16xf32> to vector<16xf32>
    %min3A_103 = arith.minimumf %min3A_72, %get3A_102 : vector<16xf32>
    %get3A_104 = arith.constant 2 : i32
    %get3A_105 = arith.constant 1 : i32
    %get3A_106 = arith.index_cast %get3A_104 : i32 to index
    %get3A_107 = arith.index_cast %get3A_105 : i32 to index
    %get3A_108 = arith.constant 0 : index
    %get3A_109 = tpu.vector_load %arg9[%get3A_106, %get3A_107, %get3A_108] {strides = array<i32>} : memref<16x4x16xf32, #tpu.memory_space<vmem>>, vector<1x1x16xf32>,
    %get3A_110 = vector.shape_cast %get3A_109 : vector<1x1x16xf32> to vector<16xf32>
    %max3A_111 = arith.maximumf %max3A, %get3A_110 : vector<16xf32>
    %get3A_112 = arith.constant 2 : i32
    %get3A_113 = arith.constant 2 : i32
    %get3A_114 = arith.index_cast %get3A_112 : i32 to index
    %get3A_115 = arith.index_cast %get3A_113 : i32 to index
    %get3A_116 = arith.constant 0 : index
    %get3A_117 = tpu.vector_load %arg9[%get3A_114, %get3A_115, %get3A_116] {strides = array<i32>} : memref<16x4x16xf32, #tpu.memory_space<vmem>>, vector<1x1x16xf32>,
    %get3A_118 = vector.shape_cast %get3A_117 : vector<1x1x16xf32> to vector<16xf32>
    %min3A_119 = arith.minimumf %min3A_87, %get3A_118 : vector<16xf32>
    %get3A_120 = arith.constant 2 : i32
    %get3A_121 = arith.constant 3 : i32
    %get3A_122 = arith.index_cast %get3A_120 : i32 to index
    %get3A_123 = arith.index_cast %get3A_121 : i32 to index
    %get3A_124 = arith.constant 0 : index
    %get3A_125 = tpu.vector_load %arg9[%get3A_122, %get3A_123, %get3A_124] {strides = array<i32>} : memref<16x4x16xf32, #tpu.memory_space<vmem>>, vector<1x1x16xf32>,
    %get3A_126 = vector.shape_cast %get3A_125 : vector<1x1x16xf32> to vector<16xf32>
    %max3A_127 = arith.maximumf %max3A_95, %get3A_126 : vector<16xf32>
    %get3A_128 = arith.constant 3 : i32
    %get3A_129 = arith.constant 0 : i32
    %get3A_130 = arith.index_cast %get3A_128 : i32 to index
    %get3A_131 = arith.index_cast %get3A_129 : i32 to index
    %get3A_132 = arith.constant 0 : index
    %get3A_133 = tpu.vector_load %arg9[%get3A_130, %get3A_131, %get3A_132] {strides = array<i32>} : memref<16x4x16xf32, #tpu.memory_space<vmem>>, vector<1x1x16xf32>,
    %get3A_134 = vector.shape_cast %get3A_133 : vector<1x1x16xf32> to vector<16xf32>
    %min3A_135 = arith.minimumf %min3A_103, %get3A_134 : vector<16xf32>
    %get3A_136 = arith.constant 3 : i32
    %get3A_137 = arith.constant 1 : i32
    %get3A_138 = arith.index_cast %get3A_136 : i32 to index
    %get3A_139 = arith.index_cast %get3A_137 : i32 to index
    %get3A_140 = arith.constant 0 : index
    %get3A_141 = tpu.vector_load %arg9[%get3A_138, %get3A_139, %get3A_140] {strides = array<i32>} : memref<16x4x16xf32, #tpu.memory_space<vmem>>, vector<1x1x16xf32>,
    %get3A_142 = vector.shape_cast %get3A_141 : vector<1x1x16xf32> to vector<16xf32>
    %max3A_143 = arith.maximumf %max3A_111, %get3A_142 : vector<16xf32>
    %get3A_144 = arith.constant 3 : i32
    %get3A_145 = arith.constant 2 : i32
    %get3A_146 = arith.index_cast %get3A_144 : i32 to index
    %get3A_147 = arith.index_cast %get3A_145 : i32 to index
    %get3A_148 = arith.constant 0 : index
    %get3A_149 = tpu.vector_load %arg9[%get3A_146, %get3A_147, %get3A_148] {strides = array<i32>} : memref<16x4x16xf32, #tpu.memory_space<vmem>>, vector<1x1x16xf32>,
    %get3A_150 = vector.shape_cast %get3A_149 : vector<1x1x16xf32> to vector<16xf32>
    %min3A_151 = arith.minimumf %min3A_119, %get3A_150 : vector<16xf32>
    %get3A_152 = arith.constant 3 : i32
    %get3A_153 = arith.constant 3 : i32
    %get3A_154 = arith.index_cast %get3A_152 : i32 to index
    %get3A_155 = arith.index_cast %get3A_153 : i32 to index
    %get3A_156 = arith.constant 0 : index
    %get3A_157 = tpu.vector_load %arg9[%get3A_154, %get3A_155, %get3A_156] {strides = array<i32>} : memref<16x4x16xf32, #tpu.memory_space<vmem>>, vector<1x1x16xf32>,
    %get3A_158 = vector.shape_cast %get3A_157 : vector<1x1x16xf32> to vector<16xf32>
    %max3A_159 = arith.maximumf %max3A_127, %get3A_158 : vector<16xf32>
    %get3A_160 = arith.constant 4 : i32
    %get3A_161 = arith.constant 0 : i32
    %get3A_162 = arith.index_cast %get3A_160 : i32 to index
    %get3A_163 = arith.index_cast %get3A_161 : i32 to index
    %get3A_164 = arith.constant 0 : index
    %get3A_165 = tpu.vector_load %arg9[%get3A_162, %get3A_163, %get3A_164] {strides = array<i32>} : memref<16x4x16xf32, #tpu.memory_space<vmem>>, vector<1x1x16xf32>,
    %get3A_166 = vector.shape_cast %get3A_165 : vector<1x1x16xf32> to vector<16xf32>
    %min3A_167 = arith.minimumf %min3A_135, %get3A_166 : vector<16xf32>
    %get3A_168 = arith.constant 4 : i32
    %get3A_169 = arith.constant 1 : i32
    %get3A_170 = arith.index_cast %get3A_168 : i32 to index
    %get3A_171 = arith.index_cast %get3A_169 : i32 to index
    %get3A_172 = arith.constant 0 : index
    %get3A_173 = tpu.vector_load %arg9[%get3A_170, %get3A_171, %get3A_172] {strides = array<i32>} : memref<16x4x16xf32, #tpu.memory_space<vmem>>, vector<1x1x16xf32>,
    %get3A_174 = vector.shape_cast %get3A_173 : vector<1x1x16xf32> to vector<16xf32>
    %max3A_175 = arith.maximumf %max3A_143, %get3A_174 : vector<16xf32>
    %get3A_176 = arith.constant 4 : i32
    %get3A_177 = arith.constant 2 : i32
    %get3A_178 = arith.index_cast %get3A_176 : i32 to index
    %get3A_179 = arith.index_cast %get3A_177 : i32 to index
    %get3A_180 = arith.constant 0 : index
    %get3A_181 = tpu.vector_load %arg9[%get3A_178, %get3A_179, %get3A_180] {strides = array<i32>} : memref<16x4x16xf32, #tpu.memory_space<vmem>>, vector<1x1x16xf32>,
    %get3A_182 = vector.shape_cast %get3A_181 : vector<1x1x16xf32> to vector<16xf32>
    %min3A_183 = arith.minimumf %min3A_151, %get3A_182 : vector<16xf32>
    %get3A_184 = arith.constant 4 : i32
    %get3A_185 = arith.constant 3 : i32
    %get3A_186 = arith.index_cast %get3A_184 : i32 to index
    %get3A_187 = arith.index_cast %get3A_185 : i32 to index
    %get3A_188 = arith.constant 0 : index
    %get3A_189 = tpu.vector_load %arg9[%get3A_186, %get3A_187, %get3A_188] {strides = array<i32>} : memref<16x4x16xf32, #tpu.memory_space<vmem>>, vector<1x1x16xf32>,
    %get3A_190 = vector.shape_cast %get3A_189 : vector<1x1x16xf32> to vector<16xf32>
    %max3A_191 = arith.maximumf %max3A_159, %get3A_190 : vector<16xf32>
    %get3A_192 = arith.constant 5 : i32
    %get3A_193 = arith.constant 0 : i32
    %get3A_194 = arith.index_cast %get3A_192 : i32 to index
    %get3A_195 = arith.index_cast %get3A_193 : i32 to index
    %get3A_196 = arith.constant 0 : index
    %get3A_197 = tpu.vector_load %arg9[%get3A_194, %get3A_195, %get3A_196] {strides = array<i32>} : memref<16x4x16xf32, #tpu.memory_space<vmem>>, vector<1x1x16xf32>,
    %get3A_198 = vector.shape_cast %get3A_197 : vector<1x1x16xf32> to vector<16xf32>
    %min3A_199 = arith.minimumf %min3A_167, %get3A_198 : vector<16xf32>
    %get3A_200 = arith.constant 5 : i32
    %get3A_201 = arith.constant 1 : i32
    %get3A_202 = arith.index_cast %get3A_200 : i32 to index
    %get3A_203 = arith.index_cast %get3A_201 : i32 to index
    %get3A_204 = arith.constant 0 : index
    %get3A_205 = tpu.vector_load %arg9[%get3A_202, %get3A_203, %get3A_204] {strides = array<i32>} : memref<16x4x16xf32, #tpu.memory_space<vmem>>, vector<1x1x16xf32>,
    %get3A_206 = vector.shape_cast %get3A_205 : vector<1x1x16xf32> to vector<16xf32>
    %max3A_207 = arith.maximumf %max3A_175, %get3A_206 : vector<16xf32>
    %get3A_208 = arith.constant 5 : i32
    %get3A_209 = arith.constant 2 : i32
    %get3A_210 = arith.index_cast %get3A_208 : i32 to index
    %get3A_211 = arith.index_cast %get3A_209 : i32 to index
    %get3A_212 = arith.constant 0 : index
    %get3A_213 = tpu.vector_load %arg9[%get3A_210, %get3A_211, %get3A_212] {strides = array<i32>} : memref<16x4x16xf32, #tpu.memory_space<vmem>>, vector<1x1x16xf32>,
    %get3A_214 = vector.shape_cast %get3A_213 : vector<1x1x16xf32> to vector<16xf32>
    %min3A_215 = arith.minimumf %min3A_183, %get3A_214 : vector<16xf32>
    %get3A_216 = arith.constant 5 : i32
    %get3A_217 = arith.constant 3 : i32
    %get3A_218 = arith.index_cast %get3A_216 : i32 to index
    %get3A_219 = arith.index_cast %get3A_217 : i32 to index
    %get3A_220 = arith.constant 0 : index
    %get3A_221 = tpu.vector_load %arg9[%get3A_218, %get3A_219, %get3A_220] {strides = array<i32>} : memref<16x4x16xf32, #tpu.memory_space<vmem>>, vector<1x1x16xf32>,
    %get3A_222 = vector.shape_cast %get3A_221 : vector<1x1x16xf32> to vector<16xf32>
    %max3A_223 = arith.maximumf %max3A_191, %get3A_222 : vector<16xf32>
    %get3A_224 = arith.constant 6 : i32
    %get3A_225 = arith.constant 0 : i32
    %get3A_226 = arith.index_cast %get3A_224 : i32 to index
    %get3A_227 = arith.index_cast %get3A_225 : i32 to index
    %get3A_228 = arith.constant 0 : index
    %get3A_229 = tpu.vector_load %arg9[%get3A_226, %get3A_227, %get3A_228] {strides = array<i32>} : memref<16x4x16xf32, #tpu.memory_space<vmem>>, vector<1x1x16xf32>,
    %get3A_230 = vector.shape_cast %get3A_229 : vector<1x1x16xf32> to vector<16xf32>
    %min3A_231 = arith.minimumf %min3A_199, %get3A_230 : vector<16xf32>
    %get3A_232 = arith.constant 6 : i32
    %get3A_233 = arith.constant 1 : i32
    %get3A_234 = arith.index_cast %get3A_232 : i32 to index
    %get3A_235 = arith.index_cast %get3A_233 : i32 to index
    %get3A_236 = arith.constant 0 : index
    %get3A_237 = tpu.vector_load %arg9[%get3A_234, %get3A_235, %get3A_236] {strides = array<i32>} : memref<16x4x16xf32, #tpu.memory_space<vmem>>, vector<1x1x16xf32>,
    %get3A_238 = vector.shape_cast %get3A_237 : vector<1x1x16xf32> to vector<16xf32>
    %max3A_239 = arith.maximumf %max3A_207, %get3A_238 : vector<16xf32>
    %get3A_240 = arith.constant 6 : i32
    %get3A_241 = arith.constant 2 : i32
    %get3A_242 = arith.index_cast %get3A_240 : i32 to index
    %get3A_243 = arith.index_cast %get3A_241 : i32 to index
    %get3A_244 = arith.constant 0 : index
    %get3A_245 = tpu.vector_load %arg9[%get3A_242, %get3A_243, %get3A_244] {strides = array<i32>} : memref<16x4x16xf32, #tpu.memory_space<vmem>>, vector<1x1x16xf32>,
    %get3A_246 = vector.shape_cast %get3A_245 : vector<1x1x16xf32> to vector<16xf32>
    %min3A_247 = arith.minimumf %min3A_215, %get3A_246 : vector<16xf32>
    %get3A_248 = arith.constant 6 : i32
    %get3A_249 = arith.constant 3 : i32
    %get3A_250 = arith.index_cast %get3A_248 : i32 to index
    %get3A_251 = arith.index_cast %get3A_249 : i32 to index
    %get3A_252 = arith.constant 0 : index
    %get3A_253 = tpu.vector_load %arg9[%get3A_250, %get3A_251, %get3A_252] {strides = array<i32>} : memref<16x4x16xf32, #tpu.memory_space<vmem>>, vector<1x1x16xf32>,
    %get3A_254 = vector.shape_cast %get3A_253 : vector<1x1x16xf32> to vector<16xf32>
    %max3A_255 = arith.maximumf %max3A_223, %get3A_254 : vector<16xf32>
    %get3A_256 = arith.constant 7 : i32
    %get3A_257 = arith.constant 0 : i32
    %get3A_258 = arith.index_cast %get3A_256 : i32 to index
    %get3A_259 = arith.index_cast %get3A_257 : i32 to index
    %get3A_260 = arith.constant 0 : index
    %get3A_261 = tpu.vector_load %arg9[%get3A_258, %get3A_259, %get3A_260] {strides = array<i32>} : memref<16x4x16xf32, #tpu.memory_space<vmem>>, vector<1x1x16xf32>,
    %get3A_262 = vector.shape_cast %get3A_261 : vector<1x1x16xf32> to vector<16xf32>
    %min3A_263 = arith.minimumf %min3A_231, %get3A_262 : vector<16xf32>
    %get3A_264 = arith.constant 7 : i32
    %get3A_265 = arith.constant 1 : i32
    %get3A_266 = arith.index_cast %get3A_264 : i32 to index
    %get3A_267 = arith.index_cast %get3A_265 : i32 to index
    %get3A_268 = arith.constant 0 : index
    %get3A_269 = tpu.vector_load %arg9[%get3A_266, %get3A_267, %get3A_268] {strides = array<i32>} : memref<16x4x16xf32, #tpu.memory_space<vmem>>, vector<1x1x16xf32>,
    %get3A_270 = vector.shape_cast %get3A_269 : vector<1x1x16xf32> to vector<16xf32>
    %max3A_271 = arith.maximumf %max3A_239, %get3A_270 : vector<16xf32>
    %get3A_272 = arith.constant 7 : i32
    %get3A_273 = arith.constant 2 : i32
    %get3A_274 = arith.index_cast %get3A_272 : i32 to index
    %get3A_275 = arith.index_cast %get3A_273 : i32 to index
    %get3A_276 = arith.constant 0 : index
    %get3A_277 = tpu.vector_load %arg9[%get3A_274, %get3A_275, %get3A_276] {strides = array<i32>} : memref<16x4x16xf32, #tpu.memory_space<vmem>>, vector<1x1x16xf32>,
    %get3A_278 = vector.shape_cast %get3A_277 : vector<1x1x16xf32> to vector<16xf32>
    %min3A_279 = arith.minimumf %min3A_247, %get3A_278 : vector<16xf32>
    %get3A_280 = arith.constant 7 : i32
    %get3A_281 = arith.constant 3 : i32
    %get3A_282 = arith.index_cast %get3A_280 : i32 to index
    %get3A_283 = arith.index_cast %get3A_281 : i32 to index
    %get3A_284 = arith.constant 0 : index
    %get3A_285 = tpu.vector_load %arg9[%get3A_282, %get3A_283, %get3A_284] {strides = array<i32>} : memref<16x4x16xf32, #tpu.memory_space<vmem>>, vector<1x1x16xf32>,
    %get3A_286 = vector.shape_cast %get3A_285 : vector<1x1x16xf32> to vector<16xf32>
    %max3A_287 = arith.maximumf %max3A_255, %get3A_286 : vector<16xf32>
    %get3A_288 = arith.constant 8 : i32
    %get3A_289 = arith.constant 0 : i32
    %get3A_290 = arith.index_cast %get3A_288 : i32 to index
    %get3A_291 = arith.index_cast %get3A_289 : i32 to index
    %get3A_292 = arith.constant 0 : index
    %get3A_293 = tpu.vector_load %arg9[%get3A_290, %get3A_291, %get3A_292] {strides = array<i32>} : memref<16x4x16xf32, #tpu.memory_space<vmem>>, vector<1x1x16xf32>,
    %get3A_294 = vector.shape_cast %get3A_293 : vector<1x1x16xf32> to vector<16xf32>
    %min3A_295 = arith.minimumf %min3A_263, %get3A_294 : vector<16xf32>
    %get3A_296 = arith.constant 8 : i32
    %get3A_297 = arith.constant 1 : i32
    %get3A_298 = arith.index_cast %get3A_296 : i32 to index
    %get3A_299 = arith.index_cast %get3A_297 : i32 to index
    %get3A_300 = arith.constant 0 : index
    %get3A_301 = tpu.vector_load %arg9[%get3A_298, %get3A_299, %get3A_300] {strides = array<i32>} : memref<16x4x16xf32, #tpu.memory_space<vmem>>, vector<1x1x16xf32>,
    %get3A_302 = vector.shape_cast %get3A_301 : vector<1x1x16xf32> to vector<16xf32>
    %max3A_303 = arith.maximumf %max3A_271, %get3A_302 : vector<16xf32>
    %get3A_304 = arith.constant 8 : i32
    %get3A_305 = arith.constant 2 : i32
    %get3A_306 = arith.index_cast %get3A_304 : i32 to index
    %get3A_307 = arith.index_cast %get3A_305 : i32 to index
    %get3A_308 = arith.constant 0 : index
    %get3A_309 = tpu.vector_load %arg9[%get3A_306, %get3A_307, %get3A_308] {strides = array<i32>} : memref<16x4x16xf32, #tpu.memory_space<vmem>>, vector<1x1x16xf32>,
    %get3A_310 = vector.shape_cast %get3A_309 : vector<1x1x16xf32> to vector<16xf32>
    %min3A_311 = arith.minimumf %min3A_279, %get3A_310 : vector<16xf32>
    %get3A_312 = arith.constant 8 : i32
    %get3A_313 = arith.constant 3 : i32
    %get3A_314 = arith.index_cast %get3A_312 : i32 to index
    %get3A_315 = arith.index_cast %get3A_313 : i32 to index
    %get3A_316 = arith.constant 0 : index
    %get3A_317 = tpu.vector_load %arg9[%get3A_314, %get3A_315, %get3A_316] {strides = array<i32>} : memref<16x4x16xf32, #tpu.memory_space<vmem>>, vector<1x1x16xf32>,
    %get3A_318 = vector.shape_cast %get3A_317 : vector<1x1x16xf32> to vector<16xf32>
    %max3A_319 = arith.maximumf %max3A_287, %get3A_318 : vector<16xf32>
    %get3A_320 = arith.constant 9 : i32
    %get3A_321 = arith.constant 0 : i32
    %get3A_322 = arith.index_cast %get3A_320 : i32 to index
    %get3A_323 = arith.index_cast %get3A_321 : i32 to index
    %get3A_324 = arith.constant 0 : index
    %get3A_325 = tpu.vector_load %arg9[%get3A_322, %get3A_323, %get3A_324] {strides = array<i32>} : memref<16x4x16xf32, #tpu.memory_space<vmem>>, vector<1x1x16xf32>,
    %get3A_326 = vector.shape_cast %get3A_325 : vector<1x1x16xf32> to vector<16xf32>
    %min3A_327 = arith.minimumf %min3A_295, %get3A_326 : vector<16xf32>
    %get3A_328 = arith.constant 9 : i32
    %get3A_329 = arith.constant 1 : i32
    %get3A_330 = arith.index_cast %get3A_328 : i32 to index
    %get3A_331 = arith.index_cast %get3A_329 : i32 to index
    %get3A_332 = arith.constant 0 : index
    %get3A_333 = tpu.vector_load %arg9[%get3A_330, %get3A_331, %get3A_332] {strides = array<i32>} : memref<16x4x16xf32, #tpu.memory_space<vmem>>, vector<1x1x16xf32>,
    %get3A_334 = vector.shape_cast %get3A_333 : vector<1x1x16xf32> to vector<16xf32>
    %max3A_335 = arith.maximumf %max3A_303, %get3A_334 : vector<16xf32>
    %get3A_336 = arith.constant 9 : i32
    %get3A_337 = arith.constant 2 : i32
    %get3A_338 = arith.index_cast %get3A_336 : i32 to index
    %get3A_339 = arith.index_cast %get3A_337 : i32 to index
    %get3A_340 = arith.constant 0 : index
    %get3A_341 = tpu.vector_load %arg9[%get3A_338, %get3A_339, %get3A_340] {strides = array<i32>} : memref<16x4x16xf32, #tpu.memory_space<vmem>>, vector<1x1x16xf32>,
    %get3A_342 = vector.shape_cast %get3A_341 : vector<1x1x16xf32> to vector<16xf32>
    %min3A_343 = arith.minimumf %min3A_311, %get3A_342 : vector<16xf32>
    %get3A_344 = arith.constant 9 : i32
    %get3A_345 = arith.constant 3 : i32
    %get3A_346 = arith.index_cast %get3A_344 : i32 to index
    %get3A_347 = arith.index_cast %get3A_345 : i32 to index
    %get3A_348 = arith.constant 0 : index
    %get3A_349 = tpu.vector_load %arg9[%get3A_346, %get3A_347, %get3A_348] {strides = array<i32>} : memref<16x4x16xf32, #tpu.memory_space<vmem>>, vector<1x1x16xf32>,
    %get3A_350 = vector.shape_cast %get3A_349 : vector<1x1x16xf32> to vector<16xf32>
    %max3A_351 = arith.maximumf %max3A_319, %get3A_350 : vector<16xf32>
    %get3A_352 = arith.constant 10 : i32
    %get3A_353 = arith.constant 0 : i32
    %get3A_354 = arith.index_cast %get3A_352 : i32 to index
    %get3A_355 = arith.index_cast %get3A_353 : i32 to index
    %get3A_356 = arith.constant 0 : index
    %get3A_357 = tpu.vector_load %arg9[%get3A_354, %get3A_355, %get3A_356] {strides = array<i32>} : memref<16x4x16xf32, #tpu.memory_space<vmem>>, vector<1x1x16xf32>,
    %get3A_358 = vector.shape_cast %get3A_357 : vector<1x1x16xf32> to vector<16xf32>
    %min3A_359 = arith.minimumf %min3A_327, %get3A_358 : vector<16xf32>
    %get3A_360 = arith.constant 10 : i32
    %get3A_361 = arith.constant 1 : i32
    %get3A_362 = arith.index_cast %get3A_360 : i32 to index
    %get3A_363 = arith.index_cast %get3A_361 : i32 to index
    %get3A_364 = arith.constant 0 : index
    %get3A_365 = tpu.vector_load %arg9[%get3A_362, %get3A_363, %get3A_364] {strides = array<i32>} : memref<16x4x16xf32, #tpu.memory_space<vmem>>, vector<1x1x16xf32>,
    %get3A_366 = vector.shape_cast %get3A_365 : vector<1x1x16xf32> to vector<16xf32>
    %max3A_367 = arith.maximumf %max3A_335, %get3A_366 : vector<16xf32>
    %get3A_368 = arith.constant 10 : i32
    %get3A_369 = arith.constant 2 : i32
    %get3A_370 = arith.index_cast %get3A_368 : i32 to index
    %get3A_371 = arith.index_cast %get3A_369 : i32 to index
    %get3A_372 = arith.constant 0 : index
    %get3A_373 = tpu.vector_load %arg9[%get3A_370, %get3A_371, %get3A_372] {strides = array<i32>} : memref<16x4x16xf32, #tpu.memory_space<vmem>>, vector<1x1x16xf32>,
    %get3A_374 = vector.shape_cast %get3A_373 : vector<1x1x16xf32> to vector<16xf32>
    %min3A_375 = arith.minimumf %min3A_343, %get3A_374 : vector<16xf32>
    %get3A_376 = arith.constant 10 : i32
    %get3A_377 = arith.constant 3 : i32
    %get3A_378 = arith.index_cast %get3A_376 : i32 to index
    %get3A_379 = arith.index_cast %get3A_377 : i32 to index
    %get3A_380 = arith.constant 0 : index
    %get3A_381 = tpu.vector_load %arg9[%get3A_378, %get3A_379, %get3A_380] {strides = array<i32>} : memref<16x4x16xf32, #tpu.memory_space<vmem>>, vector<1x1x16xf32>,
    %get3A_382 = vector.shape_cast %get3A_381 : vector<1x1x16xf32> to vector<16xf32>
    %max3A_383 = arith.maximumf %max3A_351, %get3A_382 : vector<16xf32>
    %get3A_384 = arith.constant 11 : i32
    %get3A_385 = arith.constant 0 : i32
    %get3A_386 = arith.index_cast %get3A_384 : i32 to index
    %get3A_387 = arith.index_cast %get3A_385 : i32 to index
    %get3A_388 = arith.constant 0 : index
    %get3A_389 = tpu.vector_load %arg9[%get3A_386, %get3A_387, %get3A_388] {strides = array<i32>} : memref<16x4x16xf32, #tpu.memory_space<vmem>>, vector<1x1x16xf32>,
    %get3A_390 = vector.shape_cast %get3A_389 : vector<1x1x16xf32> to vector<16xf32>
    %min3A_391 = arith.minimumf %min3A_359, %get3A_390 : vector<16xf32>
    %get3A_392 = arith.constant 11 : i32
    %get3A_393 = arith.constant 1 : i32
    %get3A_394 = arith.index_cast %get3A_392 : i32 to index
    %get3A_395 = arith.index_cast %get3A_393 : i32 to index
    %get3A_396 = arith.constant 0 : index
    %get3A_397 = tpu.vector_load %arg9[%get3A_394, %get3A_395, %get3A_396] {strides = array<i32>} : memref<16x4x16xf32, #tpu.memory_space<vmem>>, vector<1x1x16xf32>,
    %get3A_398 = vector.shape_cast %get3A_397 : vector<1x1x16xf32> to vector<16xf32>
    %max3A_399 = arith.maximumf %max3A_367, %get3A_398 : vector<16xf32>
    %get3A_400 = arith.constant 11 : i32
    %get3A_401 = arith.constant 2 : i32
    %get3A_402 = arith.index_cast %get3A_400 : i32 to index
    %get3A_403 = arith.index_cast %get3A_401 : i32 to index
    %get3A_404 = arith.constant 0 : index
    %get3A_405 = tpu.vector_load %arg9[%get3A_402, %get3A_403, %get3A_404] {strides = array<i32>} : memref<16x4x16xf32, #tpu.memory_space<vmem>>, vector<1x1x16xf32>,
    %get3A_406 = vector.shape_cast %get3A_405 : vector<1x1x16xf32> to vector<16xf32>
    %min3A_407 = arith.minimumf %min3A_375, %get3A_406 : vector<16xf32>
    %get3A_408 = arith.constant 11 : i32
    %get3A_409 = arith.constant 3 : i32
    %get3A_410 = arith.index_cast %get3A_408 : i32 to index
    %get3A_411 = arith.index_cast %get3A_409 : i32 to index
    %get3A_412 = arith.constant 0 : index
    %get3A_413 = tpu.vector_load %arg9[%get3A_410, %get3A_411, %get3A_412] {strides = array<i32>} : memref<16x4x16xf32, #tpu.memory_space<vmem>>, vector<1x1x16xf32>,
    %get3A_414 = vector.shape_cast %get3A_413 : vector<1x1x16xf32> to vector<16xf32>
    %max3A_415 = arith.maximumf %max3A_383, %get3A_414 : vector<16xf32>
    %get3A_416 = arith.constant 12 : i32
    %get3A_417 = arith.constant 0 : i32
    %get3A_418 = arith.index_cast %get3A_416 : i32 to index
    %get3A_419 = arith.index_cast %get3A_417 : i32 to index
    %get3A_420 = arith.constant 0 : index
    %get3A_421 = tpu.vector_load %arg9[%get3A_418, %get3A_419, %get3A_420] {strides = array<i32>} : memref<16x4x16xf32, #tpu.memory_space<vmem>>, vector<1x1x16xf32>,
    %get3A_422 = vector.shape_cast %get3A_421 : vector<1x1x16xf32> to vector<16xf32>
    %min3A_423 = arith.minimumf %min3A_391, %get3A_422 : vector<16xf32>
    %get3A_424 = arith.constant 12 : i32
    %get3A_425 = arith.constant 1 : i32
    %get3A_426 = arith.index_cast %get3A_424 : i32 to index
    %get3A_427 = arith.index_cast %get3A_425 : i32 to index
    %get3A_428 = arith.constant 0 : index
    %get3A_429 = tpu.vector_load %arg9[%get3A_426, %get3A_427, %get3A_428] {strides = array<i32>} : memref<16x4x16xf32, #tpu.memory_space<vmem>>, vector<1x1x16xf32>,
    %get3A_430 = vector.shape_cast %get3A_429 : vector<1x1x16xf32> to vector<16xf32>
    %max3A_431 = arith.maximumf %max3A_399, %get3A_430 : vector<16xf32>
    %get3A_432 = arith.constant 12 : i32
    %get3A_433 = arith.constant 2 : i32
    %get3A_434 = arith.index_cast %get3A_432 : i32 to index
    %get3A_435 = arith.index_cast %get3A_433 : i32 to index
    %get3A_436 = arith.constant 0 : index
    %get3A_437 = tpu.vector_load %arg9[%get3A_434, %get3A_435, %get3A_436] {strides = array<i32>} : memref<16x4x16xf32, #tpu.memory_space<vmem>>, vector<1x1x16xf32>,
    %get3A_438 = vector.shape_cast %get3A_437 : vector<1x1x16xf32> to vector<16xf32>
    %min3A_439 = arith.minimumf %min3A_407, %get3A_438 : vector<16xf32>
    %get3A_440 = arith.constant 12 : i32
    %get3A_441 = arith.constant 3 : i32
    %get3A_442 = arith.index_cast %get3A_440 : i32 to index
    %get3A_443 = arith.index_cast %get3A_441 : i32 to index
    %get3A_444 = arith.constant 0 : index
    %get3A_445 = tpu.vector_load %arg9[%get3A_442, %get3A_443, %get3A_444] {strides = array<i32>} : memref<16x4x16xf32, #tpu.memory_space<vmem>>, vector<1x1x16xf32>,
    %get3A_446 = vector.shape_cast %get3A_445 : vector<1x1x16xf32> to vector<16xf32>
    %max3A_447 = arith.maximumf %max3A_415, %get3A_446 : vector<16xf32>
    %get3A_448 = arith.constant 13 : i32
    %get3A_449 = arith.constant 0 : i32
    %get3A_450 = arith.index_cast %get3A_448 : i32 to index
    %get3A_451 = arith.index_cast %get3A_449 : i32 to index
    %get3A_452 = arith.constant 0 : index
    %get3A_453 = tpu.vector_load %arg9[%get3A_450, %get3A_451, %get3A_452] {strides = array<i32>} : memref<16x4x16xf32, #tpu.memory_space<vmem>>, vector<1x1x16xf32>,
    %get3A_454 = vector.shape_cast %get3A_453 : vector<1x1x16xf32> to vector<16xf32>
    %min3A_455 = arith.minimumf %min3A_423, %get3A_454 : vector<16xf32>
    %get3A_456 = arith.constant 13 : i32
    %get3A_457 = arith.constant 1 : i32
    %get3A_458 = arith.index_cast %get3A_456 : i32 to index
    %get3A_459 = arith.index_cast %get3A_457 : i32 to index
    %get3A_460 = arith.constant 0 : index
    %get3A_461 = tpu.vector_load %arg9[%get3A_458, %get3A_459, %get3A_460] {strides = array<i32>} : memref<16x4x16xf32, #tpu.memory_space<vmem>>, vector<1x1x16xf32>,
    %get3A_462 = vector.shape_cast %get3A_461 : vector<1x1x16xf32> to vector<16xf32>
    %max3A_463 = arith.maximumf %max3A_431, %get3A_462 : vector<16xf32>
    %get3A_464 = arith.constant 13 : i32
    %get3A_465 = arith.constant 2 : i32
    %get3A_466 = arith.index_cast %get3A_464 : i32 to index
    %get3A_467 = arith.index_cast %get3A_465 : i32 to index
    %get3A_468 = arith.constant 0 : index
    %get3A_469 = tpu.vector_load %arg9[%get3A_466, %get3A_467, %get3A_468] {strides = array<i32>} : memref<16x4x16xf32, #tpu.memory_space<vmem>>, vector<1x1x16xf32>,
    %get3A_470 = vector.shape_cast %get3A_469 : vector<1x1x16xf32> to vector<16xf32>
    %min3A_471 = arith.minimumf %min3A_439, %get3A_470 : vector<16xf32>
    %get3A_472 = arith.constant 13 : i32
    %get3A_473 = arith.constant 3 : i32
    %get3A_474 = arith.index_cast %get3A_472 : i32 to index
    %get3A_475 = arith.index_cast %get3A_473 : i32 to index
    %get3A_476 = arith.constant 0 : index
    %get3A_477 = tpu.vector_load %arg9[%get3A_474, %get3A_475, %get3A_476] {strides = array<i32>} : memref<16x4x16xf32, #tpu.memory_space<vmem>>, vector<1x1x16xf32>,
    %get3A_478 = vector.shape_cast %get3A_477 : vector<1x1x16xf32> to vector<16xf32>
    %max3A_479 = arith.maximumf %max3A_447, %get3A_478 : vector<16xf32>
    %get3A_480 = arith.constant 14 : i32
    %get3A_481 = arith.constant 0 : i32
    %get3A_482 = arith.index_cast %get3A_480 : i32 to index
    %get3A_483 = arith.index_cast %get3A_481 : i32 to index
    %get3A_484 = arith.constant 0 : index
    %get3A_485 = tpu.vector_load %arg9[%get3A_482, %get3A_483, %get3A_484] {strides = array<i32>} : memref<16x4x16xf32, #tpu.memory_space<vmem>>, vector<1x1x16xf32>,
    %get3A_486 = vector.shape_cast %get3A_485 : vector<1x1x16xf32> to vector<16xf32>
    %min3A_487 = arith.minimumf %min3A_455, %get3A_486 : vector<16xf32>
    %get3A_488 = arith.constant 14 : i32
    %get3A_489 = arith.constant 1 : i32
    %get3A_490 = arith.index_cast %get3A_488 : i32 to index
    %get3A_491 = arith.index_cast %get3A_489 : i32 to index
    %get3A_492 = arith.constant 0 : index
    %get3A_493 = tpu.vector_load %arg9[%get3A_490, %get3A_491, %get3A_492] {strides = array<i32>} : memref<16x4x16xf32, #tpu.memory_space<vmem>>, vector<1x1x16xf32>,
    %get3A_494 = vector.shape_cast %get3A_493 : vector<1x1x16xf32> to vector<16xf32>
    %max3A_495 = arith.maximumf %max3A_463, %get3A_494 : vector<16xf32>
    %get3A_496 = arith.constant 14 : i32
    %get3A_497 = arith.constant 2 : i32
    %get3A_498 = arith.index_cast %get3A_496 : i32 to index
    %get3A_499 = arith.index_cast %get3A_497 : i32 to index
    %get3A_500 = arith.constant 0 : index
    %get3A_501 = tpu.vector_load %arg9[%get3A_498, %get3A_499, %get3A_500] {strides = array<i32>} : memref<16x4x16xf32, #tpu.memory_space<vmem>>, vector<1x1x16xf32>,
    %get3A_502 = vector.shape_cast %get3A_501 : vector<1x1x16xf32> to vector<16xf32>
    %min3A_503 = arith.minimumf %min3A_471, %get3A_502 : vector<16xf32>
    %get3A_504 = arith.constant 14 : i32
    %get3A_505 = arith.constant 3 : i32
    %get3A_506 = arith.index_cast %get3A_504 : i32 to index
    %get3A_507 = arith.index_cast %get3A_505 : i32 to index
    %get3A_508 = arith.constant 0 : index
    %get3A_509 = tpu.vector_load %arg9[%get3A_506, %get3A_507, %get3A_508] {strides = array<i32>} : memref<16x4x16xf32, #tpu.memory_space<vmem>>, vector<1x1x16xf32>,
    %get3A_510 = vector.shape_cast %get3A_509 : vector<1x1x16xf32> to vector<16xf32>
    %max3A_511 = arith.maximumf %max3A_479, %get3A_510 : vector<16xf32>
    %get3A_512 = arith.constant 15 : i32
    %get3A_513 = arith.constant 0 : i32
    %get3A_514 = arith.index_cast %get3A_512 : i32 to index
    %get3A_515 = arith.index_cast %get3A_513 : i32 to index
    %get3A_516 = arith.constant 0 : index
    %get3A_517 = tpu.vector_load %arg9[%get3A_514, %get3A_515, %get3A_516] {strides = array<i32>} : memref<16x4x16xf32, #tpu.memory_space<vmem>>, vector<1x1x16xf32>,
    %get3A_518 = vector.shape_cast %get3A_517 : vector<1x1x16xf32> to vector<16xf32>
    %min3A_519 = arith.minimumf %min3A_487, %get3A_518 : vector<16xf32>
    %get3A_520 = arith.constant 15 : i32
    %get3A_521 = arith.constant 1 : i32
    %get3A_522 = arith.index_cast %get3A_520 : i32 to index
    %get3A_523 = arith.index_cast %get3A_521 : i32 to index
    %get3A_524 = arith.constant 0 : index
    %get3A_525 = tpu.vector_load %arg9[%get3A_522, %get3A_523, %get3A_524] {strides = array<i32>} : memref<16x4x16xf32, #tpu.memory_space<vmem>>, vector<1x1x16xf32>,
    %get3A_526 = vector.shape_cast %get3A_525 : vector<1x1x16xf32> to vector<16xf32>
    %max3A_527 = arith.maximumf %max3A_495, %get3A_526 : vector<16xf32>
    %get3A_528 = arith.constant 15 : i32
    %get3A_529 = arith.constant 2 : i32
    %get3A_530 = arith.index_cast %get3A_528 : i32 to index
    %get3A_531 = arith.index_cast %get3A_529 : i32 to index
    %get3A_532 = arith.constant 0 : index
    %get3A_533 = tpu.vector_load %arg9[%get3A_530, %get3A_531, %get3A_532] {strides = array<i32>} : memref<16x4x16xf32, #tpu.memory_space<vmem>>, vector<1x1x16xf32>,
    %get3A_534 = vector.shape_cast %get3A_533 : vector<1x1x16xf32> to vector<16xf32>
    %min3A_535 = arith.minimumf %min3A_503, %get3A_534 : vector<16xf32>
    %get3A_536 = arith.constant 15 : i32
    %get3A_537 = arith.constant 3 : i32
    %get3A_538 = arith.index_cast %get3A_536 : i32 to index
    %get3A_539 = arith.index_cast %get3A_537 : i32 to index
    %get3A_540 = arith.constant 0 : index
    %get3A_541 = tpu.vector_load %arg9[%get3A_538, %get3A_539, %get3A_540] {strides = array<i32>} : memref<16x4x16xf32, #tpu.memory_space<vmem>>, vector<1x1x16xf32>,
    %get3A_542 = vector.shape_cast %get3A_541 : vector<1x1x16xf32> to vector<16xf32>
    %max3A_543 = arith.maximumf %max3A_511, %get3A_542 : vector<16xf32>
    %iota3A = tpu.iota {dimensions = array<i32: 0>} : vector<16xi32>
    %xor3A = arith.constant 8 : i32
    %xor3A_544 = vector.broadcast %xor3A : i32 to vector<16xi32>
    %xor3A_545 = arith.xori %iota3A, %xor3A_544 : vector<16xi32>
    %broadcast_in_dim3A = vector.shape_cast %xor3A_545 : vector<16xi32> to vector<16x1xi32>
    %gather3A = vector.shape_cast %broadcast_in_dim3A : vector<16x1xi32> to vector<16xi32>
    %gather3A_546 = tpu.dynamic_gather %min3A_519[%gather3A] in [0] : vector<16xf32>, vector<16xi32> -> vector<16xf32>
    %min3A_547 = arith.minimumf %min3A_519, %gather3A_546 : vector<16xf32>
    %broadcast_in_dim3A_548 = vector.shape_cast %xor3A_545 : vector<16xi32> to vector<16x1xi32>
    %gather3A_549 = vector.shape_cast %broadcast_in_dim3A_548 : vector<16x1xi32> to vector<16xi32>
    %gather3A_550 = tpu.dynamic_gather %max3A_527[%gather3A_549] in [0] : vector<16xf32>, vector<16xi32> -> vector<16xf32>
    %max3A_551 = arith.maximumf %max3A_527, %gather3A_550 : vector<16xf32>
    %broadcast_in_dim3A_552 = vector.shape_cast %xor3A_545 : vector<16xi32> to vector<16x1xi32>
    %gather3A_553 = vector.shape_cast %broadcast_in_dim3A_552 : vector<16x1xi32> to vector<16xi32>
    %gather3A_554 = tpu.dynamic_gather %min3A_535[%gather3A_553] in [0] : vector<16xf32>, vector<16xi32> -> vector<16xf32>
    %min3A_555 = arith.minimumf %min3A_535, %gather3A_554 : vector<16xf32>
    %broadcast_in_dim3A_556 = vector.shape_cast %xor3A_545 : vector<16xi32> to vector<16x1xi32>
    %gather3A_557 = vector.shape_cast %broadcast_in_dim3A_556 : vector<16x1xi32> to vector<16xi32>
    %gather3A_558 = tpu.dynamic_gather %max3A_543[%gather3A_557] in [0] : vector<16xf32>, vector<16xi32> -> vector<16xf32>
    %max3A_559 = arith.maximumf %max3A_543, %gather3A_558 : vector<16xf32>
    %xor3A_560 = arith.constant 4 : i32
    %xor3A_561 = vector.broadcast %xor3A_560 : i32 to vector<16xi32>
    %xor3A_562 = arith.xori %iota3A, %xor3A_561 : vector<16xi32>
    %broadcast_in_dim3A_563 = vector.shape_cast %xor3A_562 : vector<16xi32> to vector<16x1xi32>
    %gather3A_564 = vector.shape_cast %broadcast_in_dim3A_563 : vector<16x1xi32> to vector<16xi32>
    %gather3A_565 = tpu.dynamic_gather %min3A_547[%gather3A_564] in [0] : vector<16xf32>, vector<16xi32> -> vector<16xf32>
    %min3A_566 = arith.minimumf %min3A_547, %gather3A_565 : vector<16xf32>
    %broadcast_in_dim3A_567 = vector.shape_cast %xor3A_562 : vector<16xi32> to vector<16x1xi32>
    %gather3A_568 = vector.shape_cast %broadcast_in_dim3A_567 : vector<16x1xi32> to vector<16xi32>
    %gather3A_569 = tpu.dynamic_gather %max3A_551[%gather3A_568] in [0] : vector<16xf32>, vector<16xi32> -> vector<16xf32>
    %max3A_570 = arith.maximumf %max3A_551, %gather3A_569 : vector<16xf32>
    %broadcast_in_dim3A_571 = vector.shape_cast %xor3A_562 : vector<16xi32> to vector<16x1xi32>
    %gather3A_572 = vector.shape_cast %broadcast_in_dim3A_571 : vector<16x1xi32> to vector<16xi32>
    %gather3A_573 = tpu.dynamic_gather %min3A_555[%gather3A_572] in [0] : vector<16xf32>, vector<16xi32> -> vector<16xf32>
    %min3A_574 = arith.minimumf %min3A_555, %gather3A_573 : vector<16xf32>
    %broadcast_in_dim3A_575 = vector.shape_cast %xor3A_562 : vector<16xi32> to vector<16x1xi32>
    %gather3A_576 = vector.shape_cast %broadcast_in_dim3A_575 : vector<16x1xi32> to vector<16xi32>
    %gather3A_577 = tpu.dynamic_gather %max3A_559[%gather3A_576] in [0] : vector<16xf32>, vector<16xi32> -> vector<16xf32>
    %max3A_578 = arith.maximumf %max3A_559, %gather3A_577 : vector<16xf32>
    %xor3A_579 = arith.constant 2 : i32
    %xor3A_580 = vector.broadcast %xor3A_579 : i32 to vector<16xi32>
    %xor3A_581 = arith.xori %iota3A, %xor3A_580 : vector<16xi32>
    %broadcast_in_dim3A_582 = vector.shape_cast %xor3A_581 : vector<16xi32> to vector<16x1xi32>
    %gather3A_583 = vector.shape_cast %broadcast_in_dim3A_582 : vector<16x1xi32> to vector<16xi32>
    %gather3A_584 = tpu.dynamic_gather %min3A_566[%gather3A_583] in [0] : vector<16xf32>, vector<16xi32> -> vector<16xf32>
    %min3A_585 = arith.minimumf %min3A_566, %gather3A_584 : vector<16xf32>
    %broadcast_in_dim3A_586 = vector.shape_cast %xor3A_581 : vector<16xi32> to vector<16x1xi32>
    %gather3A_587 = vector.shape_cast %broadcast_in_dim3A_586 : vector<16x1xi32> to vector<16xi32>
    %gather3A_588 = tpu.dynamic_gather %max3A_570[%gather3A_587] in [0] : vector<16xf32>, vector<16xi32> -> vector<16xf32>
    %max3A_589 = arith.maximumf %max3A_570, %gather3A_588 : vector<16xf32>
    %broadcast_in_dim3A_590 = vector.shape_cast %xor3A_581 : vector<16xi32> to vector<16x1xi32>
    %gather3A_591 = vector.shape_cast %broadcast_in_dim3A_590 : vector<16x1xi32> to vector<16xi32>
    %gather3A_592 = tpu.dynamic_gather %min3A_574[%gather3A_591] in [0] : vector<16xf32>, vector<16xi32> -> vector<16xf32>
    %min3A_593 = arith.minimumf %min3A_574, %gather3A_592 : vector<16xf32>
    %broadcast_in_dim3A_594 = vector.shape_cast %xor3A_581 : vector<16xi32> to vector<16x1xi32>
    %gather3A_595 = vector.shape_cast %broadcast_in_dim3A_594 : vector<16x1xi32> to vector<16xi32>
    %gather3A_596 = tpu.dynamic_gather %max3A_578[%gather3A_595] in [0] : vector<16xf32>, vector<16xi32> -> vector<16xf32>
    %max3A_597 = arith.maximumf %max3A_578, %gather3A_596 : vector<16xf32>
    %xor3A_598 = arith.constant 1 : i32
    %xor3A_599 = vector.broadcast %xor3A_598 : i32 to vector<16xi32>
    %xor3A_600 = arith.xori %iota3A, %xor3A_599 : vector<16xi32>
    %broadcast_in_dim3A_601 = vector.shape_cast %xor3A_600 : vector<16xi32> to vector<16x1xi32>
    %gather3A_602 = vector.shape_cast %broadcast_in_dim3A_601 : vector<16x1xi32> to vector<16xi32>
    %gather3A_603 = tpu.dynamic_gather %min3A_585[%gather3A_602] in [0] : vector<16xf32>, vector<16xi32> -> vector<16xf32>
    %min3A_604 = arith.minimumf %min3A_585, %gather3A_603 : vector<16xf32>
    %broadcast_in_dim3A_605 = vector.shape_cast %xor3A_600 : vector<16xi32> to vector<16x1xi32>
    %gather3A_606 = vector.shape_cast %broadcast_in_dim3A_605 : vector<16x1xi32> to vector<16xi32>
    %gather3A_607 = tpu.dynamic_gather %max3A_589[%gather3A_606] in [0] : vector<16xf32>, vector<16xi32> -> vector<16xf32>
    %max3A_608 = arith.maximumf %max3A_589, %gather3A_607 : vector<16xf32>
    %broadcast_in_dim3A_609 = vector.shape_cast %xor3A_600 : vector<16xi32> to vector<16x1xi32>
    %gather3A_610 = vector.shape_cast %broadcast_in_dim3A_609 : vector<16x1xi32> to vector<16xi32>
    %gather3A_611 = tpu.dynamic_gather %min3A_593[%gather3A_610] in [0] : vector<16xf32>, vector<16xi32> -> vector<16xf32>
    %min3A_612 = arith.minimumf %min3A_593, %gather3A_611 : vector<16xf32>
    %broadcast_in_dim3A_613 = vector.shape_cast %xor3A_600 : vector<16xi32> to vector<16x1xi32>
    %gather3A_614 = vector.shape_cast %broadcast_in_dim3A_613 : vector<16x1xi32> to vector<16xi32>
    %gather3A_615 = tpu.dynamic_gather %max3A_597[%gather3A_614] in [0] : vector<16xf32>, vector<16xi32> -> vector<16xf32>
    %max3A_616 = arith.maximumf %max3A_597, %gather3A_615 : vector<16xf32>
    %sub3A = arith.subf %max3A_608, %min3A_604 : vector<16xf32>
    %add3A_617 = arith.constant 9.99999993E-9 : f32
    %add3A_618 = vector.broadcast %add3A_617 : f32 to vector<16xf32>
    %add3A_619 = arith.addf %sub3A, %add3A_618 : vector<16xf32>
    %sub3A_620 = arith.subf %max3A_616, %min3A_612 : vector<16xf32>
    %add3A_621 = arith.constant 9.99999993E-9 : f32
    %add3A_622 = vector.broadcast %add3A_621 : f32 to vector<16xf32>
    %add3A_623 = arith.addf %sub3A_620, %add3A_622 : vector<16xf32>
    %add3A_624 = arith.constant 0 : i32
    %add3A_625 = arith.addi %add3A, %add3A_624 : i32
    %min3A_626 = arith.constant 781 : i32
    %min3A_627 = arith.minsi %add3A_625, %min3A_626 : i32
    %mul3A_628 = arith.constant 128 : i32
    %mul3A_629 = arith.muli %min3A_627, %mul3A_628 : i32
    %min3A_630 = arith.constant 99872 : i32
    %min3A_631 = arith.minsi %mul3A_629, %min3A_630 : i32
    "tpu.region"() ({
      %run_scoped3A = tpu.sem_alloc : memref<!tpu.dma_semaphore, #tpu.memory_space<semaphore_mem>>
      %dma_start3A_2113 = tpu.memref_slice %arg2[%min3A_631] : memref<100000xf32, #tpu.memory_space<hbm>> -> memref<128xf32, #tpu.memory_space<hbm>>
      %dma_start3A_2114 = tpu.memref_slice %arg2[%min3A_631] : memref<100000xf32, #tpu.memory_space<hbm>> -> memref<128xf32, #tpu.memory_space<hbm>>
      tpu.enqueue_dma source(%dma_start3A_2114 : memref<128xf32, #tpu.memory_space<hbm>>) target(%arg11 : memref<128xf32, #tpu.memory_space<vmem>>) target_semaphore(%run_scoped3A : memref<!tpu.dma_semaphore, #tpu.memory_space<semaphore_mem>>)
      %dma_wait3A_2115 = tpu.memref_slice %arg2[%min3A_631] : memref<100000xf32, #tpu.memory_space<hbm>> -> memref<128xf32, #tpu.memory_space<hbm>>
      %dma_wait3A_2116 = tpu.memref_slice %arg2[%min3A_631] : memref<100000xf32, #tpu.memory_space<hbm>> -> memref<128xf32, #tpu.memory_space<hbm>>
      tpu.wait_dma2 semaphore(%run_scoped3A : memref<!tpu.dma_semaphore, #tpu.memory_space<semaphore_mem>>) src(%dma_wait3A_2116 : memref<128xf32, #tpu.memory_space<hbm>>) dst(%arg11 : memref<128xf32, #tpu.memory_space<vmem>>)
      tpu.yield
    }) : () -> ()
    "tpu.region"() ({
      %run_scoped3A = tpu.sem_alloc : memref<!tpu.dma_semaphore, #tpu.memory_space<semaphore_mem>>
      %dma_start3A_2113 = tpu.memref_slice %arg3[%min3A_631] : memref<100000xf32, #tpu.memory_space<hbm>> -> memref<128xf32, #tpu.memory_space<hbm>>
      %dma_start3A_2114 = tpu.memref_slice %arg3[%min3A_631] : memref<100000xf32, #tpu.memory_space<hbm>> -> memref<128xf32, #tpu.memory_space<hbm>>
      tpu.enqueue_dma source(%dma_start3A_2114 : memref<128xf32, #tpu.memory_space<hbm>>) target(%arg15 : memref<128xf32, #tpu.memory_space<vmem>>) target_semaphore(%run_scoped3A : memref<!tpu.dma_semaphore, #tpu.memory_space<semaphore_mem>>)
      %dma_wait3A_2115 = tpu.memref_slice %arg3[%min3A_631] : memref<100000xf32, #tpu.memory_space<hbm>> -> memref<128xf32, #tpu.memory_space<hbm>>
      %dma_wait3A_2116 = tpu.memref_slice %arg3[%min3A_631] : memref<100000xf32, #tpu.memory_space<hbm>> -> memref<128xf32, #tpu.memory_space<hbm>>
      tpu.wait_dma2 semaphore(%run_scoped3A : memref<!tpu.dma_semaphore, #tpu.memory_space<semaphore_mem>>) src(%dma_wait3A_2116 : memref<128xf32, #tpu.memory_space<hbm>>) dst(%arg15 : memref<128xf32, #tpu.memory_space<vmem>>)
      tpu.yield
    }) : () -> ()
    %get3A_632 = arith.constant 0 : index
    %get3A_633 = tpu.vector_load %arg11[%get3A_632] {strides = array<i32>} : memref<128xf32, #tpu.memory_space<vmem>>, vector<16xf32>,
    %get3A_634 = vector.shape_cast %get3A_633 : vector<16xf32> to vector<16xf32>
    %sub3A_635 = arith.subf %get3A_634, %min3A_604 : vector<16xf32>
    %div3A = arith.divf %sub3A_635, %add3A_619 : vector<16xf32>
    %get3A_636 = arith.constant 0 : index
    %get3A_637 = tpu.vector_load %arg15[%get3A_636] {strides = array<i32>} : memref<128xf32, #tpu.memory_space<vmem>>, vector<16xf32>,
    %get3A_638 = vector.shape_cast %get3A_637 : vector<16xf32> to vector<16xf32>
    %sub3A_639 = arith.subf %get3A_638, %min3A_612 : vector<16xf32>
    %div3A_640 = arith.divf %sub3A_639, %add3A_623 : vector<16xf32>
    %mul3A_641 = arith.constant 1.000000e+04 : f32
    %mul3A_642 = vector.broadcast %mul3A_641 : f32 to vector<16xf32>
    %mul3A_643 = arith.mulf %div3A, %mul3A_642 : vector<16xf32>
    %convert_element_type3A = arith.fptosi %mul3A_643 : vector<16xf32> to vector<16xi32>
    %jit3A = arith.constant 0 : i32
    %jit3A_644 = arith.constant 9999 : i32
    %max3A_645 = vector.broadcast %jit3A : i32 to vector<16xi32>
    %max3A_646 = arith.maxsi %max3A_645, %convert_element_type3A : vector<16xi32>
    %min3A_647 = vector.broadcast %jit3A_644 : i32 to vector<16xi32>
    %min3A_648 = arith.minsi %min3A_647, %max3A_646 : vector<16xi32>
    %swap3A_649 = arith.constant 0 : index
    %swap3A_650 = tpu.vector_load %arg19[%swap3A_649] {strides = array<i32>} : memref<128xi32, #tpu.memory_space<vmem>>, vector<16xi32>,
    %swap3A_651 = vector.shape_cast %swap3A_650 : vector<16xi32> to vector<16xi32>
    %swap3A_652 = vector.shape_cast %min3A_648 : vector<16xi32> to vector<16xi32>
    tpu.vector_store %arg19[%swap3A_649], %swap3A_652 {strides = array<i32>} : memref<128xi32, #tpu.memory_space<vmem>>, vector<16xi32>,
    %mul3A_653 = arith.constant 1.000000e+04 : f32
    %mul3A_654 = vector.broadcast %mul3A_653 : f32 to vector<16xf32>
    %mul3A_655 = arith.mulf %div3A_640, %mul3A_654 : vector<16xf32>
    %convert_element_type3A_656 = arith.fptosi %mul3A_655 : vector<16xf32> to vector<16xi32>
    %jit3A_657 = arith.constant 0 : i32
    %jit3A_658 = arith.constant 9999 : i32
    %max3A_659 = vector.broadcast %jit3A_657 : i32 to vector<16xi32>
    %max3A_660 = arith.maxsi %max3A_659, %convert_element_type3A_656 : vector<16xi32>
    %min3A_661 = vector.broadcast %jit3A_658 : i32 to vector<16xi32>
    %min3A_662 = arith.minsi %min3A_661, %max3A_660 : vector<16xi32>
    %swap3A_663 = arith.constant 0 : index
    %swap3A_664 = tpu.vector_load %arg23[%swap3A_663] {strides = array<i32>} : memref<128xi32, #tpu.memory_space<vmem>>, vector<16xi32>,
    %swap3A_665 = vector.shape_cast %swap3A_664 : vector<16xi32> to vector<16xi32>
    %swap3A_666 = vector.shape_cast %min3A_662 : vector<16xi32> to vector<16xi32>
    tpu.vector_store %arg23[%swap3A_663], %swap3A_666 {strides = array<i32>} : memref<128xi32, #tpu.memory_space<vmem>>, vector<16xi32>,
    %get3A_667 = arith.constant 16 : index
    %get3A_668 = tpu.vector_load %arg11[%get3A_667] {strides = array<i32>} : memref<128xf32, #tpu.memory_space<vmem>>, vector<16xf32>,
    %get3A_669 = vector.shape_cast %get3A_668 : vector<16xf32> to vector<16xf32>
    %sub3A_670 = arith.subf %get3A_669, %min3A_604 : vector<16xf32>
    %div3A_671 = arith.divf %sub3A_670, %add3A_619 : vector<16xf32>
    %get3A_672 = arith.constant 16 : index
    %get3A_673 = tpu.vector_load %arg15[%get3A_672] {strides = array<i32>} : memref<128xf32, #tpu.memory_space<vmem>>, vector<16xf32>,
    %get3A_674 = vector.shape_cast %get3A_673 : vector<16xf32> to vector<16xf32>
    %sub3A_675 = arith.subf %get3A_674, %min3A_612 : vector<16xf32>
    %div3A_676 = arith.divf %sub3A_675, %add3A_623 : vector<16xf32>
    %mul3A_677 = arith.constant 1.000000e+04 : f32
    %mul3A_678 = vector.broadcast %mul3A_677 : f32 to vector<16xf32>
    %mul3A_679 = arith.mulf %div3A_671, %mul3A_678 : vector<16xf32>
    %convert_element_type3A_680 = arith.fptosi %mul3A_679 : vector<16xf32> to vector<16xi32>
    %jit3A_681 = arith.constant 0 : i32
    %jit3A_682 = arith.constant 9999 : i32
    %max3A_683 = vector.broadcast %jit3A_681 : i32 to vector<16xi32>
    %max3A_684 = arith.maxsi %max3A_683, %convert_element_type3A_680 : vector<16xi32>
    %min3A_685 = vector.broadcast %jit3A_682 : i32 to vector<16xi32>
    %min3A_686 = arith.minsi %min3A_685, %max3A_684 : vector<16xi32>
    %swap3A_687 = arith.constant 16 : index
    %swap3A_688 = tpu.vector_load %arg19[%swap3A_687] {strides = array<i32>} : memref<128xi32, #tpu.memory_space<vmem>>, vector<16xi32>,
    %swap3A_689 = vector.shape_cast %swap3A_688 : vector<16xi32> to vector<16xi32>
    %swap3A_690 = vector.shape_cast %min3A_686 : vector<16xi32> to vector<16xi32>
    tpu.vector_store %arg19[%swap3A_687], %swap3A_690 {strides = array<i32>} : memref<128xi32, #tpu.memory_space<vmem>>, vector<16xi32>,
    %mul3A_691 = arith.constant 1.000000e+04 : f32
    %mul3A_692 = vector.broadcast %mul3A_691 : f32 to vector<16xf32>
    %mul3A_693 = arith.mulf %div3A_676, %mul3A_692 : vector<16xf32>
    %convert_element_type3A_694 = arith.fptosi %mul3A_693 : vector<16xf32> to vector<16xi32>
    %jit3A_695 = arith.constant 0 : i32
    %jit3A_696 = arith.constant 9999 : i32
    %max3A_697 = vector.broadcast %jit3A_695 : i32 to vector<16xi32>
    %max3A_698 = arith.maxsi %max3A_697, %convert_element_type3A_694 : vector<16xi32>
    %min3A_699 = vector.broadcast %jit3A_696 : i32 to vector<16xi32>
    %min3A_700 = arith.minsi %min3A_699, %max3A_698 : vector<16xi32>
    %swap3A_701 = arith.constant 16 : index
    %swap3A_702 = tpu.vector_load %arg23[%swap3A_701] {strides = array<i32>} : memref<128xi32, #tpu.memory_space<vmem>>, vector<16xi32>,
    %swap3A_703 = vector.shape_cast %swap3A_702 : vector<16xi32> to vector<16xi32>
    %swap3A_704 = vector.shape_cast %min3A_700 : vector<16xi32> to vector<16xi32>
    tpu.vector_store %arg23[%swap3A_701], %swap3A_704 {strides = array<i32>} : memref<128xi32, #tpu.memory_space<vmem>>, vector<16xi32>,
    %get3A_705 = arith.constant 32 : index
    %get3A_706 = tpu.vector_load %arg11[%get3A_705] {strides = array<i32>} : memref<128xf32, #tpu.memory_space<vmem>>, vector<16xf32>,
    %get3A_707 = vector.shape_cast %get3A_706 : vector<16xf32> to vector<16xf32>
    %sub3A_708 = arith.subf %get3A_707, %min3A_604 : vector<16xf32>
    %div3A_709 = arith.divf %sub3A_708, %add3A_619 : vector<16xf32>
    %get3A_710 = arith.constant 32 : index
    %get3A_711 = tpu.vector_load %arg15[%get3A_710] {strides = array<i32>} : memref<128xf32, #tpu.memory_space<vmem>>, vector<16xf32>,
    %get3A_712 = vector.shape_cast %get3A_711 : vector<16xf32> to vector<16xf32>
    %sub3A_713 = arith.subf %get3A_712, %min3A_612 : vector<16xf32>
    %div3A_714 = arith.divf %sub3A_713, %add3A_623 : vector<16xf32>
    %mul3A_715 = arith.constant 1.000000e+04 : f32
    %mul3A_716 = vector.broadcast %mul3A_715 : f32 to vector<16xf32>
    %mul3A_717 = arith.mulf %div3A_709, %mul3A_716 : vector<16xf32>
    %convert_element_type3A_718 = arith.fptosi %mul3A_717 : vector<16xf32> to vector<16xi32>
    %jit3A_719 = arith.constant 0 : i32
    %jit3A_720 = arith.constant 9999 : i32
    %max3A_721 = vector.broadcast %jit3A_719 : i32 to vector<16xi32>
    %max3A_722 = arith.maxsi %max3A_721, %convert_element_type3A_718 : vector<16xi32>
    %min3A_723 = vector.broadcast %jit3A_720 : i32 to vector<16xi32>
    %min3A_724 = arith.minsi %min3A_723, %max3A_722 : vector<16xi32>
    %swap3A_725 = arith.constant 32 : index
    %swap3A_726 = tpu.vector_load %arg19[%swap3A_725] {strides = array<i32>} : memref<128xi32, #tpu.memory_space<vmem>>, vector<16xi32>,
    %swap3A_727 = vector.shape_cast %swap3A_726 : vector<16xi32> to vector<16xi32>
    %swap3A_728 = vector.shape_cast %min3A_724 : vector<16xi32> to vector<16xi32>
    tpu.vector_store %arg19[%swap3A_725], %swap3A_728 {strides = array<i32>} : memref<128xi32, #tpu.memory_space<vmem>>, vector<16xi32>,
    %mul3A_729 = arith.constant 1.000000e+04 : f32
    %mul3A_730 = vector.broadcast %mul3A_729 : f32 to vector<16xf32>
    %mul3A_731 = arith.mulf %div3A_714, %mul3A_730 : vector<16xf32>
    %convert_element_type3A_732 = arith.fptosi %mul3A_731 : vector<16xf32> to vector<16xi32>
    %jit3A_733 = arith.constant 0 : i32
    %jit3A_734 = arith.constant 9999 : i32
    %max3A_735 = vector.broadcast %jit3A_733 : i32 to vector<16xi32>
    %max3A_736 = arith.maxsi %max3A_735, %convert_element_type3A_732 : vector<16xi32>
    %min3A_737 = vector.broadcast %jit3A_734 : i32 to vector<16xi32>
    %min3A_738 = arith.minsi %min3A_737, %max3A_736 : vector<16xi32>
    %swap3A_739 = arith.constant 32 : index
    %swap3A_740 = tpu.vector_load %arg23[%swap3A_739] {strides = array<i32>} : memref<128xi32, #tpu.memory_space<vmem>>, vector<16xi32>,
    %swap3A_741 = vector.shape_cast %swap3A_740 : vector<16xi32> to vector<16xi32>
    %swap3A_742 = vector.shape_cast %min3A_738 : vector<16xi32> to vector<16xi32>
    tpu.vector_store %arg23[%swap3A_739], %swap3A_742 {strides = array<i32>} : memref<128xi32, #tpu.memory_space<vmem>>, vector<16xi32>,
    %get3A_743 = arith.constant 48 : index
    %get3A_744 = tpu.vector_load %arg11[%get3A_743] {strides = array<i32>} : memref<128xf32, #tpu.memory_space<vmem>>, vector<16xf32>,
    %get3A_745 = vector.shape_cast %get3A_744 : vector<16xf32> to vector<16xf32>
    %sub3A_746 = arith.subf %get3A_745, %min3A_604 : vector<16xf32>
    %div3A_747 = arith.divf %sub3A_746, %add3A_619 : vector<16xf32>
    %get3A_748 = arith.constant 48 : index
    %get3A_749 = tpu.vector_load %arg15[%get3A_748] {strides = array<i32>} : memref<128xf32, #tpu.memory_space<vmem>>, vector<16xf32>,
    %get3A_750 = vector.shape_cast %get3A_749 : vector<16xf32> to vector<16xf32>
    %sub3A_751 = arith.subf %get3A_750, %min3A_612 : vector<16xf32>
    %div3A_752 = arith.divf %sub3A_751, %add3A_623 : vector<16xf32>
    %mul3A_753 = arith.constant 1.000000e+04 : f32
    %mul3A_754 = vector.broadcast %mul3A_753 : f32 to vector<16xf32>
    %mul3A_755 = arith.mulf %div3A_747, %mul3A_754 : vector<16xf32>
    %convert_element_type3A_756 = arith.fptosi %mul3A_755 : vector<16xf32> to vector<16xi32>
    %jit3A_757 = arith.constant 0 : i32
    %jit3A_758 = arith.constant 9999 : i32
    %max3A_759 = vector.broadcast %jit3A_757 : i32 to vector<16xi32>
    %max3A_760 = arith.maxsi %max3A_759, %convert_element_type3A_756 : vector<16xi32>
    %min3A_761 = vector.broadcast %jit3A_758 : i32 to vector<16xi32>
    %min3A_762 = arith.minsi %min3A_761, %max3A_760 : vector<16xi32>
    %swap3A_763 = arith.constant 48 : index
    %swap3A_764 = tpu.vector_load %arg19[%swap3A_763] {strides = array<i32>} : memref<128xi32, #tpu.memory_space<vmem>>, vector<16xi32>,
    %swap3A_765 = vector.shape_cast %swap3A_764 : vector<16xi32> to vector<16xi32>
    %swap3A_766 = vector.shape_cast %min3A_762 : vector<16xi32> to vector<16xi32>
    tpu.vector_store %arg19[%swap3A_763], %swap3A_766 {strides = array<i32>} : memref<128xi32, #tpu.memory_space<vmem>>, vector<16xi32>,
    %mul3A_767 = arith.constant 1.000000e+04 : f32
    %mul3A_768 = vector.broadcast %mul3A_767 : f32 to vector<16xf32>
    %mul3A_769 = arith.mulf %div3A_752, %mul3A_768 : vector<16xf32>
    %convert_element_type3A_770 = arith.fptosi %mul3A_769 : vector<16xf32> to vector<16xi32>
    %jit3A_771 = arith.constant 0 : i32
    %jit3A_772 = arith.constant 9999 : i32
    %max3A_773 = vector.broadcast %jit3A_771 : i32 to vector<16xi32>
    %max3A_774 = arith.maxsi %max3A_773, %convert_element_type3A_770 : vector<16xi32>
    %min3A_775 = vector.broadcast %jit3A_772 : i32 to vector<16xi32>
    %min3A_776 = arith.minsi %min3A_775, %max3A_774 : vector<16xi32>
    %swap3A_777 = arith.constant 48 : index
    %swap3A_778 = tpu.vector_load %arg23[%swap3A_777] {strides = array<i32>} : memref<128xi32, #tpu.memory_space<vmem>>, vector<16xi32>,
    %swap3A_779 = vector.shape_cast %swap3A_778 : vector<16xi32> to vector<16xi32>
    %swap3A_780 = vector.shape_cast %min3A_776 : vector<16xi32> to vector<16xi32>
    tpu.vector_store %arg23[%swap3A_777], %swap3A_780 {strides = array<i32>} : memref<128xi32, #tpu.memory_space<vmem>>, vector<16xi32>,
    %get3A_781 = arith.constant 64 : index
    %get3A_782 = tpu.vector_load %arg11[%get3A_781] {strides = array<i32>} : memref<128xf32, #tpu.memory_space<vmem>>, vector<16xf32>,
    %get3A_783 = vector.shape_cast %get3A_782 : vector<16xf32> to vector<16xf32>
    %sub3A_784 = arith.subf %get3A_783, %min3A_604 : vector<16xf32>
    %div3A_785 = arith.divf %sub3A_784, %add3A_619 : vector<16xf32>
    %get3A_786 = arith.constant 64 : index
    %get3A_787 = tpu.vector_load %arg15[%get3A_786] {strides = array<i32>} : memref<128xf32, #tpu.memory_space<vmem>>, vector<16xf32>,
    %get3A_788 = vector.shape_cast %get3A_787 : vector<16xf32> to vector<16xf32>
    %sub3A_789 = arith.subf %get3A_788, %min3A_612 : vector<16xf32>
    %div3A_790 = arith.divf %sub3A_789, %add3A_623 : vector<16xf32>
    %mul3A_791 = arith.constant 1.000000e+04 : f32
    %mul3A_792 = vector.broadcast %mul3A_791 : f32 to vector<16xf32>
    %mul3A_793 = arith.mulf %div3A_785, %mul3A_792 : vector<16xf32>
    %convert_element_type3A_794 = arith.fptosi %mul3A_793 : vector<16xf32> to vector<16xi32>
    %jit3A_795 = arith.constant 0 : i32
    %jit3A_796 = arith.constant 9999 : i32
    %max3A_797 = vector.broadcast %jit3A_795 : i32 to vector<16xi32>
    %max3A_798 = arith.maxsi %max3A_797, %convert_element_type3A_794 : vector<16xi32>
    %min3A_799 = vector.broadcast %jit3A_796 : i32 to vector<16xi32>
    %min3A_800 = arith.minsi %min3A_799, %max3A_798 : vector<16xi32>
    %swap3A_801 = arith.constant 64 : index
    %swap3A_802 = tpu.vector_load %arg19[%swap3A_801] {strides = array<i32>} : memref<128xi32, #tpu.memory_space<vmem>>, vector<16xi32>,
    %swap3A_803 = vector.shape_cast %swap3A_802 : vector<16xi32> to vector<16xi32>
    %swap3A_804 = vector.shape_cast %min3A_800 : vector<16xi32> to vector<16xi32>
    tpu.vector_store %arg19[%swap3A_801], %swap3A_804 {strides = array<i32>} : memref<128xi32, #tpu.memory_space<vmem>>, vector<16xi32>,
    %mul3A_805 = arith.constant 1.000000e+04 : f32
    %mul3A_806 = vector.broadcast %mul3A_805 : f32 to vector<16xf32>
    %mul3A_807 = arith.mulf %div3A_790, %mul3A_806 : vector<16xf32>
    %convert_element_type3A_808 = arith.fptosi %mul3A_807 : vector<16xf32> to vector<16xi32>
    %jit3A_809 = arith.constant 0 : i32
    %jit3A_810 = arith.constant 9999 : i32
    %max3A_811 = vector.broadcast %jit3A_809 : i32 to vector<16xi32>
    %max3A_812 = arith.maxsi %max3A_811, %convert_element_type3A_808 : vector<16xi32>
    %min3A_813 = vector.broadcast %jit3A_810 : i32 to vector<16xi32>
    %min3A_814 = arith.minsi %min3A_813, %max3A_812 : vector<16xi32>
    %swap3A_815 = arith.constant 64 : index
    %swap3A_816 = tpu.vector_load %arg23[%swap3A_815] {strides = array<i32>} : memref<128xi32, #tpu.memory_space<vmem>>, vector<16xi32>,
    %swap3A_817 = vector.shape_cast %swap3A_816 : vector<16xi32> to vector<16xi32>
    %swap3A_818 = vector.shape_cast %min3A_814 : vector<16xi32> to vector<16xi32>
    tpu.vector_store %arg23[%swap3A_815], %swap3A_818 {strides = array<i32>} : memref<128xi32, #tpu.memory_space<vmem>>, vector<16xi32>,
    %get3A_819 = arith.constant 80 : index
    %get3A_820 = tpu.vector_load %arg11[%get3A_819] {strides = array<i32>} : memref<128xf32, #tpu.memory_space<vmem>>, vector<16xf32>,
    %get3A_821 = vector.shape_cast %get3A_820 : vector<16xf32> to vector<16xf32>
    %sub3A_822 = arith.subf %get3A_821, %min3A_604 : vector<16xf32>
    %div3A_823 = arith.divf %sub3A_822, %add3A_619 : vector<16xf32>
    %get3A_824 = arith.constant 80 : index
    %get3A_825 = tpu.vector_load %arg15[%get3A_824] {strides = array<i32>} : memref<128xf32, #tpu.memory_space<vmem>>, vector<16xf32>,
    %get3A_826 = vector.shape_cast %get3A_825 : vector<16xf32> to vector<16xf32>
    %sub3A_827 = arith.subf %get3A_826, %min3A_612 : vector<16xf32>
    %div3A_828 = arith.divf %sub3A_827, %add3A_623 : vector<16xf32>
    %mul3A_829 = arith.constant 1.000000e+04 : f32
    %mul3A_830 = vector.broadcast %mul3A_829 : f32 to vector<16xf32>
    %mul3A_831 = arith.mulf %div3A_823, %mul3A_830 : vector<16xf32>
    %convert_element_type3A_832 = arith.fptosi %mul3A_831 : vector<16xf32> to vector<16xi32>
    %jit3A_833 = arith.constant 0 : i32
    %jit3A_834 = arith.constant 9999 : i32
    %max3A_835 = vector.broadcast %jit3A_833 : i32 to vector<16xi32>
    %max3A_836 = arith.maxsi %max3A_835, %convert_element_type3A_832 : vector<16xi32>
    %min3A_837 = vector.broadcast %jit3A_834 : i32 to vector<16xi32>
    %min3A_838 = arith.minsi %min3A_837, %max3A_836 : vector<16xi32>
    %swap3A_839 = arith.constant 80 : index
    %swap3A_840 = tpu.vector_load %arg19[%swap3A_839] {strides = array<i32>} : memref<128xi32, #tpu.memory_space<vmem>>, vector<16xi32>,
    %swap3A_841 = vector.shape_cast %swap3A_840 : vector<16xi32> to vector<16xi32>
    %swap3A_842 = vector.shape_cast %min3A_838 : vector<16xi32> to vector<16xi32>
    tpu.vector_store %arg19[%swap3A_839], %swap3A_842 {strides = array<i32>} : memref<128xi32, #tpu.memory_space<vmem>>, vector<16xi32>,
    %mul3A_843 = arith.constant 1.000000e+04 : f32
    %mul3A_844 = vector.broadcast %mul3A_843 : f32 to vector<16xf32>
    %mul3A_845 = arith.mulf %div3A_828, %mul3A_844 : vector<16xf32>
    %convert_element_type3A_846 = arith.fptosi %mul3A_845 : vector<16xf32> to vector<16xi32>
    %jit3A_847 = arith.constant 0 : i32
    %jit3A_848 = arith.constant 9999 : i32
    %max3A_849 = vector.broadcast %jit3A_847 : i32 to vector<16xi32>
    %max3A_850 = arith.maxsi %max3A_849, %convert_element_type3A_846 : vector<16xi32>
    %min3A_851 = vector.broadcast %jit3A_848 : i32 to vector<16xi32>
    %min3A_852 = arith.minsi %min3A_851, %max3A_850 : vector<16xi32>
    %swap3A_853 = arith.constant 80 : index
    %swap3A_854 = tpu.vector_load %arg23[%swap3A_853] {strides = array<i32>} : memref<128xi32, #tpu.memory_space<vmem>>, vector<16xi32>,
    %swap3A_855 = vector.shape_cast %swap3A_854 : vector<16xi32> to vector<16xi32>
    %swap3A_856 = vector.shape_cast %min3A_852 : vector<16xi32> to vector<16xi32>
    tpu.vector_store %arg23[%swap3A_853], %swap3A_856 {strides = array<i32>} : memref<128xi32, #tpu.memory_space<vmem>>, vector<16xi32>,
    %get3A_857 = arith.constant 96 : index
    %get3A_858 = tpu.vector_load %arg11[%get3A_857] {strides = array<i32>} : memref<128xf32, #tpu.memory_space<vmem>>, vector<16xf32>,
    %get3A_859 = vector.shape_cast %get3A_858 : vector<16xf32> to vector<16xf32>
    %sub3A_860 = arith.subf %get3A_859, %min3A_604 : vector<16xf32>
    %div3A_861 = arith.divf %sub3A_860, %add3A_619 : vector<16xf32>
    %get3A_862 = arith.constant 96 : index
    %get3A_863 = tpu.vector_load %arg15[%get3A_862] {strides = array<i32>} : memref<128xf32, #tpu.memory_space<vmem>>, vector<16xf32>,
    %get3A_864 = vector.shape_cast %get3A_863 : vector<16xf32> to vector<16xf32>
    %sub3A_865 = arith.subf %get3A_864, %min3A_612 : vector<16xf32>
    %div3A_866 = arith.divf %sub3A_865, %add3A_623 : vector<16xf32>
    %mul3A_867 = arith.constant 1.000000e+04 : f32
    %mul3A_868 = vector.broadcast %mul3A_867 : f32 to vector<16xf32>
    %mul3A_869 = arith.mulf %div3A_861, %mul3A_868 : vector<16xf32>
    %convert_element_type3A_870 = arith.fptosi %mul3A_869 : vector<16xf32> to vector<16xi32>
    %jit3A_871 = arith.constant 0 : i32
    %jit3A_872 = arith.constant 9999 : i32
    %max3A_873 = vector.broadcast %jit3A_871 : i32 to vector<16xi32>
    %max3A_874 = arith.maxsi %max3A_873, %convert_element_type3A_870 : vector<16xi32>
    %min3A_875 = vector.broadcast %jit3A_872 : i32 to vector<16xi32>
    %min3A_876 = arith.minsi %min3A_875, %max3A_874 : vector<16xi32>
    %swap3A_877 = arith.constant 96 : index
    %swap3A_878 = tpu.vector_load %arg19[%swap3A_877] {strides = array<i32>} : memref<128xi32, #tpu.memory_space<vmem>>, vector<16xi32>,
    %swap3A_879 = vector.shape_cast %swap3A_878 : vector<16xi32> to vector<16xi32>
    %swap3A_880 = vector.shape_cast %min3A_876 : vector<16xi32> to vector<16xi32>
    tpu.vector_store %arg19[%swap3A_877], %swap3A_880 {strides = array<i32>} : memref<128xi32, #tpu.memory_space<vmem>>, vector<16xi32>,
    %mul3A_881 = arith.constant 1.000000e+04 : f32
    %mul3A_882 = vector.broadcast %mul3A_881 : f32 to vector<16xf32>
    %mul3A_883 = arith.mulf %div3A_866, %mul3A_882 : vector<16xf32>
    %convert_element_type3A_884 = arith.fptosi %mul3A_883 : vector<16xf32> to vector<16xi32>
    %jit3A_885 = arith.constant 0 : i32
    %jit3A_886 = arith.constant 9999 : i32
    %max3A_887 = vector.broadcast %jit3A_885 : i32 to vector<16xi32>
    %max3A_888 = arith.maxsi %max3A_887, %convert_element_type3A_884 : vector<16xi32>
    %min3A_889 = vector.broadcast %jit3A_886 : i32 to vector<16xi32>
    %min3A_890 = arith.minsi %min3A_889, %max3A_888 : vector<16xi32>
    %swap3A_891 = arith.constant 96 : index
    %swap3A_892 = tpu.vector_load %arg23[%swap3A_891] {strides = array<i32>} : memref<128xi32, #tpu.memory_space<vmem>>, vector<16xi32>,
    %swap3A_893 = vector.shape_cast %swap3A_892 : vector<16xi32> to vector<16xi32>
    %swap3A_894 = vector.shape_cast %min3A_890 : vector<16xi32> to vector<16xi32>
    tpu.vector_store %arg23[%swap3A_891], %swap3A_894 {strides = array<i32>} : memref<128xi32, #tpu.memory_space<vmem>>, vector<16xi32>,
    %get3A_895 = arith.constant 112 : index
    %get3A_896 = tpu.vector_load %arg11[%get3A_895] {strides = array<i32>} : memref<128xf32, #tpu.memory_space<vmem>>, vector<16xf32>,
    %get3A_897 = vector.shape_cast %get3A_896 : vector<16xf32> to vector<16xf32>
    %sub3A_898 = arith.subf %get3A_897, %min3A_604 : vector<16xf32>
    %div3A_899 = arith.divf %sub3A_898, %add3A_619 : vector<16xf32>
    %get3A_900 = arith.constant 112 : index
    %get3A_901 = tpu.vector_load %arg15[%get3A_900] {strides = array<i32>} : memref<128xf32, #tpu.memory_space<vmem>>, vector<16xf32>,
    %get3A_902 = vector.shape_cast %get3A_901 : vector<16xf32> to vector<16xf32>
    %sub3A_903 = arith.subf %get3A_902, %min3A_612 : vector<16xf32>
    %div3A_904 = arith.divf %sub3A_903, %add3A_623 : vector<16xf32>
    %mul3A_905 = arith.constant 1.000000e+04 : f32
    %mul3A_906 = vector.broadcast %mul3A_905 : f32 to vector<16xf32>
    %mul3A_907 = arith.mulf %div3A_899, %mul3A_906 : vector<16xf32>
    %convert_element_type3A_908 = arith.fptosi %mul3A_907 : vector<16xf32> to vector<16xi32>
    %jit3A_909 = arith.constant 0 : i32
    %jit3A_910 = arith.constant 9999 : i32
    %max3A_911 = vector.broadcast %jit3A_909 : i32 to vector<16xi32>
    %max3A_912 = arith.maxsi %max3A_911, %convert_element_type3A_908 : vector<16xi32>
    %min3A_913 = vector.broadcast %jit3A_910 : i32 to vector<16xi32>
    %min3A_914 = arith.minsi %min3A_913, %max3A_912 : vector<16xi32>
    %swap3A_915 = arith.constant 112 : index
    %swap3A_916 = tpu.vector_load %arg19[%swap3A_915] {strides = array<i32>} : memref<128xi32, #tpu.memory_space<vmem>>, vector<16xi32>,
    %swap3A_917 = vector.shape_cast %swap3A_916 : vector<16xi32> to vector<16xi32>
    %swap3A_918 = vector.shape_cast %min3A_914 : vector<16xi32> to vector<16xi32>
    tpu.vector_store %arg19[%swap3A_915], %swap3A_918 {strides = array<i32>} : memref<128xi32, #tpu.memory_space<vmem>>, vector<16xi32>,
    %mul3A_919 = arith.constant 1.000000e+04 : f32
    %mul3A_920 = vector.broadcast %mul3A_919 : f32 to vector<16xf32>
    %mul3A_921 = arith.mulf %div3A_904, %mul3A_920 : vector<16xf32>
    %convert_element_type3A_922 = arith.fptosi %mul3A_921 : vector<16xf32> to vector<16xi32>
    %jit3A_923 = arith.constant 0 : i32
    %jit3A_924 = arith.constant 9999 : i32
    %max3A_925 = vector.broadcast %jit3A_923 : i32 to vector<16xi32>
    %max3A_926 = arith.maxsi %max3A_925, %convert_element_type3A_922 : vector<16xi32>
    %min3A_927 = vector.broadcast %jit3A_924 : i32 to vector<16xi32>
    %min3A_928 = arith.minsi %min3A_927, %max3A_926 : vector<16xi32>
    %swap3A_929 = arith.constant 112 : index
    %swap3A_930 = tpu.vector_load %arg23[%swap3A_929] {strides = array<i32>} : memref<128xi32, #tpu.memory_space<vmem>>, vector<16xi32>,
    %swap3A_931 = vector.shape_cast %swap3A_930 : vector<16xi32> to vector<16xi32>
    %swap3A_932 = vector.shape_cast %min3A_928 : vector<16xi32> to vector<16xi32>
    tpu.vector_store %arg23[%swap3A_929], %swap3A_932 {strides = array<i32>} : memref<128xi32, #tpu.memory_space<vmem>>, vector<16xi32>,
    %dma_start3A = arith.constant 0 : i32
    %dma_start3A_933 = arith.constant 0 : i32
    %dma_start3A_934 = tpu.memref_slice %arg4[%dma_start3A, %dma_start3A_933] : memref<10000x64xf32, #tpu.memory_space<hbm>> -> memref<10000x64xf32, #tpu.memory_space<hbm>>
    tpu.enqueue_indirect_dma source(%dma_start3A_934 : memref<10000x64xf32, #tpu.memory_space<hbm>>) target(%arg27 : memref<128x64xf32, #tpu.memory_space<vmem>>) offsets(%arg19 : memref<128xi32, #tpu.memory_space<vmem>>) semaphore(%arg39 : memref<!tpu.dma_semaphore, #tpu.memory_space<semaphore_mem>>)
    %dma_start3A_935 = arith.constant 0 : i32
    %dma_start3A_936 = arith.constant 0 : i32
    %dma_start3A_937 = tpu.memref_slice %arg4[%dma_start3A_935, %dma_start3A_936] : memref<10000x64xf32, #tpu.memory_space<hbm>> -> memref<10000x64xf32, #tpu.memory_space<hbm>>
    tpu.enqueue_indirect_dma source(%dma_start3A_937 : memref<10000x64xf32, #tpu.memory_space<hbm>>) target(%arg31 : memref<128x64xf32, #tpu.memory_space<vmem>>) offsets(%arg23 : memref<128xi32, #tpu.memory_space<vmem>>) semaphore(%arg39 : memref<!tpu.dma_semaphore, #tpu.memory_space<semaphore_mem>>)
    %add3A_938 = arith.constant 128 : i32
    %add3A_939 = arith.addi %add3A, %add3A_938 : i32
    %min3A_940 = arith.constant 781 : i32
    %min3A_941 = arith.minsi %add3A_939, %min3A_940 : i32
    %mul3A_942 = arith.constant 128 : i32
    %mul3A_943 = arith.muli %min3A_941, %mul3A_942 : i32
    %min3A_944 = arith.constant 99872 : i32
    %min3A_945 = arith.minsi %mul3A_943, %min3A_944 : i32
    %dma_start3A_946 = tpu.memref_slice %arg2[%min3A_945] : memref<100000xf32, #tpu.memory_space<hbm>> -> memref<128xf32, #tpu.memory_space<hbm>>
    %dma_start3A_947 = tpu.memref_slice %arg2[%min3A_945] : memref<100000xf32, #tpu.memory_space<hbm>> -> memref<128xf32, #tpu.memory_space<hbm>>
    tpu.enqueue_dma source(%dma_start3A_947 : memref<128xf32, #tpu.memory_space<hbm>>) target(%arg11 : memref<128xf32, #tpu.memory_space<vmem>>) target_semaphore(%arg35 : memref<!tpu.dma_semaphore, #tpu.memory_space<semaphore_mem>>)
    %dma_start3A_948 = tpu.memref_slice %arg3[%min3A_945] : memref<100000xf32, #tpu.memory_space<hbm>> -> memref<128xf32, #tpu.memory_space<hbm>>
    %dma_start3A_949 = tpu.memref_slice %arg3[%min3A_945] : memref<100000xf32, #tpu.memory_space<hbm>> -> memref<128xf32, #tpu.memory_space<hbm>>
    tpu.enqueue_dma source(%dma_start3A_949 : memref<128xf32, #tpu.memory_space<hbm>>) target(%arg15 : memref<128xf32, #tpu.memory_space<vmem>>) target_semaphore(%arg35 : memref<!tpu.dma_semaphore, #tpu.memory_space<semaphore_mem>>)
    %add3A_950 = arith.constant 32 : i32
    %add3A_951 = arith.addi %add3A, %add3A_950 : i32
    %min3A_952 = arith.constant 781 : i32
    %min3A_953 = arith.minsi %add3A_951, %min3A_952 : i32
    %mul3A_954 = arith.constant 128 : i32
    %mul3A_955 = arith.muli %min3A_953, %mul3A_954 : i32
    %min3A_956 = arith.constant 99872 : i32
    %min3A_957 = arith.minsi %mul3A_955, %min3A_956 : i32
    "tpu.region"() ({
      %run_scoped3A = tpu.sem_alloc : memref<!tpu.dma_semaphore, #tpu.memory_space<semaphore_mem>>
      %dma_start3A_2113 = tpu.memref_slice %arg2[%min3A_957] : memref<100000xf32, #tpu.memory_space<hbm>> -> memref<128xf32, #tpu.memory_space<hbm>>
      %dma_start3A_2114 = tpu.memref_slice %arg2[%min3A_957] : memref<100000xf32, #tpu.memory_space<hbm>> -> memref<128xf32, #tpu.memory_space<hbm>>
      tpu.enqueue_dma source(%dma_start3A_2114 : memref<128xf32, #tpu.memory_space<hbm>>) target(%arg12 : memref<128xf32, #tpu.memory_space<vmem>>) target_semaphore(%run_scoped3A : memref<!tpu.dma_semaphore, #tpu.memory_space<semaphore_mem>>)
      %dma_wait3A_2115 = tpu.memref_slice %arg2[%min3A_957] : memref<100000xf32, #tpu.memory_space<hbm>> -> memref<128xf32, #tpu.memory_space<hbm>>
      %dma_wait3A_2116 = tpu.memref_slice %arg2[%min3A_957] : memref<100000xf32, #tpu.memory_space<hbm>> -> memref<128xf32, #tpu.memory_space<hbm>>
      tpu.wait_dma2 semaphore(%run_scoped3A : memref<!tpu.dma_semaphore, #tpu.memory_space<semaphore_mem>>) src(%dma_wait3A_2116 : memref<128xf32, #tpu.memory_space<hbm>>) dst(%arg12 : memref<128xf32, #tpu.memory_space<vmem>>)
      tpu.yield
    }) : () -> ()
    "tpu.region"() ({
      %run_scoped3A = tpu.sem_alloc : memref<!tpu.dma_semaphore, #tpu.memory_space<semaphore_mem>>
      %dma_start3A_2113 = tpu.memref_slice %arg3[%min3A_957] : memref<100000xf32, #tpu.memory_space<hbm>> -> memref<128xf32, #tpu.memory_space<hbm>>
      %dma_start3A_2114 = tpu.memref_slice %arg3[%min3A_957] : memref<100000xf32, #tpu.memory_space<hbm>> -> memref<128xf32, #tpu.memory_space<hbm>>
      tpu.enqueue_dma source(%dma_start3A_2114 : memref<128xf32, #tpu.memory_space<hbm>>) target(%arg16 : memref<128xf32, #tpu.memory_space<vmem>>) target_semaphore(%run_scoped3A : memref<!tpu.dma_semaphore, #tpu.memory_space<semaphore_mem>>)
      %dma_wait3A_2115 = tpu.memref_slice %arg3[%min3A_957] : memref<100000xf32, #tpu.memory_space<hbm>> -> memref<128xf32, #tpu.memory_space<hbm>>
      %dma_wait3A_2116 = tpu.memref_slice %arg3[%min3A_957] : memref<100000xf32, #tpu.memory_space<hbm>> -> memref<128xf32, #tpu.memory_space<hbm>>
      tpu.wait_dma2 semaphore(%run_scoped3A : memref<!tpu.dma_semaphore, #tpu.memory_space<semaphore_mem>>) src(%dma_wait3A_2116 : memref<128xf32, #tpu.memory_space<hbm>>) dst(%arg16 : memref<128xf32, #tpu.memory_space<vmem>>)
      tpu.yield
    }) : () -> ()
    %get3A_958 = arith.constant 0 : index
    %get3A_959 = tpu.vector_load %arg12[%get3A_958] {strides = array<i32>} : memref<128xf32, #tpu.memory_space<vmem>>, vector<16xf32>,
    %get3A_960 = vector.shape_cast %get3A_959 : vector<16xf32> to vector<16xf32>
    %sub3A_961 = arith.subf %get3A_960, %min3A_604 : vector<16xf32>
    %div3A_962 = arith.divf %sub3A_961, %add3A_619 : vector<16xf32>
    %get3A_963 = arith.constant 0 : index
    %get3A_964 = tpu.vector_load %arg16[%get3A_963] {strides = array<i32>} : memref<128xf32, #tpu.memory_space<vmem>>, vector<16xf32>,
    %get3A_965 = vector.shape_cast %get3A_964 : vector<16xf32> to vector<16xf32>
    %sub3A_966 = arith.subf %get3A_965, %min3A_612 : vector<16xf32>
    %div3A_967 = arith.divf %sub3A_966, %add3A_623 : vector<16xf32>
    %mul3A_968 = arith.constant 1.000000e+04 : f32
    %mul3A_969 = vector.broadcast %mul3A_968 : f32 to vector<16xf32>
    %mul3A_970 = arith.mulf %div3A_962, %mul3A_969 : vector<16xf32>
    %convert_element_type3A_971 = arith.fptosi %mul3A_970 : vector<16xf32> to vector<16xi32>
    %jit3A_972 = arith.constant 0 : i32
    %jit3A_973 = arith.constant 9999 : i32
    %max3A_974 = vector.broadcast %jit3A_972 : i32 to vector<16xi32>
    %max3A_975 = arith.maxsi %max3A_974, %convert_element_type3A_971 : vector<16xi32>
    %min3A_976 = vector.broadcast %jit3A_973 : i32 to vector<16xi32>
    %min3A_977 = arith.minsi %min3A_976, %max3A_975 : vector<16xi32>
    %swap3A_978 = arith.constant 0 : index
    %swap3A_979 = tpu.vector_load %arg20[%swap3A_978] {strides = array<i32>} : memref<128xi32, #tpu.memory_space<vmem>>, vector<16xi32>,
    %swap3A_980 = vector.shape_cast %swap3A_979 : vector<16xi32> to vector<16xi32>
    %swap3A_981 = vector.shape_cast %min3A_977 : vector<16xi32> to vector<16xi32>
    tpu.vector_store %arg20[%swap3A_978], %swap3A_981 {strides = array<i32>} : memref<128xi32, #tpu.memory_space<vmem>>, vector<16xi32>,
    %mul3A_982 = arith.constant 1.000000e+04 : f32
    %mul3A_983 = vector.broadcast %mul3A_982 : f32 to vector<16xf32>
    %mul3A_984 = arith.mulf %div3A_967, %mul3A_983 : vector<16xf32>
    %convert_element_type3A_985 = arith.fptosi %mul3A_984 : vector<16xf32> to vector<16xi32>
    %jit3A_986 = arith.constant 0 : i32
    %jit3A_987 = arith.constant 9999 : i32
    %max3A_988 = vector.broadcast %jit3A_986 : i32 to vector<16xi32>
    %max3A_989 = arith.maxsi %max3A_988, %convert_element_type3A_985 : vector<16xi32>
    %min3A_990 = vector.broadcast %jit3A_987 : i32 to vector<16xi32>
    %min3A_991 = arith.minsi %min3A_990, %max3A_989 : vector<16xi32>
    %swap3A_992 = arith.constant 0 : index
    %swap3A_993 = tpu.vector_load %arg24[%swap3A_992] {strides = array<i32>} : memref<128xi32, #tpu.memory_space<vmem>>, vector<16xi32>,
    %swap3A_994 = vector.shape_cast %swap3A_993 : vector<16xi32> to vector<16xi32>
    %swap3A_995 = vector.shape_cast %min3A_991 : vector<16xi32> to vector<16xi32>
    tpu.vector_store %arg24[%swap3A_992], %swap3A_995 {strides = array<i32>} : memref<128xi32, #tpu.memory_space<vmem>>, vector<16xi32>,
    %get3A_996 = arith.constant 16 : index
    %get3A_997 = tpu.vector_load %arg12[%get3A_996] {strides = array<i32>} : memref<128xf32, #tpu.memory_space<vmem>>, vector<16xf32>,
    %get3A_998 = vector.shape_cast %get3A_997 : vector<16xf32> to vector<16xf32>
    %sub3A_999 = arith.subf %get3A_998, %min3A_604 : vector<16xf32>
    %div3A_1000 = arith.divf %sub3A_999, %add3A_619 : vector<16xf32>
    %get3A_1001 = arith.constant 16 : index
    %get3A_1002 = tpu.vector_load %arg16[%get3A_1001] {strides = array<i32>} : memref<128xf32, #tpu.memory_space<vmem>>, vector<16xf32>,
    %get3A_1003 = vector.shape_cast %get3A_1002 : vector<16xf32> to vector<16xf32>
    %sub3A_1004 = arith.subf %get3A_1003, %min3A_612 : vector<16xf32>
    %div3A_1005 = arith.divf %sub3A_1004, %add3A_623 : vector<16xf32>
    %mul3A_1006 = arith.constant 1.000000e+04 : f32
    %mul3A_1007 = vector.broadcast %mul3A_1006 : f32 to vector<16xf32>
    %mul3A_1008 = arith.mulf %div3A_1000, %mul3A_1007 : vector<16xf32>
    %convert_element_type3A_1009 = arith.fptosi %mul3A_1008 : vector<16xf32> to vector<16xi32>
    %jit3A_1010 = arith.constant 0 : i32
    %jit3A_1011 = arith.constant 9999 : i32
    %max3A_1012 = vector.broadcast %jit3A_1010 : i32 to vector<16xi32>
    %max3A_1013 = arith.maxsi %max3A_1012, %convert_element_type3A_1009 : vector<16xi32>
    %min3A_1014 = vector.broadcast %jit3A_1011 : i32 to vector<16xi32>
    %min3A_1015 = arith.minsi %min3A_1014, %max3A_1013 : vector<16xi32>
    %swap3A_1016 = arith.constant 16 : index
    %swap3A_1017 = tpu.vector_load %arg20[%swap3A_1016] {strides = array<i32>} : memref<128xi32, #tpu.memory_space<vmem>>, vector<16xi32>,
    %swap3A_1018 = vector.shape_cast %swap3A_1017 : vector<16xi32> to vector<16xi32>
    %swap3A_1019 = vector.shape_cast %min3A_1015 : vector<16xi32> to vector<16xi32>
    tpu.vector_store %arg20[%swap3A_1016], %swap3A_1019 {strides = array<i32>} : memref<128xi32, #tpu.memory_space<vmem>>, vector<16xi32>,
    %mul3A_1020 = arith.constant 1.000000e+04 : f32
    %mul3A_1021 = vector.broadcast %mul3A_1020 : f32 to vector<16xf32>
    %mul3A_1022 = arith.mulf %div3A_1005, %mul3A_1021 : vector<16xf32>
    %convert_element_type3A_1023 = arith.fptosi %mul3A_1022 : vector<16xf32> to vector<16xi32>
    %jit3A_1024 = arith.constant 0 : i32
    %jit3A_1025 = arith.constant 9999 : i32
    %max3A_1026 = vector.broadcast %jit3A_1024 : i32 to vector<16xi32>
    %max3A_1027 = arith.maxsi %max3A_1026, %convert_element_type3A_1023 : vector<16xi32>
    %min3A_1028 = vector.broadcast %jit3A_1025 : i32 to vector<16xi32>
    %min3A_1029 = arith.minsi %min3A_1028, %max3A_1027 : vector<16xi32>
    %swap3A_1030 = arith.constant 16 : index
    %swap3A_1031 = tpu.vector_load %arg24[%swap3A_1030] {strides = array<i32>} : memref<128xi32, #tpu.memory_space<vmem>>, vector<16xi32>,
    %swap3A_1032 = vector.shape_cast %swap3A_1031 : vector<16xi32> to vector<16xi32>
    %swap3A_1033 = vector.shape_cast %min3A_1029 : vector<16xi32> to vector<16xi32>
    tpu.vector_store %arg24[%swap3A_1030], %swap3A_1033 {strides = array<i32>} : memref<128xi32, #tpu.memory_space<vmem>>, vector<16xi32>,
    %get3A_1034 = arith.constant 32 : index
    %get3A_1035 = tpu.vector_load %arg12[%get3A_1034] {strides = array<i32>} : memref<128xf32, #tpu.memory_space<vmem>>, vector<16xf32>,
    %get3A_1036 = vector.shape_cast %get3A_1035 : vector<16xf32> to vector<16xf32>
    %sub3A_1037 = arith.subf %get3A_1036, %min3A_604 : vector<16xf32>
    %div3A_1038 = arith.divf %sub3A_1037, %add3A_619 : vector<16xf32>
    %get3A_1039 = arith.constant 32 : index
    %get3A_1040 = tpu.vector_load %arg16[%get3A_1039] {strides = array<i32>} : memref<128xf32, #tpu.memory_space<vmem>>, vector<16xf32>,
    %get3A_1041 = vector.shape_cast %get3A_1040 : vector<16xf32> to vector<16xf32>
    %sub3A_1042 = arith.subf %get3A_1041, %min3A_612 : vector<16xf32>
    %div3A_1043 = arith.divf %sub3A_1042, %add3A_623 : vector<16xf32>
    %mul3A_1044 = arith.constant 1.000000e+04 : f32
    %mul3A_1045 = vector.broadcast %mul3A_1044 : f32 to vector<16xf32>
    %mul3A_1046 = arith.mulf %div3A_1038, %mul3A_1045 : vector<16xf32>
    %convert_element_type3A_1047 = arith.fptosi %mul3A_1046 : vector<16xf32> to vector<16xi32>
    %jit3A_1048 = arith.constant 0 : i32
    %jit3A_1049 = arith.constant 9999 : i32
    %max3A_1050 = vector.broadcast %jit3A_1048 : i32 to vector<16xi32>
    %max3A_1051 = arith.maxsi %max3A_1050, %convert_element_type3A_1047 : vector<16xi32>
    %min3A_1052 = vector.broadcast %jit3A_1049 : i32 to vector<16xi32>
    %min3A_1053 = arith.minsi %min3A_1052, %max3A_1051 : vector<16xi32>
    %swap3A_1054 = arith.constant 32 : index
    %swap3A_1055 = tpu.vector_load %arg20[%swap3A_1054] {strides = array<i32>} : memref<128xi32, #tpu.memory_space<vmem>>, vector<16xi32>,
    %swap3A_1056 = vector.shape_cast %swap3A_1055 : vector<16xi32> to vector<16xi32>
    %swap3A_1057 = vector.shape_cast %min3A_1053 : vector<16xi32> to vector<16xi32>
    tpu.vector_store %arg20[%swap3A_1054], %swap3A_1057 {strides = array<i32>} : memref<128xi32, #tpu.memory_space<vmem>>, vector<16xi32>,
    %mul3A_1058 = arith.constant 1.000000e+04 : f32
    %mul3A_1059 = vector.broadcast %mul3A_1058 : f32 to vector<16xf32>
    %mul3A_1060 = arith.mulf %div3A_1043, %mul3A_1059 : vector<16xf32>
    %convert_element_type3A_1061 = arith.fptosi %mul3A_1060 : vector<16xf32> to vector<16xi32>
    %jit3A_1062 = arith.constant 0 : i32
    %jit3A_1063 = arith.constant 9999 : i32
    %max3A_1064 = vector.broadcast %jit3A_1062 : i32 to vector<16xi32>
    %max3A_1065 = arith.maxsi %max3A_1064, %convert_element_type3A_1061 : vector<16xi32>
    %min3A_1066 = vector.broadcast %jit3A_1063 : i32 to vector<16xi32>
    %min3A_1067 = arith.minsi %min3A_1066, %max3A_1065 : vector<16xi32>
    %swap3A_1068 = arith.constant 32 : index
    %swap3A_1069 = tpu.vector_load %arg24[%swap3A_1068] {strides = array<i32>} : memref<128xi32, #tpu.memory_space<vmem>>, vector<16xi32>,
    %swap3A_1070 = vector.shape_cast %swap3A_1069 : vector<16xi32> to vector<16xi32>
    %swap3A_1071 = vector.shape_cast %min3A_1067 : vector<16xi32> to vector<16xi32>
    tpu.vector_store %arg24[%swap3A_1068], %swap3A_1071 {strides = array<i32>} : memref<128xi32, #tpu.memory_space<vmem>>, vector<16xi32>,
    %get3A_1072 = arith.constant 48 : index
    %get3A_1073 = tpu.vector_load %arg12[%get3A_1072] {strides = array<i32>} : memref<128xf32, #tpu.memory_space<vmem>>, vector<16xf32>,
    %get3A_1074 = vector.shape_cast %get3A_1073 : vector<16xf32> to vector<16xf32>
    %sub3A_1075 = arith.subf %get3A_1074, %min3A_604 : vector<16xf32>
    %div3A_1076 = arith.divf %sub3A_1075, %add3A_619 : vector<16xf32>
    %get3A_1077 = arith.constant 48 : index
    %get3A_1078 = tpu.vector_load %arg16[%get3A_1077] {strides = array<i32>} : memref<128xf32, #tpu.memory_space<vmem>>, vector<16xf32>,
    %get3A_1079 = vector.shape_cast %get3A_1078 : vector<16xf32> to vector<16xf32>
    %sub3A_1080 = arith.subf %get3A_1079, %min3A_612 : vector<16xf32>
    %div3A_1081 = arith.divf %sub3A_1080, %add3A_623 : vector<16xf32>
    %mul3A_1082 = arith.constant 1.000000e+04 : f32
    %mul3A_1083 = vector.broadcast %mul3A_1082 : f32 to vector<16xf32>
    %mul3A_1084 = arith.mulf %div3A_1076, %mul3A_1083 : vector<16xf32>
    %convert_element_type3A_1085 = arith.fptosi %mul3A_1084 : vector<16xf32> to vector<16xi32>
    %jit3A_1086 = arith.constant 0 : i32
    %jit3A_1087 = arith.constant 9999 : i32
    %max3A_1088 = vector.broadcast %jit3A_1086 : i32 to vector<16xi32>
    %max3A_1089 = arith.maxsi %max3A_1088, %convert_element_type3A_1085 : vector<16xi32>
    %min3A_1090 = vector.broadcast %jit3A_1087 : i32 to vector<16xi32>
    %min3A_1091 = arith.minsi %min3A_1090, %max3A_1089 : vector<16xi32>
    %swap3A_1092 = arith.constant 48 : index
    %swap3A_1093 = tpu.vector_load %arg20[%swap3A_1092] {strides = array<i32>} : memref<128xi32, #tpu.memory_space<vmem>>, vector<16xi32>,
    %swap3A_1094 = vector.shape_cast %swap3A_1093 : vector<16xi32> to vector<16xi32>
    %swap3A_1095 = vector.shape_cast %min3A_1091 : vector<16xi32> to vector<16xi32>
    tpu.vector_store %arg20[%swap3A_1092], %swap3A_1095 {strides = array<i32>} : memref<128xi32, #tpu.memory_space<vmem>>, vector<16xi32>,
    %mul3A_1096 = arith.constant 1.000000e+04 : f32
    %mul3A_1097 = vector.broadcast %mul3A_1096 : f32 to vector<16xf32>
    %mul3A_1098 = arith.mulf %div3A_1081, %mul3A_1097 : vector<16xf32>
    %convert_element_type3A_1099 = arith.fptosi %mul3A_1098 : vector<16xf32> to vector<16xi32>
    %jit3A_1100 = arith.constant 0 : i32
    %jit3A_1101 = arith.constant 9999 : i32
    %max3A_1102 = vector.broadcast %jit3A_1100 : i32 to vector<16xi32>
    %max3A_1103 = arith.maxsi %max3A_1102, %convert_element_type3A_1099 : vector<16xi32>
    %min3A_1104 = vector.broadcast %jit3A_1101 : i32 to vector<16xi32>
    %min3A_1105 = arith.minsi %min3A_1104, %max3A_1103 : vector<16xi32>
    %swap3A_1106 = arith.constant 48 : index
    %swap3A_1107 = tpu.vector_load %arg24[%swap3A_1106] {strides = array<i32>} : memref<128xi32, #tpu.memory_space<vmem>>, vector<16xi32>,
    %swap3A_1108 = vector.shape_cast %swap3A_1107 : vector<16xi32> to vector<16xi32>
    %swap3A_1109 = vector.shape_cast %min3A_1105 : vector<16xi32> to vector<16xi32>
    tpu.vector_store %arg24[%swap3A_1106], %swap3A_1109 {strides = array<i32>} : memref<128xi32, #tpu.memory_space<vmem>>, vector<16xi32>,
    %get3A_1110 = arith.constant 64 : index
    %get3A_1111 = tpu.vector_load %arg12[%get3A_1110] {strides = array<i32>} : memref<128xf32, #tpu.memory_space<vmem>>, vector<16xf32>,
    %get3A_1112 = vector.shape_cast %get3A_1111 : vector<16xf32> to vector<16xf32>
    %sub3A_1113 = arith.subf %get3A_1112, %min3A_604 : vector<16xf32>
    %div3A_1114 = arith.divf %sub3A_1113, %add3A_619 : vector<16xf32>
    %get3A_1115 = arith.constant 64 : index
    %get3A_1116 = tpu.vector_load %arg16[%get3A_1115] {strides = array<i32>} : memref<128xf32, #tpu.memory_space<vmem>>, vector<16xf32>,
    %get3A_1117 = vector.shape_cast %get3A_1116 : vector<16xf32> to vector<16xf32>
    %sub3A_1118 = arith.subf %get3A_1117, %min3A_612 : vector<16xf32>
    %div3A_1119 = arith.divf %sub3A_1118, %add3A_623 : vector<16xf32>
    %mul3A_1120 = arith.constant 1.000000e+04 : f32
    %mul3A_1121 = vector.broadcast %mul3A_1120 : f32 to vector<16xf32>
    %mul3A_1122 = arith.mulf %div3A_1114, %mul3A_1121 : vector<16xf32>
    %convert_element_type3A_1123 = arith.fptosi %mul3A_1122 : vector<16xf32> to vector<16xi32>
    %jit3A_1124 = arith.constant 0 : i32
    %jit3A_1125 = arith.constant 9999 : i32
    %max3A_1126 = vector.broadcast %jit3A_1124 : i32 to vector<16xi32>
    %max3A_1127 = arith.maxsi %max3A_1126, %convert_element_type3A_1123 : vector<16xi32>
    %min3A_1128 = vector.broadcast %jit3A_1125 : i32 to vector<16xi32>
    %min3A_1129 = arith.minsi %min3A_1128, %max3A_1127 : vector<16xi32>
    %swap3A_1130 = arith.constant 64 : index
    %swap3A_1131 = tpu.vector_load %arg20[%swap3A_1130] {strides = array<i32>} : memref<128xi32, #tpu.memory_space<vmem>>, vector<16xi32>,
    %swap3A_1132 = vector.shape_cast %swap3A_1131 : vector<16xi32> to vector<16xi32>
    %swap3A_1133 = vector.shape_cast %min3A_1129 : vector<16xi32> to vector<16xi32>
    tpu.vector_store %arg20[%swap3A_1130], %swap3A_1133 {strides = array<i32>} : memref<128xi32, #tpu.memory_space<vmem>>, vector<16xi32>,
    %mul3A_1134 = arith.constant 1.000000e+04 : f32
    %mul3A_1135 = vector.broadcast %mul3A_1134 : f32 to vector<16xf32>
    %mul3A_1136 = arith.mulf %div3A_1119, %mul3A_1135 : vector<16xf32>
    %convert_element_type3A_1137 = arith.fptosi %mul3A_1136 : vector<16xf32> to vector<16xi32>
    %jit3A_1138 = arith.constant 0 : i32
    %jit3A_1139 = arith.constant 9999 : i32
    %max3A_1140 = vector.broadcast %jit3A_1138 : i32 to vector<16xi32>
    %max3A_1141 = arith.maxsi %max3A_1140, %convert_element_type3A_1137 : vector<16xi32>
    %min3A_1142 = vector.broadcast %jit3A_1139 : i32 to vector<16xi32>
    %min3A_1143 = arith.minsi %min3A_1142, %max3A_1141 : vector<16xi32>
    %swap3A_1144 = arith.constant 64 : index
    %swap3A_1145 = tpu.vector_load %arg24[%swap3A_1144] {strides = array<i32>} : memref<128xi32, #tpu.memory_space<vmem>>, vector<16xi32>,
    %swap3A_1146 = vector.shape_cast %swap3A_1145 : vector<16xi32> to vector<16xi32>
    %swap3A_1147 = vector.shape_cast %min3A_1143 : vector<16xi32> to vector<16xi32>
    tpu.vector_store %arg24[%swap3A_1144], %swap3A_1147 {strides = array<i32>} : memref<128xi32, #tpu.memory_space<vmem>>, vector<16xi32>,
    %get3A_1148 = arith.constant 80 : index
    %get3A_1149 = tpu.vector_load %arg12[%get3A_1148] {strides = array<i32>} : memref<128xf32, #tpu.memory_space<vmem>>, vector<16xf32>,
    %get3A_1150 = vector.shape_cast %get3A_1149 : vector<16xf32> to vector<16xf32>
    %sub3A_1151 = arith.subf %get3A_1150, %min3A_604 : vector<16xf32>
    %div3A_1152 = arith.divf %sub3A_1151, %add3A_619 : vector<16xf32>
    %get3A_1153 = arith.constant 80 : index
    %get3A_1154 = tpu.vector_load %arg16[%get3A_1153] {strides = array<i32>} : memref<128xf32, #tpu.memory_space<vmem>>, vector<16xf32>,
    %get3A_1155 = vector.shape_cast %get3A_1154 : vector<16xf32> to vector<16xf32>
    %sub3A_1156 = arith.subf %get3A_1155, %min3A_612 : vector<16xf32>
    %div3A_1157 = arith.divf %sub3A_1156, %add3A_623 : vector<16xf32>
    %mul3A_1158 = arith.constant 1.000000e+04 : f32
    %mul3A_1159 = vector.broadcast %mul3A_1158 : f32 to vector<16xf32>
    %mul3A_1160 = arith.mulf %div3A_1152, %mul3A_1159 : vector<16xf32>
    %convert_element_type3A_1161 = arith.fptosi %mul3A_1160 : vector<16xf32> to vector<16xi32>
    %jit3A_1162 = arith.constant 0 : i32
    %jit3A_1163 = arith.constant 9999 : i32
    %max3A_1164 = vector.broadcast %jit3A_1162 : i32 to vector<16xi32>
    %max3A_1165 = arith.maxsi %max3A_1164, %convert_element_type3A_1161 : vector<16xi32>
    %min3A_1166 = vector.broadcast %jit3A_1163 : i32 to vector<16xi32>
    %min3A_1167 = arith.minsi %min3A_1166, %max3A_1165 : vector<16xi32>
    %swap3A_1168 = arith.constant 80 : index
    %swap3A_1169 = tpu.vector_load %arg20[%swap3A_1168] {strides = array<i32>} : memref<128xi32, #tpu.memory_space<vmem>>, vector<16xi32>,
    %swap3A_1170 = vector.shape_cast %swap3A_1169 : vector<16xi32> to vector<16xi32>
    %swap3A_1171 = vector.shape_cast %min3A_1167 : vector<16xi32> to vector<16xi32>
    tpu.vector_store %arg20[%swap3A_1168], %swap3A_1171 {strides = array<i32>} : memref<128xi32, #tpu.memory_space<vmem>>, vector<16xi32>,
    %mul3A_1172 = arith.constant 1.000000e+04 : f32
    %mul3A_1173 = vector.broadcast %mul3A_1172 : f32 to vector<16xf32>
    %mul3A_1174 = arith.mulf %div3A_1157, %mul3A_1173 : vector<16xf32>
    %convert_element_type3A_1175 = arith.fptosi %mul3A_1174 : vector<16xf32> to vector<16xi32>
    %jit3A_1176 = arith.constant 0 : i32
    %jit3A_1177 = arith.constant 9999 : i32
    %max3A_1178 = vector.broadcast %jit3A_1176 : i32 to vector<16xi32>
    %max3A_1179 = arith.maxsi %max3A_1178, %convert_element_type3A_1175 : vector<16xi32>
    %min3A_1180 = vector.broadcast %jit3A_1177 : i32 to vector<16xi32>
    %min3A_1181 = arith.minsi %min3A_1180, %max3A_1179 : vector<16xi32>
    %swap3A_1182 = arith.constant 80 : index
    %swap3A_1183 = tpu.vector_load %arg24[%swap3A_1182] {strides = array<i32>} : memref<128xi32, #tpu.memory_space<vmem>>, vector<16xi32>,
    %swap3A_1184 = vector.shape_cast %swap3A_1183 : vector<16xi32> to vector<16xi32>
    %swap3A_1185 = vector.shape_cast %min3A_1181 : vector<16xi32> to vector<16xi32>
    tpu.vector_store %arg24[%swap3A_1182], %swap3A_1185 {strides = array<i32>} : memref<128xi32, #tpu.memory_space<vmem>>, vector<16xi32>,
    %get3A_1186 = arith.constant 96 : index
    %get3A_1187 = tpu.vector_load %arg12[%get3A_1186] {strides = array<i32>} : memref<128xf32, #tpu.memory_space<vmem>>, vector<16xf32>,
    %get3A_1188 = vector.shape_cast %get3A_1187 : vector<16xf32> to vector<16xf32>
    %sub3A_1189 = arith.subf %get3A_1188, %min3A_604 : vector<16xf32>
    %div3A_1190 = arith.divf %sub3A_1189, %add3A_619 : vector<16xf32>
    %get3A_1191 = arith.constant 96 : index
    %get3A_1192 = tpu.vector_load %arg16[%get3A_1191] {strides = array<i32>} : memref<128xf32, #tpu.memory_space<vmem>>, vector<16xf32>,
    %get3A_1193 = vector.shape_cast %get3A_1192 : vector<16xf32> to vector<16xf32>
    %sub3A_1194 = arith.subf %get3A_1193, %min3A_612 : vector<16xf32>
    %div3A_1195 = arith.divf %sub3A_1194, %add3A_623 : vector<16xf32>
    %mul3A_1196 = arith.constant 1.000000e+04 : f32
    %mul3A_1197 = vector.broadcast %mul3A_1196 : f32 to vector<16xf32>
    %mul3A_1198 = arith.mulf %div3A_1190, %mul3A_1197 : vector<16xf32>
    %convert_element_type3A_1199 = arith.fptosi %mul3A_1198 : vector<16xf32> to vector<16xi32>
    %jit3A_1200 = arith.constant 0 : i32
    %jit3A_1201 = arith.constant 9999 : i32
    %max3A_1202 = vector.broadcast %jit3A_1200 : i32 to vector<16xi32>
    %max3A_1203 = arith.maxsi %max3A_1202, %convert_element_type3A_1199 : vector<16xi32>
    %min3A_1204 = vector.broadcast %jit3A_1201 : i32 to vector<16xi32>
    %min3A_1205 = arith.minsi %min3A_1204, %max3A_1203 : vector<16xi32>
    %swap3A_1206 = arith.constant 96 : index
    %swap3A_1207 = tpu.vector_load %arg20[%swap3A_1206] {strides = array<i32>} : memref<128xi32, #tpu.memory_space<vmem>>, vector<16xi32>,
    %swap3A_1208 = vector.shape_cast %swap3A_1207 : vector<16xi32> to vector<16xi32>
    %swap3A_1209 = vector.shape_cast %min3A_1205 : vector<16xi32> to vector<16xi32>
    tpu.vector_store %arg20[%swap3A_1206], %swap3A_1209 {strides = array<i32>} : memref<128xi32, #tpu.memory_space<vmem>>, vector<16xi32>,
    %mul3A_1210 = arith.constant 1.000000e+04 : f32
    %mul3A_1211 = vector.broadcast %mul3A_1210 : f32 to vector<16xf32>
    %mul3A_1212 = arith.mulf %div3A_1195, %mul3A_1211 : vector<16xf32>
    %convert_element_type3A_1213 = arith.fptosi %mul3A_1212 : vector<16xf32> to vector<16xi32>
    %jit3A_1214 = arith.constant 0 : i32
    %jit3A_1215 = arith.constant 9999 : i32
    %max3A_1216 = vector.broadcast %jit3A_1214 : i32 to vector<16xi32>
    %max3A_1217 = arith.maxsi %max3A_1216, %convert_element_type3A_1213 : vector<16xi32>
    %min3A_1218 = vector.broadcast %jit3A_1215 : i32 to vector<16xi32>
    %min3A_1219 = arith.minsi %min3A_1218, %max3A_1217 : vector<16xi32>
    %swap3A_1220 = arith.constant 96 : index
    %swap3A_1221 = tpu.vector_load %arg24[%swap3A_1220] {strides = array<i32>} : memref<128xi32, #tpu.memory_space<vmem>>, vector<16xi32>,
    %swap3A_1222 = vector.shape_cast %swap3A_1221 : vector<16xi32> to vector<16xi32>
    %swap3A_1223 = vector.shape_cast %min3A_1219 : vector<16xi32> to vector<16xi32>
    tpu.vector_store %arg24[%swap3A_1220], %swap3A_1223 {strides = array<i32>} : memref<128xi32, #tpu.memory_space<vmem>>, vector<16xi32>,
    %get3A_1224 = arith.constant 112 : index
    %get3A_1225 = tpu.vector_load %arg12[%get3A_1224] {strides = array<i32>} : memref<128xf32, #tpu.memory_space<vmem>>, vector<16xf32>,
    %get3A_1226 = vector.shape_cast %get3A_1225 : vector<16xf32> to vector<16xf32>
    %sub3A_1227 = arith.subf %get3A_1226, %min3A_604 : vector<16xf32>
    %div3A_1228 = arith.divf %sub3A_1227, %add3A_619 : vector<16xf32>
    %get3A_1229 = arith.constant 112 : index
    %get3A_1230 = tpu.vector_load %arg16[%get3A_1229] {strides = array<i32>} : memref<128xf32, #tpu.memory_space<vmem>>, vector<16xf32>,
    %get3A_1231 = vector.shape_cast %get3A_1230 : vector<16xf32> to vector<16xf32>
    %sub3A_1232 = arith.subf %get3A_1231, %min3A_612 : vector<16xf32>
    %div3A_1233 = arith.divf %sub3A_1232, %add3A_623 : vector<16xf32>
    %mul3A_1234 = arith.constant 1.000000e+04 : f32
    %mul3A_1235 = vector.broadcast %mul3A_1234 : f32 to vector<16xf32>
    %mul3A_1236 = arith.mulf %div3A_1228, %mul3A_1235 : vector<16xf32>
    %convert_element_type3A_1237 = arith.fptosi %mul3A_1236 : vector<16xf32> to vector<16xi32>
    %jit3A_1238 = arith.constant 0 : i32
    %jit3A_1239 = arith.constant 9999 : i32
    %max3A_1240 = vector.broadcast %jit3A_1238 : i32 to vector<16xi32>
    %max3A_1241 = arith.maxsi %max3A_1240, %convert_element_type3A_1237 : vector<16xi32>
    %min3A_1242 = vector.broadcast %jit3A_1239 : i32 to vector<16xi32>
    %min3A_1243 = arith.minsi %min3A_1242, %max3A_1241 : vector<16xi32>
    %swap3A_1244 = arith.constant 112 : index
    %swap3A_1245 = tpu.vector_load %arg20[%swap3A_1244] {strides = array<i32>} : memref<128xi32, #tpu.memory_space<vmem>>, vector<16xi32>,
    %swap3A_1246 = vector.shape_cast %swap3A_1245 : vector<16xi32> to vector<16xi32>
    %swap3A_1247 = vector.shape_cast %min3A_1243 : vector<16xi32> to vector<16xi32>
    tpu.vector_store %arg20[%swap3A_1244], %swap3A_1247 {strides = array<i32>} : memref<128xi32, #tpu.memory_space<vmem>>, vector<16xi32>,
    %mul3A_1248 = arith.constant 1.000000e+04 : f32
    %mul3A_1249 = vector.broadcast %mul3A_1248 : f32 to vector<16xf32>
    %mul3A_1250 = arith.mulf %div3A_1233, %mul3A_1249 : vector<16xf32>
    %convert_element_type3A_1251 = arith.fptosi %mul3A_1250 : vector<16xf32> to vector<16xi32>
    %jit3A_1252 = arith.constant 0 : i32
    %jit3A_1253 = arith.constant 9999 : i32
    %max3A_1254 = vector.broadcast %jit3A_1252 : i32 to vector<16xi32>
    %max3A_1255 = arith.maxsi %max3A_1254, %convert_element_type3A_1251 : vector<16xi32>
    %min3A_1256 = vector.broadcast %jit3A_1253 : i32 to vector<16xi32>
    %min3A_1257 = arith.minsi %min3A_1256, %max3A_1255 : vector<16xi32>
    %swap3A_1258 = arith.constant 112 : index
    %swap3A_1259 = tpu.vector_load %arg24[%swap3A_1258] {strides = array<i32>} : memref<128xi32, #tpu.memory_space<vmem>>, vector<16xi32>,
    %swap3A_1260 = vector.shape_cast %swap3A_1259 : vector<16xi32> to vector<16xi32>
    %swap3A_1261 = vector.shape_cast %min3A_1257 : vector<16xi32> to vector<16xi32>
    tpu.vector_store %arg24[%swap3A_1258], %swap3A_1261 {strides = array<i32>} : memref<128xi32, #tpu.memory_space<vmem>>, vector<16xi32>,
    %dma_start3A_1262 = arith.constant 0 : i32
    %dma_start3A_1263 = arith.constant 0 : i32
    %dma_start3A_1264 = tpu.memref_slice %arg4[%dma_start3A_1262, %dma_start3A_1263] : memref<10000x64xf32, #tpu.memory_space<hbm>> -> memref<10000x64xf32, #tpu.memory_space<hbm>>
    tpu.enqueue_indirect_dma source(%dma_start3A_1264 : memref<10000x64xf32, #tpu.memory_space<hbm>>) target(%arg28 : memref<128x64xf32, #tpu.memory_space<vmem>>) offsets(%arg20 : memref<128xi32, #tpu.memory_space<vmem>>) semaphore(%arg40 : memref<!tpu.dma_semaphore, #tpu.memory_space<semaphore_mem>>)
    %dma_start3A_1265 = arith.constant 0 : i32
    %dma_start3A_1266 = arith.constant 0 : i32
    %dma_start3A_1267 = tpu.memref_slice %arg4[%dma_start3A_1265, %dma_start3A_1266] : memref<10000x64xf32, #tpu.memory_space<hbm>> -> memref<10000x64xf32, #tpu.memory_space<hbm>>
    tpu.enqueue_indirect_dma source(%dma_start3A_1267 : memref<10000x64xf32, #tpu.memory_space<hbm>>) target(%arg32 : memref<128x64xf32, #tpu.memory_space<vmem>>) offsets(%arg24 : memref<128xi32, #tpu.memory_space<vmem>>) semaphore(%arg40 : memref<!tpu.dma_semaphore, #tpu.memory_space<semaphore_mem>>)
    %add3A_1268 = arith.constant 160 : i32
    %add3A_1269 = arith.addi %add3A, %add3A_1268 : i32
    %min3A_1270 = arith.constant 781 : i32
    %min3A_1271 = arith.minsi %add3A_1269, %min3A_1270 : i32
    %mul3A_1272 = arith.constant 128 : i32
    %mul3A_1273 = arith.muli %min3A_1271, %mul3A_1272 : i32
    %min3A_1274 = arith.constant 99872 : i32
    %min3A_1275 = arith.minsi %mul3A_1273, %min3A_1274 : i32
    %dma_start3A_1276 = tpu.memref_slice %arg2[%min3A_1275] : memref<100000xf32, #tpu.memory_space<hbm>> -> memref<128xf32, #tpu.memory_space<hbm>>
    %dma_start3A_1277 = tpu.memref_slice %arg2[%min3A_1275] : memref<100000xf32, #tpu.memory_space<hbm>> -> memref<128xf32, #tpu.memory_space<hbm>>
    tpu.enqueue_dma source(%dma_start3A_1277 : memref<128xf32, #tpu.memory_space<hbm>>) target(%arg12 : memref<128xf32, #tpu.memory_space<vmem>>) target_semaphore(%arg36 : memref<!tpu.dma_semaphore, #tpu.memory_space<semaphore_mem>>)
    %dma_start3A_1278 = tpu.memref_slice %arg3[%min3A_1275] : memref<100000xf32, #tpu.memory_space<hbm>> -> memref<128xf32, #tpu.memory_space<hbm>>
    %dma_start3A_1279 = tpu.memref_slice %arg3[%min3A_1275] : memref<100000xf32, #tpu.memory_space<hbm>> -> memref<128xf32, #tpu.memory_space<hbm>>
    tpu.enqueue_dma source(%dma_start3A_1279 : memref<128xf32, #tpu.memory_space<hbm>>) target(%arg16 : memref<128xf32, #tpu.memory_space<vmem>>) target_semaphore(%arg36 : memref<!tpu.dma_semaphore, #tpu.memory_space<semaphore_mem>>)
    %add3A_1280 = arith.constant 64 : i32
    %add3A_1281 = arith.addi %add3A, %add3A_1280 : i32
    %min3A_1282 = arith.constant 781 : i32
    %min3A_1283 = arith.minsi %add3A_1281, %min3A_1282 : i32
    %mul3A_1284 = arith.constant 128 : i32
    %mul3A_1285 = arith.muli %min3A_1283, %mul3A_1284 : i32
    %min3A_1286 = arith.constant 99872 : i32
    %min3A_1287 = arith.minsi %mul3A_1285, %min3A_1286 : i32
    "tpu.region"() ({
      %run_scoped3A = tpu.sem_alloc : memref<!tpu.dma_semaphore, #tpu.memory_space<semaphore_mem>>
      %dma_start3A_2113 = tpu.memref_slice %arg2[%min3A_1287] : memref<100000xf32, #tpu.memory_space<hbm>> -> memref<128xf32, #tpu.memory_space<hbm>>
      %dma_start3A_2114 = tpu.memref_slice %arg2[%min3A_1287] : memref<100000xf32, #tpu.memory_space<hbm>> -> memref<128xf32, #tpu.memory_space<hbm>>
      tpu.enqueue_dma source(%dma_start3A_2114 : memref<128xf32, #tpu.memory_space<hbm>>) target(%arg13 : memref<128xf32, #tpu.memory_space<vmem>>) target_semaphore(%run_scoped3A : memref<!tpu.dma_semaphore, #tpu.memory_space<semaphore_mem>>)
      %dma_wait3A_2115 = tpu.memref_slice %arg2[%min3A_1287] : memref<100000xf32, #tpu.memory_space<hbm>> -> memref<128xf32, #tpu.memory_space<hbm>>
      %dma_wait3A_2116 = tpu.memref_slice %arg2[%min3A_1287] : memref<100000xf32, #tpu.memory_space<hbm>> -> memref<128xf32, #tpu.memory_space<hbm>>
      tpu.wait_dma2 semaphore(%run_scoped3A : memref<!tpu.dma_semaphore, #tpu.memory_space<semaphore_mem>>) src(%dma_wait3A_2116 : memref<128xf32, #tpu.memory_space<hbm>>) dst(%arg13 : memref<128xf32, #tpu.memory_space<vmem>>)
      tpu.yield
    }) : () -> ()
    "tpu.region"() ({
      %run_scoped3A = tpu.sem_alloc : memref<!tpu.dma_semaphore, #tpu.memory_space<semaphore_mem>>
      %dma_start3A_2113 = tpu.memref_slice %arg3[%min3A_1287] : memref<100000xf32, #tpu.memory_space<hbm>> -> memref<128xf32, #tpu.memory_space<hbm>>
      %dma_start3A_2114 = tpu.memref_slice %arg3[%min3A_1287] : memref<100000xf32, #tpu.memory_space<hbm>> -> memref<128xf32, #tpu.memory_space<hbm>>
      tpu.enqueue_dma source(%dma_start3A_2114 : memref<128xf32, #tpu.memory_space<hbm>>) target(%arg17 : memref<128xf32, #tpu.memory_space<vmem>>) target_semaphore(%run_scoped3A : memref<!tpu.dma_semaphore, #tpu.memory_space<semaphore_mem>>)
      %dma_wait3A_2115 = tpu.memref_slice %arg3[%min3A_1287] : memref<100000xf32, #tpu.memory_space<hbm>> -> memref<128xf32, #tpu.memory_space<hbm>>
      %dma_wait3A_2116 = tpu.memref_slice %arg3[%min3A_1287] : memref<100000xf32, #tpu.memory_space<hbm>> -> memref<128xf32, #tpu.memory_space<hbm>>
      tpu.wait_dma2 semaphore(%run_scoped3A : memref<!tpu.dma_semaphore, #tpu.memory_space<semaphore_mem>>) src(%dma_wait3A_2116 : memref<128xf32, #tpu.memory_space<hbm>>) dst(%arg17 : memref<128xf32, #tpu.memory_space<vmem>>)
      tpu.yield
    }) : () -> ()
    %get3A_1288 = arith.constant 0 : index
    %get3A_1289 = tpu.vector_load %arg13[%get3A_1288] {strides = array<i32>} : memref<128xf32, #tpu.memory_space<vmem>>, vector<16xf32>,
    %get3A_1290 = vector.shape_cast %get3A_1289 : vector<16xf32> to vector<16xf32>
    %sub3A_1291 = arith.subf %get3A_1290, %min3A_604 : vector<16xf32>
    %div3A_1292 = arith.divf %sub3A_1291, %add3A_619 : vector<16xf32>
    %get3A_1293 = arith.constant 0 : index
    %get3A_1294 = tpu.vector_load %arg17[%get3A_1293] {strides = array<i32>} : memref<128xf32, #tpu.memory_space<vmem>>, vector<16xf32>,
    %get3A_1295 = vector.shape_cast %get3A_1294 : vector<16xf32> to vector<16xf32>
    %sub3A_1296 = arith.subf %get3A_1295, %min3A_612 : vector<16xf32>
    %div3A_1297 = arith.divf %sub3A_1296, %add3A_623 : vector<16xf32>
    %mul3A_1298 = arith.constant 1.000000e+04 : f32
    %mul3A_1299 = vector.broadcast %mul3A_1298 : f32 to vector<16xf32>
    %mul3A_1300 = arith.mulf %div3A_1292, %mul3A_1299 : vector<16xf32>
    %convert_element_type3A_1301 = arith.fptosi %mul3A_1300 : vector<16xf32> to vector<16xi32>
    %jit3A_1302 = arith.constant 0 : i32
    %jit3A_1303 = arith.constant 9999 : i32
    %max3A_1304 = vector.broadcast %jit3A_1302 : i32 to vector<16xi32>
    %max3A_1305 = arith.maxsi %max3A_1304, %convert_element_type3A_1301 : vector<16xi32>
    %min3A_1306 = vector.broadcast %jit3A_1303 : i32 to vector<16xi32>
    %min3A_1307 = arith.minsi %min3A_1306, %max3A_1305 : vector<16xi32>
    %swap3A_1308 = arith.constant 0 : index
    %swap3A_1309 = tpu.vector_load %arg21[%swap3A_1308] {strides = array<i32>} : memref<128xi32, #tpu.memory_space<vmem>>, vector<16xi32>,
    %swap3A_1310 = vector.shape_cast %swap3A_1309 : vector<16xi32> to vector<16xi32>
    %swap3A_1311 = vector.shape_cast %min3A_1307 : vector<16xi32> to vector<16xi32>
    tpu.vector_store %arg21[%swap3A_1308], %swap3A_1311 {strides = array<i32>} : memref<128xi32, #tpu.memory_space<vmem>>, vector<16xi32>,
    %mul3A_1312 = arith.constant 1.000000e+04 : f32
    %mul3A_1313 = vector.broadcast %mul3A_1312 : f32 to vector<16xf32>
    %mul3A_1314 = arith.mulf %div3A_1297, %mul3A_1313 : vector<16xf32>
    %convert_element_type3A_1315 = arith.fptosi %mul3A_1314 : vector<16xf32> to vector<16xi32>
    %jit3A_1316 = arith.constant 0 : i32
    %jit3A_1317 = arith.constant 9999 : i32
    %max3A_1318 = vector.broadcast %jit3A_1316 : i32 to vector<16xi32>
    %max3A_1319 = arith.maxsi %max3A_1318, %convert_element_type3A_1315 : vector<16xi32>
    %min3A_1320 = vector.broadcast %jit3A_1317 : i32 to vector<16xi32>
    %min3A_1321 = arith.minsi %min3A_1320, %max3A_1319 : vector<16xi32>
    %swap3A_1322 = arith.constant 0 : index
    %swap3A_1323 = tpu.vector_load %arg25[%swap3A_1322] {strides = array<i32>} : memref<128xi32, #tpu.memory_space<vmem>>, vector<16xi32>,
    %swap3A_1324 = vector.shape_cast %swap3A_1323 : vector<16xi32> to vector<16xi32>
    %swap3A_1325 = vector.shape_cast %min3A_1321 : vector<16xi32> to vector<16xi32>
    tpu.vector_store %arg25[%swap3A_1322], %swap3A_1325 {strides = array<i32>} : memref<128xi32, #tpu.memory_space<vmem>>, vector<16xi32>,
    %get3A_1326 = arith.constant 16 : index
    %get3A_1327 = tpu.vector_load %arg13[%get3A_1326] {strides = array<i32>} : memref<128xf32, #tpu.memory_space<vmem>>, vector<16xf32>,
    %get3A_1328 = vector.shape_cast %get3A_1327 : vector<16xf32> to vector<16xf32>
    %sub3A_1329 = arith.subf %get3A_1328, %min3A_604 : vector<16xf32>
    %div3A_1330 = arith.divf %sub3A_1329, %add3A_619 : vector<16xf32>
    %get3A_1331 = arith.constant 16 : index
    %get3A_1332 = tpu.vector_load %arg17[%get3A_1331] {strides = array<i32>} : memref<128xf32, #tpu.memory_space<vmem>>, vector<16xf32>,
    %get3A_1333 = vector.shape_cast %get3A_1332 : vector<16xf32> to vector<16xf32>
    %sub3A_1334 = arith.subf %get3A_1333, %min3A_612 : vector<16xf32>
    %div3A_1335 = arith.divf %sub3A_1334, %add3A_623 : vector<16xf32>
    %mul3A_1336 = arith.constant 1.000000e+04 : f32
    %mul3A_1337 = vector.broadcast %mul3A_1336 : f32 to vector<16xf32>
    %mul3A_1338 = arith.mulf %div3A_1330, %mul3A_1337 : vector<16xf32>
    %convert_element_type3A_1339 = arith.fptosi %mul3A_1338 : vector<16xf32> to vector<16xi32>
    %jit3A_1340 = arith.constant 0 : i32
    %jit3A_1341 = arith.constant 9999 : i32
    %max3A_1342 = vector.broadcast %jit3A_1340 : i32 to vector<16xi32>
    %max3A_1343 = arith.maxsi %max3A_1342, %convert_element_type3A_1339 : vector<16xi32>
    %min3A_1344 = vector.broadcast %jit3A_1341 : i32 to vector<16xi32>
    %min3A_1345 = arith.minsi %min3A_1344, %max3A_1343 : vector<16xi32>
    %swap3A_1346 = arith.constant 16 : index
    %swap3A_1347 = tpu.vector_load %arg21[%swap3A_1346] {strides = array<i32>} : memref<128xi32, #tpu.memory_space<vmem>>, vector<16xi32>,
    %swap3A_1348 = vector.shape_cast %swap3A_1347 : vector<16xi32> to vector<16xi32>
    %swap3A_1349 = vector.shape_cast %min3A_1345 : vector<16xi32> to vector<16xi32>
    tpu.vector_store %arg21[%swap3A_1346], %swap3A_1349 {strides = array<i32>} : memref<128xi32, #tpu.memory_space<vmem>>, vector<16xi32>,
    %mul3A_1350 = arith.constant 1.000000e+04 : f32
    %mul3A_1351 = vector.broadcast %mul3A_1350 : f32 to vector<16xf32>
    %mul3A_1352 = arith.mulf %div3A_1335, %mul3A_1351 : vector<16xf32>
    %convert_element_type3A_1353 = arith.fptosi %mul3A_1352 : vector<16xf32> to vector<16xi32>
    %jit3A_1354 = arith.constant 0 : i32
    %jit3A_1355 = arith.constant 9999 : i32
    %max3A_1356 = vector.broadcast %jit3A_1354 : i32 to vector<16xi32>
    %max3A_1357 = arith.maxsi %max3A_1356, %convert_element_type3A_1353 : vector<16xi32>
    %min3A_1358 = vector.broadcast %jit3A_1355 : i32 to vector<16xi32>
    %min3A_1359 = arith.minsi %min3A_1358, %max3A_1357 : vector<16xi32>
    %swap3A_1360 = arith.constant 16 : index
    %swap3A_1361 = tpu.vector_load %arg25[%swap3A_1360] {strides = array<i32>} : memref<128xi32, #tpu.memory_space<vmem>>, vector<16xi32>,
    %swap3A_1362 = vector.shape_cast %swap3A_1361 : vector<16xi32> to vector<16xi32>
    %swap3A_1363 = vector.shape_cast %min3A_1359 : vector<16xi32> to vector<16xi32>
    tpu.vector_store %arg25[%swap3A_1360], %swap3A_1363 {strides = array<i32>} : memref<128xi32, #tpu.memory_space<vmem>>, vector<16xi32>,
    %get3A_1364 = arith.constant 32 : index
    %get3A_1365 = tpu.vector_load %arg13[%get3A_1364] {strides = array<i32>} : memref<128xf32, #tpu.memory_space<vmem>>, vector<16xf32>,
    %get3A_1366 = vector.shape_cast %get3A_1365 : vector<16xf32> to vector<16xf32>
    %sub3A_1367 = arith.subf %get3A_1366, %min3A_604 : vector<16xf32>
    %div3A_1368 = arith.divf %sub3A_1367, %add3A_619 : vector<16xf32>
    %get3A_1369 = arith.constant 32 : index
    %get3A_1370 = tpu.vector_load %arg17[%get3A_1369] {strides = array<i32>} : memref<128xf32, #tpu.memory_space<vmem>>, vector<16xf32>,
    %get3A_1371 = vector.shape_cast %get3A_1370 : vector<16xf32> to vector<16xf32>
    %sub3A_1372 = arith.subf %get3A_1371, %min3A_612 : vector<16xf32>
    %div3A_1373 = arith.divf %sub3A_1372, %add3A_623 : vector<16xf32>
    %mul3A_1374 = arith.constant 1.000000e+04 : f32
    %mul3A_1375 = vector.broadcast %mul3A_1374 : f32 to vector<16xf32>
    %mul3A_1376 = arith.mulf %div3A_1368, %mul3A_1375 : vector<16xf32>
    %convert_element_type3A_1377 = arith.fptosi %mul3A_1376 : vector<16xf32> to vector<16xi32>
    %jit3A_1378 = arith.constant 0 : i32
    %jit3A_1379 = arith.constant 9999 : i32
    %max3A_1380 = vector.broadcast %jit3A_1378 : i32 to vector<16xi32>
    %max3A_1381 = arith.maxsi %max3A_1380, %convert_element_type3A_1377 : vector<16xi32>
    %min3A_1382 = vector.broadcast %jit3A_1379 : i32 to vector<16xi32>
    %min3A_1383 = arith.minsi %min3A_1382, %max3A_1381 : vector<16xi32>
    %swap3A_1384 = arith.constant 32 : index
    %swap3A_1385 = tpu.vector_load %arg21[%swap3A_1384] {strides = array<i32>} : memref<128xi32, #tpu.memory_space<vmem>>, vector<16xi32>,
    %swap3A_1386 = vector.shape_cast %swap3A_1385 : vector<16xi32> to vector<16xi32>
    %swap3A_1387 = vector.shape_cast %min3A_1383 : vector<16xi32> to vector<16xi32>
    tpu.vector_store %arg21[%swap3A_1384], %swap3A_1387 {strides = array<i32>} : memref<128xi32, #tpu.memory_space<vmem>>, vector<16xi32>,
    %mul3A_1388 = arith.constant 1.000000e+04 : f32
    %mul3A_1389 = vector.broadcast %mul3A_1388 : f32 to vector<16xf32>
    %mul3A_1390 = arith.mulf %div3A_1373, %mul3A_1389 : vector<16xf32>
    %convert_element_type3A_1391 = arith.fptosi %mul3A_1390 : vector<16xf32> to vector<16xi32>
    %jit3A_1392 = arith.constant 0 : i32
    %jit3A_1393 = arith.constant 9999 : i32
    %max3A_1394 = vector.broadcast %jit3A_1392 : i32 to vector<16xi32>
    %max3A_1395 = arith.maxsi %max3A_1394, %convert_element_type3A_1391 : vector<16xi32>
    %min3A_1396 = vector.broadcast %jit3A_1393 : i32 to vector<16xi32>
    %min3A_1397 = arith.minsi %min3A_1396, %max3A_1395 : vector<16xi32>
    %swap3A_1398 = arith.constant 32 : index
    %swap3A_1399 = tpu.vector_load %arg25[%swap3A_1398] {strides = array<i32>} : memref<128xi32, #tpu.memory_space<vmem>>, vector<16xi32>,
    %swap3A_1400 = vector.shape_cast %swap3A_1399 : vector<16xi32> to vector<16xi32>
    %swap3A_1401 = vector.shape_cast %min3A_1397 : vector<16xi32> to vector<16xi32>
    tpu.vector_store %arg25[%swap3A_1398], %swap3A_1401 {strides = array<i32>} : memref<128xi32, #tpu.memory_space<vmem>>, vector<16xi32>,
    %get3A_1402 = arith.constant 48 : index
    %get3A_1403 = tpu.vector_load %arg13[%get3A_1402] {strides = array<i32>} : memref<128xf32, #tpu.memory_space<vmem>>, vector<16xf32>,
    %get3A_1404 = vector.shape_cast %get3A_1403 : vector<16xf32> to vector<16xf32>
    %sub3A_1405 = arith.subf %get3A_1404, %min3A_604 : vector<16xf32>
    %div3A_1406 = arith.divf %sub3A_1405, %add3A_619 : vector<16xf32>
    %get3A_1407 = arith.constant 48 : index
    %get3A_1408 = tpu.vector_load %arg17[%get3A_1407] {strides = array<i32>} : memref<128xf32, #tpu.memory_space<vmem>>, vector<16xf32>,
    %get3A_1409 = vector.shape_cast %get3A_1408 : vector<16xf32> to vector<16xf32>
    %sub3A_1410 = arith.subf %get3A_1409, %min3A_612 : vector<16xf32>
    %div3A_1411 = arith.divf %sub3A_1410, %add3A_623 : vector<16xf32>
    %mul3A_1412 = arith.constant 1.000000e+04 : f32
    %mul3A_1413 = vector.broadcast %mul3A_1412 : f32 to vector<16xf32>
    %mul3A_1414 = arith.mulf %div3A_1406, %mul3A_1413 : vector<16xf32>
    %convert_element_type3A_1415 = arith.fptosi %mul3A_1414 : vector<16xf32> to vector<16xi32>
    %jit3A_1416 = arith.constant 0 : i32
    %jit3A_1417 = arith.constant 9999 : i32
    %max3A_1418 = vector.broadcast %jit3A_1416 : i32 to vector<16xi32>
    %max3A_1419 = arith.maxsi %max3A_1418, %convert_element_type3A_1415 : vector<16xi32>
    %min3A_1420 = vector.broadcast %jit3A_1417 : i32 to vector<16xi32>
    %min3A_1421 = arith.minsi %min3A_1420, %max3A_1419 : vector<16xi32>
    %swap3A_1422 = arith.constant 48 : index
    %swap3A_1423 = tpu.vector_load %arg21[%swap3A_1422] {strides = array<i32>} : memref<128xi32, #tpu.memory_space<vmem>>, vector<16xi32>,
    %swap3A_1424 = vector.shape_cast %swap3A_1423 : vector<16xi32> to vector<16xi32>
    %swap3A_1425 = vector.shape_cast %min3A_1421 : vector<16xi32> to vector<16xi32>
    tpu.vector_store %arg21[%swap3A_1422], %swap3A_1425 {strides = array<i32>} : memref<128xi32, #tpu.memory_space<vmem>>, vector<16xi32>,
    %mul3A_1426 = arith.constant 1.000000e+04 : f32
    %mul3A_1427 = vector.broadcast %mul3A_1426 : f32 to vector<16xf32>
    %mul3A_1428 = arith.mulf %div3A_1411, %mul3A_1427 : vector<16xf32>
    %convert_element_type3A_1429 = arith.fptosi %mul3A_1428 : vector<16xf32> to vector<16xi32>
    %jit3A_1430 = arith.constant 0 : i32
    %jit3A_1431 = arith.constant 9999 : i32
    %max3A_1432 = vector.broadcast %jit3A_1430 : i32 to vector<16xi32>
    %max3A_1433 = arith.maxsi %max3A_1432, %convert_element_type3A_1429 : vector<16xi32>
    %min3A_1434 = vector.broadcast %jit3A_1431 : i32 to vector<16xi32>
    %min3A_1435 = arith.minsi %min3A_1434, %max3A_1433 : vector<16xi32>
    %swap3A_1436 = arith.constant 48 : index
    %swap3A_1437 = tpu.vector_load %arg25[%swap3A_1436] {strides = array<i32>} : memref<128xi32, #tpu.memory_space<vmem>>, vector<16xi32>,
    %swap3A_1438 = vector.shape_cast %swap3A_1437 : vector<16xi32> to vector<16xi32>
    %swap3A_1439 = vector.shape_cast %min3A_1435 : vector<16xi32> to vector<16xi32>
    tpu.vector_store %arg25[%swap3A_1436], %swap3A_1439 {strides = array<i32>} : memref<128xi32, #tpu.memory_space<vmem>>, vector<16xi32>,
    %get3A_1440 = arith.constant 64 : index
    %get3A_1441 = tpu.vector_load %arg13[%get3A_1440] {strides = array<i32>} : memref<128xf32, #tpu.memory_space<vmem>>, vector<16xf32>,
    %get3A_1442 = vector.shape_cast %get3A_1441 : vector<16xf32> to vector<16xf32>
    %sub3A_1443 = arith.subf %get3A_1442, %min3A_604 : vector<16xf32>
    %div3A_1444 = arith.divf %sub3A_1443, %add3A_619 : vector<16xf32>
    %get3A_1445 = arith.constant 64 : index
    %get3A_1446 = tpu.vector_load %arg17[%get3A_1445] {strides = array<i32>} : memref<128xf32, #tpu.memory_space<vmem>>, vector<16xf32>,
    %get3A_1447 = vector.shape_cast %get3A_1446 : vector<16xf32> to vector<16xf32>
    %sub3A_1448 = arith.subf %get3A_1447, %min3A_612 : vector<16xf32>
    %div3A_1449 = arith.divf %sub3A_1448, %add3A_623 : vector<16xf32>
    %mul3A_1450 = arith.constant 1.000000e+04 : f32
    %mul3A_1451 = vector.broadcast %mul3A_1450 : f32 to vector<16xf32>
    %mul3A_1452 = arith.mulf %div3A_1444, %mul3A_1451 : vector<16xf32>
    %convert_element_type3A_1453 = arith.fptosi %mul3A_1452 : vector<16xf32> to vector<16xi32>
    %jit3A_1454 = arith.constant 0 : i32
    %jit3A_1455 = arith.constant 9999 : i32
    %max3A_1456 = vector.broadcast %jit3A_1454 : i32 to vector<16xi32>
    %max3A_1457 = arith.maxsi %max3A_1456, %convert_element_type3A_1453 : vector<16xi32>
    %min3A_1458 = vector.broadcast %jit3A_1455 : i32 to vector<16xi32>
    %min3A_1459 = arith.minsi %min3A_1458, %max3A_1457 : vector<16xi32>
    %swap3A_1460 = arith.constant 64 : index
    %swap3A_1461 = tpu.vector_load %arg21[%swap3A_1460] {strides = array<i32>} : memref<128xi32, #tpu.memory_space<vmem>>, vector<16xi32>,
    %swap3A_1462 = vector.shape_cast %swap3A_1461 : vector<16xi32> to vector<16xi32>
    %swap3A_1463 = vector.shape_cast %min3A_1459 : vector<16xi32> to vector<16xi32>
    tpu.vector_store %arg21[%swap3A_1460], %swap3A_1463 {strides = array<i32>} : memref<128xi32, #tpu.memory_space<vmem>>, vector<16xi32>,
    %mul3A_1464 = arith.constant 1.000000e+04 : f32
    %mul3A_1465 = vector.broadcast %mul3A_1464 : f32 to vector<16xf32>
    %mul3A_1466 = arith.mulf %div3A_1449, %mul3A_1465 : vector<16xf32>
    %convert_element_type3A_1467 = arith.fptosi %mul3A_1466 : vector<16xf32> to vector<16xi32>
    %jit3A_1468 = arith.constant 0 : i32
    %jit3A_1469 = arith.constant 9999 : i32
    %max3A_1470 = vector.broadcast %jit3A_1468 : i32 to vector<16xi32>
    %max3A_1471 = arith.maxsi %max3A_1470, %convert_element_type3A_1467 : vector<16xi32>
    %min3A_1472 = vector.broadcast %jit3A_1469 : i32 to vector<16xi32>
    %min3A_1473 = arith.minsi %min3A_1472, %max3A_1471 : vector<16xi32>
    %swap3A_1474 = arith.constant 64 : index
    %swap3A_1475 = tpu.vector_load %arg25[%swap3A_1474] {strides = array<i32>} : memref<128xi32, #tpu.memory_space<vmem>>, vector<16xi32>,
    %swap3A_1476 = vector.shape_cast %swap3A_1475 : vector<16xi32> to vector<16xi32>
    %swap3A_1477 = vector.shape_cast %min3A_1473 : vector<16xi32> to vector<16xi32>
    tpu.vector_store %arg25[%swap3A_1474], %swap3A_1477 {strides = array<i32>} : memref<128xi32, #tpu.memory_space<vmem>>, vector<16xi32>,
    %get3A_1478 = arith.constant 80 : index
    %get3A_1479 = tpu.vector_load %arg13[%get3A_1478] {strides = array<i32>} : memref<128xf32, #tpu.memory_space<vmem>>, vector<16xf32>,
    %get3A_1480 = vector.shape_cast %get3A_1479 : vector<16xf32> to vector<16xf32>
    %sub3A_1481 = arith.subf %get3A_1480, %min3A_604 : vector<16xf32>
    %div3A_1482 = arith.divf %sub3A_1481, %add3A_619 : vector<16xf32>
    %get3A_1483 = arith.constant 80 : index
    %get3A_1484 = tpu.vector_load %arg17[%get3A_1483] {strides = array<i32>} : memref<128xf32, #tpu.memory_space<vmem>>, vector<16xf32>,
    %get3A_1485 = vector.shape_cast %get3A_1484 : vector<16xf32> to vector<16xf32>
    %sub3A_1486 = arith.subf %get3A_1485, %min3A_612 : vector<16xf32>
    %div3A_1487 = arith.divf %sub3A_1486, %add3A_623 : vector<16xf32>
    %mul3A_1488 = arith.constant 1.000000e+04 : f32
    %mul3A_1489 = vector.broadcast %mul3A_1488 : f32 to vector<16xf32>
    %mul3A_1490 = arith.mulf %div3A_1482, %mul3A_1489 : vector<16xf32>
    %convert_element_type3A_1491 = arith.fptosi %mul3A_1490 : vector<16xf32> to vector<16xi32>
    %jit3A_1492 = arith.constant 0 : i32
    %jit3A_1493 = arith.constant 9999 : i32
    %max3A_1494 = vector.broadcast %jit3A_1492 : i32 to vector<16xi32>
    %max3A_1495 = arith.maxsi %max3A_1494, %convert_element_type3A_1491 : vector<16xi32>
    %min3A_1496 = vector.broadcast %jit3A_1493 : i32 to vector<16xi32>
    %min3A_1497 = arith.minsi %min3A_1496, %max3A_1495 : vector<16xi32>
    %swap3A_1498 = arith.constant 80 : index
    %swap3A_1499 = tpu.vector_load %arg21[%swap3A_1498] {strides = array<i32>} : memref<128xi32, #tpu.memory_space<vmem>>, vector<16xi32>,
    %swap3A_1500 = vector.shape_cast %swap3A_1499 : vector<16xi32> to vector<16xi32>
    %swap3A_1501 = vector.shape_cast %min3A_1497 : vector<16xi32> to vector<16xi32>
    tpu.vector_store %arg21[%swap3A_1498], %swap3A_1501 {strides = array<i32>} : memref<128xi32, #tpu.memory_space<vmem>>, vector<16xi32>,
    %mul3A_1502 = arith.constant 1.000000e+04 : f32
    %mul3A_1503 = vector.broadcast %mul3A_1502 : f32 to vector<16xf32>
    %mul3A_1504 = arith.mulf %div3A_1487, %mul3A_1503 : vector<16xf32>
    %convert_element_type3A_1505 = arith.fptosi %mul3A_1504 : vector<16xf32> to vector<16xi32>
    %jit3A_1506 = arith.constant 0 : i32
    %jit3A_1507 = arith.constant 9999 : i32
    %max3A_1508 = vector.broadcast %jit3A_1506 : i32 to vector<16xi32>
    %max3A_1509 = arith.maxsi %max3A_1508, %convert_element_type3A_1505 : vector<16xi32>
    %min3A_1510 = vector.broadcast %jit3A_1507 : i32 to vector<16xi32>
    %min3A_1511 = arith.minsi %min3A_1510, %max3A_1509 : vector<16xi32>
    %swap3A_1512 = arith.constant 80 : index
    %swap3A_1513 = tpu.vector_load %arg25[%swap3A_1512] {strides = array<i32>} : memref<128xi32, #tpu.memory_space<vmem>>, vector<16xi32>,
    %swap3A_1514 = vector.shape_cast %swap3A_1513 : vector<16xi32> to vector<16xi32>
    %swap3A_1515 = vector.shape_cast %min3A_1511 : vector<16xi32> to vector<16xi32>
    tpu.vector_store %arg25[%swap3A_1512], %swap3A_1515 {strides = array<i32>} : memref<128xi32, #tpu.memory_space<vmem>>, vector<16xi32>,
    %get3A_1516 = arith.constant 96 : index
    %get3A_1517 = tpu.vector_load %arg13[%get3A_1516] {strides = array<i32>} : memref<128xf32, #tpu.memory_space<vmem>>, vector<16xf32>,
    %get3A_1518 = vector.shape_cast %get3A_1517 : vector<16xf32> to vector<16xf32>
    %sub3A_1519 = arith.subf %get3A_1518, %min3A_604 : vector<16xf32>
    %div3A_1520 = arith.divf %sub3A_1519, %add3A_619 : vector<16xf32>
    %get3A_1521 = arith.constant 96 : index
    %get3A_1522 = tpu.vector_load %arg17[%get3A_1521] {strides = array<i32>} : memref<128xf32, #tpu.memory_space<vmem>>, vector<16xf32>,
    %get3A_1523 = vector.shape_cast %get3A_1522 : vector<16xf32> to vector<16xf32>
    %sub3A_1524 = arith.subf %get3A_1523, %min3A_612 : vector<16xf32>
    %div3A_1525 = arith.divf %sub3A_1524, %add3A_623 : vector<16xf32>
    %mul3A_1526 = arith.constant 1.000000e+04 : f32
    %mul3A_1527 = vector.broadcast %mul3A_1526 : f32 to vector<16xf32>
    %mul3A_1528 = arith.mulf %div3A_1520, %mul3A_1527 : vector<16xf32>
    %convert_element_type3A_1529 = arith.fptosi %mul3A_1528 : vector<16xf32> to vector<16xi32>
    %jit3A_1530 = arith.constant 0 : i32
    %jit3A_1531 = arith.constant 9999 : i32
    %max3A_1532 = vector.broadcast %jit3A_1530 : i32 to vector<16xi32>
    %max3A_1533 = arith.maxsi %max3A_1532, %convert_element_type3A_1529 : vector<16xi32>
    %min3A_1534 = vector.broadcast %jit3A_1531 : i32 to vector<16xi32>
    %min3A_1535 = arith.minsi %min3A_1534, %max3A_1533 : vector<16xi32>
    %swap3A_1536 = arith.constant 96 : index
    %swap3A_1537 = tpu.vector_load %arg21[%swap3A_1536] {strides = array<i32>} : memref<128xi32, #tpu.memory_space<vmem>>, vector<16xi32>,
    %swap3A_1538 = vector.shape_cast %swap3A_1537 : vector<16xi32> to vector<16xi32>
    %swap3A_1539 = vector.shape_cast %min3A_1535 : vector<16xi32> to vector<16xi32>
    tpu.vector_store %arg21[%swap3A_1536], %swap3A_1539 {strides = array<i32>} : memref<128xi32, #tpu.memory_space<vmem>>, vector<16xi32>,
    %mul3A_1540 = arith.constant 1.000000e+04 : f32
    %mul3A_1541 = vector.broadcast %mul3A_1540 : f32 to vector<16xf32>
    %mul3A_1542 = arith.mulf %div3A_1525, %mul3A_1541 : vector<16xf32>
    %convert_element_type3A_1543 = arith.fptosi %mul3A_1542 : vector<16xf32> to vector<16xi32>
    %jit3A_1544 = arith.constant 0 : i32
    %jit3A_1545 = arith.constant 9999 : i32
    %max3A_1546 = vector.broadcast %jit3A_1544 : i32 to vector<16xi32>
    %max3A_1547 = arith.maxsi %max3A_1546, %convert_element_type3A_1543 : vector<16xi32>
    %min3A_1548 = vector.broadcast %jit3A_1545 : i32 to vector<16xi32>
    %min3A_1549 = arith.minsi %min3A_1548, %max3A_1547 : vector<16xi32>
    %swap3A_1550 = arith.constant 96 : index
    %swap3A_1551 = tpu.vector_load %arg25[%swap3A_1550] {strides = array<i32>} : memref<128xi32, #tpu.memory_space<vmem>>, vector<16xi32>,
    %swap3A_1552 = vector.shape_cast %swap3A_1551 : vector<16xi32> to vector<16xi32>
    %swap3A_1553 = vector.shape_cast %min3A_1549 : vector<16xi32> to vector<16xi32>
    tpu.vector_store %arg25[%swap3A_1550], %swap3A_1553 {strides = array<i32>} : memref<128xi32, #tpu.memory_space<vmem>>, vector<16xi32>,
    %get3A_1554 = arith.constant 112 : index
    %get3A_1555 = tpu.vector_load %arg13[%get3A_1554] {strides = array<i32>} : memref<128xf32, #tpu.memory_space<vmem>>, vector<16xf32>,
    %get3A_1556 = vector.shape_cast %get3A_1555 : vector<16xf32> to vector<16xf32>
    %sub3A_1557 = arith.subf %get3A_1556, %min3A_604 : vector<16xf32>
    %div3A_1558 = arith.divf %sub3A_1557, %add3A_619 : vector<16xf32>
    %get3A_1559 = arith.constant 112 : index
    %get3A_1560 = tpu.vector_load %arg17[%get3A_1559] {strides = array<i32>} : memref<128xf32, #tpu.memory_space<vmem>>, vector<16xf32>,
    %get3A_1561 = vector.shape_cast %get3A_1560 : vector<16xf32> to vector<16xf32>
    %sub3A_1562 = arith.subf %get3A_1561, %min3A_612 : vector<16xf32>
    %div3A_1563 = arith.divf %sub3A_1562, %add3A_623 : vector<16xf32>
    %mul3A_1564 = arith.constant 1.000000e+04 : f32
    %mul3A_1565 = vector.broadcast %mul3A_1564 : f32 to vector<16xf32>
    %mul3A_1566 = arith.mulf %div3A_1558, %mul3A_1565 : vector<16xf32>
    %convert_element_type3A_1567 = arith.fptosi %mul3A_1566 : vector<16xf32> to vector<16xi32>
    %jit3A_1568 = arith.constant 0 : i32
    %jit3A_1569 = arith.constant 9999 : i32
    %max3A_1570 = vector.broadcast %jit3A_1568 : i32 to vector<16xi32>
    %max3A_1571 = arith.maxsi %max3A_1570, %convert_element_type3A_1567 : vector<16xi32>
    %min3A_1572 = vector.broadcast %jit3A_1569 : i32 to vector<16xi32>
    %min3A_1573 = arith.minsi %min3A_1572, %max3A_1571 : vector<16xi32>
    %swap3A_1574 = arith.constant 112 : index
    %swap3A_1575 = tpu.vector_load %arg21[%swap3A_1574] {strides = array<i32>} : memref<128xi32, #tpu.memory_space<vmem>>, vector<16xi32>,
    %swap3A_1576 = vector.shape_cast %swap3A_1575 : vector<16xi32> to vector<16xi32>
    %swap3A_1577 = vector.shape_cast %min3A_1573 : vector<16xi32> to vector<16xi32>
    tpu.vector_store %arg21[%swap3A_1574], %swap3A_1577 {strides = array<i32>} : memref<128xi32, #tpu.memory_space<vmem>>, vector<16xi32>,
    %mul3A_1578 = arith.constant 1.000000e+04 : f32
    %mul3A_1579 = vector.broadcast %mul3A_1578 : f32 to vector<16xf32>
    %mul3A_1580 = arith.mulf %div3A_1563, %mul3A_1579 : vector<16xf32>
    %convert_element_type3A_1581 = arith.fptosi %mul3A_1580 : vector<16xf32> to vector<16xi32>
    %jit3A_1582 = arith.constant 0 : i32
    %jit3A_1583 = arith.constant 9999 : i32
    %max3A_1584 = vector.broadcast %jit3A_1582 : i32 to vector<16xi32>
    %max3A_1585 = arith.maxsi %max3A_1584, %convert_element_type3A_1581 : vector<16xi32>
    %min3A_1586 = vector.broadcast %jit3A_1583 : i32 to vector<16xi32>
    %min3A_1587 = arith.minsi %min3A_1586, %max3A_1585 : vector<16xi32>
    %swap3A_1588 = arith.constant 112 : index
    %swap3A_1589 = tpu.vector_load %arg25[%swap3A_1588] {strides = array<i32>} : memref<128xi32, #tpu.memory_space<vmem>>, vector<16xi32>,
    %swap3A_1590 = vector.shape_cast %swap3A_1589 : vector<16xi32> to vector<16xi32>
    %swap3A_1591 = vector.shape_cast %min3A_1587 : vector<16xi32> to vector<16xi32>
    tpu.vector_store %arg25[%swap3A_1588], %swap3A_1591 {strides = array<i32>} : memref<128xi32, #tpu.memory_space<vmem>>, vector<16xi32>,
    %dma_start3A_1592 = arith.constant 0 : i32
    %dma_start3A_1593 = arith.constant 0 : i32
    %dma_start3A_1594 = tpu.memref_slice %arg4[%dma_start3A_1592, %dma_start3A_1593] : memref<10000x64xf32, #tpu.memory_space<hbm>> -> memref<10000x64xf32, #tpu.memory_space<hbm>>
    tpu.enqueue_indirect_dma source(%dma_start3A_1594 : memref<10000x64xf32, #tpu.memory_space<hbm>>) target(%arg29 : memref<128x64xf32, #tpu.memory_space<vmem>>) offsets(%arg21 : memref<128xi32, #tpu.memory_space<vmem>>) semaphore(%arg41 : memref<!tpu.dma_semaphore, #tpu.memory_space<semaphore_mem>>)
    %dma_start3A_1595 = arith.constant 0 : i32
    %dma_start3A_1596 = arith.constant 0 : i32
    %dma_start3A_1597 = tpu.memref_slice %arg4[%dma_start3A_1595, %dma_start3A_1596] : memref<10000x64xf32, #tpu.memory_space<hbm>> -> memref<10000x64xf32, #tpu.memory_space<hbm>>
    tpu.enqueue_indirect_dma source(%dma_start3A_1597 : memref<10000x64xf32, #tpu.memory_space<hbm>>) target(%arg33 : memref<128x64xf32, #tpu.memory_space<vmem>>) offsets(%arg25 : memref<128xi32, #tpu.memory_space<vmem>>) semaphore(%arg41 : memref<!tpu.dma_semaphore, #tpu.memory_space<semaphore_mem>>)
    %add3A_1598 = arith.constant 192 : i32
    %add3A_1599 = arith.addi %add3A, %add3A_1598 : i32
    %min3A_1600 = arith.constant 781 : i32
    %min3A_1601 = arith.minsi %add3A_1599, %min3A_1600 : i32
    %mul3A_1602 = arith.constant 128 : i32
    %mul3A_1603 = arith.muli %min3A_1601, %mul3A_1602 : i32
    %min3A_1604 = arith.constant 99872 : i32
    %min3A_1605 = arith.minsi %mul3A_1603, %min3A_1604 : i32
    %dma_start3A_1606 = tpu.memref_slice %arg2[%min3A_1605] : memref<100000xf32, #tpu.memory_space<hbm>> -> memref<128xf32, #tpu.memory_space<hbm>>
    %dma_start3A_1607 = tpu.memref_slice %arg2[%min3A_1605] : memref<100000xf32, #tpu.memory_space<hbm>> -> memref<128xf32, #tpu.memory_space<hbm>>
    tpu.enqueue_dma source(%dma_start3A_1607 : memref<128xf32, #tpu.memory_space<hbm>>) target(%arg13 : memref<128xf32, #tpu.memory_space<vmem>>) target_semaphore(%arg37 : memref<!tpu.dma_semaphore, #tpu.memory_space<semaphore_mem>>)
    %dma_start3A_1608 = tpu.memref_slice %arg3[%min3A_1605] : memref<100000xf32, #tpu.memory_space<hbm>> -> memref<128xf32, #tpu.memory_space<hbm>>
    %dma_start3A_1609 = tpu.memref_slice %arg3[%min3A_1605] : memref<100000xf32, #tpu.memory_space<hbm>> -> memref<128xf32, #tpu.memory_space<hbm>>
    tpu.enqueue_dma source(%dma_start3A_1609 : memref<128xf32, #tpu.memory_space<hbm>>) target(%arg17 : memref<128xf32, #tpu.memory_space<vmem>>) target_semaphore(%arg37 : memref<!tpu.dma_semaphore, #tpu.memory_space<semaphore_mem>>)
    %add3A_1610 = arith.constant 96 : i32
    %add3A_1611 = arith.addi %add3A, %add3A_1610 : i32
    %min3A_1612 = arith.constant 781 : i32
    %min3A_1613 = arith.minsi %add3A_1611, %min3A_1612 : i32
    %mul3A_1614 = arith.constant 128 : i32
    %mul3A_1615 = arith.muli %min3A_1613, %mul3A_1614 : i32
    %min3A_1616 = arith.constant 99872 : i32
    %min3A_1617 = arith.minsi %mul3A_1615, %min3A_1616 : i32
    "tpu.region"() ({
      %run_scoped3A = tpu.sem_alloc : memref<!tpu.dma_semaphore, #tpu.memory_space<semaphore_mem>>
      %dma_start3A_2113 = tpu.memref_slice %arg2[%min3A_1617] : memref<100000xf32, #tpu.memory_space<hbm>> -> memref<128xf32, #tpu.memory_space<hbm>>
      %dma_start3A_2114 = tpu.memref_slice %arg2[%min3A_1617] : memref<100000xf32, #tpu.memory_space<hbm>> -> memref<128xf32, #tpu.memory_space<hbm>>
      tpu.enqueue_dma source(%dma_start3A_2114 : memref<128xf32, #tpu.memory_space<hbm>>) target(%arg14 : memref<128xf32, #tpu.memory_space<vmem>>) target_semaphore(%run_scoped3A : memref<!tpu.dma_semaphore, #tpu.memory_space<semaphore_mem>>)
      %dma_wait3A_2115 = tpu.memref_slice %arg2[%min3A_1617] : memref<100000xf32, #tpu.memory_space<hbm>> -> memref<128xf32, #tpu.memory_space<hbm>>
      %dma_wait3A_2116 = tpu.memref_slice %arg2[%min3A_1617] : memref<100000xf32, #tpu.memory_space<hbm>> -> memref<128xf32, #tpu.memory_space<hbm>>
      tpu.wait_dma2 semaphore(%run_scoped3A : memref<!tpu.dma_semaphore, #tpu.memory_space<semaphore_mem>>) src(%dma_wait3A_2116 : memref<128xf32, #tpu.memory_space<hbm>>) dst(%arg14 : memref<128xf32, #tpu.memory_space<vmem>>)
      tpu.yield
    }) : () -> ()
    "tpu.region"() ({
      %run_scoped3A = tpu.sem_alloc : memref<!tpu.dma_semaphore, #tpu.memory_space<semaphore_mem>>
      %dma_start3A_2113 = tpu.memref_slice %arg3[%min3A_1617] : memref<100000xf32, #tpu.memory_space<hbm>> -> memref<128xf32, #tpu.memory_space<hbm>>
      %dma_start3A_2114 = tpu.memref_slice %arg3[%min3A_1617] : memref<100000xf32, #tpu.memory_space<hbm>> -> memref<128xf32, #tpu.memory_space<hbm>>
      tpu.enqueue_dma source(%dma_start3A_2114 : memref<128xf32, #tpu.memory_space<hbm>>) target(%arg18 : memref<128xf32, #tpu.memory_space<vmem>>) target_semaphore(%run_scoped3A : memref<!tpu.dma_semaphore, #tpu.memory_space<semaphore_mem>>)
      %dma_wait3A_2115 = tpu.memref_slice %arg3[%min3A_1617] : memref<100000xf32, #tpu.memory_space<hbm>> -> memref<128xf32, #tpu.memory_space<hbm>>
      %dma_wait3A_2116 = tpu.memref_slice %arg3[%min3A_1617] : memref<100000xf32, #tpu.memory_space<hbm>> -> memref<128xf32, #tpu.memory_space<hbm>>
      tpu.wait_dma2 semaphore(%run_scoped3A : memref<!tpu.dma_semaphore, #tpu.memory_space<semaphore_mem>>) src(%dma_wait3A_2116 : memref<128xf32, #tpu.memory_space<hbm>>) dst(%arg18 : memref<128xf32, #tpu.memory_space<vmem>>)
      tpu.yield
    }) : () -> ()
    %get3A_1618 = arith.constant 0 : index
    %get3A_1619 = tpu.vector_load %arg14[%get3A_1618] {strides = array<i32>} : memref<128xf32, #tpu.memory_space<vmem>>, vector<16xf32>,
    %get3A_1620 = vector.shape_cast %get3A_1619 : vector<16xf32> to vector<16xf32>
    %sub3A_1621 = arith.subf %get3A_1620, %min3A_604 : vector<16xf32>
    %div3A_1622 = arith.divf %sub3A_1621, %add3A_619 : vector<16xf32>
    %get3A_1623 = arith.constant 0 : index
    %get3A_1624 = tpu.vector_load %arg18[%get3A_1623] {strides = array<i32>} : memref<128xf32, #tpu.memory_space<vmem>>, vector<16xf32>,
    %get3A_1625 = vector.shape_cast %get3A_1624 : vector<16xf32> to vector<16xf32>
    %sub3A_1626 = arith.subf %get3A_1625, %min3A_612 : vector<16xf32>
    %div3A_1627 = arith.divf %sub3A_1626, %add3A_623 : vector<16xf32>
    %mul3A_1628 = arith.constant 1.000000e+04 : f32
    %mul3A_1629 = vector.broadcast %mul3A_1628 : f32 to vector<16xf32>
    %mul3A_1630 = arith.mulf %div3A_1622, %mul3A_1629 : vector<16xf32>
    %convert_element_type3A_1631 = arith.fptosi %mul3A_1630 : vector<16xf32> to vector<16xi32>
    %jit3A_1632 = arith.constant 0 : i32
    %jit3A_1633 = arith.constant 9999 : i32
    %max3A_1634 = vector.broadcast %jit3A_1632 : i32 to vector<16xi32>
    %max3A_1635 = arith.maxsi %max3A_1634, %convert_element_type3A_1631 : vector<16xi32>
    %min3A_1636 = vector.broadcast %jit3A_1633 : i32 to vector<16xi32>
    %min3A_1637 = arith.minsi %min3A_1636, %max3A_1635 : vector<16xi32>
    %swap3A_1638 = arith.constant 0 : index
    %swap3A_1639 = tpu.vector_load %arg22[%swap3A_1638] {strides = array<i32>} : memref<128xi32, #tpu.memory_space<vmem>>, vector<16xi32>,
    %swap3A_1640 = vector.shape_cast %swap3A_1639 : vector<16xi32> to vector<16xi32>
    %swap3A_1641 = vector.shape_cast %min3A_1637 : vector<16xi32> to vector<16xi32>
    tpu.vector_store %arg22[%swap3A_1638], %swap3A_1641 {strides = array<i32>} : memref<128xi32, #tpu.memory_space<vmem>>, vector<16xi32>,
    %mul3A_1642 = arith.constant 1.000000e+04 : f32
    %mul3A_1643 = vector.broadcast %mul3A_1642 : f32 to vector<16xf32>
    %mul3A_1644 = arith.mulf %div3A_1627, %mul3A_1643 : vector<16xf32>
    %convert_element_type3A_1645 = arith.fptosi %mul3A_1644 : vector<16xf32> to vector<16xi32>
    %jit3A_1646 = arith.constant 0 : i32
    %jit3A_1647 = arith.constant 9999 : i32
    %max3A_1648 = vector.broadcast %jit3A_1646 : i32 to vector<16xi32>
    %max3A_1649 = arith.maxsi %max3A_1648, %convert_element_type3A_1645 : vector<16xi32>
    %min3A_1650 = vector.broadcast %jit3A_1647 : i32 to vector<16xi32>
    %min3A_1651 = arith.minsi %min3A_1650, %max3A_1649 : vector<16xi32>
    %swap3A_1652 = arith.constant 0 : index
    %swap3A_1653 = tpu.vector_load %arg26[%swap3A_1652] {strides = array<i32>} : memref<128xi32, #tpu.memory_space<vmem>>, vector<16xi32>,
    %swap3A_1654 = vector.shape_cast %swap3A_1653 : vector<16xi32> to vector<16xi32>
    %swap3A_1655 = vector.shape_cast %min3A_1651 : vector<16xi32> to vector<16xi32>
    tpu.vector_store %arg26[%swap3A_1652], %swap3A_1655 {strides = array<i32>} : memref<128xi32, #tpu.memory_space<vmem>>, vector<16xi32>,
    %get3A_1656 = arith.constant 16 : index
    %get3A_1657 = tpu.vector_load %arg14[%get3A_1656] {strides = array<i32>} : memref<128xf32, #tpu.memory_space<vmem>>, vector<16xf32>,
    %get3A_1658 = vector.shape_cast %get3A_1657 : vector<16xf32> to vector<16xf32>
    %sub3A_1659 = arith.subf %get3A_1658, %min3A_604 : vector<16xf32>
    %div3A_1660 = arith.divf %sub3A_1659, %add3A_619 : vector<16xf32>
    %get3A_1661 = arith.constant 16 : index
    %get3A_1662 = tpu.vector_load %arg18[%get3A_1661] {strides = array<i32>} : memref<128xf32, #tpu.memory_space<vmem>>, vector<16xf32>,
    %get3A_1663 = vector.shape_cast %get3A_1662 : vector<16xf32> to vector<16xf32>
    %sub3A_1664 = arith.subf %get3A_1663, %min3A_612 : vector<16xf32>
    %div3A_1665 = arith.divf %sub3A_1664, %add3A_623 : vector<16xf32>
    %mul3A_1666 = arith.constant 1.000000e+04 : f32
    %mul3A_1667 = vector.broadcast %mul3A_1666 : f32 to vector<16xf32>
    %mul3A_1668 = arith.mulf %div3A_1660, %mul3A_1667 : vector<16xf32>
    %convert_element_type3A_1669 = arith.fptosi %mul3A_1668 : vector<16xf32> to vector<16xi32>
    %jit3A_1670 = arith.constant 0 : i32
    %jit3A_1671 = arith.constant 9999 : i32
    %max3A_1672 = vector.broadcast %jit3A_1670 : i32 to vector<16xi32>
    %max3A_1673 = arith.maxsi %max3A_1672, %convert_element_type3A_1669 : vector<16xi32>
    %min3A_1674 = vector.broadcast %jit3A_1671 : i32 to vector<16xi32>
    %min3A_1675 = arith.minsi %min3A_1674, %max3A_1673 : vector<16xi32>
    %swap3A_1676 = arith.constant 16 : index
    %swap3A_1677 = tpu.vector_load %arg22[%swap3A_1676] {strides = array<i32>} : memref<128xi32, #tpu.memory_space<vmem>>, vector<16xi32>,
    %swap3A_1678 = vector.shape_cast %swap3A_1677 : vector<16xi32> to vector<16xi32>
    %swap3A_1679 = vector.shape_cast %min3A_1675 : vector<16xi32> to vector<16xi32>
    tpu.vector_store %arg22[%swap3A_1676], %swap3A_1679 {strides = array<i32>} : memref<128xi32, #tpu.memory_space<vmem>>, vector<16xi32>,
    %mul3A_1680 = arith.constant 1.000000e+04 : f32
    %mul3A_1681 = vector.broadcast %mul3A_1680 : f32 to vector<16xf32>
    %mul3A_1682 = arith.mulf %div3A_1665, %mul3A_1681 : vector<16xf32>
    %convert_element_type3A_1683 = arith.fptosi %mul3A_1682 : vector<16xf32> to vector<16xi32>
    %jit3A_1684 = arith.constant 0 : i32
    %jit3A_1685 = arith.constant 9999 : i32
    %max3A_1686 = vector.broadcast %jit3A_1684 : i32 to vector<16xi32>
    %max3A_1687 = arith.maxsi %max3A_1686, %convert_element_type3A_1683 : vector<16xi32>
    %min3A_1688 = vector.broadcast %jit3A_1685 : i32 to vector<16xi32>
    %min3A_1689 = arith.minsi %min3A_1688, %max3A_1687 : vector<16xi32>
    %swap3A_1690 = arith.constant 16 : index
    %swap3A_1691 = tpu.vector_load %arg26[%swap3A_1690] {strides = array<i32>} : memref<128xi32, #tpu.memory_space<vmem>>, vector<16xi32>,
    %swap3A_1692 = vector.shape_cast %swap3A_1691 : vector<16xi32> to vector<16xi32>
    %swap3A_1693 = vector.shape_cast %min3A_1689 : vector<16xi32> to vector<16xi32>
    tpu.vector_store %arg26[%swap3A_1690], %swap3A_1693 {strides = array<i32>} : memref<128xi32, #tpu.memory_space<vmem>>, vector<16xi32>,
    %get3A_1694 = arith.constant 32 : index
    %get3A_1695 = tpu.vector_load %arg14[%get3A_1694] {strides = array<i32>} : memref<128xf32, #tpu.memory_space<vmem>>, vector<16xf32>,
    %get3A_1696 = vector.shape_cast %get3A_1695 : vector<16xf32> to vector<16xf32>
    %sub3A_1697 = arith.subf %get3A_1696, %min3A_604 : vector<16xf32>
    %div3A_1698 = arith.divf %sub3A_1697, %add3A_619 : vector<16xf32>
    %get3A_1699 = arith.constant 32 : index
    %get3A_1700 = tpu.vector_load %arg18[%get3A_1699] {strides = array<i32>} : memref<128xf32, #tpu.memory_space<vmem>>, vector<16xf32>,
    %get3A_1701 = vector.shape_cast %get3A_1700 : vector<16xf32> to vector<16xf32>
    %sub3A_1702 = arith.subf %get3A_1701, %min3A_612 : vector<16xf32>
    %div3A_1703 = arith.divf %sub3A_1702, %add3A_623 : vector<16xf32>
    %mul3A_1704 = arith.constant 1.000000e+04 : f32
    %mul3A_1705 = vector.broadcast %mul3A_1704 : f32 to vector<16xf32>
    %mul3A_1706 = arith.mulf %div3A_1698, %mul3A_1705 : vector<16xf32>
    %convert_element_type3A_1707 = arith.fptosi %mul3A_1706 : vector<16xf32> to vector<16xi32>
    %jit3A_1708 = arith.constant 0 : i32
    %jit3A_1709 = arith.constant 9999 : i32
    %max3A_1710 = vector.broadcast %jit3A_1708 : i32 to vector<16xi32>
    %max3A_1711 = arith.maxsi %max3A_1710, %convert_element_type3A_1707 : vector<16xi32>
    %min3A_1712 = vector.broadcast %jit3A_1709 : i32 to vector<16xi32>
    %min3A_1713 = arith.minsi %min3A_1712, %max3A_1711 : vector<16xi32>
    %swap3A_1714 = arith.constant 32 : index
    %swap3A_1715 = tpu.vector_load %arg22[%swap3A_1714] {strides = array<i32>} : memref<128xi32, #tpu.memory_space<vmem>>, vector<16xi32>,
    %swap3A_1716 = vector.shape_cast %swap3A_1715 : vector<16xi32> to vector<16xi32>
    %swap3A_1717 = vector.shape_cast %min3A_1713 : vector<16xi32> to vector<16xi32>
    tpu.vector_store %arg22[%swap3A_1714], %swap3A_1717 {strides = array<i32>} : memref<128xi32, #tpu.memory_space<vmem>>, vector<16xi32>,
    %mul3A_1718 = arith.constant 1.000000e+04 : f32
    %mul3A_1719 = vector.broadcast %mul3A_1718 : f32 to vector<16xf32>
    %mul3A_1720 = arith.mulf %div3A_1703, %mul3A_1719 : vector<16xf32>
    %convert_element_type3A_1721 = arith.fptosi %mul3A_1720 : vector<16xf32> to vector<16xi32>
    %jit3A_1722 = arith.constant 0 : i32
    %jit3A_1723 = arith.constant 9999 : i32
    %max3A_1724 = vector.broadcast %jit3A_1722 : i32 to vector<16xi32>
    %max3A_1725 = arith.maxsi %max3A_1724, %convert_element_type3A_1721 : vector<16xi32>
    %min3A_1726 = vector.broadcast %jit3A_1723 : i32 to vector<16xi32>
    %min3A_1727 = arith.minsi %min3A_1726, %max3A_1725 : vector<16xi32>
    %swap3A_1728 = arith.constant 32 : index
    %swap3A_1729 = tpu.vector_load %arg26[%swap3A_1728] {strides = array<i32>} : memref<128xi32, #tpu.memory_space<vmem>>, vector<16xi32>,
    %swap3A_1730 = vector.shape_cast %swap3A_1729 : vector<16xi32> to vector<16xi32>
    %swap3A_1731 = vector.shape_cast %min3A_1727 : vector<16xi32> to vector<16xi32>
    tpu.vector_store %arg26[%swap3A_1728], %swap3A_1731 {strides = array<i32>} : memref<128xi32, #tpu.memory_space<vmem>>, vector<16xi32>,
    %get3A_1732 = arith.constant 48 : index
    %get3A_1733 = tpu.vector_load %arg14[%get3A_1732] {strides = array<i32>} : memref<128xf32, #tpu.memory_space<vmem>>, vector<16xf32>,
    %get3A_1734 = vector.shape_cast %get3A_1733 : vector<16xf32> to vector<16xf32>
    %sub3A_1735 = arith.subf %get3A_1734, %min3A_604 : vector<16xf32>
    %div3A_1736 = arith.divf %sub3A_1735, %add3A_619 : vector<16xf32>
    %get3A_1737 = arith.constant 48 : index
    %get3A_1738 = tpu.vector_load %arg18[%get3A_1737] {strides = array<i32>} : memref<128xf32, #tpu.memory_space<vmem>>, vector<16xf32>,
    %get3A_1739 = vector.shape_cast %get3A_1738 : vector<16xf32> to vector<16xf32>
    %sub3A_1740 = arith.subf %get3A_1739, %min3A_612 : vector<16xf32>
    %div3A_1741 = arith.divf %sub3A_1740, %add3A_623 : vector<16xf32>
    %mul3A_1742 = arith.constant 1.000000e+04 : f32
    %mul3A_1743 = vector.broadcast %mul3A_1742 : f32 to vector<16xf32>
    %mul3A_1744 = arith.mulf %div3A_1736, %mul3A_1743 : vector<16xf32>
    %convert_element_type3A_1745 = arith.fptosi %mul3A_1744 : vector<16xf32> to vector<16xi32>
    %jit3A_1746 = arith.constant 0 : i32
    %jit3A_1747 = arith.constant 9999 : i32
    %max3A_1748 = vector.broadcast %jit3A_1746 : i32 to vector<16xi32>
    %max3A_1749 = arith.maxsi %max3A_1748, %convert_element_type3A_1745 : vector<16xi32>
    %min3A_1750 = vector.broadcast %jit3A_1747 : i32 to vector<16xi32>
    %min3A_1751 = arith.minsi %min3A_1750, %max3A_1749 : vector<16xi32>
    %swap3A_1752 = arith.constant 48 : index
    %swap3A_1753 = tpu.vector_load %arg22[%swap3A_1752] {strides = array<i32>} : memref<128xi32, #tpu.memory_space<vmem>>, vector<16xi32>,
    %swap3A_1754 = vector.shape_cast %swap3A_1753 : vector<16xi32> to vector<16xi32>
    %swap3A_1755 = vector.shape_cast %min3A_1751 : vector<16xi32> to vector<16xi32>
    tpu.vector_store %arg22[%swap3A_1752], %swap3A_1755 {strides = array<i32>} : memref<128xi32, #tpu.memory_space<vmem>>, vector<16xi32>,
    %mul3A_1756 = arith.constant 1.000000e+04 : f32
    %mul3A_1757 = vector.broadcast %mul3A_1756 : f32 to vector<16xf32>
    %mul3A_1758 = arith.mulf %div3A_1741, %mul3A_1757 : vector<16xf32>
    %convert_element_type3A_1759 = arith.fptosi %mul3A_1758 : vector<16xf32> to vector<16xi32>
    %jit3A_1760 = arith.constant 0 : i32
    %jit3A_1761 = arith.constant 9999 : i32
    %max3A_1762 = vector.broadcast %jit3A_1760 : i32 to vector<16xi32>
    %max3A_1763 = arith.maxsi %max3A_1762, %convert_element_type3A_1759 : vector<16xi32>
    %min3A_1764 = vector.broadcast %jit3A_1761 : i32 to vector<16xi32>
    %min3A_1765 = arith.minsi %min3A_1764, %max3A_1763 : vector<16xi32>
    %swap3A_1766 = arith.constant 48 : index
    %swap3A_1767 = tpu.vector_load %arg26[%swap3A_1766] {strides = array<i32>} : memref<128xi32, #tpu.memory_space<vmem>>, vector<16xi32>,
    %swap3A_1768 = vector.shape_cast %swap3A_1767 : vector<16xi32> to vector<16xi32>
    %swap3A_1769 = vector.shape_cast %min3A_1765 : vector<16xi32> to vector<16xi32>
    tpu.vector_store %arg26[%swap3A_1766], %swap3A_1769 {strides = array<i32>} : memref<128xi32, #tpu.memory_space<vmem>>, vector<16xi32>,
    %get3A_1770 = arith.constant 64 : index
    %get3A_1771 = tpu.vector_load %arg14[%get3A_1770] {strides = array<i32>} : memref<128xf32, #tpu.memory_space<vmem>>, vector<16xf32>,
    %get3A_1772 = vector.shape_cast %get3A_1771 : vector<16xf32> to vector<16xf32>
    %sub3A_1773 = arith.subf %get3A_1772, %min3A_604 : vector<16xf32>
    %div3A_1774 = arith.divf %sub3A_1773, %add3A_619 : vector<16xf32>
    %get3A_1775 = arith.constant 64 : index
    %get3A_1776 = tpu.vector_load %arg18[%get3A_1775] {strides = array<i32>} : memref<128xf32, #tpu.memory_space<vmem>>, vector<16xf32>,
    %get3A_1777 = vector.shape_cast %get3A_1776 : vector<16xf32> to vector<16xf32>
    %sub3A_1778 = arith.subf %get3A_1777, %min3A_612 : vector<16xf32>
    %div3A_1779 = arith.divf %sub3A_1778, %add3A_623 : vector<16xf32>
    %mul3A_1780 = arith.constant 1.000000e+04 : f32
    %mul3A_1781 = vector.broadcast %mul3A_1780 : f32 to vector<16xf32>
    %mul3A_1782 = arith.mulf %div3A_1774, %mul3A_1781 : vector<16xf32>
    %convert_element_type3A_1783 = arith.fptosi %mul3A_1782 : vector<16xf32> to vector<16xi32>
    %jit3A_1784 = arith.constant 0 : i32
    %jit3A_1785 = arith.constant 9999 : i32
    %max3A_1786 = vector.broadcast %jit3A_1784 : i32 to vector<16xi32>
    %max3A_1787 = arith.maxsi %max3A_1786, %convert_element_type3A_1783 : vector<16xi32>
    %min3A_1788 = vector.broadcast %jit3A_1785 : i32 to vector<16xi32>
    %min3A_1789 = arith.minsi %min3A_1788, %max3A_1787 : vector<16xi32>
    %swap3A_1790 = arith.constant 64 : index
    %swap3A_1791 = tpu.vector_load %arg22[%swap3A_1790] {strides = array<i32>} : memref<128xi32, #tpu.memory_space<vmem>>, vector<16xi32>,
    %swap3A_1792 = vector.shape_cast %swap3A_1791 : vector<16xi32> to vector<16xi32>
    %swap3A_1793 = vector.shape_cast %min3A_1789 : vector<16xi32> to vector<16xi32>
    tpu.vector_store %arg22[%swap3A_1790], %swap3A_1793 {strides = array<i32>} : memref<128xi32, #tpu.memory_space<vmem>>, vector<16xi32>,
    %mul3A_1794 = arith.constant 1.000000e+04 : f32
    %mul3A_1795 = vector.broadcast %mul3A_1794 : f32 to vector<16xf32>
    %mul3A_1796 = arith.mulf %div3A_1779, %mul3A_1795 : vector<16xf32>
    %convert_element_type3A_1797 = arith.fptosi %mul3A_1796 : vector<16xf32> to vector<16xi32>
    %jit3A_1798 = arith.constant 0 : i32
    %jit3A_1799 = arith.constant 9999 : i32
    %max3A_1800 = vector.broadcast %jit3A_1798 : i32 to vector<16xi32>
    %max3A_1801 = arith.maxsi %max3A_1800, %convert_element_type3A_1797 : vector<16xi32>
    %min3A_1802 = vector.broadcast %jit3A_1799 : i32 to vector<16xi32>
    %min3A_1803 = arith.minsi %min3A_1802, %max3A_1801 : vector<16xi32>
    %swap3A_1804 = arith.constant 64 : index
    %swap3A_1805 = tpu.vector_load %arg26[%swap3A_1804] {strides = array<i32>} : memref<128xi32, #tpu.memory_space<vmem>>, vector<16xi32>,
    %swap3A_1806 = vector.shape_cast %swap3A_1805 : vector<16xi32> to vector<16xi32>
    %swap3A_1807 = vector.shape_cast %min3A_1803 : vector<16xi32> to vector<16xi32>
    tpu.vector_store %arg26[%swap3A_1804], %swap3A_1807 {strides = array<i32>} : memref<128xi32, #tpu.memory_space<vmem>>, vector<16xi32>,
    %get3A_1808 = arith.constant 80 : index
    %get3A_1809 = tpu.vector_load %arg14[%get3A_1808] {strides = array<i32>} : memref<128xf32, #tpu.memory_space<vmem>>, vector<16xf32>,
    %get3A_1810 = vector.shape_cast %get3A_1809 : vector<16xf32> to vector<16xf32>
    %sub3A_1811 = arith.subf %get3A_1810, %min3A_604 : vector<16xf32>
    %div3A_1812 = arith.divf %sub3A_1811, %add3A_619 : vector<16xf32>
    %get3A_1813 = arith.constant 80 : index
    %get3A_1814 = tpu.vector_load %arg18[%get3A_1813] {strides = array<i32>} : memref<128xf32, #tpu.memory_space<vmem>>, vector<16xf32>,
    %get3A_1815 = vector.shape_cast %get3A_1814 : vector<16xf32> to vector<16xf32>
    %sub3A_1816 = arith.subf %get3A_1815, %min3A_612 : vector<16xf32>
    %div3A_1817 = arith.divf %sub3A_1816, %add3A_623 : vector<16xf32>
    %mul3A_1818 = arith.constant 1.000000e+04 : f32
    %mul3A_1819 = vector.broadcast %mul3A_1818 : f32 to vector<16xf32>
    %mul3A_1820 = arith.mulf %div3A_1812, %mul3A_1819 : vector<16xf32>
    %convert_element_type3A_1821 = arith.fptosi %mul3A_1820 : vector<16xf32> to vector<16xi32>
    %jit3A_1822 = arith.constant 0 : i32
    %jit3A_1823 = arith.constant 9999 : i32
    %max3A_1824 = vector.broadcast %jit3A_1822 : i32 to vector<16xi32>
    %max3A_1825 = arith.maxsi %max3A_1824, %convert_element_type3A_1821 : vector<16xi32>
    %min3A_1826 = vector.broadcast %jit3A_1823 : i32 to vector<16xi32>
    %min3A_1827 = arith.minsi %min3A_1826, %max3A_1825 : vector<16xi32>
    %swap3A_1828 = arith.constant 80 : index
    %swap3A_1829 = tpu.vector_load %arg22[%swap3A_1828] {strides = array<i32>} : memref<128xi32, #tpu.memory_space<vmem>>, vector<16xi32>,
    %swap3A_1830 = vector.shape_cast %swap3A_1829 : vector<16xi32> to vector<16xi32>
    %swap3A_1831 = vector.shape_cast %min3A_1827 : vector<16xi32> to vector<16xi32>
    tpu.vector_store %arg22[%swap3A_1828], %swap3A_1831 {strides = array<i32>} : memref<128xi32, #tpu.memory_space<vmem>>, vector<16xi32>,
    %mul3A_1832 = arith.constant 1.000000e+04 : f32
    %mul3A_1833 = vector.broadcast %mul3A_1832 : f32 to vector<16xf32>
    %mul3A_1834 = arith.mulf %div3A_1817, %mul3A_1833 : vector<16xf32>
    %convert_element_type3A_1835 = arith.fptosi %mul3A_1834 : vector<16xf32> to vector<16xi32>
    %jit3A_1836 = arith.constant 0 : i32
    %jit3A_1837 = arith.constant 9999 : i32
    %max3A_1838 = vector.broadcast %jit3A_1836 : i32 to vector<16xi32>
    %max3A_1839 = arith.maxsi %max3A_1838, %convert_element_type3A_1835 : vector<16xi32>
    %min3A_1840 = vector.broadcast %jit3A_1837 : i32 to vector<16xi32>
    %min3A_1841 = arith.minsi %min3A_1840, %max3A_1839 : vector<16xi32>
    %swap3A_1842 = arith.constant 80 : index
    %swap3A_1843 = tpu.vector_load %arg26[%swap3A_1842] {strides = array<i32>} : memref<128xi32, #tpu.memory_space<vmem>>, vector<16xi32>,
    %swap3A_1844 = vector.shape_cast %swap3A_1843 : vector<16xi32> to vector<16xi32>
    %swap3A_1845 = vector.shape_cast %min3A_1841 : vector<16xi32> to vector<16xi32>
    tpu.vector_store %arg26[%swap3A_1842], %swap3A_1845 {strides = array<i32>} : memref<128xi32, #tpu.memory_space<vmem>>, vector<16xi32>,
    %get3A_1846 = arith.constant 96 : index
    %get3A_1847 = tpu.vector_load %arg14[%get3A_1846] {strides = array<i32>} : memref<128xf32, #tpu.memory_space<vmem>>, vector<16xf32>,
    %get3A_1848 = vector.shape_cast %get3A_1847 : vector<16xf32> to vector<16xf32>
    %sub3A_1849 = arith.subf %get3A_1848, %min3A_604 : vector<16xf32>
    %div3A_1850 = arith.divf %sub3A_1849, %add3A_619 : vector<16xf32>
    %get3A_1851 = arith.constant 96 : index
    %get3A_1852 = tpu.vector_load %arg18[%get3A_1851] {strides = array<i32>} : memref<128xf32, #tpu.memory_space<vmem>>, vector<16xf32>,
    %get3A_1853 = vector.shape_cast %get3A_1852 : vector<16xf32> to vector<16xf32>
    %sub3A_1854 = arith.subf %get3A_1853, %min3A_612 : vector<16xf32>
    %div3A_1855 = arith.divf %sub3A_1854, %add3A_623 : vector<16xf32>
    %mul3A_1856 = arith.constant 1.000000e+04 : f32
    %mul3A_1857 = vector.broadcast %mul3A_1856 : f32 to vector<16xf32>
    %mul3A_1858 = arith.mulf %div3A_1850, %mul3A_1857 : vector<16xf32>
    %convert_element_type3A_1859 = arith.fptosi %mul3A_1858 : vector<16xf32> to vector<16xi32>
    %jit3A_1860 = arith.constant 0 : i32
    %jit3A_1861 = arith.constant 9999 : i32
    %max3A_1862 = vector.broadcast %jit3A_1860 : i32 to vector<16xi32>
    %max3A_1863 = arith.maxsi %max3A_1862, %convert_element_type3A_1859 : vector<16xi32>
    %min3A_1864 = vector.broadcast %jit3A_1861 : i32 to vector<16xi32>
    %min3A_1865 = arith.minsi %min3A_1864, %max3A_1863 : vector<16xi32>
    %swap3A_1866 = arith.constant 96 : index
    %swap3A_1867 = tpu.vector_load %arg22[%swap3A_1866] {strides = array<i32>} : memref<128xi32, #tpu.memory_space<vmem>>, vector<16xi32>,
    %swap3A_1868 = vector.shape_cast %swap3A_1867 : vector<16xi32> to vector<16xi32>
    %swap3A_1869 = vector.shape_cast %min3A_1865 : vector<16xi32> to vector<16xi32>
    tpu.vector_store %arg22[%swap3A_1866], %swap3A_1869 {strides = array<i32>} : memref<128xi32, #tpu.memory_space<vmem>>, vector<16xi32>,
    %mul3A_1870 = arith.constant 1.000000e+04 : f32
    %mul3A_1871 = vector.broadcast %mul3A_1870 : f32 to vector<16xf32>
    %mul3A_1872 = arith.mulf %div3A_1855, %mul3A_1871 : vector<16xf32>
    %convert_element_type3A_1873 = arith.fptosi %mul3A_1872 : vector<16xf32> to vector<16xi32>
    %jit3A_1874 = arith.constant 0 : i32
    %jit3A_1875 = arith.constant 9999 : i32
    %max3A_1876 = vector.broadcast %jit3A_1874 : i32 to vector<16xi32>
    %max3A_1877 = arith.maxsi %max3A_1876, %convert_element_type3A_1873 : vector<16xi32>
    %min3A_1878 = vector.broadcast %jit3A_1875 : i32 to vector<16xi32>
    %min3A_1879 = arith.minsi %min3A_1878, %max3A_1877 : vector<16xi32>
    %swap3A_1880 = arith.constant 96 : index
    %swap3A_1881 = tpu.vector_load %arg26[%swap3A_1880] {strides = array<i32>} : memref<128xi32, #tpu.memory_space<vmem>>, vector<16xi32>,
    %swap3A_1882 = vector.shape_cast %swap3A_1881 : vector<16xi32> to vector<16xi32>
    %swap3A_1883 = vector.shape_cast %min3A_1879 : vector<16xi32> to vector<16xi32>
    tpu.vector_store %arg26[%swap3A_1880], %swap3A_1883 {strides = array<i32>} : memref<128xi32, #tpu.memory_space<vmem>>, vector<16xi32>,
    %get3A_1884 = arith.constant 112 : index
    %get3A_1885 = tpu.vector_load %arg14[%get3A_1884] {strides = array<i32>} : memref<128xf32, #tpu.memory_space<vmem>>, vector<16xf32>,
    %get3A_1886 = vector.shape_cast %get3A_1885 : vector<16xf32> to vector<16xf32>
    %sub3A_1887 = arith.subf %get3A_1886, %min3A_604 : vector<16xf32>
    %div3A_1888 = arith.divf %sub3A_1887, %add3A_619 : vector<16xf32>
    %get3A_1889 = arith.constant 112 : index
    %get3A_1890 = tpu.vector_load %arg18[%get3A_1889] {strides = array<i32>} : memref<128xf32, #tpu.memory_space<vmem>>, vector<16xf32>,
    %get3A_1891 = vector.shape_cast %get3A_1890 : vector<16xf32> to vector<16xf32>
    %sub3A_1892 = arith.subf %get3A_1891, %min3A_612 : vector<16xf32>
    %div3A_1893 = arith.divf %sub3A_1892, %add3A_623 : vector<16xf32>
    %mul3A_1894 = arith.constant 1.000000e+04 : f32
    %mul3A_1895 = vector.broadcast %mul3A_1894 : f32 to vector<16xf32>
    %mul3A_1896 = arith.mulf %div3A_1888, %mul3A_1895 : vector<16xf32>
    %convert_element_type3A_1897 = arith.fptosi %mul3A_1896 : vector<16xf32> to vector<16xi32>
    %jit3A_1898 = arith.constant 0 : i32
    %jit3A_1899 = arith.constant 9999 : i32
    %max3A_1900 = vector.broadcast %jit3A_1898 : i32 to vector<16xi32>
    %max3A_1901 = arith.maxsi %max3A_1900, %convert_element_type3A_1897 : vector<16xi32>
    %min3A_1902 = vector.broadcast %jit3A_1899 : i32 to vector<16xi32>
    %min3A_1903 = arith.minsi %min3A_1902, %max3A_1901 : vector<16xi32>
    %swap3A_1904 = arith.constant 112 : index
    %swap3A_1905 = tpu.vector_load %arg22[%swap3A_1904] {strides = array<i32>} : memref<128xi32, #tpu.memory_space<vmem>>, vector<16xi32>,
    %swap3A_1906 = vector.shape_cast %swap3A_1905 : vector<16xi32> to vector<16xi32>
    %swap3A_1907 = vector.shape_cast %min3A_1903 : vector<16xi32> to vector<16xi32>
    tpu.vector_store %arg22[%swap3A_1904], %swap3A_1907 {strides = array<i32>} : memref<128xi32, #tpu.memory_space<vmem>>, vector<16xi32>,
    %mul3A_1908 = arith.constant 1.000000e+04 : f32
    %mul3A_1909 = vector.broadcast %mul3A_1908 : f32 to vector<16xf32>
    %mul3A_1910 = arith.mulf %div3A_1893, %mul3A_1909 : vector<16xf32>
    %convert_element_type3A_1911 = arith.fptosi %mul3A_1910 : vector<16xf32> to vector<16xi32>
    %jit3A_1912 = arith.constant 0 : i32
    %jit3A_1913 = arith.constant 9999 : i32
    %max3A_1914 = vector.broadcast %jit3A_1912 : i32 to vector<16xi32>
    %max3A_1915 = arith.maxsi %max3A_1914, %convert_element_type3A_1911 : vector<16xi32>
    %min3A_1916 = vector.broadcast %jit3A_1913 : i32 to vector<16xi32>
    %min3A_1917 = arith.minsi %min3A_1916, %max3A_1915 : vector<16xi32>
    %swap3A_1918 = arith.constant 112 : index
    %swap3A_1919 = tpu.vector_load %arg26[%swap3A_1918] {strides = array<i32>} : memref<128xi32, #tpu.memory_space<vmem>>, vector<16xi32>,
    %swap3A_1920 = vector.shape_cast %swap3A_1919 : vector<16xi32> to vector<16xi32>
    %swap3A_1921 = vector.shape_cast %min3A_1917 : vector<16xi32> to vector<16xi32>
    tpu.vector_store %arg26[%swap3A_1918], %swap3A_1921 {strides = array<i32>} : memref<128xi32, #tpu.memory_space<vmem>>, vector<16xi32>,
    %dma_start3A_1922 = arith.constant 0 : i32
    %dma_start3A_1923 = arith.constant 0 : i32
    %dma_start3A_1924 = tpu.memref_slice %arg4[%dma_start3A_1922, %dma_start3A_1923] : memref<10000x64xf32, #tpu.memory_space<hbm>> -> memref<10000x64xf32, #tpu.memory_space<hbm>>
    tpu.enqueue_indirect_dma source(%dma_start3A_1924 : memref<10000x64xf32, #tpu.memory_space<hbm>>) target(%arg30 : memref<128x64xf32, #tpu.memory_space<vmem>>) offsets(%arg22 : memref<128xi32, #tpu.memory_space<vmem>>) semaphore(%arg42 : memref<!tpu.dma_semaphore, #tpu.memory_space<semaphore_mem>>)
    %dma_start3A_1925 = arith.constant 0 : i32
    %dma_start3A_1926 = arith.constant 0 : i32
    %dma_start3A_1927 = tpu.memref_slice %arg4[%dma_start3A_1925, %dma_start3A_1926] : memref<10000x64xf32, #tpu.memory_space<hbm>> -> memref<10000x64xf32, #tpu.memory_space<hbm>>
    tpu.enqueue_indirect_dma source(%dma_start3A_1927 : memref<10000x64xf32, #tpu.memory_space<hbm>>) target(%arg34 : memref<128x64xf32, #tpu.memory_space<vmem>>) offsets(%arg26 : memref<128xi32, #tpu.memory_space<vmem>>) semaphore(%arg42 : memref<!tpu.dma_semaphore, #tpu.memory_space<semaphore_mem>>)
    %add3A_1928 = arith.constant 224 : i32
    %add3A_1929 = arith.addi %add3A, %add3A_1928 : i32
    %min3A_1930 = arith.constant 781 : i32
    %min3A_1931 = arith.minsi %add3A_1929, %min3A_1930 : i32
    %mul3A_1932 = arith.constant 128 : i32
    %mul3A_1933 = arith.muli %min3A_1931, %mul3A_1932 : i32
    %min3A_1934 = arith.constant 99872 : i32
    %min3A_1935 = arith.minsi %mul3A_1933, %min3A_1934 : i32
    %dma_start3A_1936 = tpu.memref_slice %arg2[%min3A_1935] : memref<100000xf32, #tpu.memory_space<hbm>> -> memref<128xf32, #tpu.memory_space<hbm>>
    %dma_start3A_1937 = tpu.memref_slice %arg2[%min3A_1935] : memref<100000xf32, #tpu.memory_space<hbm>> -> memref<128xf32, #tpu.memory_space<hbm>>
    tpu.enqueue_dma source(%dma_start3A_1937 : memref<128xf32, #tpu.memory_space<hbm>>) target(%arg14 : memref<128xf32, #tpu.memory_space<vmem>>) target_semaphore(%arg38 : memref<!tpu.dma_semaphore, #tpu.memory_space<semaphore_mem>>)
    %dma_start3A_1938 = tpu.memref_slice %arg3[%min3A_1935] : memref<100000xf32, #tpu.memory_space<hbm>> -> memref<128xf32, #tpu.memory_space<hbm>>
    %dma_start3A_1939 = tpu.memref_slice %arg3[%min3A_1935] : memref<100000xf32, #tpu.memory_space<hbm>> -> memref<128xf32, #tpu.memory_space<hbm>>
    tpu.enqueue_dma source(%dma_start3A_1939 : memref<128xf32, #tpu.memory_space<hbm>>) target(%arg18 : memref<128xf32, #tpu.memory_space<vmem>>) target_semaphore(%arg38 : memref<!tpu.dma_semaphore, #tpu.memory_space<semaphore_mem>>)
    %dma_wait3A = arith.constant 0 : i32
    %dma_wait3A_1940 = arith.constant 0 : i32
    %dma_wait3A_1941 = tpu.memref_slice %arg4[%dma_wait3A, %dma_wait3A_1940] : memref<10000x64xf32, #tpu.memory_space<hbm>> -> memref<10000x64xf32, #tpu.memory_space<hbm>>
    tpu.wait_indirect_dma semaphore(%arg39 : memref<!tpu.dma_semaphore, #tpu.memory_space<semaphore_mem>>) src(%dma_wait3A_1941 : memref<10000x64xf32, #tpu.memory_space<hbm>>) dst(%arg27 : memref<128x64xf32, #tpu.memory_space<vmem>>)
    %dma_wait3A_1942 = arith.constant 0 : i32
    %dma_wait3A_1943 = arith.constant 0 : i32
    %dma_wait3A_1944 = tpu.memref_slice %arg4[%dma_wait3A_1942, %dma_wait3A_1943] : memref<10000x64xf32, #tpu.memory_space<hbm>> -> memref<10000x64xf32, #tpu.memory_space<hbm>>
    tpu.wait_indirect_dma semaphore(%arg39 : memref<!tpu.dma_semaphore, #tpu.memory_space<semaphore_mem>>) src(%dma_wait3A_1944 : memref<10000x64xf32, #tpu.memory_space<hbm>>) dst(%arg31 : memref<128x64xf32, #tpu.memory_space<vmem>>)
    %add3A_1945 = arith.constant 0 : i32
    %add3A_1946 = arith.addi %add3A, %add3A_1945 : i32
    %min3A_1947 = arith.constant 781 : i32
    %min3A_1948 = arith.minsi %add3A_1946, %min3A_1947 : i32
    %mul3A_1949 = arith.constant 128 : i32
    %mul3A_1950 = arith.muli %min3A_1948, %mul3A_1949 : i32
    %min3A_1951 = arith.constant 99872 : i32
    %min3A_1952 = arith.minsi %mul3A_1950, %min3A_1951 : i32
    %dma_start3A_1953 = arith.constant 0 : i32
    %dma_start3A_1954 = tpu.memref_slice %arg5[%min3A_1952, %dma_start3A_1953] : memref<100000x128xf32, #tpu.memory_space<hbm>> -> memref<128x64xf32, #tpu.memory_space<hbm>>
    %dma_start3A_1955 = arith.constant 0 : i32
    %dma_start3A_1956 = tpu.memref_slice %arg5[%min3A_1952, %dma_start3A_1955] : memref<100000x128xf32, #tpu.memory_space<hbm>> -> memref<128x64xf32, #tpu.memory_space<hbm>>
    tpu.enqueue_dma source(%arg27 : memref<128x64xf32, #tpu.memory_space<vmem>>) target(%dma_start3A_1956 : memref<128x64xf32, #tpu.memory_space<hbm>>) target_semaphore(%arg43 : memref<!tpu.dma_semaphore, #tpu.memory_space<semaphore_mem>>)
    %dma_start3A_1957 = arith.constant 64 : i32
    %dma_start3A_1958 = tpu.memref_slice %arg5[%min3A_1952, %dma_start3A_1957] : memref<100000x128xf32, #tpu.memory_space<hbm>> -> memref<128x64xf32, #tpu.memory_space<hbm>>
    %dma_start3A_1959 = arith.constant 64 : i32
    %dma_start3A_1960 = tpu.memref_slice %arg5[%min3A_1952, %dma_start3A_1959] : memref<100000x128xf32, #tpu.memory_space<hbm>> -> memref<128x64xf32, #tpu.memory_space<hbm>>
    tpu.enqueue_dma source(%arg31 : memref<128x64xf32, #tpu.memory_space<vmem>>) target(%dma_start3A_1960 : memref<128x64xf32, #tpu.memory_space<hbm>>) target_semaphore(%arg43 : memref<!tpu.dma_semaphore, #tpu.memory_space<semaphore_mem>>)
    %dma_wait3A_1961 = arith.constant 0 : i32
    %dma_wait3A_1962 = arith.constant 0 : i32
    %dma_wait3A_1963 = tpu.memref_slice %arg4[%dma_wait3A_1961, %dma_wait3A_1962] : memref<10000x64xf32, #tpu.memory_space<hbm>> -> memref<10000x64xf32, #tpu.memory_space<hbm>>
    tpu.wait_indirect_dma semaphore(%arg40 : memref<!tpu.dma_semaphore, #tpu.memory_space<semaphore_mem>>) src(%dma_wait3A_1963 : memref<10000x64xf32, #tpu.memory_space<hbm>>) dst(%arg28 : memref<128x64xf32, #tpu.memory_space<vmem>>)
    %dma_wait3A_1964 = arith.constant 0 : i32
    %dma_wait3A_1965 = arith.constant 0 : i32
    %dma_wait3A_1966 = tpu.memref_slice %arg4[%dma_wait3A_1964, %dma_wait3A_1965] : memref<10000x64xf32, #tpu.memory_space<hbm>> -> memref<10000x64xf32, #tpu.memory_space<hbm>>
    tpu.wait_indirect_dma semaphore(%arg40 : memref<!tpu.dma_semaphore, #tpu.memory_space<semaphore_mem>>) src(%dma_wait3A_1966 : memref<10000x64xf32, #tpu.memory_space<hbm>>) dst(%arg32 : memref<128x64xf32, #tpu.memory_space<vmem>>)
    %add3A_1967 = arith.constant 32 : i32
    %add3A_1968 = arith.addi %add3A, %add3A_1967 : i32
    %min3A_1969 = arith.constant 781 : i32
    %min3A_1970 = arith.minsi %add3A_1968, %min3A_1969 : i32
    %mul3A_1971 = arith.constant 128 : i32
    %mul3A_1972 = arith.muli %min3A_1970, %mul3A_1971 : i32
    %min3A_1973 = arith.constant 99872 : i32
    %min3A_1974 = arith.minsi %mul3A_1972, %min3A_1973 : i32
    %dma_start3A_1975 = arith.constant 0 : i32
    %dma_start3A_1976 = tpu.memref_slice %arg5[%min3A_1974, %dma_start3A_1975] : memref<100000x128xf32, #tpu.memory_space<hbm>> -> memref<128x64xf32, #tpu.memory_space<hbm>>
    %dma_start3A_1977 = arith.constant 0 : i32
    %dma_start3A_1978 = tpu.memref_slice %arg5[%min3A_1974, %dma_start3A_1977] : memref<100000x128xf32, #tpu.memory_space<hbm>> -> memref<128x64xf32, #tpu.memory_space<hbm>>
    tpu.enqueue_dma source(%arg28 : memref<128x64xf32, #tpu.memory_space<vmem>>) target(%dma_start3A_1978 : memref<128x64xf32, #tpu.memory_space<hbm>>) target_semaphore(%arg44 : memref<!tpu.dma_semaphore, #tpu.memory_space<semaphore_mem>>)
    %dma_start3A_1979 = arith.constant 64 : i32
    %dma_start3A_1980 = tpu.memref_slice %arg5[%min3A_1974, %dma_start3A_1979] : memref<100000x128xf32, #tpu.memory_space<hbm>> -> memref<128x64xf32, #tpu.memory_space<hbm>>
    %dma_start3A_1981 = arith.constant 64 : i32
    %dma_start3A_1982 = tpu.memref_slice %arg5[%min3A_1974, %dma_start3A_1981] : memref<100000x128xf32, #tpu.memory_space<hbm>> -> memref<128x64xf32, #tpu.memory_space<hbm>>
    tpu.enqueue_dma source(%arg32 : memref<128x64xf32, #tpu.memory_space<vmem>>) target(%dma_start3A_1982 : memref<128x64xf32, #tpu.memory_space<hbm>>) target_semaphore(%arg44 : memref<!tpu.dma_semaphore, #tpu.memory_space<semaphore_mem>>)
    %scan3A_1983 = arith.constant 0 : i32
    %scan3A_1984 = arith.constant 0 : i32
    %scan3A_1985 = arith.constant 6 : i32
    %scan3A_1986 = arith.addi %scan3A_1984, %scan3A_1985 : i32
    %scan3A_1987 = arith.constant 1 : i32
    scf.for %scan3A_2113 = %scan3A_1984 to %scan3A_1986 step %scan3A_1987  : i32 {
      %mul3A_2114 = arith.constant 4 : i32
      %mul3A_2115 = arith.muli %mul3A_2114, %scan3A_2113 : i32
      %add3A_2116 = arith.constant 4 : i32
      %add3A_2117 = arith.addi %add3A_2116, %mul3A_2115 : i32
      %add3A_2118 = arith.constant 0 : i32
      %add3A_2119 = arith.addi %add3A_2117, %add3A_2118 : i32
      %dma_wait3A_2120 = arith.constant 0 : i32
      %dma_wait3A_2121 = tpu.memref_slice %arg2[%dma_wait3A_2120] : memref<100000xf32, #tpu.memory_space<hbm>> -> memref<128xf32, #tpu.memory_space<hbm>>
      %dma_wait3A_2122 = arith.constant 0 : i32
      %dma_wait3A_2123 = tpu.memref_slice %arg2[%dma_wait3A_2122] : memref<100000xf32, #tpu.memory_space<hbm>> -> memref<128xf32, #tpu.memory_space<hbm>>
      tpu.wait_dma2 semaphore(%arg35 : memref<!tpu.dma_semaphore, #tpu.memory_space<semaphore_mem>>) src(%dma_wait3A_2123 : memref<128xf32, #tpu.memory_space<hbm>>) dst(%arg11 : memref<128xf32, #tpu.memory_space<vmem>>)
      %dma_wait3A_2124 = arith.constant 0 : i32
      %dma_wait3A_2125 = tpu.memref_slice %arg3[%dma_wait3A_2124] : memref<100000xf32, #tpu.memory_space<hbm>> -> memref<128xf32, #tpu.memory_space<hbm>>
      %dma_wait3A_2126 = arith.constant 0 : i32
      %dma_wait3A_2127 = tpu.memref_slice %arg3[%dma_wait3A_2126] : memref<100000xf32, #tpu.memory_space<hbm>> -> memref<128xf32, #tpu.memory_space<hbm>>
      tpu.wait_dma2 semaphore(%arg35 : memref<!tpu.dma_semaphore, #tpu.memory_space<semaphore_mem>>) src(%dma_wait3A_2127 : memref<128xf32, #tpu.memory_space<hbm>>) dst(%arg15 : memref<128xf32, #tpu.memory_space<vmem>>)
      %get3A_2128 = arith.constant 0 : index
      %get3A_2129 = tpu.vector_load %arg11[%get3A_2128] {strides = array<i32>} : memref<128xf32, #tpu.memory_space<vmem>>, vector<16xf32>,
      %get3A_2130 = vector.shape_cast %get3A_2129 : vector<16xf32> to vector<16xf32>
      %sub3A_2131 = arith.subf %get3A_2130, %min3A_604 : vector<16xf32>
      %div3A_2132 = arith.divf %sub3A_2131, %add3A_619 : vector<16xf32>
      %get3A_2133 = arith.constant 0 : index
      %get3A_2134 = tpu.vector_load %arg15[%get3A_2133] {strides = array<i32>} : memref<128xf32, #tpu.memory_space<vmem>>, vector<16xf32>,
      %get3A_2135 = vector.shape_cast %get3A_2134 : vector<16xf32> to vector<16xf32>
      %sub3A_2136 = arith.subf %get3A_2135, %min3A_612 : vector<16xf32>
      %div3A_2137 = arith.divf %sub3A_2136, %add3A_623 : vector<16xf32>
      %mul3A_2138 = arith.constant 1.000000e+04 : f32
      %mul3A_2139 = vector.broadcast %mul3A_2138 : f32 to vector<16xf32>
      %mul3A_2140 = arith.mulf %div3A_2132, %mul3A_2139 : vector<16xf32>
      %convert_element_type3A_2141 = arith.fptosi %mul3A_2140 : vector<16xf32> to vector<16xi32>
      %jit3A_2142 = arith.constant 0 : i32
      %jit3A_2143 = arith.constant 9999 : i32
      %max3A_2144 = vector.broadcast %jit3A_2142 : i32 to vector<16xi32>
      %max3A_2145 = arith.maxsi %max3A_2144, %convert_element_type3A_2141 : vector<16xi32>
      %min3A_2146 = vector.broadcast %jit3A_2143 : i32 to vector<16xi32>
      %min3A_2147 = arith.minsi %min3A_2146, %max3A_2145 : vector<16xi32>
      %swap3A_2148 = arith.constant 0 : index
      %swap3A_2149 = tpu.vector_load %arg19[%swap3A_2148] {strides = array<i32>} : memref<128xi32, #tpu.memory_space<vmem>>, vector<16xi32>,
      %swap3A_2150 = vector.shape_cast %swap3A_2149 : vector<16xi32> to vector<16xi32>
      %swap3A_2151 = vector.shape_cast %min3A_2147 : vector<16xi32> to vector<16xi32>
      tpu.vector_store %arg19[%swap3A_2148], %swap3A_2151 {strides = array<i32>} : memref<128xi32, #tpu.memory_space<vmem>>, vector<16xi32>,
      %mul3A_2152 = arith.constant 1.000000e+04 : f32
      %mul3A_2153 = vector.broadcast %mul3A_2152 : f32 to vector<16xf32>
      %mul3A_2154 = arith.mulf %div3A_2137, %mul3A_2153 : vector<16xf32>
      %convert_element_type3A_2155 = arith.fptosi %mul3A_2154 : vector<16xf32> to vector<16xi32>
      %jit3A_2156 = arith.constant 0 : i32
      %jit3A_2157 = arith.constant 9999 : i32
      %max3A_2158 = vector.broadcast %jit3A_2156 : i32 to vector<16xi32>
      %max3A_2159 = arith.maxsi %max3A_2158, %convert_element_type3A_2155 : vector<16xi32>
      %min3A_2160 = vector.broadcast %jit3A_2157 : i32 to vector<16xi32>
      %min3A_2161 = arith.minsi %min3A_2160, %max3A_2159 : vector<16xi32>
      %swap3A_2162 = arith.constant 0 : index
      %swap3A_2163 = tpu.vector_load %arg23[%swap3A_2162] {strides = array<i32>} : memref<128xi32, #tpu.memory_space<vmem>>, vector<16xi32>,
      %swap3A_2164 = vector.shape_cast %swap3A_2163 : vector<16xi32> to vector<16xi32>
      %swap3A_2165 = vector.shape_cast %min3A_2161 : vector<16xi32> to vector<16xi32>
      tpu.vector_store %arg23[%swap3A_2162], %swap3A_2165 {strides = array<i32>} : memref<128xi32, #tpu.memory_space<vmem>>, vector<16xi32>,
      %get3A_2166 = arith.constant 16 : index
      %get3A_2167 = tpu.vector_load %arg11[%get3A_2166] {strides = array<i32>} : memref<128xf32, #tpu.memory_space<vmem>>, vector<16xf32>,
      %get3A_2168 = vector.shape_cast %get3A_2167 : vector<16xf32> to vector<16xf32>
      %sub3A_2169 = arith.subf %get3A_2168, %min3A_604 : vector<16xf32>
      %div3A_2170 = arith.divf %sub3A_2169, %add3A_619 : vector<16xf32>
      %get3A_2171 = arith.constant 16 : index
      %get3A_2172 = tpu.vector_load %arg15[%get3A_2171] {strides = array<i32>} : memref<128xf32, #tpu.memory_space<vmem>>, vector<16xf32>,
      %get3A_2173 = vector.shape_cast %get3A_2172 : vector<16xf32> to vector<16xf32>
      %sub3A_2174 = arith.subf %get3A_2173, %min3A_612 : vector<16xf32>
      %div3A_2175 = arith.divf %sub3A_2174, %add3A_623 : vector<16xf32>
      %mul3A_2176 = arith.constant 1.000000e+04 : f32
      %mul3A_2177 = vector.broadcast %mul3A_2176 : f32 to vector<16xf32>
      %mul3A_2178 = arith.mulf %div3A_2170, %mul3A_2177 : vector<16xf32>
      %convert_element_type3A_2179 = arith.fptosi %mul3A_2178 : vector<16xf32> to vector<16xi32>
      %jit3A_2180 = arith.constant 0 : i32
      %jit3A_2181 = arith.constant 9999 : i32
      %max3A_2182 = vector.broadcast %jit3A_2180 : i32 to vector<16xi32>
      %max3A_2183 = arith.maxsi %max3A_2182, %convert_element_type3A_2179 : vector<16xi32>
      %min3A_2184 = vector.broadcast %jit3A_2181 : i32 to vector<16xi32>
      %min3A_2185 = arith.minsi %min3A_2184, %max3A_2183 : vector<16xi32>
      %swap3A_2186 = arith.constant 16 : index
      %swap3A_2187 = tpu.vector_load %arg19[%swap3A_2186] {strides = array<i32>} : memref<128xi32, #tpu.memory_space<vmem>>, vector<16xi32>,
      %swap3A_2188 = vector.shape_cast %swap3A_2187 : vector<16xi32> to vector<16xi32>
      %swap3A_2189 = vector.shape_cast %min3A_2185 : vector<16xi32> to vector<16xi32>
      tpu.vector_store %arg19[%swap3A_2186], %swap3A_2189 {strides = array<i32>} : memref<128xi32, #tpu.memory_space<vmem>>, vector<16xi32>,
      %mul3A_2190 = arith.constant 1.000000e+04 : f32
      %mul3A_2191 = vector.broadcast %mul3A_2190 : f32 to vector<16xf32>
      %mul3A_2192 = arith.mulf %div3A_2175, %mul3A_2191 : vector<16xf32>
      %convert_element_type3A_2193 = arith.fptosi %mul3A_2192 : vector<16xf32> to vector<16xi32>
      %jit3A_2194 = arith.constant 0 : i32
      %jit3A_2195 = arith.constant 9999 : i32
      %max3A_2196 = vector.broadcast %jit3A_2194 : i32 to vector<16xi32>
      %max3A_2197 = arith.maxsi %max3A_2196, %convert_element_type3A_2193 : vector<16xi32>
      %min3A_2198 = vector.broadcast %jit3A_2195 : i32 to vector<16xi32>
      %min3A_2199 = arith.minsi %min3A_2198, %max3A_2197 : vector<16xi32>
      %swap3A_2200 = arith.constant 16 : index
      %swap3A_2201 = tpu.vector_load %arg23[%swap3A_2200] {strides = array<i32>} : memref<128xi32, #tpu.memory_space<vmem>>, vector<16xi32>,
      %swap3A_2202 = vector.shape_cast %swap3A_2201 : vector<16xi32> to vector<16xi32>
      %swap3A_2203 = vector.shape_cast %min3A_2199 : vector<16xi32> to vector<16xi32>
      tpu.vector_store %arg23[%swap3A_2200], %swap3A_2203 {strides = array<i32>} : memref<128xi32, #tpu.memory_space<vmem>>, vector<16xi32>,
      %get3A_2204 = arith.constant 32 : index
      %get3A_2205 = tpu.vector_load %arg11[%get3A_2204] {strides = array<i32>} : memref<128xf32, #tpu.memory_space<vmem>>, vector<16xf32>,
      %get3A_2206 = vector.shape_cast %get3A_2205 : vector<16xf32> to vector<16xf32>
      %sub3A_2207 = arith.subf %get3A_2206, %min3A_604 : vector<16xf32>
      %div3A_2208 = arith.divf %sub3A_2207, %add3A_619 : vector<16xf32>
      %get3A_2209 = arith.constant 32 : index
      %get3A_2210 = tpu.vector_load %arg15[%get3A_2209] {strides = array<i32>} : memref<128xf32, #tpu.memory_space<vmem>>, vector<16xf32>,
      %get3A_2211 = vector.shape_cast %get3A_2210 : vector<16xf32> to vector<16xf32>
      %sub3A_2212 = arith.subf %get3A_2211, %min3A_612 : vector<16xf32>
      %div3A_2213 = arith.divf %sub3A_2212, %add3A_623 : vector<16xf32>
      %mul3A_2214 = arith.constant 1.000000e+04 : f32
      %mul3A_2215 = vector.broadcast %mul3A_2214 : f32 to vector<16xf32>
      %mul3A_2216 = arith.mulf %div3A_2208, %mul3A_2215 : vector<16xf32>
      %convert_element_type3A_2217 = arith.fptosi %mul3A_2216 : vector<16xf32> to vector<16xi32>
      %jit3A_2218 = arith.constant 0 : i32
      %jit3A_2219 = arith.constant 9999 : i32
      %max3A_2220 = vector.broadcast %jit3A_2218 : i32 to vector<16xi32>
      %max3A_2221 = arith.maxsi %max3A_2220, %convert_element_type3A_2217 : vector<16xi32>
      %min3A_2222 = vector.broadcast %jit3A_2219 : i32 to vector<16xi32>
      %min3A_2223 = arith.minsi %min3A_2222, %max3A_2221 : vector<16xi32>
      %swap3A_2224 = arith.constant 32 : index
      %swap3A_2225 = tpu.vector_load %arg19[%swap3A_2224] {strides = array<i32>} : memref<128xi32, #tpu.memory_space<vmem>>, vector<16xi32>,
      %swap3A_2226 = vector.shape_cast %swap3A_2225 : vector<16xi32> to vector<16xi32>
      %swap3A_2227 = vector.shape_cast %min3A_2223 : vector<16xi32> to vector<16xi32>
      tpu.vector_store %arg19[%swap3A_2224], %swap3A_2227 {strides = array<i32>} : memref<128xi32, #tpu.memory_space<vmem>>, vector<16xi32>,
      %mul3A_2228 = arith.constant 1.000000e+04 : f32
      %mul3A_2229 = vector.broadcast %mul3A_2228 : f32 to vector<16xf32>
      %mul3A_2230 = arith.mulf %div3A_2213, %mul3A_2229 : vector<16xf32>
      %convert_element_type3A_2231 = arith.fptosi %mul3A_2230 : vector<16xf32> to vector<16xi32>
      %jit3A_2232 = arith.constant 0 : i32
      %jit3A_2233 = arith.constant 9999 : i32
      %max3A_2234 = vector.broadcast %jit3A_2232 : i32 to vector<16xi32>
      %max3A_2235 = arith.maxsi %max3A_2234, %convert_element_type3A_2231 : vector<16xi32>
      %min3A_2236 = vector.broadcast %jit3A_2233 : i32 to vector<16xi32>
      %min3A_2237 = arith.minsi %min3A_2236, %max3A_2235 : vector<16xi32>
      %swap3A_2238 = arith.constant 32 : index
      %swap3A_2239 = tpu.vector_load %arg23[%swap3A_2238] {strides = array<i32>} : memref<128xi32, #tpu.memory_space<vmem>>, vector<16xi32>,
      %swap3A_2240 = vector.shape_cast %swap3A_2239 : vector<16xi32> to vector<16xi32>
      %swap3A_2241 = vector.shape_cast %min3A_2237 : vector<16xi32> to vector<16xi32>
      tpu.vector_store %arg23[%swap3A_2238], %swap3A_2241 {strides = array<i32>} : memref<128xi32, #tpu.memory_space<vmem>>, vector<16xi32>,
      %get3A_2242 = arith.constant 48 : index
      %get3A_2243 = tpu.vector_load %arg11[%get3A_2242] {strides = array<i32>} : memref<128xf32, #tpu.memory_space<vmem>>, vector<16xf32>,
      %get3A_2244 = vector.shape_cast %get3A_2243 : vector<16xf32> to vector<16xf32>
      %sub3A_2245 = arith.subf %get3A_2244, %min3A_604 : vector<16xf32>
      %div3A_2246 = arith.divf %sub3A_2245, %add3A_619 : vector<16xf32>
      %get3A_2247 = arith.constant 48 : index
      %get3A_2248 = tpu.vector_load %arg15[%get3A_2247] {strides = array<i32>} : memref<128xf32, #tpu.memory_space<vmem>>, vector<16xf32>,
      %get3A_2249 = vector.shape_cast %get3A_2248 : vector<16xf32> to vector<16xf32>
      %sub3A_2250 = arith.subf %get3A_2249, %min3A_612 : vector<16xf32>
      %div3A_2251 = arith.divf %sub3A_2250, %add3A_623 : vector<16xf32>
      %mul3A_2252 = arith.constant 1.000000e+04 : f32
      %mul3A_2253 = vector.broadcast %mul3A_2252 : f32 to vector<16xf32>
      %mul3A_2254 = arith.mulf %div3A_2246, %mul3A_2253 : vector<16xf32>
      %convert_element_type3A_2255 = arith.fptosi %mul3A_2254 : vector<16xf32> to vector<16xi32>
      %jit3A_2256 = arith.constant 0 : i32
      %jit3A_2257 = arith.constant 9999 : i32
      %max3A_2258 = vector.broadcast %jit3A_2256 : i32 to vector<16xi32>
      %max3A_2259 = arith.maxsi %max3A_2258, %convert_element_type3A_2255 : vector<16xi32>
      %min3A_2260 = vector.broadcast %jit3A_2257 : i32 to vector<16xi32>
      %min3A_2261 = arith.minsi %min3A_2260, %max3A_2259 : vector<16xi32>
      %swap3A_2262 = arith.constant 48 : index
      %swap3A_2263 = tpu.vector_load %arg19[%swap3A_2262] {strides = array<i32>} : memref<128xi32, #tpu.memory_space<vmem>>, vector<16xi32>,
      %swap3A_2264 = vector.shape_cast %swap3A_2263 : vector<16xi32> to vector<16xi32>
      %swap3A_2265 = vector.shape_cast %min3A_2261 : vector<16xi32> to vector<16xi32>
      tpu.vector_store %arg19[%swap3A_2262], %swap3A_2265 {strides = array<i32>} : memref<128xi32, #tpu.memory_space<vmem>>, vector<16xi32>,
      %mul3A_2266 = arith.constant 1.000000e+04 : f32
      %mul3A_2267 = vector.broadcast %mul3A_2266 : f32 to vector<16xf32>
      %mul3A_2268 = arith.mulf %div3A_2251, %mul3A_2267 : vector<16xf32>
      %convert_element_type3A_2269 = arith.fptosi %mul3A_2268 : vector<16xf32> to vector<16xi32>
      %jit3A_2270 = arith.constant 0 : i32
      %jit3A_2271 = arith.constant 9999 : i32
      %max3A_2272 = vector.broadcast %jit3A_2270 : i32 to vector<16xi32>
      %max3A_2273 = arith.maxsi %max3A_2272, %convert_element_type3A_2269 : vector<16xi32>
      %min3A_2274 = vector.broadcast %jit3A_2271 : i32 to vector<16xi32>
      %min3A_2275 = arith.minsi %min3A_2274, %max3A_2273 : vector<16xi32>
      %swap3A_2276 = arith.constant 48 : index
      %swap3A_2277 = tpu.vector_load %arg23[%swap3A_2276] {strides = array<i32>} : memref<128xi32, #tpu.memory_space<vmem>>, vector<16xi32>,
      %swap3A_2278 = vector.shape_cast %swap3A_2277 : vector<16xi32> to vector<16xi32>
      %swap3A_2279 = vector.shape_cast %min3A_2275 : vector<16xi32> to vector<16xi32>
      tpu.vector_store %arg23[%swap3A_2276], %swap3A_2279 {strides = array<i32>} : memref<128xi32, #tpu.memory_space<vmem>>, vector<16xi32>,
      %get3A_2280 = arith.constant 64 : index
      %get3A_2281 = tpu.vector_load %arg11[%get3A_2280] {strides = array<i32>} : memref<128xf32, #tpu.memory_space<vmem>>, vector<16xf32>,
      %get3A_2282 = vector.shape_cast %get3A_2281 : vector<16xf32> to vector<16xf32>
      %sub3A_2283 = arith.subf %get3A_2282, %min3A_604 : vector<16xf32>
      %div3A_2284 = arith.divf %sub3A_2283, %add3A_619 : vector<16xf32>
      %get3A_2285 = arith.constant 64 : index
      %get3A_2286 = tpu.vector_load %arg15[%get3A_2285] {strides = array<i32>} : memref<128xf32, #tpu.memory_space<vmem>>, vector<16xf32>,
      %get3A_2287 = vector.shape_cast %get3A_2286 : vector<16xf32> to vector<16xf32>
      %sub3A_2288 = arith.subf %get3A_2287, %min3A_612 : vector<16xf32>
      %div3A_2289 = arith.divf %sub3A_2288, %add3A_623 : vector<16xf32>
      %mul3A_2290 = arith.constant 1.000000e+04 : f32
      %mul3A_2291 = vector.broadcast %mul3A_2290 : f32 to vector<16xf32>
      %mul3A_2292 = arith.mulf %div3A_2284, %mul3A_2291 : vector<16xf32>
      %convert_element_type3A_2293 = arith.fptosi %mul3A_2292 : vector<16xf32> to vector<16xi32>
      %jit3A_2294 = arith.constant 0 : i32
      %jit3A_2295 = arith.constant 9999 : i32
      %max3A_2296 = vector.broadcast %jit3A_2294 : i32 to vector<16xi32>
      %max3A_2297 = arith.maxsi %max3A_2296, %convert_element_type3A_2293 : vector<16xi32>
      %min3A_2298 = vector.broadcast %jit3A_2295 : i32 to vector<16xi32>
      %min3A_2299 = arith.minsi %min3A_2298, %max3A_2297 : vector<16xi32>
      %swap3A_2300 = arith.constant 64 : index
      %swap3A_2301 = tpu.vector_load %arg19[%swap3A_2300] {strides = array<i32>} : memref<128xi32, #tpu.memory_space<vmem>>, vector<16xi32>,
      %swap3A_2302 = vector.shape_cast %swap3A_2301 : vector<16xi32> to vector<16xi32>
      %swap3A_2303 = vector.shape_cast %min3A_2299 : vector<16xi32> to vector<16xi32>
      tpu.vector_store %arg19[%swap3A_2300], %swap3A_2303 {strides = array<i32>} : memref<128xi32, #tpu.memory_space<vmem>>, vector<16xi32>,
      %mul3A_2304 = arith.constant 1.000000e+04 : f32
      %mul3A_2305 = vector.broadcast %mul3A_2304 : f32 to vector<16xf32>
      %mul3A_2306 = arith.mulf %div3A_2289, %mul3A_2305 : vector<16xf32>
      %convert_element_type3A_2307 = arith.fptosi %mul3A_2306 : vector<16xf32> to vector<16xi32>
      %jit3A_2308 = arith.constant 0 : i32
      %jit3A_2309 = arith.constant 9999 : i32
      %max3A_2310 = vector.broadcast %jit3A_2308 : i32 to vector<16xi32>
      %max3A_2311 = arith.maxsi %max3A_2310, %convert_element_type3A_2307 : vector<16xi32>
      %min3A_2312 = vector.broadcast %jit3A_2309 : i32 to vector<16xi32>
      %min3A_2313 = arith.minsi %min3A_2312, %max3A_2311 : vector<16xi32>
      %swap3A_2314 = arith.constant 64 : index
      %swap3A_2315 = tpu.vector_load %arg23[%swap3A_2314] {strides = array<i32>} : memref<128xi32, #tpu.memory_space<vmem>>, vector<16xi32>,
      %swap3A_2316 = vector.shape_cast %swap3A_2315 : vector<16xi32> to vector<16xi32>
      %swap3A_2317 = vector.shape_cast %min3A_2313 : vector<16xi32> to vector<16xi32>
      tpu.vector_store %arg23[%swap3A_2314], %swap3A_2317 {strides = array<i32>} : memref<128xi32, #tpu.memory_space<vmem>>, vector<16xi32>,
      %get3A_2318 = arith.constant 80 : index
      %get3A_2319 = tpu.vector_load %arg11[%get3A_2318] {strides = array<i32>} : memref<128xf32, #tpu.memory_space<vmem>>, vector<16xf32>,
      %get3A_2320 = vector.shape_cast %get3A_2319 : vector<16xf32> to vector<16xf32>
      %sub3A_2321 = arith.subf %get3A_2320, %min3A_604 : vector<16xf32>
      %div3A_2322 = arith.divf %sub3A_2321, %add3A_619 : vector<16xf32>
      %get3A_2323 = arith.constant 80 : index
      %get3A_2324 = tpu.vector_load %arg15[%get3A_2323] {strides = array<i32>} : memref<128xf32, #tpu.memory_space<vmem>>, vector<16xf32>,
      %get3A_2325 = vector.shape_cast %get3A_2324 : vector<16xf32> to vector<16xf32>
      %sub3A_2326 = arith.subf %get3A_2325, %min3A_612 : vector<16xf32>
      %div3A_2327 = arith.divf %sub3A_2326, %add3A_623 : vector<16xf32>
      %mul3A_2328 = arith.constant 1.000000e+04 : f32
      %mul3A_2329 = vector.broadcast %mul3A_2328 : f32 to vector<16xf32>
      %mul3A_2330 = arith.mulf %div3A_2322, %mul3A_2329 : vector<16xf32>
      %convert_element_type3A_2331 = arith.fptosi %mul3A_2330 : vector<16xf32> to vector<16xi32>
      %jit3A_2332 = arith.constant 0 : i32
      %jit3A_2333 = arith.constant 9999 : i32
      %max3A_2334 = vector.broadcast %jit3A_2332 : i32 to vector<16xi32>
      %max3A_2335 = arith.maxsi %max3A_2334, %convert_element_type3A_2331 : vector<16xi32>
      %min3A_2336 = vector.broadcast %jit3A_2333 : i32 to vector<16xi32>
      %min3A_2337 = arith.minsi %min3A_2336, %max3A_2335 : vector<16xi32>
      %swap3A_2338 = arith.constant 80 : index
      %swap3A_2339 = tpu.vector_load %arg19[%swap3A_2338] {strides = array<i32>} : memref<128xi32, #tpu.memory_space<vmem>>, vector<16xi32>,
      %swap3A_2340 = vector.shape_cast %swap3A_2339 : vector<16xi32> to vector<16xi32>
      %swap3A_2341 = vector.shape_cast %min3A_2337 : vector<16xi32> to vector<16xi32>
      tpu.vector_store %arg19[%swap3A_2338], %swap3A_2341 {strides = array<i32>} : memref<128xi32, #tpu.memory_space<vmem>>, vector<16xi32>,
      %mul3A_2342 = arith.constant 1.000000e+04 : f32
      %mul3A_2343 = vector.broadcast %mul3A_2342 : f32 to vector<16xf32>
      %mul3A_2344 = arith.mulf %div3A_2327, %mul3A_2343 : vector<16xf32>
      %convert_element_type3A_2345 = arith.fptosi %mul3A_2344 : vector<16xf32> to vector<16xi32>
      %jit3A_2346 = arith.constant 0 : i32
      %jit3A_2347 = arith.constant 9999 : i32
      %max3A_2348 = vector.broadcast %jit3A_2346 : i32 to vector<16xi32>
      %max3A_2349 = arith.maxsi %max3A_2348, %convert_element_type3A_2345 : vector<16xi32>
      %min3A_2350 = vector.broadcast %jit3A_2347 : i32 to vector<16xi32>
      %min3A_2351 = arith.minsi %min3A_2350, %max3A_2349 : vector<16xi32>
      %swap3A_2352 = arith.constant 80 : index
      %swap3A_2353 = tpu.vector_load %arg23[%swap3A_2352] {strides = array<i32>} : memref<128xi32, #tpu.memory_space<vmem>>, vector<16xi32>,
      %swap3A_2354 = vector.shape_cast %swap3A_2353 : vector<16xi32> to vector<16xi32>
      %swap3A_2355 = vector.shape_cast %min3A_2351 : vector<16xi32> to vector<16xi32>
      tpu.vector_store %arg23[%swap3A_2352], %swap3A_2355 {strides = array<i32>} : memref<128xi32, #tpu.memory_space<vmem>>, vector<16xi32>,
      %get3A_2356 = arith.constant 96 : index
      %get3A_2357 = tpu.vector_load %arg11[%get3A_2356] {strides = array<i32>} : memref<128xf32, #tpu.memory_space<vmem>>, vector<16xf32>,
      %get3A_2358 = vector.shape_cast %get3A_2357 : vector<16xf32> to vector<16xf32>
      %sub3A_2359 = arith.subf %get3A_2358, %min3A_604 : vector<16xf32>
      %div3A_2360 = arith.divf %sub3A_2359, %add3A_619 : vector<16xf32>
      %get3A_2361 = arith.constant 96 : index
      %get3A_2362 = tpu.vector_load %arg15[%get3A_2361] {strides = array<i32>} : memref<128xf32, #tpu.memory_space<vmem>>, vector<16xf32>,
      %get3A_2363 = vector.shape_cast %get3A_2362 : vector<16xf32> to vector<16xf32>
      %sub3A_2364 = arith.subf %get3A_2363, %min3A_612 : vector<16xf32>
      %div3A_2365 = arith.divf %sub3A_2364, %add3A_623 : vector<16xf32>
      %mul3A_2366 = arith.constant 1.000000e+04 : f32
      %mul3A_2367 = vector.broadcast %mul3A_2366 : f32 to vector<16xf32>
      %mul3A_2368 = arith.mulf %div3A_2360, %mul3A_2367 : vector<16xf32>
      %convert_element_type3A_2369 = arith.fptosi %mul3A_2368 : vector<16xf32> to vector<16xi32>
      %jit3A_2370 = arith.constant 0 : i32
      %jit3A_2371 = arith.constant 9999 : i32
      %max3A_2372 = vector.broadcast %jit3A_2370 : i32 to vector<16xi32>
      %max3A_2373 = arith.maxsi %max3A_2372, %convert_element_type3A_2369 : vector<16xi32>
      %min3A_2374 = vector.broadcast %jit3A_2371 : i32 to vector<16xi32>
      %min3A_2375 = arith.minsi %min3A_2374, %max3A_2373 : vector<16xi32>
      %swap3A_2376 = arith.constant 96 : index
      %swap3A_2377 = tpu.vector_load %arg19[%swap3A_2376] {strides = array<i32>} : memref<128xi32, #tpu.memory_space<vmem>>, vector<16xi32>,
      %swap3A_2378 = vector.shape_cast %swap3A_2377 : vector<16xi32> to vector<16xi32>
      %swap3A_2379 = vector.shape_cast %min3A_2375 : vector<16xi32> to vector<16xi32>
      tpu.vector_store %arg19[%swap3A_2376], %swap3A_2379 {strides = array<i32>} : memref<128xi32, #tpu.memory_space<vmem>>, vector<16xi32>,
      %mul3A_2380 = arith.constant 1.000000e+04 : f32
      %mul3A_2381 = vector.broadcast %mul3A_2380 : f32 to vector<16xf32>
      %mul3A_2382 = arith.mulf %div3A_2365, %mul3A_2381 : vector<16xf32>
      %convert_element_type3A_2383 = arith.fptosi %mul3A_2382 : vector<16xf32> to vector<16xi32>
      %jit3A_2384 = arith.constant 0 : i32
      %jit3A_2385 = arith.constant 9999 : i32
      %max3A_2386 = vector.broadcast %jit3A_2384 : i32 to vector<16xi32>
      %max3A_2387 = arith.maxsi %max3A_2386, %convert_element_type3A_2383 : vector<16xi32>
      %min3A_2388 = vector.broadcast %jit3A_2385 : i32 to vector<16xi32>
      %min3A_2389 = arith.minsi %min3A_2388, %max3A_2387 : vector<16xi32>
      %swap3A_2390 = arith.constant 96 : index
      %swap3A_2391 = tpu.vector_load %arg23[%swap3A_2390] {strides = array<i32>} : memref<128xi32, #tpu.memory_space<vmem>>, vector<16xi32>,
      %swap3A_2392 = vector.shape_cast %swap3A_2391 : vector<16xi32> to vector<16xi32>
      %swap3A_2393 = vector.shape_cast %min3A_2389 : vector<16xi32> to vector<16xi32>
      tpu.vector_store %arg23[%swap3A_2390], %swap3A_2393 {strides = array<i32>} : memref<128xi32, #tpu.memory_space<vmem>>, vector<16xi32>,
      %get3A_2394 = arith.constant 112 : index
      %get3A_2395 = tpu.vector_load %arg11[%get3A_2394] {strides = array<i32>} : memref<128xf32, #tpu.memory_space<vmem>>, vector<16xf32>,
      %get3A_2396 = vector.shape_cast %get3A_2395 : vector<16xf32> to vector<16xf32>
      %sub3A_2397 = arith.subf %get3A_2396, %min3A_604 : vector<16xf32>
      %div3A_2398 = arith.divf %sub3A_2397, %add3A_619 : vector<16xf32>
      %get3A_2399 = arith.constant 112 : index
      %get3A_2400 = tpu.vector_load %arg15[%get3A_2399] {strides = array<i32>} : memref<128xf32, #tpu.memory_space<vmem>>, vector<16xf32>,
      %get3A_2401 = vector.shape_cast %get3A_2400 : vector<16xf32> to vector<16xf32>
      %sub3A_2402 = arith.subf %get3A_2401, %min3A_612 : vector<16xf32>
      %div3A_2403 = arith.divf %sub3A_2402, %add3A_623 : vector<16xf32>
      %mul3A_2404 = arith.constant 1.000000e+04 : f32
      %mul3A_2405 = vector.broadcast %mul3A_2404 : f32 to vector<16xf32>
      %mul3A_2406 = arith.mulf %div3A_2398, %mul3A_2405 : vector<16xf32>
      %convert_element_type3A_2407 = arith.fptosi %mul3A_2406 : vector<16xf32> to vector<16xi32>
      %jit3A_2408 = arith.constant 0 : i32
      %jit3A_2409 = arith.constant 9999 : i32
      %max3A_2410 = vector.broadcast %jit3A_2408 : i32 to vector<16xi32>
      %max3A_2411 = arith.maxsi %max3A_2410, %convert_element_type3A_2407 : vector<16xi32>
      %min3A_2412 = vector.broadcast %jit3A_2409 : i32 to vector<16xi32>
      %min3A_2413 = arith.minsi %min3A_2412, %max3A_2411 : vector<16xi32>
      %swap3A_2414 = arith.constant 112 : index
      %swap3A_2415 = tpu.vector_load %arg19[%swap3A_2414] {strides = array<i32>} : memref<128xi32, #tpu.memory_space<vmem>>, vector<16xi32>,
      %swap3A_2416 = vector.shape_cast %swap3A_2415 : vector<16xi32> to vector<16xi32>
      %swap3A_2417 = vector.shape_cast %min3A_2413 : vector<16xi32> to vector<16xi32>
      tpu.vector_store %arg19[%swap3A_2414], %swap3A_2417 {strides = array<i32>} : memref<128xi32, #tpu.memory_space<vmem>>, vector<16xi32>,
      %mul3A_2418 = arith.constant 1.000000e+04 : f32
      %mul3A_2419 = vector.broadcast %mul3A_2418 : f32 to vector<16xf32>
      %mul3A_2420 = arith.mulf %div3A_2403, %mul3A_2419 : vector<16xf32>
      %convert_element_type3A_2421 = arith.fptosi %mul3A_2420 : vector<16xf32> to vector<16xi32>
      %jit3A_2422 = arith.constant 0 : i32
      %jit3A_2423 = arith.constant 9999 : i32
      %max3A_2424 = vector.broadcast %jit3A_2422 : i32 to vector<16xi32>
      %max3A_2425 = arith.maxsi %max3A_2424, %convert_element_type3A_2421 : vector<16xi32>
      %min3A_2426 = vector.broadcast %jit3A_2423 : i32 to vector<16xi32>
      %min3A_2427 = arith.minsi %min3A_2426, %max3A_2425 : vector<16xi32>
      %swap3A_2428 = arith.constant 112 : index
      %swap3A_2429 = tpu.vector_load %arg23[%swap3A_2428] {strides = array<i32>} : memref<128xi32, #tpu.memory_space<vmem>>, vector<16xi32>,
      %swap3A_2430 = vector.shape_cast %swap3A_2429 : vector<16xi32> to vector<16xi32>
      %swap3A_2431 = vector.shape_cast %min3A_2427 : vector<16xi32> to vector<16xi32>
      tpu.vector_store %arg23[%swap3A_2428], %swap3A_2431 {strides = array<i32>} : memref<128xi32, #tpu.memory_space<vmem>>, vector<16xi32>,
      %add3A_2432 = arith.constant 4 : i32
      %add3A_2433 = arith.addi %add3A_2119, %add3A_2432 : i32
      %mul3A_2434 = arith.constant 32 : i32
      %mul3A_2435 = arith.muli %add3A_2433, %mul3A_2434 : i32
      %add3A_2436 = arith.addi %add3A, %mul3A_2435 : i32
      %min3A_2437 = arith.constant 781 : i32
      %min3A_2438 = arith.minsi %add3A_2436, %min3A_2437 : i32
      %mul3A_2439 = arith.constant 128 : i32
      %mul3A_2440 = arith.muli %min3A_2438, %mul3A_2439 : i32
      %min3A_2441 = arith.constant 99872 : i32
      %min3A_2442 = arith.minsi %mul3A_2440, %min3A_2441 : i32
      %dma_start3A_2443 = tpu.memref_slice %arg2[%min3A_2442] : memref<100000xf32, #tpu.memory_space<hbm>> -> memref<128xf32, #tpu.memory_space<hbm>>
      %dma_start3A_2444 = tpu.memref_slice %arg2[%min3A_2442] : memref<100000xf32, #tpu.memory_space<hbm>> -> memref<128xf32, #tpu.memory_space<hbm>>
      tpu.enqueue_dma source(%dma_start3A_2444 : memref<128xf32, #tpu.memory_space<hbm>>) target(%arg11 : memref<128xf32, #tpu.memory_space<vmem>>) target_semaphore(%arg35 : memref<!tpu.dma_semaphore, #tpu.memory_space<semaphore_mem>>)
      %dma_start3A_2445 = tpu.memref_slice %arg3[%min3A_2442] : memref<100000xf32, #tpu.memory_space<hbm>> -> memref<128xf32, #tpu.memory_space<hbm>>
      %dma_start3A_2446 = tpu.memref_slice %arg3[%min3A_2442] : memref<100000xf32, #tpu.memory_space<hbm>> -> memref<128xf32, #tpu.memory_space<hbm>>
      tpu.enqueue_dma source(%dma_start3A_2446 : memref<128xf32, #tpu.memory_space<hbm>>) target(%arg15 : memref<128xf32, #tpu.memory_space<vmem>>) target_semaphore(%arg35 : memref<!tpu.dma_semaphore, #tpu.memory_space<semaphore_mem>>)
      %dma_wait3A_2447 = arith.constant 0 : i32
      %dma_wait3A_2448 = arith.constant 0 : i32
      %dma_wait3A_2449 = tpu.memref_slice %arg5[%dma_wait3A_2447, %dma_wait3A_2448] : memref<100000x128xf32, #tpu.memory_space<hbm>> -> memref<128x64xf32, #tpu.memory_space<hbm>>
      %dma_wait3A_2450 = arith.constant 0 : i32
      %dma_wait3A_2451 = arith.constant 0 : i32
      %dma_wait3A_2452 = tpu.memref_slice %arg5[%dma_wait3A_2450, %dma_wait3A_2451] : memref<100000x128xf32, #tpu.memory_space<hbm>> -> memref<128x64xf32, #tpu.memory_space<hbm>>
      tpu.wait_dma2 semaphore(%arg43 : memref<!tpu.dma_semaphore, #tpu.memory_space<semaphore_mem>>) src(%arg27 : memref<128x64xf32, #tpu.memory_space<vmem>>) dst(%dma_wait3A_2452 : memref<128x64xf32, #tpu.memory_space<hbm>>)
      %dma_wait3A_2453 = arith.constant 0 : i32
      %dma_wait3A_2454 = arith.constant 64 : i32
      %dma_wait3A_2455 = tpu.memref_slice %arg5[%dma_wait3A_2453, %dma_wait3A_2454] : memref<100000x128xf32, #tpu.memory_space<hbm>> -> memref<128x64xf32, #tpu.memory_space<hbm>>
      %dma_wait3A_2456 = arith.constant 0 : i32
      %dma_wait3A_2457 = arith.constant 64 : i32
      %dma_wait3A_2458 = tpu.memref_slice %arg5[%dma_wait3A_2456, %dma_wait3A_2457] : memref<100000x128xf32, #tpu.memory_space<hbm>> -> memref<128x64xf32, #tpu.memory_space<hbm>>
      tpu.wait_dma2 semaphore(%arg43 : memref<!tpu.dma_semaphore, #tpu.memory_space<semaphore_mem>>) src(%arg31 : memref<128x64xf32, #tpu.memory_space<vmem>>) dst(%dma_wait3A_2458 : memref<128x64xf32, #tpu.memory_space<hbm>>)
      %dma_start3A_2459 = arith.constant 0 : i32
      %dma_start3A_2460 = arith.constant 0 : i32
      %dma_start3A_2461 = tpu.memref_slice %arg4[%dma_start3A_2459, %dma_start3A_2460] : memref<10000x64xf32, #tpu.memory_space<hbm>> -> memref<10000x64xf32, #tpu.memory_space<hbm>>
      tpu.enqueue_indirect_dma source(%dma_start3A_2461 : memref<10000x64xf32, #tpu.memory_space<hbm>>) target(%arg27 : memref<128x64xf32, #tpu.memory_space<vmem>>) offsets(%arg19 : memref<128xi32, #tpu.memory_space<vmem>>) semaphore(%arg39 : memref<!tpu.dma_semaphore, #tpu.memory_space<semaphore_mem>>)
      %dma_start3A_2462 = arith.constant 0 : i32
      %dma_start3A_2463 = arith.constant 0 : i32
      %dma_start3A_2464 = tpu.memref_slice %arg4[%dma_start3A_2462, %dma_start3A_2463] : memref<10000x64xf32, #tpu.memory_space<hbm>> -> memref<10000x64xf32, #tpu.memory_space<hbm>>
      tpu.enqueue_indirect_dma source(%dma_start3A_2464 : memref<10000x64xf32, #tpu.memory_space<hbm>>) target(%arg31 : memref<128x64xf32, #tpu.memory_space<vmem>>) offsets(%arg23 : memref<128xi32, #tpu.memory_space<vmem>>) semaphore(%arg39 : memref<!tpu.dma_semaphore, #tpu.memory_space<semaphore_mem>>)
      %dma_wait3A_2465 = arith.constant 0 : i32
      %dma_wait3A_2466 = arith.constant 0 : i32
      %dma_wait3A_2467 = tpu.memref_slice %arg4[%dma_wait3A_2465, %dma_wait3A_2466] : memref<10000x64xf32, #tpu.memory_space<hbm>> -> memref<10000x64xf32, #tpu.memory_space<hbm>>
      tpu.wait_indirect_dma semaphore(%arg41 : memref<!tpu.dma_semaphore, #tpu.memory_space<semaphore_mem>>) src(%dma_wait3A_2467 : memref<10000x64xf32, #tpu.memory_space<hbm>>) dst(%arg29 : memref<128x64xf32, #tpu.memory_space<vmem>>)
      %dma_wait3A_2468 = arith.constant 0 : i32
      %dma_wait3A_2469 = arith.constant 0 : i32
      %dma_wait3A_2470 = tpu.memref_slice %arg4[%dma_wait3A_2468, %dma_wait3A_2469] : memref<10000x64xf32, #tpu.memory_space<hbm>> -> memref<10000x64xf32, #tpu.memory_space<hbm>>
      tpu.wait_indirect_dma semaphore(%arg41 : memref<!tpu.dma_semaphore, #tpu.memory_space<semaphore_mem>>) src(%dma_wait3A_2470 : memref<10000x64xf32, #tpu.memory_space<hbm>>) dst(%arg33 : memref<128x64xf32, #tpu.memory_space<vmem>>)
      %sub3A_2471 = arith.constant 2 : i32
      %sub3A_2472 = arith.subi %add3A_2119, %sub3A_2471 : i32
      %mul3A_2473 = arith.constant 32 : i32
      %mul3A_2474 = arith.muli %sub3A_2472, %mul3A_2473 : i32
      %add3A_2475 = arith.addi %add3A, %mul3A_2474 : i32
      %min3A_2476 = arith.constant 781 : i32
      %min3A_2477 = arith.minsi %add3A_2475, %min3A_2476 : i32
      %mul3A_2478 = arith.constant 128 : i32
      %mul3A_2479 = arith.muli %min3A_2477, %mul3A_2478 : i32
      %min3A_2480 = arith.constant 99872 : i32
      %min3A_2481 = arith.minsi %mul3A_2479, %min3A_2480 : i32
      %dma_start3A_2482 = arith.constant 0 : i32
      %dma_start3A_2483 = tpu.memref_slice %arg5[%min3A_2481, %dma_start3A_2482] : memref<100000x128xf32, #tpu.memory_space<hbm>> -> memref<128x64xf32, #tpu.memory_space<hbm>>
      %dma_start3A_2484 = arith.constant 0 : i32
      %dma_start3A_2485 = tpu.memref_slice %arg5[%min3A_2481, %dma_start3A_2484] : memref<100000x128xf32, #tpu.memory_space<hbm>> -> memref<128x64xf32, #tpu.memory_space<hbm>>
      tpu.enqueue_dma source(%arg29 : memref<128x64xf32, #tpu.memory_space<vmem>>) target(%dma_start3A_2485 : memref<128x64xf32, #tpu.memory_space<hbm>>) target_semaphore(%arg45 : memref<!tpu.dma_semaphore, #tpu.memory_space<semaphore_mem>>)
      %dma_start3A_2486 = arith.constant 64 : i32
      %dma_start3A_2487 = tpu.memref_slice %arg5[%min3A_2481, %dma_start3A_2486] : memref<100000x128xf32, #tpu.memory_space<hbm>> -> memref<128x64xf32, #tpu.memory_space<hbm>>
      %dma_start3A_2488 = arith.constant 64 : i32
      %dma_start3A_2489 = tpu.memref_slice %arg5[%min3A_2481, %dma_start3A_2488] : memref<100000x128xf32, #tpu.memory_space<hbm>> -> memref<128x64xf32, #tpu.memory_space<hbm>>
      tpu.enqueue_dma source(%arg33 : memref<128x64xf32, #tpu.memory_space<vmem>>) target(%dma_start3A_2489 : memref<128x64xf32, #tpu.memory_space<hbm>>) target_semaphore(%arg45 : memref<!tpu.dma_semaphore, #tpu.memory_space<semaphore_mem>>)
      %mul3A_2490 = arith.constant 4 : i32
      %mul3A_2491 = arith.muli %mul3A_2490, %scan3A_2113 : i32
      %add3A_2492 = arith.constant 4 : i32
      %add3A_2493 = arith.addi %add3A_2492, %mul3A_2491 : i32
      %add3A_2494 = arith.constant 1 : i32
      %add3A_2495 = arith.addi %add3A_2493, %add3A_2494 : i32
      %dma_wait3A_2496 = arith.constant 0 : i32
      %dma_wait3A_2497 = tpu.memref_slice %arg2[%dma_wait3A_2496] : memref<100000xf32, #tpu.memory_space<hbm>> -> memref<128xf32, #tpu.memory_space<hbm>>
      %dma_wait3A_2498 = arith.constant 0 : i32
      %dma_wait3A_2499 = tpu.memref_slice %arg2[%dma_wait3A_2498] : memref<100000xf32, #tpu.memory_space<hbm>> -> memref<128xf32, #tpu.memory_space<hbm>>
      tpu.wait_dma2 semaphore(%arg36 : memref<!tpu.dma_semaphore, #tpu.memory_space<semaphore_mem>>) src(%dma_wait3A_2499 : memref<128xf32, #tpu.memory_space<hbm>>) dst(%arg12 : memref<128xf32, #tpu.memory_space<vmem>>)
      %dma_wait3A_2500 = arith.constant 0 : i32
      %dma_wait3A_2501 = tpu.memref_slice %arg3[%dma_wait3A_2500] : memref<100000xf32, #tpu.memory_space<hbm>> -> memref<128xf32, #tpu.memory_space<hbm>>
      %dma_wait3A_2502 = arith.constant 0 : i32
      %dma_wait3A_2503 = tpu.memref_slice %arg3[%dma_wait3A_2502] : memref<100000xf32, #tpu.memory_space<hbm>> -> memref<128xf32, #tpu.memory_space<hbm>>
      tpu.wait_dma2 semaphore(%arg36 : memref<!tpu.dma_semaphore, #tpu.memory_space<semaphore_mem>>) src(%dma_wait3A_2503 : memref<128xf32, #tpu.memory_space<hbm>>) dst(%arg16 : memref<128xf32, #tpu.memory_space<vmem>>)
      %get3A_2504 = arith.constant 0 : index
      %get3A_2505 = tpu.vector_load %arg12[%get3A_2504] {strides = array<i32>} : memref<128xf32, #tpu.memory_space<vmem>>, vector<16xf32>,
      %get3A_2506 = vector.shape_cast %get3A_2505 : vector<16xf32> to vector<16xf32>
      %sub3A_2507 = arith.subf %get3A_2506, %min3A_604 : vector<16xf32>
      %div3A_2508 = arith.divf %sub3A_2507, %add3A_619 : vector<16xf32>
      %get3A_2509 = arith.constant 0 : index
      %get3A_2510 = tpu.vector_load %arg16[%get3A_2509] {strides = array<i32>} : memref<128xf32, #tpu.memory_space<vmem>>, vector<16xf32>,
      %get3A_2511 = vector.shape_cast %get3A_2510 : vector<16xf32> to vector<16xf32>
      %sub3A_2512 = arith.subf %get3A_2511, %min3A_612 : vector<16xf32>
      %div3A_2513 = arith.divf %sub3A_2512, %add3A_623 : vector<16xf32>
      %mul3A_2514 = arith.constant 1.000000e+04 : f32
      %mul3A_2515 = vector.broadcast %mul3A_2514 : f32 to vector<16xf32>
      %mul3A_2516 = arith.mulf %div3A_2508, %mul3A_2515 : vector<16xf32>
      %convert_element_type3A_2517 = arith.fptosi %mul3A_2516 : vector<16xf32> to vector<16xi32>
      %jit3A_2518 = arith.constant 0 : i32
      %jit3A_2519 = arith.constant 9999 : i32
      %max3A_2520 = vector.broadcast %jit3A_2518 : i32 to vector<16xi32>
      %max3A_2521 = arith.maxsi %max3A_2520, %convert_element_type3A_2517 : vector<16xi32>
      %min3A_2522 = vector.broadcast %jit3A_2519 : i32 to vector<16xi32>
      %min3A_2523 = arith.minsi %min3A_2522, %max3A_2521 : vector<16xi32>
      %swap3A_2524 = arith.constant 0 : index
      %swap3A_2525 = tpu.vector_load %arg20[%swap3A_2524] {strides = array<i32>} : memref<128xi32, #tpu.memory_space<vmem>>, vector<16xi32>,
      %swap3A_2526 = vector.shape_cast %swap3A_2525 : vector<16xi32> to vector<16xi32>
      %swap3A_2527 = vector.shape_cast %min3A_2523 : vector<16xi32> to vector<16xi32>
      tpu.vector_store %arg20[%swap3A_2524], %swap3A_2527 {strides = array<i32>} : memref<128xi32, #tpu.memory_space<vmem>>, vector<16xi32>,
      %mul3A_2528 = arith.constant 1.000000e+04 : f32
      %mul3A_2529 = vector.broadcast %mul3A_2528 : f32 to vector<16xf32>
      %mul3A_2530 = arith.mulf %div3A_2513, %mul3A_2529 : vector<16xf32>
      %convert_element_type3A_2531 = arith.fptosi %mul3A_2530 : vector<16xf32> to vector<16xi32>
      %jit3A_2532 = arith.constant 0 : i32
      %jit3A_2533 = arith.constant 9999 : i32
      %max3A_2534 = vector.broadcast %jit3A_2532 : i32 to vector<16xi32>
      %max3A_2535 = arith.maxsi %max3A_2534, %convert_element_type3A_2531 : vector<16xi32>
      %min3A_2536 = vector.broadcast %jit3A_2533 : i32 to vector<16xi32>
      %min3A_2537 = arith.minsi %min3A_2536, %max3A_2535 : vector<16xi32>
      %swap3A_2538 = arith.constant 0 : index
      %swap3A_2539 = tpu.vector_load %arg24[%swap3A_2538] {strides = array<i32>} : memref<128xi32, #tpu.memory_space<vmem>>, vector<16xi32>,
      %swap3A_2540 = vector.shape_cast %swap3A_2539 : vector<16xi32> to vector<16xi32>
      %swap3A_2541 = vector.shape_cast %min3A_2537 : vector<16xi32> to vector<16xi32>
      tpu.vector_store %arg24[%swap3A_2538], %swap3A_2541 {strides = array<i32>} : memref<128xi32, #tpu.memory_space<vmem>>, vector<16xi32>,
      %get3A_2542 = arith.constant 16 : index
      %get3A_2543 = tpu.vector_load %arg12[%get3A_2542] {strides = array<i32>} : memref<128xf32, #tpu.memory_space<vmem>>, vector<16xf32>,
      %get3A_2544 = vector.shape_cast %get3A_2543 : vector<16xf32> to vector<16xf32>
      %sub3A_2545 = arith.subf %get3A_2544, %min3A_604 : vector<16xf32>
      %div3A_2546 = arith.divf %sub3A_2545, %add3A_619 : vector<16xf32>
      %get3A_2547 = arith.constant 16 : index
      %get3A_2548 = tpu.vector_load %arg16[%get3A_2547] {strides = array<i32>} : memref<128xf32, #tpu.memory_space<vmem>>, vector<16xf32>,
      %get3A_2549 = vector.shape_cast %get3A_2548 : vector<16xf32> to vector<16xf32>
      %sub3A_2550 = arith.subf %get3A_2549, %min3A_612 : vector<16xf32>
      %div3A_2551 = arith.divf %sub3A_2550, %add3A_623 : vector<16xf32>
      %mul3A_2552 = arith.constant 1.000000e+04 : f32
      %mul3A_2553 = vector.broadcast %mul3A_2552 : f32 to vector<16xf32>
      %mul3A_2554 = arith.mulf %div3A_2546, %mul3A_2553 : vector<16xf32>
      %convert_element_type3A_2555 = arith.fptosi %mul3A_2554 : vector<16xf32> to vector<16xi32>
      %jit3A_2556 = arith.constant 0 : i32
      %jit3A_2557 = arith.constant 9999 : i32
      %max3A_2558 = vector.broadcast %jit3A_2556 : i32 to vector<16xi32>
      %max3A_2559 = arith.maxsi %max3A_2558, %convert_element_type3A_2555 : vector<16xi32>
      %min3A_2560 = vector.broadcast %jit3A_2557 : i32 to vector<16xi32>
      %min3A_2561 = arith.minsi %min3A_2560, %max3A_2559 : vector<16xi32>
      %swap3A_2562 = arith.constant 16 : index
      %swap3A_2563 = tpu.vector_load %arg20[%swap3A_2562] {strides = array<i32>} : memref<128xi32, #tpu.memory_space<vmem>>, vector<16xi32>,
      %swap3A_2564 = vector.shape_cast %swap3A_2563 : vector<16xi32> to vector<16xi32>
      %swap3A_2565 = vector.shape_cast %min3A_2561 : vector<16xi32> to vector<16xi32>
      tpu.vector_store %arg20[%swap3A_2562], %swap3A_2565 {strides = array<i32>} : memref<128xi32, #tpu.memory_space<vmem>>, vector<16xi32>,
      %mul3A_2566 = arith.constant 1.000000e+04 : f32
      %mul3A_2567 = vector.broadcast %mul3A_2566 : f32 to vector<16xf32>
      %mul3A_2568 = arith.mulf %div3A_2551, %mul3A_2567 : vector<16xf32>
      %convert_element_type3A_2569 = arith.fptosi %mul3A_2568 : vector<16xf32> to vector<16xi32>
      %jit3A_2570 = arith.constant 0 : i32
      %jit3A_2571 = arith.constant 9999 : i32
      %max3A_2572 = vector.broadcast %jit3A_2570 : i32 to vector<16xi32>
      %max3A_2573 = arith.maxsi %max3A_2572, %convert_element_type3A_2569 : vector<16xi32>
      %min3A_2574 = vector.broadcast %jit3A_2571 : i32 to vector<16xi32>
      %min3A_2575 = arith.minsi %min3A_2574, %max3A_2573 : vector<16xi32>
      %swap3A_2576 = arith.constant 16 : index
      %swap3A_2577 = tpu.vector_load %arg24[%swap3A_2576] {strides = array<i32>} : memref<128xi32, #tpu.memory_space<vmem>>, vector<16xi32>,
      %swap3A_2578 = vector.shape_cast %swap3A_2577 : vector<16xi32> to vector<16xi32>
      %swap3A_2579 = vector.shape_cast %min3A_2575 : vector<16xi32> to vector<16xi32>
      tpu.vector_store %arg24[%swap3A_2576], %swap3A_2579 {strides = array<i32>} : memref<128xi32, #tpu.memory_space<vmem>>, vector<16xi32>,
      %get3A_2580 = arith.constant 32 : index
      %get3A_2581 = tpu.vector_load %arg12[%get3A_2580] {strides = array<i32>} : memref<128xf32, #tpu.memory_space<vmem>>, vector<16xf32>,
      %get3A_2582 = vector.shape_cast %get3A_2581 : vector<16xf32> to vector<16xf32>
      %sub3A_2583 = arith.subf %get3A_2582, %min3A_604 : vector<16xf32>
      %div3A_2584 = arith.divf %sub3A_2583, %add3A_619 : vector<16xf32>
      %get3A_2585 = arith.constant 32 : index
      %get3A_2586 = tpu.vector_load %arg16[%get3A_2585] {strides = array<i32>} : memref<128xf32, #tpu.memory_space<vmem>>, vector<16xf32>,
      %get3A_2587 = vector.shape_cast %get3A_2586 : vector<16xf32> to vector<16xf32>
      %sub3A_2588 = arith.subf %get3A_2587, %min3A_612 : vector<16xf32>
      %div3A_2589 = arith.divf %sub3A_2588, %add3A_623 : vector<16xf32>
      %mul3A_2590 = arith.constant 1.000000e+04 : f32
      %mul3A_2591 = vector.broadcast %mul3A_2590 : f32 to vector<16xf32>
      %mul3A_2592 = arith.mulf %div3A_2584, %mul3A_2591 : vector<16xf32>
      %convert_element_type3A_2593 = arith.fptosi %mul3A_2592 : vector<16xf32> to vector<16xi32>
      %jit3A_2594 = arith.constant 0 : i32
      %jit3A_2595 = arith.constant 9999 : i32
      %max3A_2596 = vector.broadcast %jit3A_2594 : i32 to vector<16xi32>
      %max3A_2597 = arith.maxsi %max3A_2596, %convert_element_type3A_2593 : vector<16xi32>
      %min3A_2598 = vector.broadcast %jit3A_2595 : i32 to vector<16xi32>
      %min3A_2599 = arith.minsi %min3A_2598, %max3A_2597 : vector<16xi32>
      %swap3A_2600 = arith.constant 32 : index
      %swap3A_2601 = tpu.vector_load %arg20[%swap3A_2600] {strides = array<i32>} : memref<128xi32, #tpu.memory_space<vmem>>, vector<16xi32>,
      %swap3A_2602 = vector.shape_cast %swap3A_2601 : vector<16xi32> to vector<16xi32>
      %swap3A_2603 = vector.shape_cast %min3A_2599 : vector<16xi32> to vector<16xi32>
      tpu.vector_store %arg20[%swap3A_2600], %swap3A_2603 {strides = array<i32>} : memref<128xi32, #tpu.memory_space<vmem>>, vector<16xi32>,
      %mul3A_2604 = arith.constant 1.000000e+04 : f32
      %mul3A_2605 = vector.broadcast %mul3A_2604 : f32 to vector<16xf32>
      %mul3A_2606 = arith.mulf %div3A_2589, %mul3A_2605 : vector<16xf32>
      %convert_element_type3A_2607 = arith.fptosi %mul3A_2606 : vector<16xf32> to vector<16xi32>
      %jit3A_2608 = arith.constant 0 : i32
      %jit3A_2609 = arith.constant 9999 : i32
      %max3A_2610 = vector.broadcast %jit3A_2608 : i32 to vector<16xi32>
      %max3A_2611 = arith.maxsi %max3A_2610, %convert_element_type3A_2607 : vector<16xi32>
      %min3A_2612 = vector.broadcast %jit3A_2609 : i32 to vector<16xi32>
      %min3A_2613 = arith.minsi %min3A_2612, %max3A_2611 : vector<16xi32>
      %swap3A_2614 = arith.constant 32 : index
      %swap3A_2615 = tpu.vector_load %arg24[%swap3A_2614] {strides = array<i32>} : memref<128xi32, #tpu.memory_space<vmem>>, vector<16xi32>,
      %swap3A_2616 = vector.shape_cast %swap3A_2615 : vector<16xi32> to vector<16xi32>
      %swap3A_2617 = vector.shape_cast %min3A_2613 : vector<16xi32> to vector<16xi32>
      tpu.vector_store %arg24[%swap3A_2614], %swap3A_2617 {strides = array<i32>} : memref<128xi32, #tpu.memory_space<vmem>>, vector<16xi32>,
      %get3A_2618 = arith.constant 48 : index
      %get3A_2619 = tpu.vector_load %arg12[%get3A_2618] {strides = array<i32>} : memref<128xf32, #tpu.memory_space<vmem>>, vector<16xf32>,
      %get3A_2620 = vector.shape_cast %get3A_2619 : vector<16xf32> to vector<16xf32>
      %sub3A_2621 = arith.subf %get3A_2620, %min3A_604 : vector<16xf32>
      %div3A_2622 = arith.divf %sub3A_2621, %add3A_619 : vector<16xf32>
      %get3A_2623 = arith.constant 48 : index
      %get3A_2624 = tpu.vector_load %arg16[%get3A_2623] {strides = array<i32>} : memref<128xf32, #tpu.memory_space<vmem>>, vector<16xf32>,
      %get3A_2625 = vector.shape_cast %get3A_2624 : vector<16xf32> to vector<16xf32>
      %sub3A_2626 = arith.subf %get3A_2625, %min3A_612 : vector<16xf32>
      %div3A_2627 = arith.divf %sub3A_2626, %add3A_623 : vector<16xf32>
      %mul3A_2628 = arith.constant 1.000000e+04 : f32
      %mul3A_2629 = vector.broadcast %mul3A_2628 : f32 to vector<16xf32>
      %mul3A_2630 = arith.mulf %div3A_2622, %mul3A_2629 : vector<16xf32>
      %convert_element_type3A_2631 = arith.fptosi %mul3A_2630 : vector<16xf32> to vector<16xi32>
      %jit3A_2632 = arith.constant 0 : i32
      %jit3A_2633 = arith.constant 9999 : i32
      %max3A_2634 = vector.broadcast %jit3A_2632 : i32 to vector<16xi32>
      %max3A_2635 = arith.maxsi %max3A_2634, %convert_element_type3A_2631 : vector<16xi32>
      %min3A_2636 = vector.broadcast %jit3A_2633 : i32 to vector<16xi32>
      %min3A_2637 = arith.minsi %min3A_2636, %max3A_2635 : vector<16xi32>
      %swap3A_2638 = arith.constant 48 : index
      %swap3A_2639 = tpu.vector_load %arg20[%swap3A_2638] {strides = array<i32>} : memref<128xi32, #tpu.memory_space<vmem>>, vector<16xi32>,
      %swap3A_2640 = vector.shape_cast %swap3A_2639 : vector<16xi32> to vector<16xi32>
      %swap3A_2641 = vector.shape_cast %min3A_2637 : vector<16xi32> to vector<16xi32>
      tpu.vector_store %arg20[%swap3A_2638], %swap3A_2641 {strides = array<i32>} : memref<128xi32, #tpu.memory_space<vmem>>, vector<16xi32>,
      %mul3A_2642 = arith.constant 1.000000e+04 : f32
      %mul3A_2643 = vector.broadcast %mul3A_2642 : f32 to vector<16xf32>
      %mul3A_2644 = arith.mulf %div3A_2627, %mul3A_2643 : vector<16xf32>
      %convert_element_type3A_2645 = arith.fptosi %mul3A_2644 : vector<16xf32> to vector<16xi32>
      %jit3A_2646 = arith.constant 0 : i32
      %jit3A_2647 = arith.constant 9999 : i32
      %max3A_2648 = vector.broadcast %jit3A_2646 : i32 to vector<16xi32>
      %max3A_2649 = arith.maxsi %max3A_2648, %convert_element_type3A_2645 : vector<16xi32>
      %min3A_2650 = vector.broadcast %jit3A_2647 : i32 to vector<16xi32>
      %min3A_2651 = arith.minsi %min3A_2650, %max3A_2649 : vector<16xi32>
      %swap3A_2652 = arith.constant 48 : index
      %swap3A_2653 = tpu.vector_load %arg24[%swap3A_2652] {strides = array<i32>} : memref<128xi32, #tpu.memory_space<vmem>>, vector<16xi32>,
      %swap3A_2654 = vector.shape_cast %swap3A_2653 : vector<16xi32> to vector<16xi32>
      %swap3A_2655 = vector.shape_cast %min3A_2651 : vector<16xi32> to vector<16xi32>
      tpu.vector_store %arg24[%swap3A_2652], %swap3A_2655 {strides = array<i32>} : memref<128xi32, #tpu.memory_space<vmem>>, vector<16xi32>,
      %get3A_2656 = arith.constant 64 : index
      %get3A_2657 = tpu.vector_load %arg12[%get3A_2656] {strides = array<i32>} : memref<128xf32, #tpu.memory_space<vmem>>, vector<16xf32>,
      %get3A_2658 = vector.shape_cast %get3A_2657 : vector<16xf32> to vector<16xf32>
      %sub3A_2659 = arith.subf %get3A_2658, %min3A_604 : vector<16xf32>
      %div3A_2660 = arith.divf %sub3A_2659, %add3A_619 : vector<16xf32>
      %get3A_2661 = arith.constant 64 : index
      %get3A_2662 = tpu.vector_load %arg16[%get3A_2661] {strides = array<i32>} : memref<128xf32, #tpu.memory_space<vmem>>, vector<16xf32>,
      %get3A_2663 = vector.shape_cast %get3A_2662 : vector<16xf32> to vector<16xf32>
      %sub3A_2664 = arith.subf %get3A_2663, %min3A_612 : vector<16xf32>
      %div3A_2665 = arith.divf %sub3A_2664, %add3A_623 : vector<16xf32>
      %mul3A_2666 = arith.constant 1.000000e+04 : f32
      %mul3A_2667 = vector.broadcast %mul3A_2666 : f32 to vector<16xf32>
      %mul3A_2668 = arith.mulf %div3A_2660, %mul3A_2667 : vector<16xf32>
      %convert_element_type3A_2669 = arith.fptosi %mul3A_2668 : vector<16xf32> to vector<16xi32>
      %jit3A_2670 = arith.constant 0 : i32
      %jit3A_2671 = arith.constant 9999 : i32
      %max3A_2672 = vector.broadcast %jit3A_2670 : i32 to vector<16xi32>
      %max3A_2673 = arith.maxsi %max3A_2672, %convert_element_type3A_2669 : vector<16xi32>
      %min3A_2674 = vector.broadcast %jit3A_2671 : i32 to vector<16xi32>
      %min3A_2675 = arith.minsi %min3A_2674, %max3A_2673 : vector<16xi32>
      %swap3A_2676 = arith.constant 64 : index
      %swap3A_2677 = tpu.vector_load %arg20[%swap3A_2676] {strides = array<i32>} : memref<128xi32, #tpu.memory_space<vmem>>, vector<16xi32>,
      %swap3A_2678 = vector.shape_cast %swap3A_2677 : vector<16xi32> to vector<16xi32>
      %swap3A_2679 = vector.shape_cast %min3A_2675 : vector<16xi32> to vector<16xi32>
      tpu.vector_store %arg20[%swap3A_2676], %swap3A_2679 {strides = array<i32>} : memref<128xi32, #tpu.memory_space<vmem>>, vector<16xi32>,
      %mul3A_2680 = arith.constant 1.000000e+04 : f32
      %mul3A_2681 = vector.broadcast %mul3A_2680 : f32 to vector<16xf32>
      %mul3A_2682 = arith.mulf %div3A_2665, %mul3A_2681 : vector<16xf32>
      %convert_element_type3A_2683 = arith.fptosi %mul3A_2682 : vector<16xf32> to vector<16xi32>
      %jit3A_2684 = arith.constant 0 : i32
      %jit3A_2685 = arith.constant 9999 : i32
      %max3A_2686 = vector.broadcast %jit3A_2684 : i32 to vector<16xi32>
      %max3A_2687 = arith.maxsi %max3A_2686, %convert_element_type3A_2683 : vector<16xi32>
      %min3A_2688 = vector.broadcast %jit3A_2685 : i32 to vector<16xi32>
      %min3A_2689 = arith.minsi %min3A_2688, %max3A_2687 : vector<16xi32>
      %swap3A_2690 = arith.constant 64 : index
      %swap3A_2691 = tpu.vector_load %arg24[%swap3A_2690] {strides = array<i32>} : memref<128xi32, #tpu.memory_space<vmem>>, vector<16xi32>,
      %swap3A_2692 = vector.shape_cast %swap3A_2691 : vector<16xi32> to vector<16xi32>
      %swap3A_2693 = vector.shape_cast %min3A_2689 : vector<16xi32> to vector<16xi32>
      tpu.vector_store %arg24[%swap3A_2690], %swap3A_2693 {strides = array<i32>} : memref<128xi32, #tpu.memory_space<vmem>>, vector<16xi32>,
      %get3A_2694 = arith.constant 80 : index
      %get3A_2695 = tpu.vector_load %arg12[%get3A_2694] {strides = array<i32>} : memref<128xf32, #tpu.memory_space<vmem>>, vector<16xf32>,
      %get3A_2696 = vector.shape_cast %get3A_2695 : vector<16xf32> to vector<16xf32>
      %sub3A_2697 = arith.subf %get3A_2696, %min3A_604 : vector<16xf32>
      %div3A_2698 = arith.divf %sub3A_2697, %add3A_619 : vector<16xf32>
      %get3A_2699 = arith.constant 80 : index
      %get3A_2700 = tpu.vector_load %arg16[%get3A_2699] {strides = array<i32>} : memref<128xf32, #tpu.memory_space<vmem>>, vector<16xf32>,
      %get3A_2701 = vector.shape_cast %get3A_2700 : vector<16xf32> to vector<16xf32>
      %sub3A_2702 = arith.subf %get3A_2701, %min3A_612 : vector<16xf32>
      %div3A_2703 = arith.divf %sub3A_2702, %add3A_623 : vector<16xf32>
      %mul3A_2704 = arith.constant 1.000000e+04 : f32
      %mul3A_2705 = vector.broadcast %mul3A_2704 : f32 to vector<16xf32>
      %mul3A_2706 = arith.mulf %div3A_2698, %mul3A_2705 : vector<16xf32>
      %convert_element_type3A_2707 = arith.fptosi %mul3A_2706 : vector<16xf32> to vector<16xi32>
      %jit3A_2708 = arith.constant 0 : i32
      %jit3A_2709 = arith.constant 9999 : i32
      %max3A_2710 = vector.broadcast %jit3A_2708 : i32 to vector<16xi32>
      %max3A_2711 = arith.maxsi %max3A_2710, %convert_element_type3A_2707 : vector<16xi32>
      %min3A_2712 = vector.broadcast %jit3A_2709 : i32 to vector<16xi32>
      %min3A_2713 = arith.minsi %min3A_2712, %max3A_2711 : vector<16xi32>
      %swap3A_2714 = arith.constant 80 : index
      %swap3A_2715 = tpu.vector_load %arg20[%swap3A_2714] {strides = array<i32>} : memref<128xi32, #tpu.memory_space<vmem>>, vector<16xi32>,
      %swap3A_2716 = vector.shape_cast %swap3A_2715 : vector<16xi32> to vector<16xi32>
      %swap3A_2717 = vector.shape_cast %min3A_2713 : vector<16xi32> to vector<16xi32>
      tpu.vector_store %arg20[%swap3A_2714], %swap3A_2717 {strides = array<i32>} : memref<128xi32, #tpu.memory_space<vmem>>, vector<16xi32>,
      %mul3A_2718 = arith.constant 1.000000e+04 : f32
      %mul3A_2719 = vector.broadcast %mul3A_2718 : f32 to vector<16xf32>
      %mul3A_2720 = arith.mulf %div3A_2703, %mul3A_2719 : vector<16xf32>
      %convert_element_type3A_2721 = arith.fptosi %mul3A_2720 : vector<16xf32> to vector<16xi32>
      %jit3A_2722 = arith.constant 0 : i32
      %jit3A_2723 = arith.constant 9999 : i32
      %max3A_2724 = vector.broadcast %jit3A_2722 : i32 to vector<16xi32>
      %max3A_2725 = arith.maxsi %max3A_2724, %convert_element_type3A_2721 : vector<16xi32>
      %min3A_2726 = vector.broadcast %jit3A_2723 : i32 to vector<16xi32>
      %min3A_2727 = arith.minsi %min3A_2726, %max3A_2725 : vector<16xi32>
      %swap3A_2728 = arith.constant 80 : index
      %swap3A_2729 = tpu.vector_load %arg24[%swap3A_2728] {strides = array<i32>} : memref<128xi32, #tpu.memory_space<vmem>>, vector<16xi32>,
      %swap3A_2730 = vector.shape_cast %swap3A_2729 : vector<16xi32> to vector<16xi32>
      %swap3A_2731 = vector.shape_cast %min3A_2727 : vector<16xi32> to vector<16xi32>
      tpu.vector_store %arg24[%swap3A_2728], %swap3A_2731 {strides = array<i32>} : memref<128xi32, #tpu.memory_space<vmem>>, vector<16xi32>,
      %get3A_2732 = arith.constant 96 : index
      %get3A_2733 = tpu.vector_load %arg12[%get3A_2732] {strides = array<i32>} : memref<128xf32, #tpu.memory_space<vmem>>, vector<16xf32>,
      %get3A_2734 = vector.shape_cast %get3A_2733 : vector<16xf32> to vector<16xf32>
      %sub3A_2735 = arith.subf %get3A_2734, %min3A_604 : vector<16xf32>
      %div3A_2736 = arith.divf %sub3A_2735, %add3A_619 : vector<16xf32>
      %get3A_2737 = arith.constant 96 : index
      %get3A_2738 = tpu.vector_load %arg16[%get3A_2737] {strides = array<i32>} : memref<128xf32, #tpu.memory_space<vmem>>, vector<16xf32>,
      %get3A_2739 = vector.shape_cast %get3A_2738 : vector<16xf32> to vector<16xf32>
      %sub3A_2740 = arith.subf %get3A_2739, %min3A_612 : vector<16xf32>
      %div3A_2741 = arith.divf %sub3A_2740, %add3A_623 : vector<16xf32>
      %mul3A_2742 = arith.constant 1.000000e+04 : f32
      %mul3A_2743 = vector.broadcast %mul3A_2742 : f32 to vector<16xf32>
      %mul3A_2744 = arith.mulf %div3A_2736, %mul3A_2743 : vector<16xf32>
      %convert_element_type3A_2745 = arith.fptosi %mul3A_2744 : vector<16xf32> to vector<16xi32>
      %jit3A_2746 = arith.constant 0 : i32
      %jit3A_2747 = arith.constant 9999 : i32
      %max3A_2748 = vector.broadcast %jit3A_2746 : i32 to vector<16xi32>
      %max3A_2749 = arith.maxsi %max3A_2748, %convert_element_type3A_2745 : vector<16xi32>
      %min3A_2750 = vector.broadcast %jit3A_2747 : i32 to vector<16xi32>
      %min3A_2751 = arith.minsi %min3A_2750, %max3A_2749 : vector<16xi32>
      %swap3A_2752 = arith.constant 96 : index
      %swap3A_2753 = tpu.vector_load %arg20[%swap3A_2752] {strides = array<i32>} : memref<128xi32, #tpu.memory_space<vmem>>, vector<16xi32>,
      %swap3A_2754 = vector.shape_cast %swap3A_2753 : vector<16xi32> to vector<16xi32>
      %swap3A_2755 = vector.shape_cast %min3A_2751 : vector<16xi32> to vector<16xi32>
      tpu.vector_store %arg20[%swap3A_2752], %swap3A_2755 {strides = array<i32>} : memref<128xi32, #tpu.memory_space<vmem>>, vector<16xi32>,
      %mul3A_2756 = arith.constant 1.000000e+04 : f32
      %mul3A_2757 = vector.broadcast %mul3A_2756 : f32 to vector<16xf32>
      %mul3A_2758 = arith.mulf %div3A_2741, %mul3A_2757 : vector<16xf32>
      %convert_element_type3A_2759 = arith.fptosi %mul3A_2758 : vector<16xf32> to vector<16xi32>
      %jit3A_2760 = arith.constant 0 : i32
      %jit3A_2761 = arith.constant 9999 : i32
      %max3A_2762 = vector.broadcast %jit3A_2760 : i32 to vector<16xi32>
      %max3A_2763 = arith.maxsi %max3A_2762, %convert_element_type3A_2759 : vector<16xi32>
      %min3A_2764 = vector.broadcast %jit3A_2761 : i32 to vector<16xi32>
      %min3A_2765 = arith.minsi %min3A_2764, %max3A_2763 : vector<16xi32>
      %swap3A_2766 = arith.constant 96 : index
      %swap3A_2767 = tpu.vector_load %arg24[%swap3A_2766] {strides = array<i32>} : memref<128xi32, #tpu.memory_space<vmem>>, vector<16xi32>,
      %swap3A_2768 = vector.shape_cast %swap3A_2767 : vector<16xi32> to vector<16xi32>
      %swap3A_2769 = vector.shape_cast %min3A_2765 : vector<16xi32> to vector<16xi32>
      tpu.vector_store %arg24[%swap3A_2766], %swap3A_2769 {strides = array<i32>} : memref<128xi32, #tpu.memory_space<vmem>>, vector<16xi32>,
      %get3A_2770 = arith.constant 112 : index
      %get3A_2771 = tpu.vector_load %arg12[%get3A_2770] {strides = array<i32>} : memref<128xf32, #tpu.memory_space<vmem>>, vector<16xf32>,
      %get3A_2772 = vector.shape_cast %get3A_2771 : vector<16xf32> to vector<16xf32>
      %sub3A_2773 = arith.subf %get3A_2772, %min3A_604 : vector<16xf32>
      %div3A_2774 = arith.divf %sub3A_2773, %add3A_619 : vector<16xf32>
      %get3A_2775 = arith.constant 112 : index
      %get3A_2776 = tpu.vector_load %arg16[%get3A_2775] {strides = array<i32>} : memref<128xf32, #tpu.memory_space<vmem>>, vector<16xf32>,
      %get3A_2777 = vector.shape_cast %get3A_2776 : vector<16xf32> to vector<16xf32>
      %sub3A_2778 = arith.subf %get3A_2777, %min3A_612 : vector<16xf32>
      %div3A_2779 = arith.divf %sub3A_2778, %add3A_623 : vector<16xf32>
      %mul3A_2780 = arith.constant 1.000000e+04 : f32
      %mul3A_2781 = vector.broadcast %mul3A_2780 : f32 to vector<16xf32>
      %mul3A_2782 = arith.mulf %div3A_2774, %mul3A_2781 : vector<16xf32>
      %convert_element_type3A_2783 = arith.fptosi %mul3A_2782 : vector<16xf32> to vector<16xi32>
      %jit3A_2784 = arith.constant 0 : i32
      %jit3A_2785 = arith.constant 9999 : i32
      %max3A_2786 = vector.broadcast %jit3A_2784 : i32 to vector<16xi32>
      %max3A_2787 = arith.maxsi %max3A_2786, %convert_element_type3A_2783 : vector<16xi32>
      %min3A_2788 = vector.broadcast %jit3A_2785 : i32 to vector<16xi32>
      %min3A_2789 = arith.minsi %min3A_2788, %max3A_2787 : vector<16xi32>
      %swap3A_2790 = arith.constant 112 : index
      %swap3A_2791 = tpu.vector_load %arg20[%swap3A_2790] {strides = array<i32>} : memref<128xi32, #tpu.memory_space<vmem>>, vector<16xi32>,
      %swap3A_2792 = vector.shape_cast %swap3A_2791 : vector<16xi32> to vector<16xi32>
      %swap3A_2793 = vector.shape_cast %min3A_2789 : vector<16xi32> to vector<16xi32>
      tpu.vector_store %arg20[%swap3A_2790], %swap3A_2793 {strides = array<i32>} : memref<128xi32, #tpu.memory_space<vmem>>, vector<16xi32>,
      %mul3A_2794 = arith.constant 1.000000e+04 : f32
      %mul3A_2795 = vector.broadcast %mul3A_2794 : f32 to vector<16xf32>
      %mul3A_2796 = arith.mulf %div3A_2779, %mul3A_2795 : vector<16xf32>
      %convert_element_type3A_2797 = arith.fptosi %mul3A_2796 : vector<16xf32> to vector<16xi32>
      %jit3A_2798 = arith.constant 0 : i32
      %jit3A_2799 = arith.constant 9999 : i32
      %max3A_2800 = vector.broadcast %jit3A_2798 : i32 to vector<16xi32>
      %max3A_2801 = arith.maxsi %max3A_2800, %convert_element_type3A_2797 : vector<16xi32>
      %min3A_2802 = vector.broadcast %jit3A_2799 : i32 to vector<16xi32>
      %min3A_2803 = arith.minsi %min3A_2802, %max3A_2801 : vector<16xi32>
      %swap3A_2804 = arith.constant 112 : index
      %swap3A_2805 = tpu.vector_load %arg24[%swap3A_2804] {strides = array<i32>} : memref<128xi32, #tpu.memory_space<vmem>>, vector<16xi32>,
      %swap3A_2806 = vector.shape_cast %swap3A_2805 : vector<16xi32> to vector<16xi32>
      %swap3A_2807 = vector.shape_cast %min3A_2803 : vector<16xi32> to vector<16xi32>
      tpu.vector_store %arg24[%swap3A_2804], %swap3A_2807 {strides = array<i32>} : memref<128xi32, #tpu.memory_space<vmem>>, vector<16xi32>,
      %add3A_2808 = arith.constant 4 : i32
      %add3A_2809 = arith.addi %add3A_2495, %add3A_2808 : i32
      %mul3A_2810 = arith.constant 32 : i32
      %mul3A_2811 = arith.muli %add3A_2809, %mul3A_2810 : i32
      %add3A_2812 = arith.addi %add3A, %mul3A_2811 : i32
      %min3A_2813 = arith.constant 781 : i32
      %min3A_2814 = arith.minsi %add3A_2812, %min3A_2813 : i32
      %mul3A_2815 = arith.constant 128 : i32
      %mul3A_2816 = arith.muli %min3A_2814, %mul3A_2815 : i32
      %min3A_2817 = arith.constant 99872 : i32
      %min3A_2818 = arith.minsi %mul3A_2816, %min3A_2817 : i32
      %dma_start3A_2819 = tpu.memref_slice %arg2[%min3A_2818] : memref<100000xf32, #tpu.memory_space<hbm>> -> memref<128xf32, #tpu.memory_space<hbm>>
      %dma_start3A_2820 = tpu.memref_slice %arg2[%min3A_2818] : memref<100000xf32, #tpu.memory_space<hbm>> -> memref<128xf32, #tpu.memory_space<hbm>>
      tpu.enqueue_dma source(%dma_start3A_2820 : memref<128xf32, #tpu.memory_space<hbm>>) target(%arg12 : memref<128xf32, #tpu.memory_space<vmem>>) target_semaphore(%arg36 : memref<!tpu.dma_semaphore, #tpu.memory_space<semaphore_mem>>)
      %dma_start3A_2821 = tpu.memref_slice %arg3[%min3A_2818] : memref<100000xf32, #tpu.memory_space<hbm>> -> memref<128xf32, #tpu.memory_space<hbm>>
      %dma_start3A_2822 = tpu.memref_slice %arg3[%min3A_2818] : memref<100000xf32, #tpu.memory_space<hbm>> -> memref<128xf32, #tpu.memory_space<hbm>>
      tpu.enqueue_dma source(%dma_start3A_2822 : memref<128xf32, #tpu.memory_space<hbm>>) target(%arg16 : memref<128xf32, #tpu.memory_space<vmem>>) target_semaphore(%arg36 : memref<!tpu.dma_semaphore, #tpu.memory_space<semaphore_mem>>)
      %dma_wait3A_2823 = arith.constant 0 : i32
      %dma_wait3A_2824 = arith.constant 0 : i32
      %dma_wait3A_2825 = tpu.memref_slice %arg5[%dma_wait3A_2823, %dma_wait3A_2824] : memref<100000x128xf32, #tpu.memory_space<hbm>> -> memref<128x64xf32, #tpu.memory_space<hbm>>
      %dma_wait3A_2826 = arith.constant 0 : i32
      %dma_wait3A_2827 = arith.constant 0 : i32
      %dma_wait3A_2828 = tpu.memref_slice %arg5[%dma_wait3A_2826, %dma_wait3A_2827] : memref<100000x128xf32, #tpu.memory_space<hbm>> -> memref<128x64xf32, #tpu.memory_space<hbm>>
      tpu.wait_dma2 semaphore(%arg44 : memref<!tpu.dma_semaphore, #tpu.memory_space<semaphore_mem>>) src(%arg28 : memref<128x64xf32, #tpu.memory_space<vmem>>) dst(%dma_wait3A_2828 : memref<128x64xf32, #tpu.memory_space<hbm>>)
      %dma_wait3A_2829 = arith.constant 0 : i32
      %dma_wait3A_2830 = arith.constant 64 : i32
      %dma_wait3A_2831 = tpu.memref_slice %arg5[%dma_wait3A_2829, %dma_wait3A_2830] : memref<100000x128xf32, #tpu.memory_space<hbm>> -> memref<128x64xf32, #tpu.memory_space<hbm>>
      %dma_wait3A_2832 = arith.constant 0 : i32
      %dma_wait3A_2833 = arith.constant 64 : i32
      %dma_wait3A_2834 = tpu.memref_slice %arg5[%dma_wait3A_2832, %dma_wait3A_2833] : memref<100000x128xf32, #tpu.memory_space<hbm>> -> memref<128x64xf32, #tpu.memory_space<hbm>>
      tpu.wait_dma2 semaphore(%arg44 : memref<!tpu.dma_semaphore, #tpu.memory_space<semaphore_mem>>) src(%arg32 : memref<128x64xf32, #tpu.memory_space<vmem>>) dst(%dma_wait3A_2834 : memref<128x64xf32, #tpu.memory_space<hbm>>)
      %dma_start3A_2835 = arith.constant 0 : i32
      %dma_start3A_2836 = arith.constant 0 : i32
      %dma_start3A_2837 = tpu.memref_slice %arg4[%dma_start3A_2835, %dma_start3A_2836] : memref<10000x64xf32, #tpu.memory_space<hbm>> -> memref<10000x64xf32, #tpu.memory_space<hbm>>
      tpu.enqueue_indirect_dma source(%dma_start3A_2837 : memref<10000x64xf32, #tpu.memory_space<hbm>>) target(%arg28 : memref<128x64xf32, #tpu.memory_space<vmem>>) offsets(%arg20 : memref<128xi32, #tpu.memory_space<vmem>>) semaphore(%arg40 : memref<!tpu.dma_semaphore, #tpu.memory_space<semaphore_mem>>)
      %dma_start3A_2838 = arith.constant 0 : i32
      %dma_start3A_2839 = arith.constant 0 : i32
      %dma_start3A_2840 = tpu.memref_slice %arg4[%dma_start3A_2838, %dma_start3A_2839] : memref<10000x64xf32, #tpu.memory_space<hbm>> -> memref<10000x64xf32, #tpu.memory_space<hbm>>
      tpu.enqueue_indirect_dma source(%dma_start3A_2840 : memref<10000x64xf32, #tpu.memory_space<hbm>>) target(%arg32 : memref<128x64xf32, #tpu.memory_space<vmem>>) offsets(%arg24 : memref<128xi32, #tpu.memory_space<vmem>>) semaphore(%arg40 : memref<!tpu.dma_semaphore, #tpu.memory_space<semaphore_mem>>)
      %dma_wait3A_2841 = arith.constant 0 : i32
      %dma_wait3A_2842 = arith.constant 0 : i32
      %dma_wait3A_2843 = tpu.memref_slice %arg4[%dma_wait3A_2841, %dma_wait3A_2842] : memref<10000x64xf32, #tpu.memory_space<hbm>> -> memref<10000x64xf32, #tpu.memory_space<hbm>>
      tpu.wait_indirect_dma semaphore(%arg42 : memref<!tpu.dma_semaphore, #tpu.memory_space<semaphore_mem>>) src(%dma_wait3A_2843 : memref<10000x64xf32, #tpu.memory_space<hbm>>) dst(%arg30 : memref<128x64xf32, #tpu.memory_space<vmem>>)
      %dma_wait3A_2844 = arith.constant 0 : i32
      %dma_wait3A_2845 = arith.constant 0 : i32
      %dma_wait3A_2846 = tpu.memref_slice %arg4[%dma_wait3A_2844, %dma_wait3A_2845] : memref<10000x64xf32, #tpu.memory_space<hbm>> -> memref<10000x64xf32, #tpu.memory_space<hbm>>
      tpu.wait_indirect_dma semaphore(%arg42 : memref<!tpu.dma_semaphore, #tpu.memory_space<semaphore_mem>>) src(%dma_wait3A_2846 : memref<10000x64xf32, #tpu.memory_space<hbm>>) dst(%arg34 : memref<128x64xf32, #tpu.memory_space<vmem>>)
      %sub3A_2847 = arith.constant 2 : i32
      %sub3A_2848 = arith.subi %add3A_2495, %sub3A_2847 : i32
      %mul3A_2849 = arith.constant 32 : i32
      %mul3A_2850 = arith.muli %sub3A_2848, %mul3A_2849 : i32
      %add3A_2851 = arith.addi %add3A, %mul3A_2850 : i32
      %min3A_2852 = arith.constant 781 : i32
      %min3A_2853 = arith.minsi %add3A_2851, %min3A_2852 : i32
      %mul3A_2854 = arith.constant 128 : i32
      %mul3A_2855 = arith.muli %min3A_2853, %mul3A_2854 : i32
      %min3A_2856 = arith.constant 99872 : i32
      %min3A_2857 = arith.minsi %mul3A_2855, %min3A_2856 : i32
      %dma_start3A_2858 = arith.constant 0 : i32
      %dma_start3A_2859 = tpu.memref_slice %arg5[%min3A_2857, %dma_start3A_2858] : memref<100000x128xf32, #tpu.memory_space<hbm>> -> memref<128x64xf32, #tpu.memory_space<hbm>>
      %dma_start3A_2860 = arith.constant 0 : i32
      %dma_start3A_2861 = tpu.memref_slice %arg5[%min3A_2857, %dma_start3A_2860] : memref<100000x128xf32, #tpu.memory_space<hbm>> -> memref<128x64xf32, #tpu.memory_space<hbm>>
      tpu.enqueue_dma source(%arg30 : memref<128x64xf32, #tpu.memory_space<vmem>>) target(%dma_start3A_2861 : memref<128x64xf32, #tpu.memory_space<hbm>>) target_semaphore(%arg46 : memref<!tpu.dma_semaphore, #tpu.memory_space<semaphore_mem>>)
      %dma_start3A_2862 = arith.constant 64 : i32
      %dma_start3A_2863 = tpu.memref_slice %arg5[%min3A_2857, %dma_start3A_2862] : memref<100000x128xf32, #tpu.memory_space<hbm>> -> memref<128x64xf32, #tpu.memory_space<hbm>>
      %dma_start3A_2864 = arith.constant 64 : i32
      %dma_start3A_2865 = tpu.memref_slice %arg5[%min3A_2857, %dma_start3A_2864] : memref<100000x128xf32, #tpu.memory_space<hbm>> -> memref<128x64xf32, #tpu.memory_space<hbm>>
      tpu.enqueue_dma source(%arg34 : memref<128x64xf32, #tpu.memory_space<vmem>>) target(%dma_start3A_2865 : memref<128x64xf32, #tpu.memory_space<hbm>>) target_semaphore(%arg46 : memref<!tpu.dma_semaphore, #tpu.memory_space<semaphore_mem>>)
      %mul3A_2866 = arith.constant 4 : i32
      %mul3A_2867 = arith.muli %mul3A_2866, %scan3A_2113 : i32
      %add3A_2868 = arith.constant 4 : i32
      %add3A_2869 = arith.addi %add3A_2868, %mul3A_2867 : i32
      %add3A_2870 = arith.constant 2 : i32
      %add3A_2871 = arith.addi %add3A_2869, %add3A_2870 : i32
      %dma_wait3A_2872 = arith.constant 0 : i32
      %dma_wait3A_2873 = tpu.memref_slice %arg2[%dma_wait3A_2872] : memref<100000xf32, #tpu.memory_space<hbm>> -> memref<128xf32, #tpu.memory_space<hbm>>
      %dma_wait3A_2874 = arith.constant 0 : i32
      %dma_wait3A_2875 = tpu.memref_slice %arg2[%dma_wait3A_2874] : memref<100000xf32, #tpu.memory_space<hbm>> -> memref<128xf32, #tpu.memory_space<hbm>>
      tpu.wait_dma2 semaphore(%arg37 : memref<!tpu.dma_semaphore, #tpu.memory_space<semaphore_mem>>) src(%dma_wait3A_2875 : memref<128xf32, #tpu.memory_space<hbm>>) dst(%arg13 : memref<128xf32, #tpu.memory_space<vmem>>)
      %dma_wait3A_2876 = arith.constant 0 : i32
      %dma_wait3A_2877 = tpu.memref_slice %arg3[%dma_wait3A_2876] : memref<100000xf32, #tpu.memory_space<hbm>> -> memref<128xf32, #tpu.memory_space<hbm>>
      %dma_wait3A_2878 = arith.constant 0 : i32
      %dma_wait3A_2879 = tpu.memref_slice %arg3[%dma_wait3A_2878] : memref<100000xf32, #tpu.memory_space<hbm>> -> memref<128xf32, #tpu.memory_space<hbm>>
      tpu.wait_dma2 semaphore(%arg37 : memref<!tpu.dma_semaphore, #tpu.memory_space<semaphore_mem>>) src(%dma_wait3A_2879 : memref<128xf32, #tpu.memory_space<hbm>>) dst(%arg17 : memref<128xf32, #tpu.memory_space<vmem>>)
      %get3A_2880 = arith.constant 0 : index
      %get3A_2881 = tpu.vector_load %arg13[%get3A_2880] {strides = array<i32>} : memref<128xf32, #tpu.memory_space<vmem>>, vector<16xf32>,
      %get3A_2882 = vector.shape_cast %get3A_2881 : vector<16xf32> to vector<16xf32>
      %sub3A_2883 = arith.subf %get3A_2882, %min3A_604 : vector<16xf32>
      %div3A_2884 = arith.divf %sub3A_2883, %add3A_619 : vector<16xf32>
      %get3A_2885 = arith.constant 0 : index
      %get3A_2886 = tpu.vector_load %arg17[%get3A_2885] {strides = array<i32>} : memref<128xf32, #tpu.memory_space<vmem>>, vector<16xf32>,
      %get3A_2887 = vector.shape_cast %get3A_2886 : vector<16xf32> to vector<16xf32>
      %sub3A_2888 = arith.subf %get3A_2887, %min3A_612 : vector<16xf32>
      %div3A_2889 = arith.divf %sub3A_2888, %add3A_623 : vector<16xf32>
      %mul3A_2890 = arith.constant 1.000000e+04 : f32
      %mul3A_2891 = vector.broadcast %mul3A_2890 : f32 to vector<16xf32>
      %mul3A_2892 = arith.mulf %div3A_2884, %mul3A_2891 : vector<16xf32>
      %convert_element_type3A_2893 = arith.fptosi %mul3A_2892 : vector<16xf32> to vector<16xi32>
      %jit3A_2894 = arith.constant 0 : i32
      %jit3A_2895 = arith.constant 9999 : i32
      %max3A_2896 = vector.broadcast %jit3A_2894 : i32 to vector<16xi32>
      %max3A_2897 = arith.maxsi %max3A_2896, %convert_element_type3A_2893 : vector<16xi32>
      %min3A_2898 = vector.broadcast %jit3A_2895 : i32 to vector<16xi32>
      %min3A_2899 = arith.minsi %min3A_2898, %max3A_2897 : vector<16xi32>
      %swap3A_2900 = arith.constant 0 : index
      %swap3A_2901 = tpu.vector_load %arg21[%swap3A_2900] {strides = array<i32>} : memref<128xi32, #tpu.memory_space<vmem>>, vector<16xi32>,
      %swap3A_2902 = vector.shape_cast %swap3A_2901 : vector<16xi32> to vector<16xi32>
      %swap3A_2903 = vector.shape_cast %min3A_2899 : vector<16xi32> to vector<16xi32>
      tpu.vector_store %arg21[%swap3A_2900], %swap3A_2903 {strides = array<i32>} : memref<128xi32, #tpu.memory_space<vmem>>, vector<16xi32>,
      %mul3A_2904 = arith.constant 1.000000e+04 : f32
      %mul3A_2905 = vector.broadcast %mul3A_2904 : f32 to vector<16xf32>
      %mul3A_2906 = arith.mulf %div3A_2889, %mul3A_2905 : vector<16xf32>
      %convert_element_type3A_2907 = arith.fptosi %mul3A_2906 : vector<16xf32> to vector<16xi32>
      %jit3A_2908 = arith.constant 0 : i32
      %jit3A_2909 = arith.constant 9999 : i32
      %max3A_2910 = vector.broadcast %jit3A_2908 : i32 to vector<16xi32>
      %max3A_2911 = arith.maxsi %max3A_2910, %convert_element_type3A_2907 : vector<16xi32>
      %min3A_2912 = vector.broadcast %jit3A_2909 : i32 to vector<16xi32>
      %min3A_2913 = arith.minsi %min3A_2912, %max3A_2911 : vector<16xi32>
      %swap3A_2914 = arith.constant 0 : index
      %swap3A_2915 = tpu.vector_load %arg25[%swap3A_2914] {strides = array<i32>} : memref<128xi32, #tpu.memory_space<vmem>>, vector<16xi32>,
      %swap3A_2916 = vector.shape_cast %swap3A_2915 : vector<16xi32> to vector<16xi32>
      %swap3A_2917 = vector.shape_cast %min3A_2913 : vector<16xi32> to vector<16xi32>
      tpu.vector_store %arg25[%swap3A_2914], %swap3A_2917 {strides = array<i32>} : memref<128xi32, #tpu.memory_space<vmem>>, vector<16xi32>,
      %get3A_2918 = arith.constant 16 : index
      %get3A_2919 = tpu.vector_load %arg13[%get3A_2918] {strides = array<i32>} : memref<128xf32, #tpu.memory_space<vmem>>, vector<16xf32>,
      %get3A_2920 = vector.shape_cast %get3A_2919 : vector<16xf32> to vector<16xf32>
      %sub3A_2921 = arith.subf %get3A_2920, %min3A_604 : vector<16xf32>
      %div3A_2922 = arith.divf %sub3A_2921, %add3A_619 : vector<16xf32>
      %get3A_2923 = arith.constant 16 : index
      %get3A_2924 = tpu.vector_load %arg17[%get3A_2923] {strides = array<i32>} : memref<128xf32, #tpu.memory_space<vmem>>, vector<16xf32>,
      %get3A_2925 = vector.shape_cast %get3A_2924 : vector<16xf32> to vector<16xf32>
      %sub3A_2926 = arith.subf %get3A_2925, %min3A_612 : vector<16xf32>
      %div3A_2927 = arith.divf %sub3A_2926, %add3A_623 : vector<16xf32>
      %mul3A_2928 = arith.constant 1.000000e+04 : f32
      %mul3A_2929 = vector.broadcast %mul3A_2928 : f32 to vector<16xf32>
      %mul3A_2930 = arith.mulf %div3A_2922, %mul3A_2929 : vector<16xf32>
      %convert_element_type3A_2931 = arith.fptosi %mul3A_2930 : vector<16xf32> to vector<16xi32>
      %jit3A_2932 = arith.constant 0 : i32
      %jit3A_2933 = arith.constant 9999 : i32
      %max3A_2934 = vector.broadcast %jit3A_2932 : i32 to vector<16xi32>
      %max3A_2935 = arith.maxsi %max3A_2934, %convert_element_type3A_2931 : vector<16xi32>
      %min3A_2936 = vector.broadcast %jit3A_2933 : i32 to vector<16xi32>
      %min3A_2937 = arith.minsi %min3A_2936, %max3A_2935 : vector<16xi32>
      %swap3A_2938 = arith.constant 16 : index
      %swap3A_2939 = tpu.vector_load %arg21[%swap3A_2938] {strides = array<i32>} : memref<128xi32, #tpu.memory_space<vmem>>, vector<16xi32>,
      %swap3A_2940 = vector.shape_cast %swap3A_2939 : vector<16xi32> to vector<16xi32>
      %swap3A_2941 = vector.shape_cast %min3A_2937 : vector<16xi32> to vector<16xi32>
      tpu.vector_store %arg21[%swap3A_2938], %swap3A_2941 {strides = array<i32>} : memref<128xi32, #tpu.memory_space<vmem>>, vector<16xi32>,
      %mul3A_2942 = arith.constant 1.000000e+04 : f32
      %mul3A_2943 = vector.broadcast %mul3A_2942 : f32 to vector<16xf32>
      %mul3A_2944 = arith.mulf %div3A_2927, %mul3A_2943 : vector<16xf32>
      %convert_element_type3A_2945 = arith.fptosi %mul3A_2944 : vector<16xf32> to vector<16xi32>
      %jit3A_2946 = arith.constant 0 : i32
      %jit3A_2947 = arith.constant 9999 : i32
      %max3A_2948 = vector.broadcast %jit3A_2946 : i32 to vector<16xi32>
      %max3A_2949 = arith.maxsi %max3A_2948, %convert_element_type3A_2945 : vector<16xi32>
      %min3A_2950 = vector.broadcast %jit3A_2947 : i32 to vector<16xi32>
      %min3A_2951 = arith.minsi %min3A_2950, %max3A_2949 : vector<16xi32>
      %swap3A_2952 = arith.constant 16 : index
      %swap3A_2953 = tpu.vector_load %arg25[%swap3A_2952] {strides = array<i32>} : memref<128xi32, #tpu.memory_space<vmem>>, vector<16xi32>,
      %swap3A_2954 = vector.shape_cast %swap3A_2953 : vector<16xi32> to vector<16xi32>
      %swap3A_2955 = vector.shape_cast %min3A_2951 : vector<16xi32> to vector<16xi32>
      tpu.vector_store %arg25[%swap3A_2952], %swap3A_2955 {strides = array<i32>} : memref<128xi32, #tpu.memory_space<vmem>>, vector<16xi32>,
      %get3A_2956 = arith.constant 32 : index
      %get3A_2957 = tpu.vector_load %arg13[%get3A_2956] {strides = array<i32>} : memref<128xf32, #tpu.memory_space<vmem>>, vector<16xf32>,
      %get3A_2958 = vector.shape_cast %get3A_2957 : vector<16xf32> to vector<16xf32>
      %sub3A_2959 = arith.subf %get3A_2958, %min3A_604 : vector<16xf32>
      %div3A_2960 = arith.divf %sub3A_2959, %add3A_619 : vector<16xf32>
      %get3A_2961 = arith.constant 32 : index
      %get3A_2962 = tpu.vector_load %arg17[%get3A_2961] {strides = array<i32>} : memref<128xf32, #tpu.memory_space<vmem>>, vector<16xf32>,
      %get3A_2963 = vector.shape_cast %get3A_2962 : vector<16xf32> to vector<16xf32>
      %sub3A_2964 = arith.subf %get3A_2963, %min3A_612 : vector<16xf32>
      %div3A_2965 = arith.divf %sub3A_2964, %add3A_623 : vector<16xf32>
      %mul3A_2966 = arith.constant 1.000000e+04 : f32
      %mul3A_2967 = vector.broadcast %mul3A_2966 : f32 to vector<16xf32>
      %mul3A_2968 = arith.mulf %div3A_2960, %mul3A_2967 : vector<16xf32>
      %convert_element_type3A_2969 = arith.fptosi %mul3A_2968 : vector<16xf32> to vector<16xi32>
      %jit3A_2970 = arith.constant 0 : i32
      %jit3A_2971 = arith.constant 9999 : i32
      %max3A_2972 = vector.broadcast %jit3A_2970 : i32 to vector<16xi32>
      %max3A_2973 = arith.maxsi %max3A_2972, %convert_element_type3A_2969 : vector<16xi32>
      %min3A_2974 = vector.broadcast %jit3A_2971 : i32 to vector<16xi32>
      %min3A_2975 = arith.minsi %min3A_2974, %max3A_2973 : vector<16xi32>
      %swap3A_2976 = arith.constant 32 : index
      %swap3A_2977 = tpu.vector_load %arg21[%swap3A_2976] {strides = array<i32>} : memref<128xi32, #tpu.memory_space<vmem>>, vector<16xi32>,
      %swap3A_2978 = vector.shape_cast %swap3A_2977 : vector<16xi32> to vector<16xi32>
      %swap3A_2979 = vector.shape_cast %min3A_2975 : vector<16xi32> to vector<16xi32>
      tpu.vector_store %arg21[%swap3A_2976], %swap3A_2979 {strides = array<i32>} : memref<128xi32, #tpu.memory_space<vmem>>, vector<16xi32>,
      %mul3A_2980 = arith.constant 1.000000e+04 : f32
      %mul3A_2981 = vector.broadcast %mul3A_2980 : f32 to vector<16xf32>
      %mul3A_2982 = arith.mulf %div3A_2965, %mul3A_2981 : vector<16xf32>
      %convert_element_type3A_2983 = arith.fptosi %mul3A_2982 : vector<16xf32> to vector<16xi32>
      %jit3A_2984 = arith.constant 0 : i32
      %jit3A_2985 = arith.constant 9999 : i32
      %max3A_2986 = vector.broadcast %jit3A_2984 : i32 to vector<16xi32>
      %max3A_2987 = arith.maxsi %max3A_2986, %convert_element_type3A_2983 : vector<16xi32>
      %min3A_2988 = vector.broadcast %jit3A_2985 : i32 to vector<16xi32>
      %min3A_2989 = arith.minsi %min3A_2988, %max3A_2987 : vector<16xi32>
      %swap3A_2990 = arith.constant 32 : index
      %swap3A_2991 = tpu.vector_load %arg25[%swap3A_2990] {strides = array<i32>} : memref<128xi32, #tpu.memory_space<vmem>>, vector<16xi32>,
      %swap3A_2992 = vector.shape_cast %swap3A_2991 : vector<16xi32> to vector<16xi32>
      %swap3A_2993 = vector.shape_cast %min3A_2989 : vector<16xi32> to vector<16xi32>
      tpu.vector_store %arg25[%swap3A_2990], %swap3A_2993 {strides = array<i32>} : memref<128xi32, #tpu.memory_space<vmem>>, vector<16xi32>,
      %get3A_2994 = arith.constant 48 : index
      %get3A_2995 = tpu.vector_load %arg13[%get3A_2994] {strides = array<i32>} : memref<128xf32, #tpu.memory_space<vmem>>, vector<16xf32>,
      %get3A_2996 = vector.shape_cast %get3A_2995 : vector<16xf32> to vector<16xf32>
      %sub3A_2997 = arith.subf %get3A_2996, %min3A_604 : vector<16xf32>
      %div3A_2998 = arith.divf %sub3A_2997, %add3A_619 : vector<16xf32>
      %get3A_2999 = arith.constant 48 : index
      %get3A_3000 = tpu.vector_load %arg17[%get3A_2999] {strides = array<i32>} : memref<128xf32, #tpu.memory_space<vmem>>, vector<16xf32>,
      %get3A_3001 = vector.shape_cast %get3A_3000 : vector<16xf32> to vector<16xf32>
      %sub3A_3002 = arith.subf %get3A_3001, %min3A_612 : vector<16xf32>
      %div3A_3003 = arith.divf %sub3A_3002, %add3A_623 : vector<16xf32>
      %mul3A_3004 = arith.constant 1.000000e+04 : f32
      %mul3A_3005 = vector.broadcast %mul3A_3004 : f32 to vector<16xf32>
      %mul3A_3006 = arith.mulf %div3A_2998, %mul3A_3005 : vector<16xf32>
      %convert_element_type3A_3007 = arith.fptosi %mul3A_3006 : vector<16xf32> to vector<16xi32>
      %jit3A_3008 = arith.constant 0 : i32
      %jit3A_3009 = arith.constant 9999 : i32
      %max3A_3010 = vector.broadcast %jit3A_3008 : i32 to vector<16xi32>
      %max3A_3011 = arith.maxsi %max3A_3010, %convert_element_type3A_3007 : vector<16xi32>
      %min3A_3012 = vector.broadcast %jit3A_3009 : i32 to vector<16xi32>
      %min3A_3013 = arith.minsi %min3A_3012, %max3A_3011 : vector<16xi32>
      %swap3A_3014 = arith.constant 48 : index
      %swap3A_3015 = tpu.vector_load %arg21[%swap3A_3014] {strides = array<i32>} : memref<128xi32, #tpu.memory_space<vmem>>, vector<16xi32>,
      %swap3A_3016 = vector.shape_cast %swap3A_3015 : vector<16xi32> to vector<16xi32>
      %swap3A_3017 = vector.shape_cast %min3A_3013 : vector<16xi32> to vector<16xi32>
      tpu.vector_store %arg21[%swap3A_3014], %swap3A_3017 {strides = array<i32>} : memref<128xi32, #tpu.memory_space<vmem>>, vector<16xi32>,
      %mul3A_3018 = arith.constant 1.000000e+04 : f32
      %mul3A_3019 = vector.broadcast %mul3A_3018 : f32 to vector<16xf32>
      %mul3A_3020 = arith.mulf %div3A_3003, %mul3A_3019 : vector<16xf32>
      %convert_element_type3A_3021 = arith.fptosi %mul3A_3020 : vector<16xf32> to vector<16xi32>
      %jit3A_3022 = arith.constant 0 : i32
      %jit3A_3023 = arith.constant 9999 : i32
      %max3A_3024 = vector.broadcast %jit3A_3022 : i32 to vector<16xi32>
      %max3A_3025 = arith.maxsi %max3A_3024, %convert_element_type3A_3021 : vector<16xi32>
      %min3A_3026 = vector.broadcast %jit3A_3023 : i32 to vector<16xi32>
      %min3A_3027 = arith.minsi %min3A_3026, %max3A_3025 : vector<16xi32>
      %swap3A_3028 = arith.constant 48 : index
      %swap3A_3029 = tpu.vector_load %arg25[%swap3A_3028] {strides = array<i32>} : memref<128xi32, #tpu.memory_space<vmem>>, vector<16xi32>,
      %swap3A_3030 = vector.shape_cast %swap3A_3029 : vector<16xi32> to vector<16xi32>
      %swap3A_3031 = vector.shape_cast %min3A_3027 : vector<16xi32> to vector<16xi32>
      tpu.vector_store %arg25[%swap3A_3028], %swap3A_3031 {strides = array<i32>} : memref<128xi32, #tpu.memory_space<vmem>>, vector<16xi32>,
      %get3A_3032 = arith.constant 64 : index
      %get3A_3033 = tpu.vector_load %arg13[%get3A_3032] {strides = array<i32>} : memref<128xf32, #tpu.memory_space<vmem>>, vector<16xf32>,
      %get3A_3034 = vector.shape_cast %get3A_3033 : vector<16xf32> to vector<16xf32>
      %sub3A_3035 = arith.subf %get3A_3034, %min3A_604 : vector<16xf32>
      %div3A_3036 = arith.divf %sub3A_3035, %add3A_619 : vector<16xf32>
      %get3A_3037 = arith.constant 64 : index
      %get3A_3038 = tpu.vector_load %arg17[%get3A_3037] {strides = array<i32>} : memref<128xf32, #tpu.memory_space<vmem>>, vector<16xf32>,
      %get3A_3039 = vector.shape_cast %get3A_3038 : vector<16xf32> to vector<16xf32>
      %sub3A_3040 = arith.subf %get3A_3039, %min3A_612 : vector<16xf32>
      %div3A_3041 = arith.divf %sub3A_3040, %add3A_623 : vector<16xf32>
      %mul3A_3042 = arith.constant 1.000000e+04 : f32
      %mul3A_3043 = vector.broadcast %mul3A_3042 : f32 to vector<16xf32>
      %mul3A_3044 = arith.mulf %div3A_3036, %mul3A_3043 : vector<16xf32>
      %convert_element_type3A_3045 = arith.fptosi %mul3A_3044 : vector<16xf32> to vector<16xi32>
      %jit3A_3046 = arith.constant 0 : i32
      %jit3A_3047 = arith.constant 9999 : i32
      %max3A_3048 = vector.broadcast %jit3A_3046 : i32 to vector<16xi32>
      %max3A_3049 = arith.maxsi %max3A_3048, %convert_element_type3A_3045 : vector<16xi32>
      %min3A_3050 = vector.broadcast %jit3A_3047 : i32 to vector<16xi32>
      %min3A_3051 = arith.minsi %min3A_3050, %max3A_3049 : vector<16xi32>
      %swap3A_3052 = arith.constant 64 : index
      %swap3A_3053 = tpu.vector_load %arg21[%swap3A_3052] {strides = array<i32>} : memref<128xi32, #tpu.memory_space<vmem>>, vector<16xi32>,
      %swap3A_3054 = vector.shape_cast %swap3A_3053 : vector<16xi32> to vector<16xi32>
      %swap3A_3055 = vector.shape_cast %min3A_3051 : vector<16xi32> to vector<16xi32>
      tpu.vector_store %arg21[%swap3A_3052], %swap3A_3055 {strides = array<i32>} : memref<128xi32, #tpu.memory_space<vmem>>, vector<16xi32>,
      %mul3A_3056 = arith.constant 1.000000e+04 : f32
      %mul3A_3057 = vector.broadcast %mul3A_3056 : f32 to vector<16xf32>
      %mul3A_3058 = arith.mulf %div3A_3041, %mul3A_3057 : vector<16xf32>
      %convert_element_type3A_3059 = arith.fptosi %mul3A_3058 : vector<16xf32> to vector<16xi32>
      %jit3A_3060 = arith.constant 0 : i32
      %jit3A_3061 = arith.constant 9999 : i32
      %max3A_3062 = vector.broadcast %jit3A_3060 : i32 to vector<16xi32>
      %max3A_3063 = arith.maxsi %max3A_3062, %convert_element_type3A_3059 : vector<16xi32>
      %min3A_3064 = vector.broadcast %jit3A_3061 : i32 to vector<16xi32>
      %min3A_3065 = arith.minsi %min3A_3064, %max3A_3063 : vector<16xi32>
      %swap3A_3066 = arith.constant 64 : index
      %swap3A_3067 = tpu.vector_load %arg25[%swap3A_3066] {strides = array<i32>} : memref<128xi32, #tpu.memory_space<vmem>>, vector<16xi32>,
      %swap3A_3068 = vector.shape_cast %swap3A_3067 : vector<16xi32> to vector<16xi32>
      %swap3A_3069 = vector.shape_cast %min3A_3065 : vector<16xi32> to vector<16xi32>
      tpu.vector_store %arg25[%swap3A_3066], %swap3A_3069 {strides = array<i32>} : memref<128xi32, #tpu.memory_space<vmem>>, vector<16xi32>,
      %get3A_3070 = arith.constant 80 : index
      %get3A_3071 = tpu.vector_load %arg13[%get3A_3070] {strides = array<i32>} : memref<128xf32, #tpu.memory_space<vmem>>, vector<16xf32>,
      %get3A_3072 = vector.shape_cast %get3A_3071 : vector<16xf32> to vector<16xf32>
      %sub3A_3073 = arith.subf %get3A_3072, %min3A_604 : vector<16xf32>
      %div3A_3074 = arith.divf %sub3A_3073, %add3A_619 : vector<16xf32>
      %get3A_3075 = arith.constant 80 : index
      %get3A_3076 = tpu.vector_load %arg17[%get3A_3075] {strides = array<i32>} : memref<128xf32, #tpu.memory_space<vmem>>, vector<16xf32>,
      %get3A_3077 = vector.shape_cast %get3A_3076 : vector<16xf32> to vector<16xf32>
      %sub3A_3078 = arith.subf %get3A_3077, %min3A_612 : vector<16xf32>
      %div3A_3079 = arith.divf %sub3A_3078, %add3A_623 : vector<16xf32>
      %mul3A_3080 = arith.constant 1.000000e+04 : f32
      %mul3A_3081 = vector.broadcast %mul3A_3080 : f32 to vector<16xf32>
      %mul3A_3082 = arith.mulf %div3A_3074, %mul3A_3081 : vector<16xf32>
      %convert_element_type3A_3083 = arith.fptosi %mul3A_3082 : vector<16xf32> to vector<16xi32>
      %jit3A_3084 = arith.constant 0 : i32
      %jit3A_3085 = arith.constant 9999 : i32
      %max3A_3086 = vector.broadcast %jit3A_3084 : i32 to vector<16xi32>
      %max3A_3087 = arith.maxsi %max3A_3086, %convert_element_type3A_3083 : vector<16xi32>
      %min3A_3088 = vector.broadcast %jit3A_3085 : i32 to vector<16xi32>
      %min3A_3089 = arith.minsi %min3A_3088, %max3A_3087 : vector<16xi32>
      %swap3A_3090 = arith.constant 80 : index
      %swap3A_3091 = tpu.vector_load %arg21[%swap3A_3090] {strides = array<i32>} : memref<128xi32, #tpu.memory_space<vmem>>, vector<16xi32>,
      %swap3A_3092 = vector.shape_cast %swap3A_3091 : vector<16xi32> to vector<16xi32>
      %swap3A_3093 = vector.shape_cast %min3A_3089 : vector<16xi32> to vector<16xi32>
      tpu.vector_store %arg21[%swap3A_3090], %swap3A_3093 {strides = array<i32>} : memref<128xi32, #tpu.memory_space<vmem>>, vector<16xi32>,
      %mul3A_3094 = arith.constant 1.000000e+04 : f32
      %mul3A_3095 = vector.broadcast %mul3A_3094 : f32 to vector<16xf32>
      %mul3A_3096 = arith.mulf %div3A_3079, %mul3A_3095 : vector<16xf32>
      %convert_element_type3A_3097 = arith.fptosi %mul3A_3096 : vector<16xf32> to vector<16xi32>
      %jit3A_3098 = arith.constant 0 : i32
      %jit3A_3099 = arith.constant 9999 : i32
      %max3A_3100 = vector.broadcast %jit3A_3098 : i32 to vector<16xi32>
      %max3A_3101 = arith.maxsi %max3A_3100, %convert_element_type3A_3097 : vector<16xi32>
      %min3A_3102 = vector.broadcast %jit3A_3099 : i32 to vector<16xi32>
      %min3A_3103 = arith.minsi %min3A_3102, %max3A_3101 : vector<16xi32>
      %swap3A_3104 = arith.constant 80 : index
      %swap3A_3105 = tpu.vector_load %arg25[%swap3A_3104] {strides = array<i32>} : memref<128xi32, #tpu.memory_space<vmem>>, vector<16xi32>,
      %swap3A_3106 = vector.shape_cast %swap3A_3105 : vector<16xi32> to vector<16xi32>
      %swap3A_3107 = vector.shape_cast %min3A_3103 : vector<16xi32> to vector<16xi32>
      tpu.vector_store %arg25[%swap3A_3104], %swap3A_3107 {strides = array<i32>} : memref<128xi32, #tpu.memory_space<vmem>>, vector<16xi32>,
      %get3A_3108 = arith.constant 96 : index
      %get3A_3109 = tpu.vector_load %arg13[%get3A_3108] {strides = array<i32>} : memref<128xf32, #tpu.memory_space<vmem>>, vector<16xf32>,
      %get3A_3110 = vector.shape_cast %get3A_3109 : vector<16xf32> to vector<16xf32>
      %sub3A_3111 = arith.subf %get3A_3110, %min3A_604 : vector<16xf32>
      %div3A_3112 = arith.divf %sub3A_3111, %add3A_619 : vector<16xf32>
      %get3A_3113 = arith.constant 96 : index
      %get3A_3114 = tpu.vector_load %arg17[%get3A_3113] {strides = array<i32>} : memref<128xf32, #tpu.memory_space<vmem>>, vector<16xf32>,
      %get3A_3115 = vector.shape_cast %get3A_3114 : vector<16xf32> to vector<16xf32>
      %sub3A_3116 = arith.subf %get3A_3115, %min3A_612 : vector<16xf32>
      %div3A_3117 = arith.divf %sub3A_3116, %add3A_623 : vector<16xf32>
      %mul3A_3118 = arith.constant 1.000000e+04 : f32
      %mul3A_3119 = vector.broadcast %mul3A_3118 : f32 to vector<16xf32>
      %mul3A_3120 = arith.mulf %div3A_3112, %mul3A_3119 : vector<16xf32>
      %convert_element_type3A_3121 = arith.fptosi %mul3A_3120 : vector<16xf32> to vector<16xi32>
      %jit3A_3122 = arith.constant 0 : i32
      %jit3A_3123 = arith.constant 9999 : i32
      %max3A_3124 = vector.broadcast %jit3A_3122 : i32 to vector<16xi32>
      %max3A_3125 = arith.maxsi %max3A_3124, %convert_element_type3A_3121 : vector<16xi32>
      %min3A_3126 = vector.broadcast %jit3A_3123 : i32 to vector<16xi32>
      %min3A_3127 = arith.minsi %min3A_3126, %max3A_3125 : vector<16xi32>
      %swap3A_3128 = arith.constant 96 : index
      %swap3A_3129 = tpu.vector_load %arg21[%swap3A_3128] {strides = array<i32>} : memref<128xi32, #tpu.memory_space<vmem>>, vector<16xi32>,
      %swap3A_3130 = vector.shape_cast %swap3A_3129 : vector<16xi32> to vector<16xi32>
      %swap3A_3131 = vector.shape_cast %min3A_3127 : vector<16xi32> to vector<16xi32>
      tpu.vector_store %arg21[%swap3A_3128], %swap3A_3131 {strides = array<i32>} : memref<128xi32, #tpu.memory_space<vmem>>, vector<16xi32>,
      %mul3A_3132 = arith.constant 1.000000e+04 : f32
      %mul3A_3133 = vector.broadcast %mul3A_3132 : f32 to vector<16xf32>
      %mul3A_3134 = arith.mulf %div3A_3117, %mul3A_3133 : vector<16xf32>
      %convert_element_type3A_3135 = arith.fptosi %mul3A_3134 : vector<16xf32> to vector<16xi32>
      %jit3A_3136 = arith.constant 0 : i32
      %jit3A_3137 = arith.constant 9999 : i32
      %max3A_3138 = vector.broadcast %jit3A_3136 : i32 to vector<16xi32>
      %max3A_3139 = arith.maxsi %max3A_3138, %convert_element_type3A_3135 : vector<16xi32>
      %min3A_3140 = vector.broadcast %jit3A_3137 : i32 to vector<16xi32>
      %min3A_3141 = arith.minsi %min3A_3140, %max3A_3139 : vector<16xi32>
      %swap3A_3142 = arith.constant 96 : index
      %swap3A_3143 = tpu.vector_load %arg25[%swap3A_3142] {strides = array<i32>} : memref<128xi32, #tpu.memory_space<vmem>>, vector<16xi32>,
      %swap3A_3144 = vector.shape_cast %swap3A_3143 : vector<16xi32> to vector<16xi32>
      %swap3A_3145 = vector.shape_cast %min3A_3141 : vector<16xi32> to vector<16xi32>
      tpu.vector_store %arg25[%swap3A_3142], %swap3A_3145 {strides = array<i32>} : memref<128xi32, #tpu.memory_space<vmem>>, vector<16xi32>,
      %get3A_3146 = arith.constant 112 : index
      %get3A_3147 = tpu.vector_load %arg13[%get3A_3146] {strides = array<i32>} : memref<128xf32, #tpu.memory_space<vmem>>, vector<16xf32>,
      %get3A_3148 = vector.shape_cast %get3A_3147 : vector<16xf32> to vector<16xf32>
      %sub3A_3149 = arith.subf %get3A_3148, %min3A_604 : vector<16xf32>
      %div3A_3150 = arith.divf %sub3A_3149, %add3A_619 : vector<16xf32>
      %get3A_3151 = arith.constant 112 : index
      %get3A_3152 = tpu.vector_load %arg17[%get3A_3151] {strides = array<i32>} : memref<128xf32, #tpu.memory_space<vmem>>, vector<16xf32>,
      %get3A_3153 = vector.shape_cast %get3A_3152 : vector<16xf32> to vector<16xf32>
      %sub3A_3154 = arith.subf %get3A_3153, %min3A_612 : vector<16xf32>
      %div3A_3155 = arith.divf %sub3A_3154, %add3A_623 : vector<16xf32>
      %mul3A_3156 = arith.constant 1.000000e+04 : f32
      %mul3A_3157 = vector.broadcast %mul3A_3156 : f32 to vector<16xf32>
      %mul3A_3158 = arith.mulf %div3A_3150, %mul3A_3157 : vector<16xf32>
      %convert_element_type3A_3159 = arith.fptosi %mul3A_3158 : vector<16xf32> to vector<16xi32>
      %jit3A_3160 = arith.constant 0 : i32
      %jit3A_3161 = arith.constant 9999 : i32
      %max3A_3162 = vector.broadcast %jit3A_3160 : i32 to vector<16xi32>
      %max3A_3163 = arith.maxsi %max3A_3162, %convert_element_type3A_3159 : vector<16xi32>
      %min3A_3164 = vector.broadcast %jit3A_3161 : i32 to vector<16xi32>
      %min3A_3165 = arith.minsi %min3A_3164, %max3A_3163 : vector<16xi32>
      %swap3A_3166 = arith.constant 112 : index
      %swap3A_3167 = tpu.vector_load %arg21[%swap3A_3166] {strides = array<i32>} : memref<128xi32, #tpu.memory_space<vmem>>, vector<16xi32>,
      %swap3A_3168 = vector.shape_cast %swap3A_3167 : vector<16xi32> to vector<16xi32>
      %swap3A_3169 = vector.shape_cast %min3A_3165 : vector<16xi32> to vector<16xi32>
      tpu.vector_store %arg21[%swap3A_3166], %swap3A_3169 {strides = array<i32>} : memref<128xi32, #tpu.memory_space<vmem>>, vector<16xi32>,
      %mul3A_3170 = arith.constant 1.000000e+04 : f32
      %mul3A_3171 = vector.broadcast %mul3A_3170 : f32 to vector<16xf32>
      %mul3A_3172 = arith.mulf %div3A_3155, %mul3A_3171 : vector<16xf32>
      %convert_element_type3A_3173 = arith.fptosi %mul3A_3172 : vector<16xf32> to vector<16xi32>
      %jit3A_3174 = arith.constant 0 : i32
      %jit3A_3175 = arith.constant 9999 : i32
      %max3A_3176 = vector.broadcast %jit3A_3174 : i32 to vector<16xi32>
      %max3A_3177 = arith.maxsi %max3A_3176, %convert_element_type3A_3173 : vector<16xi32>
      %min3A_3178 = vector.broadcast %jit3A_3175 : i32 to vector<16xi32>
      %min3A_3179 = arith.minsi %min3A_3178, %max3A_3177 : vector<16xi32>
      %swap3A_3180 = arith.constant 112 : index
      %swap3A_3181 = tpu.vector_load %arg25[%swap3A_3180] {strides = array<i32>} : memref<128xi32, #tpu.memory_space<vmem>>, vector<16xi32>,
      %swap3A_3182 = vector.shape_cast %swap3A_3181 : vector<16xi32> to vector<16xi32>
      %swap3A_3183 = vector.shape_cast %min3A_3179 : vector<16xi32> to vector<16xi32>
      tpu.vector_store %arg25[%swap3A_3180], %swap3A_3183 {strides = array<i32>} : memref<128xi32, #tpu.memory_space<vmem>>, vector<16xi32>,
      %add3A_3184 = arith.constant 4 : i32
      %add3A_3185 = arith.addi %add3A_2871, %add3A_3184 : i32
      %mul3A_3186 = arith.constant 32 : i32
      %mul3A_3187 = arith.muli %add3A_3185, %mul3A_3186 : i32
      %add3A_3188 = arith.addi %add3A, %mul3A_3187 : i32
      %min3A_3189 = arith.constant 781 : i32
      %min3A_3190 = arith.minsi %add3A_3188, %min3A_3189 : i32
      %mul3A_3191 = arith.constant 128 : i32
      %mul3A_3192 = arith.muli %min3A_3190, %mul3A_3191 : i32
      %min3A_3193 = arith.constant 99872 : i32
      %min3A_3194 = arith.minsi %mul3A_3192, %min3A_3193 : i32
      %dma_start3A_3195 = tpu.memref_slice %arg2[%min3A_3194] : memref<100000xf32, #tpu.memory_space<hbm>> -> memref<128xf32, #tpu.memory_space<hbm>>
      %dma_start3A_3196 = tpu.memref_slice %arg2[%min3A_3194] : memref<100000xf32, #tpu.memory_space<hbm>> -> memref<128xf32, #tpu.memory_space<hbm>>
      tpu.enqueue_dma source(%dma_start3A_3196 : memref<128xf32, #tpu.memory_space<hbm>>) target(%arg13 : memref<128xf32, #tpu.memory_space<vmem>>) target_semaphore(%arg37 : memref<!tpu.dma_semaphore, #tpu.memory_space<semaphore_mem>>)
      %dma_start3A_3197 = tpu.memref_slice %arg3[%min3A_3194] : memref<100000xf32, #tpu.memory_space<hbm>> -> memref<128xf32, #tpu.memory_space<hbm>>
      %dma_start3A_3198 = tpu.memref_slice %arg3[%min3A_3194] : memref<100000xf32, #tpu.memory_space<hbm>> -> memref<128xf32, #tpu.memory_space<hbm>>
      tpu.enqueue_dma source(%dma_start3A_3198 : memref<128xf32, #tpu.memory_space<hbm>>) target(%arg17 : memref<128xf32, #tpu.memory_space<vmem>>) target_semaphore(%arg37 : memref<!tpu.dma_semaphore, #tpu.memory_space<semaphore_mem>>)
      %dma_wait3A_3199 = arith.constant 0 : i32
      %dma_wait3A_3200 = arith.constant 0 : i32
      %dma_wait3A_3201 = tpu.memref_slice %arg5[%dma_wait3A_3199, %dma_wait3A_3200] : memref<100000x128xf32, #tpu.memory_space<hbm>> -> memref<128x64xf32, #tpu.memory_space<hbm>>
      %dma_wait3A_3202 = arith.constant 0 : i32
      %dma_wait3A_3203 = arith.constant 0 : i32
      %dma_wait3A_3204 = tpu.memref_slice %arg5[%dma_wait3A_3202, %dma_wait3A_3203] : memref<100000x128xf32, #tpu.memory_space<hbm>> -> memref<128x64xf32, #tpu.memory_space<hbm>>
      tpu.wait_dma2 semaphore(%arg45 : memref<!tpu.dma_semaphore, #tpu.memory_space<semaphore_mem>>) src(%arg29 : memref<128x64xf32, #tpu.memory_space<vmem>>) dst(%dma_wait3A_3204 : memref<128x64xf32, #tpu.memory_space<hbm>>)
      %dma_wait3A_3205 = arith.constant 0 : i32
      %dma_wait3A_3206 = arith.constant 64 : i32
      %dma_wait3A_3207 = tpu.memref_slice %arg5[%dma_wait3A_3205, %dma_wait3A_3206] : memref<100000x128xf32, #tpu.memory_space<hbm>> -> memref<128x64xf32, #tpu.memory_space<hbm>>
      %dma_wait3A_3208 = arith.constant 0 : i32
      %dma_wait3A_3209 = arith.constant 64 : i32
      %dma_wait3A_3210 = tpu.memref_slice %arg5[%dma_wait3A_3208, %dma_wait3A_3209] : memref<100000x128xf32, #tpu.memory_space<hbm>> -> memref<128x64xf32, #tpu.memory_space<hbm>>
      tpu.wait_dma2 semaphore(%arg45 : memref<!tpu.dma_semaphore, #tpu.memory_space<semaphore_mem>>) src(%arg33 : memref<128x64xf32, #tpu.memory_space<vmem>>) dst(%dma_wait3A_3210 : memref<128x64xf32, #tpu.memory_space<hbm>>)
      %dma_start3A_3211 = arith.constant 0 : i32
      %dma_start3A_3212 = arith.constant 0 : i32
      %dma_start3A_3213 = tpu.memref_slice %arg4[%dma_start3A_3211, %dma_start3A_3212] : memref<10000x64xf32, #tpu.memory_space<hbm>> -> memref<10000x64xf32, #tpu.memory_space<hbm>>
      tpu.enqueue_indirect_dma source(%dma_start3A_3213 : memref<10000x64xf32, #tpu.memory_space<hbm>>) target(%arg29 : memref<128x64xf32, #tpu.memory_space<vmem>>) offsets(%arg21 : memref<128xi32, #tpu.memory_space<vmem>>) semaphore(%arg41 : memref<!tpu.dma_semaphore, #tpu.memory_space<semaphore_mem>>)
      %dma_start3A_3214 = arith.constant 0 : i32
      %dma_start3A_3215 = arith.constant 0 : i32
      %dma_start3A_3216 = tpu.memref_slice %arg4[%dma_start3A_3214, %dma_start3A_3215] : memref<10000x64xf32, #tpu.memory_space<hbm>> -> memref<10000x64xf32, #tpu.memory_space<hbm>>
      tpu.enqueue_indirect_dma source(%dma_start3A_3216 : memref<10000x64xf32, #tpu.memory_space<hbm>>) target(%arg33 : memref<128x64xf32, #tpu.memory_space<vmem>>) offsets(%arg25 : memref<128xi32, #tpu.memory_space<vmem>>) semaphore(%arg41 : memref<!tpu.dma_semaphore, #tpu.memory_space<semaphore_mem>>)
      %dma_wait3A_3217 = arith.constant 0 : i32
      %dma_wait3A_3218 = arith.constant 0 : i32
      %dma_wait3A_3219 = tpu.memref_slice %arg4[%dma_wait3A_3217, %dma_wait3A_3218] : memref<10000x64xf32, #tpu.memory_space<hbm>> -> memref<10000x64xf32, #tpu.memory_space<hbm>>
      tpu.wait_indirect_dma semaphore(%arg39 : memref<!tpu.dma_semaphore, #tpu.memory_space<semaphore_mem>>) src(%dma_wait3A_3219 : memref<10000x64xf32, #tpu.memory_space<hbm>>) dst(%arg27 : memref<128x64xf32, #tpu.memory_space<vmem>>)
      %dma_wait3A_3220 = arith.constant 0 : i32
      %dma_wait3A_3221 = arith.constant 0 : i32
      %dma_wait3A_3222 = tpu.memref_slice %arg4[%dma_wait3A_3220, %dma_wait3A_3221] : memref<10000x64xf32, #tpu.memory_space<hbm>> -> memref<10000x64xf32, #tpu.memory_space<hbm>>
      tpu.wait_indirect_dma semaphore(%arg39 : memref<!tpu.dma_semaphore, #tpu.memory_space<semaphore_mem>>) src(%dma_wait3A_3222 : memref<10000x64xf32, #tpu.memory_space<hbm>>) dst(%arg31 : memref<128x64xf32, #tpu.memory_space<vmem>>)
      %sub3A_3223 = arith.constant 2 : i32
      %sub3A_3224 = arith.subi %add3A_2871, %sub3A_3223 : i32
      %mul3A_3225 = arith.constant 32 : i32
      %mul3A_3226 = arith.muli %sub3A_3224, %mul3A_3225 : i32
      %add3A_3227 = arith.addi %add3A, %mul3A_3226 : i32
      %min3A_3228 = arith.constant 781 : i32
      %min3A_3229 = arith.minsi %add3A_3227, %min3A_3228 : i32
      %mul3A_3230 = arith.constant 128 : i32
      %mul3A_3231 = arith.muli %min3A_3229, %mul3A_3230 : i32
      %min3A_3232 = arith.constant 99872 : i32
      %min3A_3233 = arith.minsi %mul3A_3231, %min3A_3232 : i32
      %dma_start3A_3234 = arith.constant 0 : i32
      %dma_start3A_3235 = tpu.memref_slice %arg5[%min3A_3233, %dma_start3A_3234] : memref<100000x128xf32, #tpu.memory_space<hbm>> -> memref<128x64xf32, #tpu.memory_space<hbm>>
      %dma_start3A_3236 = arith.constant 0 : i32
      %dma_start3A_3237 = tpu.memref_slice %arg5[%min3A_3233, %dma_start3A_3236] : memref<100000x128xf32, #tpu.memory_space<hbm>> -> memref<128x64xf32, #tpu.memory_space<hbm>>
      tpu.enqueue_dma source(%arg27 : memref<128x64xf32, #tpu.memory_space<vmem>>) target(%dma_start3A_3237 : memref<128x64xf32, #tpu.memory_space<hbm>>) target_semaphore(%arg43 : memref<!tpu.dma_semaphore, #tpu.memory_space<semaphore_mem>>)
      %dma_start3A_3238 = arith.constant 64 : i32
      %dma_start3A_3239 = tpu.memref_slice %arg5[%min3A_3233, %dma_start3A_3238] : memref<100000x128xf32, #tpu.memory_space<hbm>> -> memref<128x64xf32, #tpu.memory_space<hbm>>
      %dma_start3A_3240 = arith.constant 64 : i32
      %dma_start3A_3241 = tpu.memref_slice %arg5[%min3A_3233, %dma_start3A_3240] : memref<100000x128xf32, #tpu.memory_space<hbm>> -> memref<128x64xf32, #tpu.memory_space<hbm>>
      tpu.enqueue_dma source(%arg31 : memref<128x64xf32, #tpu.memory_space<vmem>>) target(%dma_start3A_3241 : memref<128x64xf32, #tpu.memory_space<hbm>>) target_semaphore(%arg43 : memref<!tpu.dma_semaphore, #tpu.memory_space<semaphore_mem>>)
      %mul3A_3242 = arith.constant 4 : i32
      %mul3A_3243 = arith.muli %mul3A_3242, %scan3A_2113 : i32
      %add3A_3244 = arith.constant 4 : i32
      %add3A_3245 = arith.addi %add3A_3244, %mul3A_3243 : i32
      %add3A_3246 = arith.constant 3 : i32
      %add3A_3247 = arith.addi %add3A_3245, %add3A_3246 : i32
      %dma_wait3A_3248 = arith.constant 0 : i32
      %dma_wait3A_3249 = tpu.memref_slice %arg2[%dma_wait3A_3248] : memref<100000xf32, #tpu.memory_space<hbm>> -> memref<128xf32, #tpu.memory_space<hbm>>
      %dma_wait3A_3250 = arith.constant 0 : i32
      %dma_wait3A_3251 = tpu.memref_slice %arg2[%dma_wait3A_3250] : memref<100000xf32, #tpu.memory_space<hbm>> -> memref<128xf32, #tpu.memory_space<hbm>>
      tpu.wait_dma2 semaphore(%arg38 : memref<!tpu.dma_semaphore, #tpu.memory_space<semaphore_mem>>) src(%dma_wait3A_3251 : memref<128xf32, #tpu.memory_space<hbm>>) dst(%arg14 : memref<128xf32, #tpu.memory_space<vmem>>)
      %dma_wait3A_3252 = arith.constant 0 : i32
      %dma_wait3A_3253 = tpu.memref_slice %arg3[%dma_wait3A_3252] : memref<100000xf32, #tpu.memory_space<hbm>> -> memref<128xf32, #tpu.memory_space<hbm>>
      %dma_wait3A_3254 = arith.constant 0 : i32
      %dma_wait3A_3255 = tpu.memref_slice %arg3[%dma_wait3A_3254] : memref<100000xf32, #tpu.memory_space<hbm>> -> memref<128xf32, #tpu.memory_space<hbm>>
      tpu.wait_dma2 semaphore(%arg38 : memref<!tpu.dma_semaphore, #tpu.memory_space<semaphore_mem>>) src(%dma_wait3A_3255 : memref<128xf32, #tpu.memory_space<hbm>>) dst(%arg18 : memref<128xf32, #tpu.memory_space<vmem>>)
      %get3A_3256 = arith.constant 0 : index
      %get3A_3257 = tpu.vector_load %arg14[%get3A_3256] {strides = array<i32>} : memref<128xf32, #tpu.memory_space<vmem>>, vector<16xf32>,
      %get3A_3258 = vector.shape_cast %get3A_3257 : vector<16xf32> to vector<16xf32>
      %sub3A_3259 = arith.subf %get3A_3258, %min3A_604 : vector<16xf32>
      %div3A_3260 = arith.divf %sub3A_3259, %add3A_619 : vector<16xf32>
      %get3A_3261 = arith.constant 0 : index
      %get3A_3262 = tpu.vector_load %arg18[%get3A_3261] {strides = array<i32>} : memref<128xf32, #tpu.memory_space<vmem>>, vector<16xf32>,
      %get3A_3263 = vector.shape_cast %get3A_3262 : vector<16xf32> to vector<16xf32>
      %sub3A_3264 = arith.subf %get3A_3263, %min3A_612 : vector<16xf32>
      %div3A_3265 = arith.divf %sub3A_3264, %add3A_623 : vector<16xf32>
      %mul3A_3266 = arith.constant 1.000000e+04 : f32
      %mul3A_3267 = vector.broadcast %mul3A_3266 : f32 to vector<16xf32>
      %mul3A_3268 = arith.mulf %div3A_3260, %mul3A_3267 : vector<16xf32>
      %convert_element_type3A_3269 = arith.fptosi %mul3A_3268 : vector<16xf32> to vector<16xi32>
      %jit3A_3270 = arith.constant 0 : i32
      %jit3A_3271 = arith.constant 9999 : i32
      %max3A_3272 = vector.broadcast %jit3A_3270 : i32 to vector<16xi32>
      %max3A_3273 = arith.maxsi %max3A_3272, %convert_element_type3A_3269 : vector<16xi32>
      %min3A_3274 = vector.broadcast %jit3A_3271 : i32 to vector<16xi32>
      %min3A_3275 = arith.minsi %min3A_3274, %max3A_3273 : vector<16xi32>
      %swap3A_3276 = arith.constant 0 : index
      %swap3A_3277 = tpu.vector_load %arg22[%swap3A_3276] {strides = array<i32>} : memref<128xi32, #tpu.memory_space<vmem>>, vector<16xi32>,
      %swap3A_3278 = vector.shape_cast %swap3A_3277 : vector<16xi32> to vector<16xi32>
      %swap3A_3279 = vector.shape_cast %min3A_3275 : vector<16xi32> to vector<16xi32>
      tpu.vector_store %arg22[%swap3A_3276], %swap3A_3279 {strides = array<i32>} : memref<128xi32, #tpu.memory_space<vmem>>, vector<16xi32>,
      %mul3A_3280 = arith.constant 1.000000e+04 : f32
      %mul3A_3281 = vector.broadcast %mul3A_3280 : f32 to vector<16xf32>
      %mul3A_3282 = arith.mulf %div3A_3265, %mul3A_3281 : vector<16xf32>
      %convert_element_type3A_3283 = arith.fptosi %mul3A_3282 : vector<16xf32> to vector<16xi32>
      %jit3A_3284 = arith.constant 0 : i32
      %jit3A_3285 = arith.constant 9999 : i32
      %max3A_3286 = vector.broadcast %jit3A_3284 : i32 to vector<16xi32>
      %max3A_3287 = arith.maxsi %max3A_3286, %convert_element_type3A_3283 : vector<16xi32>
      %min3A_3288 = vector.broadcast %jit3A_3285 : i32 to vector<16xi32>
      %min3A_3289 = arith.minsi %min3A_3288, %max3A_3287 : vector<16xi32>
      %swap3A_3290 = arith.constant 0 : index
      %swap3A_3291 = tpu.vector_load %arg26[%swap3A_3290] {strides = array<i32>} : memref<128xi32, #tpu.memory_space<vmem>>, vector<16xi32>,
      %swap3A_3292 = vector.shape_cast %swap3A_3291 : vector<16xi32> to vector<16xi32>
      %swap3A_3293 = vector.shape_cast %min3A_3289 : vector<16xi32> to vector<16xi32>
      tpu.vector_store %arg26[%swap3A_3290], %swap3A_3293 {strides = array<i32>} : memref<128xi32, #tpu.memory_space<vmem>>, vector<16xi32>,
      %get3A_3294 = arith.constant 16 : index
      %get3A_3295 = tpu.vector_load %arg14[%get3A_3294] {strides = array<i32>} : memref<128xf32, #tpu.memory_space<vmem>>, vector<16xf32>,
      %get3A_3296 = vector.shape_cast %get3A_3295 : vector<16xf32> to vector<16xf32>
      %sub3A_3297 = arith.subf %get3A_3296, %min3A_604 : vector<16xf32>
      %div3A_3298 = arith.divf %sub3A_3297, %add3A_619 : vector<16xf32>
      %get3A_3299 = arith.constant 16 : index
      %get3A_3300 = tpu.vector_load %arg18[%get3A_3299] {strides = array<i32>} : memref<128xf32, #tpu.memory_space<vmem>>, vector<16xf32>,
      %get3A_3301 = vector.shape_cast %get3A_3300 : vector<16xf32> to vector<16xf32>
      %sub3A_3302 = arith.subf %get3A_3301, %min3A_612 : vector<16xf32>
      %div3A_3303 = arith.divf %sub3A_3302, %add3A_623 : vector<16xf32>
      %mul3A_3304 = arith.constant 1.000000e+04 : f32
      %mul3A_3305 = vector.broadcast %mul3A_3304 : f32 to vector<16xf32>
      %mul3A_3306 = arith.mulf %div3A_3298, %mul3A_3305 : vector<16xf32>
      %convert_element_type3A_3307 = arith.fptosi %mul3A_3306 : vector<16xf32> to vector<16xi32>
      %jit3A_3308 = arith.constant 0 : i32
      %jit3A_3309 = arith.constant 9999 : i32
      %max3A_3310 = vector.broadcast %jit3A_3308 : i32 to vector<16xi32>
      %max3A_3311 = arith.maxsi %max3A_3310, %convert_element_type3A_3307 : vector<16xi32>
      %min3A_3312 = vector.broadcast %jit3A_3309 : i32 to vector<16xi32>
      %min3A_3313 = arith.minsi %min3A_3312, %max3A_3311 : vector<16xi32>
      %swap3A_3314 = arith.constant 16 : index
      %swap3A_3315 = tpu.vector_load %arg22[%swap3A_3314] {strides = array<i32>} : memref<128xi32, #tpu.memory_space<vmem>>, vector<16xi32>,
      %swap3A_3316 = vector.shape_cast %swap3A_3315 : vector<16xi32> to vector<16xi32>
      %swap3A_3317 = vector.shape_cast %min3A_3313 : vector<16xi32> to vector<16xi32>
      tpu.vector_store %arg22[%swap3A_3314], %swap3A_3317 {strides = array<i32>} : memref<128xi32, #tpu.memory_space<vmem>>, vector<16xi32>,
      %mul3A_3318 = arith.constant 1.000000e+04 : f32
      %mul3A_3319 = vector.broadcast %mul3A_3318 : f32 to vector<16xf32>
      %mul3A_3320 = arith.mulf %div3A_3303, %mul3A_3319 : vector<16xf32>
      %convert_element_type3A_3321 = arith.fptosi %mul3A_3320 : vector<16xf32> to vector<16xi32>
      %jit3A_3322 = arith.constant 0 : i32
      %jit3A_3323 = arith.constant 9999 : i32
      %max3A_3324 = vector.broadcast %jit3A_3322 : i32 to vector<16xi32>
      %max3A_3325 = arith.maxsi %max3A_3324, %convert_element_type3A_3321 : vector<16xi32>
      %min3A_3326 = vector.broadcast %jit3A_3323 : i32 to vector<16xi32>
      %min3A_3327 = arith.minsi %min3A_3326, %max3A_3325 : vector<16xi32>
      %swap3A_3328 = arith.constant 16 : index
      %swap3A_3329 = tpu.vector_load %arg26[%swap3A_3328] {strides = array<i32>} : memref<128xi32, #tpu.memory_space<vmem>>, vector<16xi32>,
      %swap3A_3330 = vector.shape_cast %swap3A_3329 : vector<16xi32> to vector<16xi32>
      %swap3A_3331 = vector.shape_cast %min3A_3327 : vector<16xi32> to vector<16xi32>
      tpu.vector_store %arg26[%swap3A_3328], %swap3A_3331 {strides = array<i32>} : memref<128xi32, #tpu.memory_space<vmem>>, vector<16xi32>,
      %get3A_3332 = arith.constant 32 : index
      %get3A_3333 = tpu.vector_load %arg14[%get3A_3332] {strides = array<i32>} : memref<128xf32, #tpu.memory_space<vmem>>, vector<16xf32>,
      %get3A_3334 = vector.shape_cast %get3A_3333 : vector<16xf32> to vector<16xf32>
      %sub3A_3335 = arith.subf %get3A_3334, %min3A_604 : vector<16xf32>
      %div3A_3336 = arith.divf %sub3A_3335, %add3A_619 : vector<16xf32>
      %get3A_3337 = arith.constant 32 : index
      %get3A_3338 = tpu.vector_load %arg18[%get3A_3337] {strides = array<i32>} : memref<128xf32, #tpu.memory_space<vmem>>, vector<16xf32>,
      %get3A_3339 = vector.shape_cast %get3A_3338 : vector<16xf32> to vector<16xf32>
      %sub3A_3340 = arith.subf %get3A_3339, %min3A_612 : vector<16xf32>
      %div3A_3341 = arith.divf %sub3A_3340, %add3A_623 : vector<16xf32>
      %mul3A_3342 = arith.constant 1.000000e+04 : f32
      %mul3A_3343 = vector.broadcast %mul3A_3342 : f32 to vector<16xf32>
      %mul3A_3344 = arith.mulf %div3A_3336, %mul3A_3343 : vector<16xf32>
      %convert_element_type3A_3345 = arith.fptosi %mul3A_3344 : vector<16xf32> to vector<16xi32>
      %jit3A_3346 = arith.constant 0 : i32
      %jit3A_3347 = arith.constant 9999 : i32
      %max3A_3348 = vector.broadcast %jit3A_3346 : i32 to vector<16xi32>
      %max3A_3349 = arith.maxsi %max3A_3348, %convert_element_type3A_3345 : vector<16xi32>
      %min3A_3350 = vector.broadcast %jit3A_3347 : i32 to vector<16xi32>
      %min3A_3351 = arith.minsi %min3A_3350, %max3A_3349 : vector<16xi32>
      %swap3A_3352 = arith.constant 32 : index
      %swap3A_3353 = tpu.vector_load %arg22[%swap3A_3352] {strides = array<i32>} : memref<128xi32, #tpu.memory_space<vmem>>, vector<16xi32>,
      %swap3A_3354 = vector.shape_cast %swap3A_3353 : vector<16xi32> to vector<16xi32>
      %swap3A_3355 = vector.shape_cast %min3A_3351 : vector<16xi32> to vector<16xi32>
      tpu.vector_store %arg22[%swap3A_3352], %swap3A_3355 {strides = array<i32>} : memref<128xi32, #tpu.memory_space<vmem>>, vector<16xi32>,
      %mul3A_3356 = arith.constant 1.000000e+04 : f32
      %mul3A_3357 = vector.broadcast %mul3A_3356 : f32 to vector<16xf32>
      %mul3A_3358 = arith.mulf %div3A_3341, %mul3A_3357 : vector<16xf32>
      %convert_element_type3A_3359 = arith.fptosi %mul3A_3358 : vector<16xf32> to vector<16xi32>
      %jit3A_3360 = arith.constant 0 : i32
      %jit3A_3361 = arith.constant 9999 : i32
      %max3A_3362 = vector.broadcast %jit3A_3360 : i32 to vector<16xi32>
      %max3A_3363 = arith.maxsi %max3A_3362, %convert_element_type3A_3359 : vector<16xi32>
      %min3A_3364 = vector.broadcast %jit3A_3361 : i32 to vector<16xi32>
      %min3A_3365 = arith.minsi %min3A_3364, %max3A_3363 : vector<16xi32>
      %swap3A_3366 = arith.constant 32 : index
      %swap3A_3367 = tpu.vector_load %arg26[%swap3A_3366] {strides = array<i32>} : memref<128xi32, #tpu.memory_space<vmem>>, vector<16xi32>,
      %swap3A_3368 = vector.shape_cast %swap3A_3367 : vector<16xi32> to vector<16xi32>
      %swap3A_3369 = vector.shape_cast %min3A_3365 : vector<16xi32> to vector<16xi32>
      tpu.vector_store %arg26[%swap3A_3366], %swap3A_3369 {strides = array<i32>} : memref<128xi32, #tpu.memory_space<vmem>>, vector<16xi32>,
      %get3A_3370 = arith.constant 48 : index
      %get3A_3371 = tpu.vector_load %arg14[%get3A_3370] {strides = array<i32>} : memref<128xf32, #tpu.memory_space<vmem>>, vector<16xf32>,
      %get3A_3372 = vector.shape_cast %get3A_3371 : vector<16xf32> to vector<16xf32>
      %sub3A_3373 = arith.subf %get3A_3372, %min3A_604 : vector<16xf32>
      %div3A_3374 = arith.divf %sub3A_3373, %add3A_619 : vector<16xf32>
      %get3A_3375 = arith.constant 48 : index
      %get3A_3376 = tpu.vector_load %arg18[%get3A_3375] {strides = array<i32>} : memref<128xf32, #tpu.memory_space<vmem>>, vector<16xf32>,
      %get3A_3377 = vector.shape_cast %get3A_3376 : vector<16xf32> to vector<16xf32>
      %sub3A_3378 = arith.subf %get3A_3377, %min3A_612 : vector<16xf32>
      %div3A_3379 = arith.divf %sub3A_3378, %add3A_623 : vector<16xf32>
      %mul3A_3380 = arith.constant 1.000000e+04 : f32
      %mul3A_3381 = vector.broadcast %mul3A_3380 : f32 to vector<16xf32>
      %mul3A_3382 = arith.mulf %div3A_3374, %mul3A_3381 : vector<16xf32>
      %convert_element_type3A_3383 = arith.fptosi %mul3A_3382 : vector<16xf32> to vector<16xi32>
      %jit3A_3384 = arith.constant 0 : i32
      %jit3A_3385 = arith.constant 9999 : i32
      %max3A_3386 = vector.broadcast %jit3A_3384 : i32 to vector<16xi32>
      %max3A_3387 = arith.maxsi %max3A_3386, %convert_element_type3A_3383 : vector<16xi32>
      %min3A_3388 = vector.broadcast %jit3A_3385 : i32 to vector<16xi32>
      %min3A_3389 = arith.minsi %min3A_3388, %max3A_3387 : vector<16xi32>
      %swap3A_3390 = arith.constant 48 : index
      %swap3A_3391 = tpu.vector_load %arg22[%swap3A_3390] {strides = array<i32>} : memref<128xi32, #tpu.memory_space<vmem>>, vector<16xi32>,
      %swap3A_3392 = vector.shape_cast %swap3A_3391 : vector<16xi32> to vector<16xi32>
      %swap3A_3393 = vector.shape_cast %min3A_3389 : vector<16xi32> to vector<16xi32>
      tpu.vector_store %arg22[%swap3A_3390], %swap3A_3393 {strides = array<i32>} : memref<128xi32, #tpu.memory_space<vmem>>, vector<16xi32>,
      %mul3A_3394 = arith.constant 1.000000e+04 : f32
      %mul3A_3395 = vector.broadcast %mul3A_3394 : f32 to vector<16xf32>
      %mul3A_3396 = arith.mulf %div3A_3379, %mul3A_3395 : vector<16xf32>
      %convert_element_type3A_3397 = arith.fptosi %mul3A_3396 : vector<16xf32> to vector<16xi32>
      %jit3A_3398 = arith.constant 0 : i32
      %jit3A_3399 = arith.constant 9999 : i32
      %max3A_3400 = vector.broadcast %jit3A_3398 : i32 to vector<16xi32>
      %max3A_3401 = arith.maxsi %max3A_3400, %convert_element_type3A_3397 : vector<16xi32>
      %min3A_3402 = vector.broadcast %jit3A_3399 : i32 to vector<16xi32>
      %min3A_3403 = arith.minsi %min3A_3402, %max3A_3401 : vector<16xi32>
      %swap3A_3404 = arith.constant 48 : index
      %swap3A_3405 = tpu.vector_load %arg26[%swap3A_3404] {strides = array<i32>} : memref<128xi32, #tpu.memory_space<vmem>>, vector<16xi32>,
      %swap3A_3406 = vector.shape_cast %swap3A_3405 : vector<16xi32> to vector<16xi32>
      %swap3A_3407 = vector.shape_cast %min3A_3403 : vector<16xi32> to vector<16xi32>
      tpu.vector_store %arg26[%swap3A_3404], %swap3A_3407 {strides = array<i32>} : memref<128xi32, #tpu.memory_space<vmem>>, vector<16xi32>,
      %get3A_3408 = arith.constant 64 : index
      %get3A_3409 = tpu.vector_load %arg14[%get3A_3408] {strides = array<i32>} : memref<128xf32, #tpu.memory_space<vmem>>, vector<16xf32>,
      %get3A_3410 = vector.shape_cast %get3A_3409 : vector<16xf32> to vector<16xf32>
      %sub3A_3411 = arith.subf %get3A_3410, %min3A_604 : vector<16xf32>
      %div3A_3412 = arith.divf %sub3A_3411, %add3A_619 : vector<16xf32>
      %get3A_3413 = arith.constant 64 : index
      %get3A_3414 = tpu.vector_load %arg18[%get3A_3413] {strides = array<i32>} : memref<128xf32, #tpu.memory_space<vmem>>, vector<16xf32>,
      %get3A_3415 = vector.shape_cast %get3A_3414 : vector<16xf32> to vector<16xf32>
      %sub3A_3416 = arith.subf %get3A_3415, %min3A_612 : vector<16xf32>
      %div3A_3417 = arith.divf %sub3A_3416, %add3A_623 : vector<16xf32>
      %mul3A_3418 = arith.constant 1.000000e+04 : f32
      %mul3A_3419 = vector.broadcast %mul3A_3418 : f32 to vector<16xf32>
      %mul3A_3420 = arith.mulf %div3A_3412, %mul3A_3419 : vector<16xf32>
      %convert_element_type3A_3421 = arith.fptosi %mul3A_3420 : vector<16xf32> to vector<16xi32>
      %jit3A_3422 = arith.constant 0 : i32
      %jit3A_3423 = arith.constant 9999 : i32
      %max3A_3424 = vector.broadcast %jit3A_3422 : i32 to vector<16xi32>
      %max3A_3425 = arith.maxsi %max3A_3424, %convert_element_type3A_3421 : vector<16xi32>
      %min3A_3426 = vector.broadcast %jit3A_3423 : i32 to vector<16xi32>
      %min3A_3427 = arith.minsi %min3A_3426, %max3A_3425 : vector<16xi32>
      %swap3A_3428 = arith.constant 64 : index
      %swap3A_3429 = tpu.vector_load %arg22[%swap3A_3428] {strides = array<i32>} : memref<128xi32, #tpu.memory_space<vmem>>, vector<16xi32>,
      %swap3A_3430 = vector.shape_cast %swap3A_3429 : vector<16xi32> to vector<16xi32>
      %swap3A_3431 = vector.shape_cast %min3A_3427 : vector<16xi32> to vector<16xi32>
      tpu.vector_store %arg22[%swap3A_3428], %swap3A_3431 {strides = array<i32>} : memref<128xi32, #tpu.memory_space<vmem>>, vector<16xi32>,
      %mul3A_3432 = arith.constant 1.000000e+04 : f32
      %mul3A_3433 = vector.broadcast %mul3A_3432 : f32 to vector<16xf32>
      %mul3A_3434 = arith.mulf %div3A_3417, %mul3A_3433 : vector<16xf32>
      %convert_element_type3A_3435 = arith.fptosi %mul3A_3434 : vector<16xf32> to vector<16xi32>
      %jit3A_3436 = arith.constant 0 : i32
      %jit3A_3437 = arith.constant 9999 : i32
      %max3A_3438 = vector.broadcast %jit3A_3436 : i32 to vector<16xi32>
      %max3A_3439 = arith.maxsi %max3A_3438, %convert_element_type3A_3435 : vector<16xi32>
      %min3A_3440 = vector.broadcast %jit3A_3437 : i32 to vector<16xi32>
      %min3A_3441 = arith.minsi %min3A_3440, %max3A_3439 : vector<16xi32>
      %swap3A_3442 = arith.constant 64 : index
      %swap3A_3443 = tpu.vector_load %arg26[%swap3A_3442] {strides = array<i32>} : memref<128xi32, #tpu.memory_space<vmem>>, vector<16xi32>,
      %swap3A_3444 = vector.shape_cast %swap3A_3443 : vector<16xi32> to vector<16xi32>
      %swap3A_3445 = vector.shape_cast %min3A_3441 : vector<16xi32> to vector<16xi32>
      tpu.vector_store %arg26[%swap3A_3442], %swap3A_3445 {strides = array<i32>} : memref<128xi32, #tpu.memory_space<vmem>>, vector<16xi32>,
      %get3A_3446 = arith.constant 80 : index
      %get3A_3447 = tpu.vector_load %arg14[%get3A_3446] {strides = array<i32>} : memref<128xf32, #tpu.memory_space<vmem>>, vector<16xf32>,
      %get3A_3448 = vector.shape_cast %get3A_3447 : vector<16xf32> to vector<16xf32>
      %sub3A_3449 = arith.subf %get3A_3448, %min3A_604 : vector<16xf32>
      %div3A_3450 = arith.divf %sub3A_3449, %add3A_619 : vector<16xf32>
      %get3A_3451 = arith.constant 80 : index
      %get3A_3452 = tpu.vector_load %arg18[%get3A_3451] {strides = array<i32>} : memref<128xf32, #tpu.memory_space<vmem>>, vector<16xf32>,
      %get3A_3453 = vector.shape_cast %get3A_3452 : vector<16xf32> to vector<16xf32>
      %sub3A_3454 = arith.subf %get3A_3453, %min3A_612 : vector<16xf32>
      %div3A_3455 = arith.divf %sub3A_3454, %add3A_623 : vector<16xf32>
      %mul3A_3456 = arith.constant 1.000000e+04 : f32
      %mul3A_3457 = vector.broadcast %mul3A_3456 : f32 to vector<16xf32>
      %mul3A_3458 = arith.mulf %div3A_3450, %mul3A_3457 : vector<16xf32>
      %convert_element_type3A_3459 = arith.fptosi %mul3A_3458 : vector<16xf32> to vector<16xi32>
      %jit3A_3460 = arith.constant 0 : i32
      %jit3A_3461 = arith.constant 9999 : i32
      %max3A_3462 = vector.broadcast %jit3A_3460 : i32 to vector<16xi32>
      %max3A_3463 = arith.maxsi %max3A_3462, %convert_element_type3A_3459 : vector<16xi32>
      %min3A_3464 = vector.broadcast %jit3A_3461 : i32 to vector<16xi32>
      %min3A_3465 = arith.minsi %min3A_3464, %max3A_3463 : vector<16xi32>
      %swap3A_3466 = arith.constant 80 : index
      %swap3A_3467 = tpu.vector_load %arg22[%swap3A_3466] {strides = array<i32>} : memref<128xi32, #tpu.memory_space<vmem>>, vector<16xi32>,
      %swap3A_3468 = vector.shape_cast %swap3A_3467 : vector<16xi32> to vector<16xi32>
      %swap3A_3469 = vector.shape_cast %min3A_3465 : vector<16xi32> to vector<16xi32>
      tpu.vector_store %arg22[%swap3A_3466], %swap3A_3469 {strides = array<i32>} : memref<128xi32, #tpu.memory_space<vmem>>, vector<16xi32>,
      %mul3A_3470 = arith.constant 1.000000e+04 : f32
      %mul3A_3471 = vector.broadcast %mul3A_3470 : f32 to vector<16xf32>
      %mul3A_3472 = arith.mulf %div3A_3455, %mul3A_3471 : vector<16xf32>
      %convert_element_type3A_3473 = arith.fptosi %mul3A_3472 : vector<16xf32> to vector<16xi32>
      %jit3A_3474 = arith.constant 0 : i32
      %jit3A_3475 = arith.constant 9999 : i32
      %max3A_3476 = vector.broadcast %jit3A_3474 : i32 to vector<16xi32>
      %max3A_3477 = arith.maxsi %max3A_3476, %convert_element_type3A_3473 : vector<16xi32>
      %min3A_3478 = vector.broadcast %jit3A_3475 : i32 to vector<16xi32>
      %min3A_3479 = arith.minsi %min3A_3478, %max3A_3477 : vector<16xi32>
      %swap3A_3480 = arith.constant 80 : index
      %swap3A_3481 = tpu.vector_load %arg26[%swap3A_3480] {strides = array<i32>} : memref<128xi32, #tpu.memory_space<vmem>>, vector<16xi32>,
      %swap3A_3482 = vector.shape_cast %swap3A_3481 : vector<16xi32> to vector<16xi32>
      %swap3A_3483 = vector.shape_cast %min3A_3479 : vector<16xi32> to vector<16xi32>
      tpu.vector_store %arg26[%swap3A_3480], %swap3A_3483 {strides = array<i32>} : memref<128xi32, #tpu.memory_space<vmem>>, vector<16xi32>,
      %get3A_3484 = arith.constant 96 : index
      %get3A_3485 = tpu.vector_load %arg14[%get3A_3484] {strides = array<i32>} : memref<128xf32, #tpu.memory_space<vmem>>, vector<16xf32>,
      %get3A_3486 = vector.shape_cast %get3A_3485 : vector<16xf32> to vector<16xf32>
      %sub3A_3487 = arith.subf %get3A_3486, %min3A_604 : vector<16xf32>
      %div3A_3488 = arith.divf %sub3A_3487, %add3A_619 : vector<16xf32>
      %get3A_3489 = arith.constant 96 : index
      %get3A_3490 = tpu.vector_load %arg18[%get3A_3489] {strides = array<i32>} : memref<128xf32, #tpu.memory_space<vmem>>, vector<16xf32>,
      %get3A_3491 = vector.shape_cast %get3A_3490 : vector<16xf32> to vector<16xf32>
      %sub3A_3492 = arith.subf %get3A_3491, %min3A_612 : vector<16xf32>
      %div3A_3493 = arith.divf %sub3A_3492, %add3A_623 : vector<16xf32>
      %mul3A_3494 = arith.constant 1.000000e+04 : f32
      %mul3A_3495 = vector.broadcast %mul3A_3494 : f32 to vector<16xf32>
      %mul3A_3496 = arith.mulf %div3A_3488, %mul3A_3495 : vector<16xf32>
      %convert_element_type3A_3497 = arith.fptosi %mul3A_3496 : vector<16xf32> to vector<16xi32>
      %jit3A_3498 = arith.constant 0 : i32
      %jit3A_3499 = arith.constant 9999 : i32
      %max3A_3500 = vector.broadcast %jit3A_3498 : i32 to vector<16xi32>
      %max3A_3501 = arith.maxsi %max3A_3500, %convert_element_type3A_3497 : vector<16xi32>
      %min3A_3502 = vector.broadcast %jit3A_3499 : i32 to vector<16xi32>
      %min3A_3503 = arith.minsi %min3A_3502, %max3A_3501 : vector<16xi32>
      %swap3A_3504 = arith.constant 96 : index
      %swap3A_3505 = tpu.vector_load %arg22[%swap3A_3504] {strides = array<i32>} : memref<128xi32, #tpu.memory_space<vmem>>, vector<16xi32>,
      %swap3A_3506 = vector.shape_cast %swap3A_3505 : vector<16xi32> to vector<16xi32>
      %swap3A_3507 = vector.shape_cast %min3A_3503 : vector<16xi32> to vector<16xi32>
      tpu.vector_store %arg22[%swap3A_3504], %swap3A_3507 {strides = array<i32>} : memref<128xi32, #tpu.memory_space<vmem>>, vector<16xi32>,
      %mul3A_3508 = arith.constant 1.000000e+04 : f32
      %mul3A_3509 = vector.broadcast %mul3A_3508 : f32 to vector<16xf32>
      %mul3A_3510 = arith.mulf %div3A_3493, %mul3A_3509 : vector<16xf32>
      %convert_element_type3A_3511 = arith.fptosi %mul3A_3510 : vector<16xf32> to vector<16xi32>
      %jit3A_3512 = arith.constant 0 : i32
      %jit3A_3513 = arith.constant 9999 : i32
      %max3A_3514 = vector.broadcast %jit3A_3512 : i32 to vector<16xi32>
      %max3A_3515 = arith.maxsi %max3A_3514, %convert_element_type3A_3511 : vector<16xi32>
      %min3A_3516 = vector.broadcast %jit3A_3513 : i32 to vector<16xi32>
      %min3A_3517 = arith.minsi %min3A_3516, %max3A_3515 : vector<16xi32>
      %swap3A_3518 = arith.constant 96 : index
      %swap3A_3519 = tpu.vector_load %arg26[%swap3A_3518] {strides = array<i32>} : memref<128xi32, #tpu.memory_space<vmem>>, vector<16xi32>,
      %swap3A_3520 = vector.shape_cast %swap3A_3519 : vector<16xi32> to vector<16xi32>
      %swap3A_3521 = vector.shape_cast %min3A_3517 : vector<16xi32> to vector<16xi32>
      tpu.vector_store %arg26[%swap3A_3518], %swap3A_3521 {strides = array<i32>} : memref<128xi32, #tpu.memory_space<vmem>>, vector<16xi32>,
      %get3A_3522 = arith.constant 112 : index
      %get3A_3523 = tpu.vector_load %arg14[%get3A_3522] {strides = array<i32>} : memref<128xf32, #tpu.memory_space<vmem>>, vector<16xf32>,
      %get3A_3524 = vector.shape_cast %get3A_3523 : vector<16xf32> to vector<16xf32>
      %sub3A_3525 = arith.subf %get3A_3524, %min3A_604 : vector<16xf32>
      %div3A_3526 = arith.divf %sub3A_3525, %add3A_619 : vector<16xf32>
      %get3A_3527 = arith.constant 112 : index
      %get3A_3528 = tpu.vector_load %arg18[%get3A_3527] {strides = array<i32>} : memref<128xf32, #tpu.memory_space<vmem>>, vector<16xf32>,
      %get3A_3529 = vector.shape_cast %get3A_3528 : vector<16xf32> to vector<16xf32>
      %sub3A_3530 = arith.subf %get3A_3529, %min3A_612 : vector<16xf32>
      %div3A_3531 = arith.divf %sub3A_3530, %add3A_623 : vector<16xf32>
      %mul3A_3532 = arith.constant 1.000000e+04 : f32
      %mul3A_3533 = vector.broadcast %mul3A_3532 : f32 to vector<16xf32>
      %mul3A_3534 = arith.mulf %div3A_3526, %mul3A_3533 : vector<16xf32>
      %convert_element_type3A_3535 = arith.fptosi %mul3A_3534 : vector<16xf32> to vector<16xi32>
      %jit3A_3536 = arith.constant 0 : i32
      %jit3A_3537 = arith.constant 9999 : i32
      %max3A_3538 = vector.broadcast %jit3A_3536 : i32 to vector<16xi32>
      %max3A_3539 = arith.maxsi %max3A_3538, %convert_element_type3A_3535 : vector<16xi32>
      %min3A_3540 = vector.broadcast %jit3A_3537 : i32 to vector<16xi32>
      %min3A_3541 = arith.minsi %min3A_3540, %max3A_3539 : vector<16xi32>
      %swap3A_3542 = arith.constant 112 : index
      %swap3A_3543 = tpu.vector_load %arg22[%swap3A_3542] {strides = array<i32>} : memref<128xi32, #tpu.memory_space<vmem>>, vector<16xi32>,
      %swap3A_3544 = vector.shape_cast %swap3A_3543 : vector<16xi32> to vector<16xi32>
      %swap3A_3545 = vector.shape_cast %min3A_3541 : vector<16xi32> to vector<16xi32>
      tpu.vector_store %arg22[%swap3A_3542], %swap3A_3545 {strides = array<i32>} : memref<128xi32, #tpu.memory_space<vmem>>, vector<16xi32>,
      %mul3A_3546 = arith.constant 1.000000e+04 : f32
      %mul3A_3547 = vector.broadcast %mul3A_3546 : f32 to vector<16xf32>
      %mul3A_3548 = arith.mulf %div3A_3531, %mul3A_3547 : vector<16xf32>
      %convert_element_type3A_3549 = arith.fptosi %mul3A_3548 : vector<16xf32> to vector<16xi32>
      %jit3A_3550 = arith.constant 0 : i32
      %jit3A_3551 = arith.constant 9999 : i32
      %max3A_3552 = vector.broadcast %jit3A_3550 : i32 to vector<16xi32>
      %max3A_3553 = arith.maxsi %max3A_3552, %convert_element_type3A_3549 : vector<16xi32>
      %min3A_3554 = vector.broadcast %jit3A_3551 : i32 to vector<16xi32>
      %min3A_3555 = arith.minsi %min3A_3554, %max3A_3553 : vector<16xi32>
      %swap3A_3556 = arith.constant 112 : index
      %swap3A_3557 = tpu.vector_load %arg26[%swap3A_3556] {strides = array<i32>} : memref<128xi32, #tpu.memory_space<vmem>>, vector<16xi32>,
      %swap3A_3558 = vector.shape_cast %swap3A_3557 : vector<16xi32> to vector<16xi32>
      %swap3A_3559 = vector.shape_cast %min3A_3555 : vector<16xi32> to vector<16xi32>
      tpu.vector_store %arg26[%swap3A_3556], %swap3A_3559 {strides = array<i32>} : memref<128xi32, #tpu.memory_space<vmem>>, vector<16xi32>,
      %add3A_3560 = arith.constant 4 : i32
      %add3A_3561 = arith.addi %add3A_3247, %add3A_3560 : i32
      %mul3A_3562 = arith.constant 32 : i32
      %mul3A_3563 = arith.muli %add3A_3561, %mul3A_3562 : i32
      %add3A_3564 = arith.addi %add3A, %mul3A_3563 : i32
      %min3A_3565 = arith.constant 781 : i32
      %min3A_3566 = arith.minsi %add3A_3564, %min3A_3565 : i32
      %mul3A_3567 = arith.constant 128 : i32
      %mul3A_3568 = arith.muli %min3A_3566, %mul3A_3567 : i32
      %min3A_3569 = arith.constant 99872 : i32
      %min3A_3570 = arith.minsi %mul3A_3568, %min3A_3569 : i32
      %dma_start3A_3571 = tpu.memref_slice %arg2[%min3A_3570] : memref<100000xf32, #tpu.memory_space<hbm>> -> memref<128xf32, #tpu.memory_space<hbm>>
      %dma_start3A_3572 = tpu.memref_slice %arg2[%min3A_3570] : memref<100000xf32, #tpu.memory_space<hbm>> -> memref<128xf32, #tpu.memory_space<hbm>>
      tpu.enqueue_dma source(%dma_start3A_3572 : memref<128xf32, #tpu.memory_space<hbm>>) target(%arg14 : memref<128xf32, #tpu.memory_space<vmem>>) target_semaphore(%arg38 : memref<!tpu.dma_semaphore, #tpu.memory_space<semaphore_mem>>)
      %dma_start3A_3573 = tpu.memref_slice %arg3[%min3A_3570] : memref<100000xf32, #tpu.memory_space<hbm>> -> memref<128xf32, #tpu.memory_space<hbm>>
      %dma_start3A_3574 = tpu.memref_slice %arg3[%min3A_3570] : memref<100000xf32, #tpu.memory_space<hbm>> -> memref<128xf32, #tpu.memory_space<hbm>>
      tpu.enqueue_dma source(%dma_start3A_3574 : memref<128xf32, #tpu.memory_space<hbm>>) target(%arg18 : memref<128xf32, #tpu.memory_space<vmem>>) target_semaphore(%arg38 : memref<!tpu.dma_semaphore, #tpu.memory_space<semaphore_mem>>)
      %dma_wait3A_3575 = arith.constant 0 : i32
      %dma_wait3A_3576 = arith.constant 0 : i32
      %dma_wait3A_3577 = tpu.memref_slice %arg5[%dma_wait3A_3575, %dma_wait3A_3576] : memref<100000x128xf32, #tpu.memory_space<hbm>> -> memref<128x64xf32, #tpu.memory_space<hbm>>
      %dma_wait3A_3578 = arith.constant 0 : i32
      %dma_wait3A_3579 = arith.constant 0 : i32
      %dma_wait3A_3580 = tpu.memref_slice %arg5[%dma_wait3A_3578, %dma_wait3A_3579] : memref<100000x128xf32, #tpu.memory_space<hbm>> -> memref<128x64xf32, #tpu.memory_space<hbm>>
      tpu.wait_dma2 semaphore(%arg46 : memref<!tpu.dma_semaphore, #tpu.memory_space<semaphore_mem>>) src(%arg30 : memref<128x64xf32, #tpu.memory_space<vmem>>) dst(%dma_wait3A_3580 : memref<128x64xf32, #tpu.memory_space<hbm>>)
      %dma_wait3A_3581 = arith.constant 0 : i32
      %dma_wait3A_3582 = arith.constant 64 : i32
      %dma_wait3A_3583 = tpu.memref_slice %arg5[%dma_wait3A_3581, %dma_wait3A_3582] : memref<100000x128xf32, #tpu.memory_space<hbm>> -> memref<128x64xf32, #tpu.memory_space<hbm>>
      %dma_wait3A_3584 = arith.constant 0 : i32
      %dma_wait3A_3585 = arith.constant 64 : i32
      %dma_wait3A_3586 = tpu.memref_slice %arg5[%dma_wait3A_3584, %dma_wait3A_3585] : memref<100000x128xf32, #tpu.memory_space<hbm>> -> memref<128x64xf32, #tpu.memory_space<hbm>>
      tpu.wait_dma2 semaphore(%arg46 : memref<!tpu.dma_semaphore, #tpu.memory_space<semaphore_mem>>) src(%arg34 : memref<128x64xf32, #tpu.memory_space<vmem>>) dst(%dma_wait3A_3586 : memref<128x64xf32, #tpu.memory_space<hbm>>)
      %dma_start3A_3587 = arith.constant 0 : i32
      %dma_start3A_3588 = arith.constant 0 : i32
      %dma_start3A_3589 = tpu.memref_slice %arg4[%dma_start3A_3587, %dma_start3A_3588] : memref<10000x64xf32, #tpu.memory_space<hbm>> -> memref<10000x64xf32, #tpu.memory_space<hbm>>
      tpu.enqueue_indirect_dma source(%dma_start3A_3589 : memref<10000x64xf32, #tpu.memory_space<hbm>>) target(%arg30 : memref<128x64xf32, #tpu.memory_space<vmem>>) offsets(%arg22 : memref<128xi32, #tpu.memory_space<vmem>>) semaphore(%arg42 : memref<!tpu.dma_semaphore, #tpu.memory_space<semaphore_mem>>)
      %dma_start3A_3590 = arith.constant 0 : i32
      %dma_start3A_3591 = arith.constant 0 : i32
      %dma_start3A_3592 = tpu.memref_slice %arg4[%dma_start3A_3590, %dma_start3A_3591] : memref<10000x64xf32, #tpu.memory_space<hbm>> -> memref<10000x64xf32, #tpu.memory_space<hbm>>
      tpu.enqueue_indirect_dma source(%dma_start3A_3592 : memref<10000x64xf32, #tpu.memory_space<hbm>>) target(%arg34 : memref<128x64xf32, #tpu.memory_space<vmem>>) offsets(%arg26 : memref<128xi32, #tpu.memory_space<vmem>>) semaphore(%arg42 : memref<!tpu.dma_semaphore, #tpu.memory_space<semaphore_mem>>)
      %dma_wait3A_3593 = arith.constant 0 : i32
      %dma_wait3A_3594 = arith.constant 0 : i32
      %dma_wait3A_3595 = tpu.memref_slice %arg4[%dma_wait3A_3593, %dma_wait3A_3594] : memref<10000x64xf32, #tpu.memory_space<hbm>> -> memref<10000x64xf32, #tpu.memory_space<hbm>>
      tpu.wait_indirect_dma semaphore(%arg40 : memref<!tpu.dma_semaphore, #tpu.memory_space<semaphore_mem>>) src(%dma_wait3A_3595 : memref<10000x64xf32, #tpu.memory_space<hbm>>) dst(%arg28 : memref<128x64xf32, #tpu.memory_space<vmem>>)
      %dma_wait3A_3596 = arith.constant 0 : i32
      %dma_wait3A_3597 = arith.constant 0 : i32
      %dma_wait3A_3598 = tpu.memref_slice %arg4[%dma_wait3A_3596, %dma_wait3A_3597] : memref<10000x64xf32, #tpu.memory_space<hbm>> -> memref<10000x64xf32, #tpu.memory_space<hbm>>
      tpu.wait_indirect_dma semaphore(%arg40 : memref<!tpu.dma_semaphore, #tpu.memory_space<semaphore_mem>>) src(%dma_wait3A_3598 : memref<10000x64xf32, #tpu.memory_space<hbm>>) dst(%arg32 : memref<128x64xf32, #tpu.memory_space<vmem>>)
      %sub3A_3599 = arith.constant 2 : i32
      %sub3A_3600 = arith.subi %add3A_3247, %sub3A_3599 : i32
      %mul3A_3601 = arith.constant 32 : i32
      %mul3A_3602 = arith.muli %sub3A_3600, %mul3A_3601 : i32
      %add3A_3603 = arith.addi %add3A, %mul3A_3602 : i32
      %min3A_3604 = arith.constant 781 : i32
      %min3A_3605 = arith.minsi %add3A_3603, %min3A_3604 : i32
      %mul3A_3606 = arith.constant 128 : i32
      %mul3A_3607 = arith.muli %min3A_3605, %mul3A_3606 : i32
      %min3A_3608 = arith.constant 99872 : i32
      %min3A_3609 = arith.minsi %mul3A_3607, %min3A_3608 : i32
      %dma_start3A_3610 = arith.constant 0 : i32
      %dma_start3A_3611 = tpu.memref_slice %arg5[%min3A_3609, %dma_start3A_3610] : memref<100000x128xf32, #tpu.memory_space<hbm>> -> memref<128x64xf32, #tpu.memory_space<hbm>>
      %dma_start3A_3612 = arith.constant 0 : i32
      %dma_start3A_3613 = tpu.memref_slice %arg5[%min3A_3609, %dma_start3A_3612] : memref<100000x128xf32, #tpu.memory_space<hbm>> -> memref<128x64xf32, #tpu.memory_space<hbm>>
      tpu.enqueue_dma source(%arg28 : memref<128x64xf32, #tpu.memory_space<vmem>>) target(%dma_start3A_3613 : memref<128x64xf32, #tpu.memory_space<hbm>>) target_semaphore(%arg44 : memref<!tpu.dma_semaphore, #tpu.memory_space<semaphore_mem>>)
      %dma_start3A_3614 = arith.constant 64 : i32
      %dma_start3A_3615 = tpu.memref_slice %arg5[%min3A_3609, %dma_start3A_3614] : memref<100000x128xf32, #tpu.memory_space<hbm>> -> memref<128x64xf32, #tpu.memory_space<hbm>>
      %dma_start3A_3616 = arith.constant 64 : i32
      %dma_start3A_3617 = tpu.memref_slice %arg5[%min3A_3609, %dma_start3A_3616] : memref<100000x128xf32, #tpu.memory_space<hbm>> -> memref<128x64xf32, #tpu.memory_space<hbm>>
      tpu.enqueue_dma source(%arg32 : memref<128x64xf32, #tpu.memory_space<vmem>>) target(%dma_start3A_3617 : memref<128x64xf32, #tpu.memory_space<hbm>>) target_semaphore(%arg44 : memref<!tpu.dma_semaphore, #tpu.memory_space<semaphore_mem>>)
    }
    %scan3A_1988 = arith.constant 6 : i32
    %dma_wait3A_1989 = arith.constant 0 : i32
    %dma_wait3A_1990 = arith.constant 0 : i32
    %dma_wait3A_1991 = tpu.memref_slice %arg4[%dma_wait3A_1989, %dma_wait3A_1990] : memref<10000x64xf32, #tpu.memory_space<hbm>> -> memref<10000x64xf32, #tpu.memory_space<hbm>>
    tpu.wait_indirect_dma semaphore(%arg41 : memref<!tpu.dma_semaphore, #tpu.memory_space<semaphore_mem>>) src(%dma_wait3A_1991 : memref<10000x64xf32, #tpu.memory_space<hbm>>) dst(%arg29 : memref<128x64xf32, #tpu.memory_space<vmem>>)
    %dma_wait3A_1992 = arith.constant 0 : i32
    %dma_wait3A_1993 = arith.constant 0 : i32
    %dma_wait3A_1994 = tpu.memref_slice %arg4[%dma_wait3A_1992, %dma_wait3A_1993] : memref<10000x64xf32, #tpu.memory_space<hbm>> -> memref<10000x64xf32, #tpu.memory_space<hbm>>
    tpu.wait_indirect_dma semaphore(%arg41 : memref<!tpu.dma_semaphore, #tpu.memory_space<semaphore_mem>>) src(%dma_wait3A_1994 : memref<10000x64xf32, #tpu.memory_space<hbm>>) dst(%arg33 : memref<128x64xf32, #tpu.memory_space<vmem>>)
    %add3A_1995 = arith.constant 832 : i32
    %add3A_1996 = arith.addi %add3A, %add3A_1995 : i32
    %min3A_1997 = arith.constant 781 : i32
    %min3A_1998 = arith.minsi %add3A_1996, %min3A_1997 : i32
    %mul3A_1999 = arith.constant 128 : i32
    %mul3A_2000 = arith.muli %min3A_1998, %mul3A_1999 : i32
    %min3A_2001 = arith.constant 99872 : i32
    %min3A_2002 = arith.minsi %mul3A_2000, %min3A_2001 : i32
    %dma_start3A_2003 = arith.constant 0 : i32
    %dma_start3A_2004 = tpu.memref_slice %arg5[%min3A_2002, %dma_start3A_2003] : memref<100000x128xf32, #tpu.memory_space<hbm>> -> memref<128x64xf32, #tpu.memory_space<hbm>>
    %dma_start3A_2005 = arith.constant 0 : i32
    %dma_start3A_2006 = tpu.memref_slice %arg5[%min3A_2002, %dma_start3A_2005] : memref<100000x128xf32, #tpu.memory_space<hbm>> -> memref<128x64xf32, #tpu.memory_space<hbm>>
    tpu.enqueue_dma source(%arg29 : memref<128x64xf32, #tpu.memory_space<vmem>>) target(%dma_start3A_2006 : memref<128x64xf32, #tpu.memory_space<hbm>>) target_semaphore(%arg45 : memref<!tpu.dma_semaphore, #tpu.memory_space<semaphore_mem>>)
    %dma_start3A_2007 = arith.constant 64 : i32
    %dma_start3A_2008 = tpu.memref_slice %arg5[%min3A_2002, %dma_start3A_2007] : memref<100000x128xf32, #tpu.memory_space<hbm>> -> memref<128x64xf32, #tpu.memory_space<hbm>>
    %dma_start3A_2009 = arith.constant 64 : i32
    %dma_start3A_2010 = tpu.memref_slice %arg5[%min3A_2002, %dma_start3A_2009] : memref<100000x128xf32, #tpu.memory_space<hbm>> -> memref<128x64xf32, #tpu.memory_space<hbm>>
    tpu.enqueue_dma source(%arg33 : memref<128x64xf32, #tpu.memory_space<vmem>>) target(%dma_start3A_2010 : memref<128x64xf32, #tpu.memory_space<hbm>>) target_semaphore(%arg45 : memref<!tpu.dma_semaphore, #tpu.memory_space<semaphore_mem>>)
    %dma_wait3A_2011 = arith.constant 0 : i32
    %dma_wait3A_2012 = arith.constant 0 : i32
    %dma_wait3A_2013 = tpu.memref_slice %arg4[%dma_wait3A_2011, %dma_wait3A_2012] : memref<10000x64xf32, #tpu.memory_space<hbm>> -> memref<10000x64xf32, #tpu.memory_space<hbm>>
    tpu.wait_indirect_dma semaphore(%arg42 : memref<!tpu.dma_semaphore, #tpu.memory_space<semaphore_mem>>) src(%dma_wait3A_2013 : memref<10000x64xf32, #tpu.memory_space<hbm>>) dst(%arg30 : memref<128x64xf32, #tpu.memory_space<vmem>>)
    %dma_wait3A_2014 = arith.constant 0 : i32
    %dma_wait3A_2015 = arith.constant 0 : i32
    %dma_wait3A_2016 = tpu.memref_slice %arg4[%dma_wait3A_2014, %dma_wait3A_2015] : memref<10000x64xf32, #tpu.memory_space<hbm>> -> memref<10000x64xf32, #tpu.memory_space<hbm>>
    tpu.wait_indirect_dma semaphore(%arg42 : memref<!tpu.dma_semaphore, #tpu.memory_space<semaphore_mem>>) src(%dma_wait3A_2016 : memref<10000x64xf32, #tpu.memory_space<hbm>>) dst(%arg34 : memref<128x64xf32, #tpu.memory_space<vmem>>)
    %add3A_2017 = arith.constant 864 : i32
    %add3A_2018 = arith.addi %add3A, %add3A_2017 : i32
    %min3A_2019 = arith.constant 781 : i32
    %min3A_2020 = arith.minsi %add3A_2018, %min3A_2019 : i32
    %mul3A_2021 = arith.constant 128 : i32
    %mul3A_2022 = arith.muli %min3A_2020, %mul3A_2021 : i32
    %min3A_2023 = arith.constant 99872 : i32
    %min3A_2024 = arith.minsi %mul3A_2022, %min3A_2023 : i32
    %dma_start3A_2025 = arith.constant 0 : i32
    %dma_start3A_2026 = tpu.memref_slice %arg5[%min3A_2024, %dma_start3A_2025] : memref<100000x128xf32, #tpu.memory_space<hbm>> -> memref<128x64xf32, #tpu.memory_space<hbm>>
    %dma_start3A_2027 = arith.constant 0 : i32
    %dma_start3A_2028 = tpu.memref_slice %arg5[%min3A_2024, %dma_start3A_2027] : memref<100000x128xf32, #tpu.memory_space<hbm>> -> memref<128x64xf32, #tpu.memory_space<hbm>>
    tpu.enqueue_dma source(%arg30 : memref<128x64xf32, #tpu.memory_space<vmem>>) target(%dma_start3A_2028 : memref<128x64xf32, #tpu.memory_space<hbm>>) target_semaphore(%arg46 : memref<!tpu.dma_semaphore, #tpu.memory_space<semaphore_mem>>)
    %dma_start3A_2029 = arith.constant 64 : i32
    %dma_start3A_2030 = tpu.memref_slice %arg5[%min3A_2024, %dma_start3A_2029] : memref<100000x128xf32, #tpu.memory_space<hbm>> -> memref<128x64xf32, #tpu.memory_space<hbm>>
    %dma_start3A_2031 = arith.constant 64 : i32
    %dma_start3A_2032 = tpu.memref_slice %arg5[%min3A_2024, %dma_start3A_2031] : memref<100000x128xf32, #tpu.memory_space<hbm>> -> memref<128x64xf32, #tpu.memory_space<hbm>>
    tpu.enqueue_dma source(%arg34 : memref<128x64xf32, #tpu.memory_space<vmem>>) target(%dma_start3A_2032 : memref<128x64xf32, #tpu.memory_space<hbm>>) target_semaphore(%arg46 : memref<!tpu.dma_semaphore, #tpu.memory_space<semaphore_mem>>)
    %dma_wait3A_2033 = arith.constant 0 : i32
    %dma_wait3A_2034 = tpu.memref_slice %arg2[%dma_wait3A_2033] : memref<100000xf32, #tpu.memory_space<hbm>> -> memref<128xf32, #tpu.memory_space<hbm>>
    %dma_wait3A_2035 = arith.constant 0 : i32
    %dma_wait3A_2036 = tpu.memref_slice %arg2[%dma_wait3A_2035] : memref<100000xf32, #tpu.memory_space<hbm>> -> memref<128xf32, #tpu.memory_space<hbm>>
    tpu.wait_dma2 semaphore(%arg35 : memref<!tpu.dma_semaphore, #tpu.memory_space<semaphore_mem>>) src(%dma_wait3A_2036 : memref<128xf32, #tpu.memory_space<hbm>>) dst(%arg11 : memref<128xf32, #tpu.memory_space<vmem>>)
    %dma_wait3A_2037 = arith.constant 0 : i32
    %dma_wait3A_2038 = tpu.memref_slice %arg3[%dma_wait3A_2037] : memref<100000xf32, #tpu.memory_space<hbm>> -> memref<128xf32, #tpu.memory_space<hbm>>
    %dma_wait3A_2039 = arith.constant 0 : i32
    %dma_wait3A_2040 = tpu.memref_slice %arg3[%dma_wait3A_2039] : memref<100000xf32, #tpu.memory_space<hbm>> -> memref<128xf32, #tpu.memory_space<hbm>>
    tpu.wait_dma2 semaphore(%arg35 : memref<!tpu.dma_semaphore, #tpu.memory_space<semaphore_mem>>) src(%dma_wait3A_2040 : memref<128xf32, #tpu.memory_space<hbm>>) dst(%arg15 : memref<128xf32, #tpu.memory_space<vmem>>)
    %dma_wait3A_2041 = arith.constant 0 : i32
    %dma_wait3A_2042 = arith.constant 0 : i32
    %dma_wait3A_2043 = tpu.memref_slice %arg5[%dma_wait3A_2041, %dma_wait3A_2042] : memref<100000x128xf32, #tpu.memory_space<hbm>> -> memref<128x64xf32, #tpu.memory_space<hbm>>
    %dma_wait3A_2044 = arith.constant 0 : i32
    %dma_wait3A_2045 = arith.constant 0 : i32
    %dma_wait3A_2046 = tpu.memref_slice %arg5[%dma_wait3A_2044, %dma_wait3A_2045] : memref<100000x128xf32, #tpu.memory_space<hbm>> -> memref<128x64xf32, #tpu.memory_space<hbm>>
    tpu.wait_dma2 semaphore(%arg43 : memref<!tpu.dma_semaphore, #tpu.memory_space<semaphore_mem>>) src(%arg27 : memref<128x64xf32, #tpu.memory_space<vmem>>) dst(%dma_wait3A_2046 : memref<128x64xf32, #tpu.memory_space<hbm>>)
    %dma_wait3A_2047 = arith.constant 0 : i32
    %dma_wait3A_2048 = arith.constant 64 : i32
    %dma_wait3A_2049 = tpu.memref_slice %arg5[%dma_wait3A_2047, %dma_wait3A_2048] : memref<100000x128xf32, #tpu.memory_space<hbm>> -> memref<128x64xf32, #tpu.memory_space<hbm>>
    %dma_wait3A_2050 = arith.constant 0 : i32
    %dma_wait3A_2051 = arith.constant 64 : i32
    %dma_wait3A_2052 = tpu.memref_slice %arg5[%dma_wait3A_2050, %dma_wait3A_2051] : memref<100000x128xf32, #tpu.memory_space<hbm>> -> memref<128x64xf32, #tpu.memory_space<hbm>>
    tpu.wait_dma2 semaphore(%arg43 : memref<!tpu.dma_semaphore, #tpu.memory_space<semaphore_mem>>) src(%arg31 : memref<128x64xf32, #tpu.memory_space<vmem>>) dst(%dma_wait3A_2052 : memref<128x64xf32, #tpu.memory_space<hbm>>)
    %dma_wait3A_2053 = arith.constant 0 : i32
    %dma_wait3A_2054 = tpu.memref_slice %arg2[%dma_wait3A_2053] : memref<100000xf32, #tpu.memory_space<hbm>> -> memref<128xf32, #tpu.memory_space<hbm>>
    %dma_wait3A_2055 = arith.constant 0 : i32
    %dma_wait3A_2056 = tpu.memref_slice %arg2[%dma_wait3A_2055] : memref<100000xf32, #tpu.memory_space<hbm>> -> memref<128xf32, #tpu.memory_space<hbm>>
    tpu.wait_dma2 semaphore(%arg36 : memref<!tpu.dma_semaphore, #tpu.memory_space<semaphore_mem>>) src(%dma_wait3A_2056 : memref<128xf32, #tpu.memory_space<hbm>>) dst(%arg12 : memref<128xf32, #tpu.memory_space<vmem>>)
    %dma_wait3A_2057 = arith.constant 0 : i32
    %dma_wait3A_2058 = tpu.memref_slice %arg3[%dma_wait3A_2057] : memref<100000xf32, #tpu.memory_space<hbm>> -> memref<128xf32, #tpu.memory_space<hbm>>
    %dma_wait3A_2059 = arith.constant 0 : i32
    %dma_wait3A_2060 = tpu.memref_slice %arg3[%dma_wait3A_2059] : memref<100000xf32, #tpu.memory_space<hbm>> -> memref<128xf32, #tpu.memory_space<hbm>>
    tpu.wait_dma2 semaphore(%arg36 : memref<!tpu.dma_semaphore, #tpu.memory_space<semaphore_mem>>) src(%dma_wait3A_2060 : memref<128xf32, #tpu.memory_space<hbm>>) dst(%arg16 : memref<128xf32, #tpu.memory_space<vmem>>)
    %dma_wait3A_2061 = arith.constant 0 : i32
    %dma_wait3A_2062 = arith.constant 0 : i32
    %dma_wait3A_2063 = tpu.memref_slice %arg5[%dma_wait3A_2061, %dma_wait3A_2062] : memref<100000x128xf32, #tpu.memory_space<hbm>> -> memref<128x64xf32, #tpu.memory_space<hbm>>
    %dma_wait3A_2064 = arith.constant 0 : i32
    %dma_wait3A_2065 = arith.constant 0 : i32
    %dma_wait3A_2066 = tpu.memref_slice %arg5[%dma_wait3A_2064, %dma_wait3A_2065] : memref<100000x128xf32, #tpu.memory_space<hbm>> -> memref<128x64xf32, #tpu.memory_space<hbm>>
    tpu.wait_dma2 semaphore(%arg44 : memref<!tpu.dma_semaphore, #tpu.memory_space<semaphore_mem>>) src(%arg28 : memref<128x64xf32, #tpu.memory_space<vmem>>) dst(%dma_wait3A_2066 : memref<128x64xf32, #tpu.memory_space<hbm>>)
    %dma_wait3A_2067 = arith.constant 0 : i32
    %dma_wait3A_2068 = arith.constant 64 : i32
    %dma_wait3A_2069 = tpu.memref_slice %arg5[%dma_wait3A_2067, %dma_wait3A_2068] : memref<100000x128xf32, #tpu.memory_space<hbm>> -> memref<128x64xf32, #tpu.memory_space<hbm>>
    %dma_wait3A_2070 = arith.constant 0 : i32
    %dma_wait3A_2071 = arith.constant 64 : i32
    %dma_wait3A_2072 = tpu.memref_slice %arg5[%dma_wait3A_2070, %dma_wait3A_2071] : memref<100000x128xf32, #tpu.memory_space<hbm>> -> memref<128x64xf32, #tpu.memory_space<hbm>>
    tpu.wait_dma2 semaphore(%arg44 : memref<!tpu.dma_semaphore, #tpu.memory_space<semaphore_mem>>) src(%arg32 : memref<128x64xf32, #tpu.memory_space<vmem>>) dst(%dma_wait3A_2072 : memref<128x64xf32, #tpu.memory_space<hbm>>)
    %dma_wait3A_2073 = arith.constant 0 : i32
    %dma_wait3A_2074 = tpu.memref_slice %arg2[%dma_wait3A_2073] : memref<100000xf32, #tpu.memory_space<hbm>> -> memref<128xf32, #tpu.memory_space<hbm>>
    %dma_wait3A_2075 = arith.constant 0 : i32
    %dma_wait3A_2076 = tpu.memref_slice %arg2[%dma_wait3A_2075] : memref<100000xf32, #tpu.memory_space<hbm>> -> memref<128xf32, #tpu.memory_space<hbm>>
    tpu.wait_dma2 semaphore(%arg37 : memref<!tpu.dma_semaphore, #tpu.memory_space<semaphore_mem>>) src(%dma_wait3A_2076 : memref<128xf32, #tpu.memory_space<hbm>>) dst(%arg13 : memref<128xf32, #tpu.memory_space<vmem>>)
    %dma_wait3A_2077 = arith.constant 0 : i32
    %dma_wait3A_2078 = tpu.memref_slice %arg3[%dma_wait3A_2077] : memref<100000xf32, #tpu.memory_space<hbm>> -> memref<128xf32, #tpu.memory_space<hbm>>
    %dma_wait3A_2079 = arith.constant 0 : i32
    %dma_wait3A_2080 = tpu.memref_slice %arg3[%dma_wait3A_2079] : memref<100000xf32, #tpu.memory_space<hbm>> -> memref<128xf32, #tpu.memory_space<hbm>>
    tpu.wait_dma2 semaphore(%arg37 : memref<!tpu.dma_semaphore, #tpu.memory_space<semaphore_mem>>) src(%dma_wait3A_2080 : memref<128xf32, #tpu.memory_space<hbm>>) dst(%arg17 : memref<128xf32, #tpu.memory_space<vmem>>)
    %dma_wait3A_2081 = arith.constant 0 : i32
    %dma_wait3A_2082 = arith.constant 0 : i32
    %dma_wait3A_2083 = tpu.memref_slice %arg5[%dma_wait3A_2081, %dma_wait3A_2082] : memref<100000x128xf32, #tpu.memory_space<hbm>> -> memref<128x64xf32, #tpu.memory_space<hbm>>
    %dma_wait3A_2084 = arith.constant 0 : i32
    %dma_wait3A_2085 = arith.constant 0 : i32
    %dma_wait3A_2086 = tpu.memref_slice %arg5[%dma_wait3A_2084, %dma_wait3A_2085] : memref<100000x128xf32, #tpu.memory_space<hbm>> -> memref<128x64xf32, #tpu.memory_space<hbm>>
    tpu.wait_dma2 semaphore(%arg45 : memref<!tpu.dma_semaphore, #tpu.memory_space<semaphore_mem>>) src(%arg29 : memref<128x64xf32, #tpu.memory_space<vmem>>) dst(%dma_wait3A_2086 : memref<128x64xf32, #tpu.memory_space<hbm>>)
    %dma_wait3A_2087 = arith.constant 0 : i32
    %dma_wait3A_2088 = arith.constant 64 : i32
    %dma_wait3A_2089 = tpu.memref_slice %arg5[%dma_wait3A_2087, %dma_wait3A_2088] : memref<100000x128xf32, #tpu.memory_space<hbm>> -> memref<128x64xf32, #tpu.memory_space<hbm>>
    %dma_wait3A_2090 = arith.constant 0 : i32
    %dma_wait3A_2091 = arith.constant 64 : i32
    %dma_wait3A_2092 = tpu.memref_slice %arg5[%dma_wait3A_2090, %dma_wait3A_2091] : memref<100000x128xf32, #tpu.memory_space<hbm>> -> memref<128x64xf32, #tpu.memory_space<hbm>>
    tpu.wait_dma2 semaphore(%arg45 : memref<!tpu.dma_semaphore, #tpu.memory_space<semaphore_mem>>) src(%arg33 : memref<128x64xf32, #tpu.memory_space<vmem>>) dst(%dma_wait3A_2092 : memref<128x64xf32, #tpu.memory_space<hbm>>)
    %dma_wait3A_2093 = arith.constant 0 : i32
    %dma_wait3A_2094 = tpu.memref_slice %arg2[%dma_wait3A_2093] : memref<100000xf32, #tpu.memory_space<hbm>> -> memref<128xf32, #tpu.memory_space<hbm>>
    %dma_wait3A_2095 = arith.constant 0 : i32
    %dma_wait3A_2096 = tpu.memref_slice %arg2[%dma_wait3A_2095] : memref<100000xf32, #tpu.memory_space<hbm>> -> memref<128xf32, #tpu.memory_space<hbm>>
    tpu.wait_dma2 semaphore(%arg38 : memref<!tpu.dma_semaphore, #tpu.memory_space<semaphore_mem>>) src(%dma_wait3A_2096 : memref<128xf32, #tpu.memory_space<hbm>>) dst(%arg14 : memref<128xf32, #tpu.memory_space<vmem>>)
    %dma_wait3A_2097 = arith.constant 0 : i32
    %dma_wait3A_2098 = tpu.memref_slice %arg3[%dma_wait3A_2097] : memref<100000xf32, #tpu.memory_space<hbm>> -> memref<128xf32, #tpu.memory_space<hbm>>
    %dma_wait3A_2099 = arith.constant 0 : i32
    %dma_wait3A_2100 = tpu.memref_slice %arg3[%dma_wait3A_2099] : memref<100000xf32, #tpu.memory_space<hbm>> -> memref<128xf32, #tpu.memory_space<hbm>>
    tpu.wait_dma2 semaphore(%arg38 : memref<!tpu.dma_semaphore, #tpu.memory_space<semaphore_mem>>) src(%dma_wait3A_2100 : memref<128xf32, #tpu.memory_space<hbm>>) dst(%arg18 : memref<128xf32, #tpu.memory_space<vmem>>)
    %dma_wait3A_2101 = arith.constant 0 : i32
    %dma_wait3A_2102 = arith.constant 0 : i32
    %dma_wait3A_2103 = tpu.memref_slice %arg5[%dma_wait3A_2101, %dma_wait3A_2102] : memref<100000x128xf32, #tpu.memory_space<hbm>> -> memref<128x64xf32, #tpu.memory_space<hbm>>
    %dma_wait3A_2104 = arith.constant 0 : i32
    %dma_wait3A_2105 = arith.constant 0 : i32
    %dma_wait3A_2106 = tpu.memref_slice %arg5[%dma_wait3A_2104, %dma_wait3A_2105] : memref<100000x128xf32, #tpu.memory_space<hbm>> -> memref<128x64xf32, #tpu.memory_space<hbm>>
    tpu.wait_dma2 semaphore(%arg46 : memref<!tpu.dma_semaphore, #tpu.memory_space<semaphore_mem>>) src(%arg30 : memref<128x64xf32, #tpu.memory_space<vmem>>) dst(%dma_wait3A_2106 : memref<128x64xf32, #tpu.memory_space<hbm>>)
    %dma_wait3A_2107 = arith.constant 0 : i32
    %dma_wait3A_2108 = arith.constant 64 : i32
    %dma_wait3A_2109 = tpu.memref_slice %arg5[%dma_wait3A_2107, %dma_wait3A_2108] : memref<100000x128xf32, #tpu.memory_space<hbm>> -> memref<128x64xf32, #tpu.memory_space<hbm>>
    %dma_wait3A_2110 = arith.constant 0 : i32
    %dma_wait3A_2111 = arith.constant 64 : i32
    %dma_wait3A_2112 = tpu.memref_slice %arg5[%dma_wait3A_2110, %dma_wait3A_2111] : memref<100000x128xf32, #tpu.memory_space<hbm>> -> memref<128x64xf32, #tpu.memory_space<hbm>>
    tpu.wait_dma2 semaphore(%arg46 : memref<!tpu.dma_semaphore, #tpu.memory_space<semaphore_mem>>) src(%arg34 : memref<128x64xf32, #tpu.memory_space<vmem>>) dst(%dma_wait3A_2112 : memref<128x64xf32, #tpu.memory_space<hbm>>)
    return
  }
}

</mosaic_0001>

<sc_bundles>
// kernel: _encode.3.cloned.1.call-start
scs
__scs_entry_jumppad:
0x0: {  	(pc) =	sbr.rel $0x88, $3  }
0x1: {  	(tag) =	ssettag $0x0;
	lr =	simm.s32 $0x1  }
0x2: {  	[smem:$0x3F9E] =	sst lr;
	_ =	strace $0xD0000000  }
0x3: {  	_ = 	snop  }
0x4: {  	_ = 	snop  }
0x5: {  	_ = 	snop  }
0x6: {  	_ = 	snop  }
0x7: {  	_ = 	snop  }
__scs_overlays_trampoline_lowered:
0x8: {  	[smem:$0x3FAD] =	sst s0  }
0x9: {  	[smem:$0x3FAE] =	sst s1  }
0xa: {  	[smem:$0x3FAF] =	sst s2  }
0xb: {  	[smem:$0x3FB0] =	sst s3  }
0xc: {  	[smem:$0x3FB1] =	sst s4  }
0xd: {  	[smem:$0x3FB2] =	sst s5  }
0xe: {  	[smem:$0x3FB3] =	sst s6  }
0xf: {  	[smem:$0x3FB4] =	sst s7  }
0x10: {  	[smem:$0x3FB5] =	sst s8  }
0x11: {  	[smem:$0x3FB6] =	sst s9;
	s0 =	simm.s32 @!p0 $0x0  }
0x12: {  	s1 =	sld [smem:$0x3F9C];
	s0 =	simm.s32 @p0 $0x1  }
0x13: {  	[smem:$0x3FB7] =	sst s0;
	s0 =	simm.s32 @!p1 $0x0  }
0x14: {  	s2 =	sld [smem:$0x3F9B];
	s0 =	simm.s32 @p1 $0x1  }
0x15: {  	[smem:$0x3FB8] =	sst s0;
	s0 =	simm.s32 @!p2 $0x0  }
0x16: {  	s3 =	sld [smem:$0x3FDB];
	s0 =	simm.s32 @p2 $0x1  }
0x17: {  	s4 =	simm.s32 $0x1BF5;
	[smem:$0x3FBA] =	sst s0  }
0x18: {  	s0 =	sld [smem:$0x3F9D];
	_ =	swait.ge [sflag:s4], $0x0  }
0x19: {  	s7 =	sld [smem:$0x3F9E]  }
0x1a: {  	s8 =	sadd.s32 $0xFFFFE003, lr  }
0x1b: {  	s9 =	sadd.s32 $0xFFFFFEF7, lr;
	s5 =	simm.s32 $0xFFFFFFFF;
	p2 =	slt.u32 s8, $0xFFFFF086  }
0x1c: {  	p1 =	slt.u32 s9, $0xF7A;
	s5 =	simm.s32 @!p2 $0x0  }
0x1d: {  	s5 =	simm.s32 @p1 $0x1;
	p0 =	seq.s32 s7, s2  }
0x1e: {  	s7 =	smul.u32 @!p0 $0xF7A, s2;
	p2 =	seq.s32 @!p0 s5, $0x0  }
0x1f: {  	s9 =	smul.u32 $0xF7A, s1;
	s8 =	simm.s32 @!p0 $0x1BF5;
	p2 =	por !p2, p0  }
0x20: {  	[sflag:s8] =	ssyncset.s32 @!p0 $0xFFFFF086;
	s6 =	sadd.s32 @!p0 s3, s7;
	s7 =	simm.s32 @!p0 $0x108  }
0x21: {  	s3 =	sadd.s32 s3, s9;
	s6 =	sadd.s32 @!p0 $0x88, s6;
	s7 =	simm.s32 @p2 $0x1082  }
0x22: {  	[simem:s7], [sflag:s8] =	dma.local @!p0 [hbm:s6], $0xF7A  }
0x23: {  	s9 =	sor.u32 $0xD0000000, s2;
	s6 =	simm.s32 $0x108;
	_ =	swait.ge @!p0 [sflag:s8], $0x0  }
0x24: {  	s3 =	sadd.s32 $0x88, s3;
	s6 =	simm.s32 @!p1 $0x1082;
	[sflag:s4] =	ssyncset.s32 $0xFFFFF086  }
0x25: {  	[simem:s6], [sflag:s4] =	dma.local [hbm:s3], $0xF7A  }
0x26: {  	[smem:$0x3F9E] =	sst s1;
	(tag) =	ssettag s2;
	_ =	strace s9  }
0x27: {  	s1 =	sld [smem:$0x3FAE]  }
0x28: {  	s2 =	sld [smem:$0x3FAF]  }
0x29: {  	s4 =	sld [smem:$0x3FB1]  }
0x2a: {  	p0 =	seq.s32 s5, $0x0;
	s5 =	sld [smem:$0x3FB2]  }
0x2b: {  	s6 =	sld [smem:$0x3FB3]  }
0x2c: {  	s7 =	sld [smem:$0x3FB4]  }
0x2d: {  	s3 =	simm.s32 $0x108;
	s8 =	sld [smem:$0x3FB5]  }
0x2e: {  	s3 =	simm.s32 @!p0 $0x1082;
	s9 =	sld [smem:$0x3FB6]  }
0x2f: {  	lr =	sadd.s32 s0, s3;
	s0 =	sld [smem:$0x3FAD]  }
0x30: {  	s3 =	sld [smem:$0x3FB0]  }
0x31: {  	[smem:$0x3FB9] =	sst s10  }
0x32: {  	s10 =	sld [smem:$0x3FB7];
	_ =	sdelay $0x3  }
0x33: {  	p0 =	seq.s32 s10, $0x1;
	s10 =	sld [smem:$0x3FB9];
	_ =	sdelay $0x3  }
0x34: {  	[smem:$0x3FB9] =	sst s10  }
0x35: {  	s10 =	sld [smem:$0x3FB8];
	_ =	sdelay $0x3  }
0x36: {  	p1 =	seq.s32 s10, $0x1;
	s10 =	sld [smem:$0x3FB9];
	_ =	sdelay $0x3  }
0x37: {  	[smem:$0x3FB9] =	sst s10  }
0x38: {  	s10 =	sld [smem:$0x3FBA]  }
0x39: {  	_ = 	snop;
	(pc) =	sbr.ind lr, $3  }
0x3a: {  	_ = 	snop  }
0x3b: {  	_ = 	snop  }
0x3c: {  	p2 =	seq.s32 s10, $0x1;
	s10 =	sld [smem:$0x3FB9]  }
0x3d: {  	_ =	shalt  }
0x3e: {  	_ =	shalt  }
0x3f: {  	_ =	shalt  }
0x40: {  	_ =	shalt  }
0x41: {  	_ =	shalt  }
0x42: {  	_ =	shalt  }
0x43: {  	_ =	shalt  }
0x44: {  	_ =	shalt  }
0x45: {  	_ =	shalt  }
0x46: {  	_ =	shalt  }
0x47: {  	_ =	shalt  }
0x48: {  	_ =	shalt  }
0x49: {  	_ =	shalt  }
0x4a: {  	_ =	shalt  }
0x4b: {  	_ =	shalt  }
0x4c: {  	_ =	shalt  }
0x4d: {  	_ =	shalt  }
0x4e: {  	_ =	shalt  }
0x4f: {  	_ =	shalt  }
0x50: {  	_ =	shalt  }
0x51: {  	_ =	shalt  }
0x52: {  	_ =	shalt  }
0x53: {  	_ =	shalt  }
0x54: {  	_ =	shalt  }
0x55: {  	_ =	shalt  }
0x56: {  	_ =	shalt  }
0x57: {  	_ =	shalt  }
0x58: {  	_ =	shalt  }
0x59: {  	_ =	shalt  }
0x5a: {  	_ =	shalt  }
0x5b: {  	_ =	shalt  }
0x5c: {  	_ =	shalt  }
0x5d: {  	_ =	shalt  }
0x5e: {  	_ =	shalt  }
0x5f: {  	_ =	shalt  }
0x60: {  	_ =	shalt  }
0x61: {  	_ =	shalt  }
0x62: {  	_ =	shalt  }
0x63: {  	_ =	shalt  }
0x64: {  	_ =	shalt  }
0x65: {  	_ =	shalt  }
0x66: {  	_ =	shalt  }
0x67: {  	_ =	shalt  }
0x68: {  	_ =	shalt  }
0x69: {  	_ =	shalt  }
0x6a: {  	_ =	shalt  }
0x6b: {  	_ =	shalt  }
0x6c: {  	_ =	shalt  }
0x6d: {  	_ =	shalt  }
0x6e: {  	_ =	shalt  }
0x6f: {  	_ =	shalt  }
0x70: {  	_ =	shalt  }
0x71: {  	_ =	shalt  }
0x72: {  	_ =	shalt  }
0x73: {  	_ =	shalt  }
0x74: {  	_ =	shalt  }
0x75: {  	_ =	shalt  }
0x76: {  	_ =	shalt  }
0x77: {  	_ =	shalt  }
0x78: {  	_ =	shalt  }
0x79: {  	_ =	shalt  }
0x7a: {  	_ =	shalt  }
0x7b: {  	_ =	shalt  }
0x7c: {  	_ =	shalt  }
0x7d: {  	_ =	shalt  }
0x7e: {  	_ =	shalt  }
0x7f: {  	_ =	shalt  }
0x80: {  	_ =	shalt  }
0x81: {  	_ =	shalt  }
0x82: {  	_ =	shalt  }
0x83: {  	_ =	shalt  }
0x84: {  	_ =	shalt  }
0x85: {  	_ =	shalt  }
0x86: {  	_ =	shalt  }
0x87: {  	_ =	shalt  }
.Lfunc_end0:
.L_simem_size_0:
called_computation_lowered:
.L_overlay_start_0:
0x88: {  	s2 =	sld [smem:$0x3FD9]  }
0x89: {  	s3 =	sld [smem:$0x3FFE];
	_ =	sdelay $0x1  }
0x8a: {  	s1 =	srdreg.scid  }
0x8b: {  	s0 =	sand.u32 $0x1, s1  }
0x8c: {  	s17 =	sshll.u32 s0, $0xA;
	s2 =	sadd.s32 s3, s2  }
0x8d: {  	s2 =	sadd.s32 s2, s17  }
0x8e: {  	[smem:$0x3FC5] =	sst s2  }
0x8f: {  	_ = 	snop  }
0x90: {  	s2 =	sld [smem:$0x3FC9]  }
0x91: {  	s18 =	sld [smem:$0x3FC8]  }
0x92: {  	s4 =	sld [smem:$0x3FD0];
	(tm) =	ssettm $0x1  }
0x93: {  	s5 =	sld [smem:$0x3FFB];
	_ =	sdelay $0x3  }
0x94: {  	_ =	strace s5  }
0x95: {  	s5 =	sld [smem:$0x3FFC];
	_ =	sdelay $0x3  }
0x96: {  	_ =	strace s5  }
0x97: {  	s5 =	sld [smem:$0x3FFD];
	_ =	sdelay $0x3  }
0x98: {  	_ =	strace s5  }
0x99: {  	_ =	strace $0x8FFFFFFF  }
0x9a: {  	s19 =	sld [smem:$0x3FDB];
	_ =	sdelay $0x1  }
0x9b: {  	s6 =	simm.s32 $_scs_section_size  }
0x9c: {  	s7 =	simm.s32 $_size__tile_overlayer_lowered;
	s8 =	simm.s32 $_tile_overlayer_lowered  }
0x9d: {  	s22 =	simm.s32 $0x1BFF;
	s21 =	sshll.u32 s8, $0x1;
	s5 =	sadd.s32 s6, s19  }
0x9e: {  	s9 =	simm.s32 $0x0;
	s20 =	sshll.u32 s7, $0x1;
	s7 =	sadd.s32 s21, s5  }
0x9f: {  	[timem:s9], [sflag:s22] =	dma.local [hbm:s7], s20  }
0xa0: {  	_ =	swait.ge [sflag:s22], s20  }
0xa1: {  	s6 =	ssub.s32 $0x0, s20;
	[sflag:s22] =	ssyncset.done $0x0  }
0xa2: {  	[sflag:s22] =	ssyncadd.s32 s6;
	_ =	sdelay $0x1  }
0xa3: {  	s23 =	simm.s32 $0x1B8B  }
0xa4: {  	_ =	swait.ge [sflag:s23], $0x1  }
0xa5: {  	[sflag:s23] =	ssyncset.done $0x0  }
0xa6: {  	s25 =	simm.s32 $0x1B8E;
	s24 =	sld [smem:$0x3FFE];
	[sflag:s23] =	ssyncadd.s32 $0xFFFFFFFF  }
0xa7: {  	s26 =	simm.s32 $execute0_lowered;
	[smem:$0x3FD2] =	sst s25  }
0xa8: {  	s7 =	sshll.u32 s26, $0x1;
	_ =	strace $0x80000046;
	[dreg:$0x1] =	wrdreg $0xFFFFFFFF  }
0xa9: {  	s28 =	simm.s32 $_size_execute0_lowered;
	s5 =	sadd.s32 s5, s7;
	[dreg:$0x0] =	wrdreg $0x0  }
0xaa: {  	s7 =	sshll.u32 s28, $0x1;
	[dreg:$0x2] =	wrdreg s5  }
0xab: {  	[dreg:$0x3] =	wrdreg s7  }
0xac: {  	[dreg:$0x4] =	wrdreg $0xC0  }
0xad: {  	_ =	task [dreg:s9], $0x5FFFF  }
0xae: {  	[dreg:$0x1] =	wrdreg $0xFFFFFFFF  }
0xaf: {  	[dreg:$0x0] =	wrdreg $0x60  }
0xb0: {  	[dreg:$0x2] =	wrdreg s2  }
0xb1: {  	[dreg:$0x3] =	wrdreg s18  }
0xb2: {  	[dreg:$0x4] =	wrdreg s24  }
0xb3: {  	[dreg:$0x5] =	wrdreg s4  }
0xb4: {  	[dreg:$0x6] =	wrdreg $0x35200  }
0xb5: {  	[dreg:$0x7] =	wrdreg $0x9  }
0xb6: {  	_ =	task.clear_ibuf [dreg:s9], $0x8FFFF;
	_ =	strace $0x90000046  }
0xb7: {  	s29 =	simm.s32 $0x9;
	_ =	strace $0x80000048  }
0xb8: {  	_ =	swait.ge [sflag:s29], $0x1  }
0xb9: {  	[sflag:s29] =	ssyncadd.s32 $0xFFFFFFFF  }
0xba: {  	_ =	strace $0x90000048  }
0xbb: {  	_ =	sfence  }
0xbc: {  	s30 =	sld [smem:$0x0];
	_ =	sdelay $0x2  }
0xbd: {  	s31 =	sshll.u32 s1, $0xD;
	s1 =	sshrl.u32 s1, $0x2  }
0xbe: {  	s3 =	sand.u32 $0x4000, s31;
	s1 =	sadd.s32 s1, s30  }
0xbf: {  	s0 =	sor.u32 s3, s0;
	s1 =	sshll.u32 s1, $0x11  }
0xc0: {  	s0 =	sor.u32 s1, s0  }
0xc1: {  	s0 =	sadd.s32 $0x8F2B, s0  }
0xc2: {  	[sflag:s0] =	ssyncadd.remote.s32 $0x1  }
0xc3: {  	_ =	sfence.sel $0xFFFF  }
0xc4: {  	[dreg:$0x0] =	wrdreg $0xFFFFFFFF;
	(pc) =	sbr.abs _section_cstart, $3  }
0xc5: {  	[dreg:$0x1] =	wrdreg $0xFFFFFFFF  }
0xc6: {  	_ =	task.clear_ibuf [dreg:s9], $0x2FFFF;
	_ =	strace $0x9FFFFFFF  }
0xc7: {  	(tm) =	ssettm $0x7FFFFFFF  }
tec
execute0_lowered:
.L_overlay_start_1:
0x0: {  	(tag) =	ssettag $0x1  }
0x1: {  	s2 =	rddreg [dreg:$0x0]  }
0x2: {  	s29 =	rddreg [dreg:$0x1]  }
0x3: {  	s0 =	rddreg [dreg:$0x2]  }
0x4: {  	s17 =	rddreg [dreg:$0x3]  }
0x5: {  	s12 =	rddreg [dreg:$0x4]  }
0x6: {  	s6 =	simm.s32 $0x0;
	s11 =	stileid.u32;
	s3 =	srdreg.scid  }
0x7: {  	s30 =	simm.s32 $0x6;
	s28 =	simm.s32 $0xB;
	[smem:$0x7FF] =	sst s6  }
0x8: {  	s4 =	smul.u32 $0x1870, s11;
	s3 =	sand.u32 $0x1, s3;
	s7 =	sadd.s32 $0x400, s0  }
0x9: {  	s8 =	sshll.u32 s11, $0x1;
	s9 =	sshll.u32 s11, $0x6;
	_ =	strace $0x80000047  }
0xa: {  	s18 =	ssub.s32 $0x2, s3;
	s8 =	sor.u32 s3, s8;
	s9 =	sadd.s32 s9, s12  }
0xb: {  	s12 =	sshll.u32 s11, $0xC;
	s3 =	sshll.u32 s3, $0xB;
	s11 =	simm.s32 $0x3B60  }
0xc: {  	s4 =	smin.u32 s4, $0x16E30;
	s5 =	sshrl.u32 s18, $0x1;
	[dreg:$0x8] =	wrdreg s9  }
0xd: {  	s20 =	sshll.u32 s8, $0x7;
	s21 =	sshll.u32 s8, $0x4;
	[smem:$0x7FD] =	sst s8  }
0xe: {  	s4 =	sshrl.u32 s4, $0x3;
	s0 =	ssub.s32 s18, s5;
	s16 =	sadd.s32 s2, s21  }
0xf: {  	s10 =	sor.u32 $0x800, s21;
	s19 =	sadd.s32 s2, s4;
	[dreg:$0x13] =	wrdreg s16  }
0x10: {  	s25 =	sor.u32 $0xA00, s21;
	s4 =	sadd.s32 s29, s4;
	[dreg:$0x6] =	wrdreg s19  }
0x11: {  	s31 =	sor.u32 $0x400, s21;
	s22 =	sadd.s32 s2, s10;
	[dreg:$0x7] =	wrdreg s4  }
0x12: {  	s13 =	sor.u32 $0xC00, s21;
	s10 =	sadd.s32 s29, s10;
	[dreg:$0x9] =	wrdreg s22  }
0x13: {  	s18 =	sor.u32 $0x600, s21;
	s26 =	sadd.s32 s2, s25;
	[dreg:$0xa] =	wrdreg s10  }
0x14: {  	s5 =	sor.u32 $0xE00, s21;
	s1 =	sadd.s32 s2, s31;
	[dreg:$0xd] =	wrdreg s26  }
0x15: {  	s14 =	sadd.s32 s2, s13;
	s15 =	sadd.s32 s29, s13;
	[dreg:$0xf] =	wrdreg s1  }
0x16: {  	s0 =	smax.u32 s0, $0x1;
	s16 =	simm.s32 $0x9;
	[dreg:$0x11] =	wrdreg s14  }
0x17: {  	s13 =	simm.s32 $0x7;
	s4 =	sor.u32 $0x1000, s20;
	[dreg:$0x12] =	wrdreg s15  }
0x18: {  	s10 =	sadd.s32 s29, s25;
	s19 =	sadd.s32 s29, s21;
	[dreg:$0x1d] =	wrdreg s0  }
0x19: {  	s20 =	sadd.s32 s2, s18;
	s21 =	sadd.s32 s2, s5;
	[dreg:$0xe] =	wrdreg s10  }
0x1a: {  	s5 =	sadd.s32 s29, s5;
	s22 =	sshll.u32 s8, $0xB;
	[dreg:$0x14] =	wrdreg s19  }
0x1b: {  	s1 =	sadd.s32 $0x8, s17;
	s25 =	sadd.s32 $0x186200, s17;
	[dreg:$0x15] =	wrdreg s20  }
0x1c: {  	s15 =	simm.s32 $0x80;
	s0 =	simm.s32 $0x40;
	[dreg:$0x17] =	wrdreg s21  }
0x1d: {  	s14 =	simm.s32 $0x2;
	s23 =	sshrl.u32 s4, $0x3;
	[dreg:$0x18] =	wrdreg s5  }
0x1e: {  	v0 =	vimm.s32 $0x76543210;
	v1 =	vimm.s32 $0xFEDCBA98;
	s10 =	sadd.s32 s12, s17;
	s4 =	sshll.u32 s4, $0x4;
	[smem:$0x7FB] =	sst s1  }
0x1f: {  	v2 =	vimm.s32 $0xBA98FEDC;
	v3 =	vimm.s32 $0x32107654;
	s5 =	sadd.s32 s22, s1;
	[dreg:$0x1e] =	wrdreg s25;
	s12 =	simm.s32 $0xD  }
0x20: {  	v4 =	vimm.s32 $0xDCFE98BA;
	v5 =	vimm.s32 $0x54761032;
	s19 =	simm.s32 $0x3560;
	s24 =	sadd.s32 s2, s23;
	[dreg:$0x1a] =	wrdreg s5  }
0x21: {  	v6 =	vimm.s32 $0xEFCDAB89;
	v7 =	vimm.s32 $0x67452301;
	s25 =	simm.s32 $0x3D60;
	s9 =	sadd.s32 s29, s23;
	[dreg:$0xb] =	wrdreg s24  }
0x22: {  	v1 =	vunpack.c.l.s4.s8 v1;
	v0 =	vunpack.c.l.s4.s8 v0;
	v2 =	vunpack.c.l.s4.s8 v2;
	s20 =	simm.s32 $0xA;
	s23 =	sadd.s32 s17, s22;
	[dreg:$0xc] =	wrdreg s9  }
0x23: {  	v3 =	vunpack.c.l.s4.s8 v3;
	v4 =	vunpack.c.l.s4.s8 v4;
	v5 =	vunpack.c.l.s4.s8 v5;
	s21 =	simm.s32 $0x8;
	s9 =	sadd.s32 s29, s31;
	[dreg:$0x19] =	wrdreg s23  }
0x24: {  	v6 =	vunpack.c.l.s4.s8 v6;
	v7 =	vunpack.c.l.s4.s8 v7;
	v1 =	vunpack.c.0.s8.s32 v1;
	s3 =	sadd.s32 s3, s10;
	s24 =	sadd.s32 s17, s4;
	[dreg:$0x10] =	wrdreg s9  }
0x25: {  	v2 =	vunpack.c.0.s8.s32 v2;
	v3 =	vunpack.c.0.s8.s32 v3;
	v4 =	vunpack.c.0.s8.s32 v4;
	s22 =	simm.s32 $0x5;
	s4 =	sadd.s32 s4, s1;
	[dreg:$0x1b] =	wrdreg s24  }
0x26: {  	v5 =	vunpack.c.0.s8.s32 v5;
	v6 =	vunpack.c.0.s8.s32 v6;
	v7 =	vunpack.c.0.s8.s32 v7;
	s10 =	simm.s32 $0x0;
	s26 =	sadd.s32 $0x30008, s3;
	[dreg:$0x1c] =	wrdreg s4  }
0x27: {  	v0 =	vunpack.c.0.s8.s32 v0;
	v2 =	vcombine.low v3, v2;
	s31 =	sadd.s32 $0x186208, s17;
	s23 =	simm.s32 $0x3760;
	[dreg:$0x1f] =	wrdreg s26  }
0x28: {  	v3 =	vcombine.low v5, v4;
	v4 =	vcombine.low v7, v6;
	v1 =	vand.u32 $0xF, v1;
	s9 =	sadd.s32 s29, s18;
	[smem:$0x7FC] =	sst s31;
	s4 =	simm.s32 $0x3960  }
0x29: {  	v0 =	vcombine.low v1, v0;
	s29 =	simm.s32 $0xBD60;
	s18 =	simm.s32 $0x35E0;
	s26 =	simm.s32 $0x3  }
0x2a: {  	v1 =	vand.u32 $0xF, v2;
	v2 =	vand.u32 $0xF, v3;
	v3 =	vand.u32 $0xF, v4;
	s24 =	simm.s32 $0x0;
	[dreg:$0x16] =	wrdreg s9;
	s9 =	simm.s32 $0x1  }
.LBB2_1:
0x2b: {  	[smem:$0x7FA] =	sst s10  }
0x2c: {  	s3 =	rddreg [dreg:$0x6]  }
0x2d: {  	[tilespmem:s6], [sflag:$0xD] =	stream.linear.gather [hbm4b:s3+s6], $0x1870, $0x38;
	[tilespmem:$0x13D60] =	vst v63  }
0x2e: {  	_ =	swait.ge [sflag:s12], $0x1870  }
0x2f: {  	[sflag:s12] =	ssyncset.done $0x0  }
0x30: {  	s5 =	simm.s32 $0x1870;
	s2 =	rddreg [dreg:$0x7];
	[sflag:s12] =	ssyncadd.s32 $0xFFFFE790  }
0x31: {  	[tilespmem:s5], [sflag:$0xD] =	stream.linear.gather [hbm4b:s2+s6], $0x1870, $0x38;
	[tilespmem:$0x13D60] =	vst v63  }
0x32: {  	_ =	swait.ge [sflag:s12], $0x1870  }
0x33: {  	[sflag:s12] =	ssyncset.done $0x0  }
0x34: {  	[sflag:s12] =	ssyncadd.s32 $0xFFFFE790  }
0x35: {  	v6 =	vld [tilespmem:$0x0]  }
0x36: {  	v4 =	vld [tilespmem:$0x1870];
	_ =	sdelay $0x2  }
0x37: {  	s31 =	simm.s32 $0x10  }
0x38: {  	v5 =	vld [tilespmem:s31+$0x1870]  }
0x39: {  	s3 =	simm.s32 $0x80;
	v8 =	vld [tilespmem:s31+$0x0];
	v7 =	vmov v4;
	v9 =	vmov v6  }
.LBB2_2:
0x3a: {  	p0 =	sne.s32 s3, $0x6180  }
.Ltmp0:
0x3b: {  	_ = 	snop;
	(pc) =	sbr.rel @p0 .LBB2_2-.Ltmp0, $4  }
0x3c: {  	_ = 	snop  }
0x3d: {  	s10 =	sshra.s32 s3, $0x2;
	s3 =	sadd.s32 $0x40, s3;
	v4 =	vmin.f32 v4, v5;
	v7 =	vmax.f32 v7, v5  }
0x3e: {  	v5 =	vld [tilespmem:s10+$0x1870];
	v6 =	vmin.f32 v6, v8;
	v9 =	vmax.f32 v9, v8  }
0x3f: {  	v8 =	vld [tilespmem:s10+$0x0]  }
0x40: {  	_ =	sdelay $0x2  }
0x41: {  	v4 =	vmin.f32 v4, v5  }
0x42: {  	v5 =	vmax.f32 v7, v5;
	[tilespmem:$0x3100] =	vst v4  }
0x43: {  	v6 =	vmin.f32 v6, v8;
	[tilespmem:$0x3110] =	vst v5  }
0x44: {  	v8 =	vmax.f32 v9, v8;
	[tilespmem:$0x30E0] =	vst v6  }
0x45: {  	s3 =	rddreg [dreg:$0x8];
	s10 =	simm.s32 $0x30E0;
	[tilespmem:$0x30F0] =	vst v8  }
0x46: {  	[spmem:s3] =	stream.linear.scatter [tilespmem:s10], [sflag:$0xD], $0x40, $0x38;
	[tilespmem:$0x13D60] =	vst v63  }
0x47: {  	_ =	swait.ge [sflag:s12], $0x40  }
0x48: {  	[sflag:s12] =	ssyncset.done $0x0  }
0x49: {  	[sflag:s12] =	ssyncadd.s32 $0xFFFFFFC0  }
0x4a: {  	[bflag:$0x0] =	sbarrier.arrive $0xFFFF  }
0x4b: {  	s1 =	simm.s32 $0x3120;
	s31 =	rddreg [dreg:$0x4]  }
0x4c: {  	[tilespmem:s1], [sflag:$0xD] =	stream.linear.gather [spmem:s31], $0x400, $0x38;
	[tilespmem:$0x13D60] =	vst v63  }
0x4d: {  	_ =	swait.ge [sflag:s12], $0x400  }
0x4e: {  	[sflag:s12] =	ssyncset.done $0x0  }
0x4f: {  	[sflag:s12] =	ssyncadd.s32 $0xFFFFFC00  }
0x50: {  	v4 =	vld [tilespmem:$0x3120]  }
0x51: {  	v5 =	vld [tilespmem:$0x3130]  }
0x52: {  	v6 =	vld [tilespmem:$0x3140]  }
0x53: {  	v7 =	vld [tilespmem:$0x3150]  }
0x54: {  	v8 =	vld [tilespmem:$0x3160]  }
0x55: {  	v52 =	vld [tilespmem:$0x3170]  }
0x56: {  	v10 =	vld [tilespmem:$0x3180]  }
0x57: {  	v11 =	vld [tilespmem:$0x3190]  }
0x58: {  	v12 =	vld [tilespmem:$0x31A0]  }
0x59: {  	v13 =	vld [tilespmem:$0x31B0]  }
0x5a: {  	v14 =	vld [tilespmem:$0x31C0]  }
0x5b: {  	v15 =	vld [tilespmem:$0x31D0]  }
0x5c: {  	v16 =	vld [tilespmem:$0x31E0]  }
0x5d: {  	v17 =	vld [tilespmem:$0x31F0]  }
0x5e: {  	v18 =	vld [tilespmem:$0x3200]  }
0x5f: {  	v19 =	vld [tilespmem:$0x3210]  }
0x60: {  	v20 =	vld [tilespmem:$0x3220]  }
0x61: {  	v21 =	vld [tilespmem:$0x3230]  }
0x62: {  	v22 =	vld [tilespmem:$0x3240]  }
0x63: {  	v23 =	vld [tilespmem:$0x3250]  }
0x64: {  	v24 =	vld [tilespmem:$0x3260]  }
0x65: {  	v25 =	vld [tilespmem:$0x3270]  }
0x66: {  	v26 =	vld [tilespmem:$0x3280]  }
0x67: {  	v27 =	vld [tilespmem:$0x3290]  }
0x68: {  	v28 =	vld [tilespmem:$0x32A0]  }
0x69: {  	v29 =	vld [tilespmem:$0x32B0]  }
0x6a: {  	v30 =	vld [tilespmem:$0x32C0]  }
0x6b: {  	v31 =	vld [tilespmem:$0x32D0]  }
0x6c: {  	v32 =	vld [tilespmem:$0x32E0]  }
0x6d: {  	v33 =	vld [tilespmem:$0x32F0]  }
0x6e: {  	v34 =	vld [tilespmem:$0x3300]  }
0x6f: {  	v35 =	vld [tilespmem:$0x3310]  }
0x70: {  	v36 =	vld [tilespmem:$0x3320]  }
0x71: {  	v37 =	vld [tilespmem:$0x3330]  }
0x72: {  	v38 =	vld [tilespmem:$0x3340]  }
0x73: {  	v39 =	vld [tilespmem:$0x3350]  }
0x74: {  	v40 =	vld [tilespmem:$0x3360]  }
0x75: {  	v41 =	vld [tilespmem:$0x3370]  }
0x76: {  	v42 =	vld [tilespmem:$0x3380]  }
0x77: {  	v43 =	vld [tilespmem:$0x3390]  }
0x78: {  	v44 =	vld [tilespmem:$0x33A0]  }
0x79: {  	v45 =	vld [tilespmem:$0x33B0]  }
0x7a: {  	v46 =	vld [tilespmem:$0x33C0]  }
0x7b: {  	v47 =	vld [tilespmem:$0x33D0]  }
0x7c: {  	v48 =	vld [tilespmem:$0x33E0]  }
0x7d: {  	v49 =	vld [tilespmem:$0x33F0]  }
0x7e: {  	v50 =	vld [tilespmem:$0x3400]  }
0x7f: {  	v53 =	vld [tilespmem:$0x3420];
	v4 =	vmin.f32 v4, v8  }
0x80: {  	v54 =	vld [tilespmem:$0x3430];
	v5 =	vmax.f32 v5, v52;
	v6 =	vmin.f32 v6, v10;
	v7 =	vmax.f32 v7, v11  }
0x81: {  	v55 =	vld [tilespmem:$0x3440];
	v4 =	vmin.f32 v4, v12;
	v5 =	vmax.f32 v5, v13;
	v6 =	vmin.f32 v6, v14  }
0x82: {  	v56 =	vld [tilespmem:$0x3450];
	v7 =	vmax.f32 v7, v15;
	v4 =	vmin.f32 v4, v16;
	v5 =	vmax.f32 v5, v17  }
0x83: {  	v57 =	vld [tilespmem:$0x3460];
	v6 =	vmin.f32 v6, v18;
	v7 =	vmax.f32 v7, v19;
	v4 =	vmin.f32 v4, v20  }
0x84: {  	v58 =	vld [tilespmem:$0x3470];
	v5 =	vmax.f32 v5, v21;
	v6 =	vmin.f32 v6, v22;
	v7 =	vmax.f32 v7, v23  }
0x85: {  	v59 =	vld [tilespmem:$0x3480];
	v4 =	vmin.f32 v4, v24;
	v5 =	vmax.f32 v5, v25;
	v6 =	vmin.f32 v6, v26  }
0x86: {  	v60 =	vld [tilespmem:$0x3490];
	v7 =	vmax.f32 v7, v27;
	v4 =	vmin.f32 v4, v28;
	v5 =	vmax.f32 v5, v29  }
0x87: {  	v61 =	vld [tilespmem:$0x34A0];
	v6 =	vmin.f32 v6, v30;
	v7 =	vmax.f32 v7, v31;
	v4 =	vmin.f32 v4, v32  }
0x88: {  	v62 =	vld [tilespmem:$0x34B0];
	v5 =	vmax.f32 v5, v33;
	v6 =	vmin.f32 v6, v34;
	v7 =	vmax.f32 v7, v35  }
0x89: {  	v8 =	vld [tilespmem:$0x3410];
	v4 =	vmin.f32 v4, v36;
	v5 =	vmax.f32 v5, v37;
	v6 =	vmin.f32 v6, v38  }
0x8a: {  	v63 =	vld [tilespmem:$0x34C0];
	v7 =	vmax.f32 v7, v39;
	v4 =	vmin.f32 v4, v40;
	v5 =	vmax.f32 v5, v41  }
0x8b: {  	v24 =	vld [tilespmem:$0x34D0];
	v6 =	vmin.f32 v6, v42;
	v7 =	vmax.f32 v7, v43;
	v4 =	vmin.f32 v4, v44  }
0x8c: {  	v25 =	vld [tilespmem:$0x34E0];
	v5 =	vmax.f32 v5, v45;
	v6 =	vmin.f32 v6, v46;
	v7 =	vmax.f32 v7, v47  }
0x8d: {  	v26 =	vld [tilespmem:$0x34F0];
	v4 =	vmin.f32 v4, v48;
	v5 =	vmax.f32 v5, v49;
	v6 =	vmin.f32 v6, v50  }
0x8e: {  	v7 =	vmax.f32 v7, v8;
	v8 =	vld [tilespmem:$0x3500];
	v4 =	vmin.f32 v4, v53;
	v5 =	vmax.f32 v5, v54  }
0x8f: {  	v27 =	vld [tilespmem:$0x3510];
	v6 =	vmin.f32 v6, v55;
	v7 =	vmax.f32 v7, v56;
	v4 =	vmin.f32 v4, v57  }
0x90: {  	v5 =	vmax.f32 v5, v58;
	v6 =	vmin.f32 v6, v59;
	v7 =	vmax.f32 v7, v60  }
0x91: {  	v4 =	vmin.f32 v4, v61;
	v5 =	vmax.f32 v5, v62;
	v6 =	vmin.f32 v6, v63  }
0x92: {  	v7 =	vmax.f32 v7, v24;
	v4 =	vmin.f32 v4, v25;
	v5 =	vmax.f32 v5, v26  }
0x93: {  	v28 =	vperm.xlane v4, v0;
	v6 =	vmin.f32 v6, v8;
	v8 =	vperm.xlane v5, v0  }
0x94: {  	v7 =	vmax.f32 v7, v27;
	v29 =	vperm.xlane v6, v0  }
0x95: {  	v4 =	vmin.f32 v4, v28;
	v5 =	vmax.f32 v5, v8;
	v8 =	vperm.xlane v7, v0  }
0x96: {  	v10 =	vperm.xlane v4, v1;
	v6 =	vmin.f32 v6, v29;
	v30 =	vperm.xlane v5, v1  }
0x97: {  	v7 =	vmax.f32 v7, v8;
	v8 =	vperm.xlane v6, v1  }
0x98: {  	v4 =	vmin.f32 v4, v10;
	v5 =	vmax.f32 v5, v30;
	v31 =	vperm.xlane v7, v1  }
0x99: {  	s10 =	simm.s32 $0x0;
	s2 =	rddreg [dreg:$0x13];
	v10 =	vperm.xlane v4, v2;
	v6 =	vmin.f32 v6, v8;
	v8 =	vperm.xlane v5, v2  }
0x9a: {  	[tilespmem:s19], [sflag:$0xD] =	stream.linear.gather [hbm4b:s2+s10], $0x80, $0x38;
	v7 =	vmax.f32 v7, v31;
	v32 =	vperm.xlane v6, v2;
	[tilespmem:$0x13D60] =	vst v63  }
0x9b: {  	_ =	swait.ge [sflag:s12], $0x80;
	v4 =	vmin.f32 v4, v10;
	v5 =	vmax.f32 v5, v8;
	v8 =	vperm.xlane v7, v2  }
0x9c: {  	[sflag:s12] =	ssyncset.done $0x0;
	v10 =	vperm.xlane v4, v3;
	v33 =	vperm.xlane v5, v3  }
0x9d: {  	s5 =	rddreg [dreg:$0x14];
	[sflag:s12] =	ssyncadd.s32 $0xFFFFFF80;
	v6 =	vmin.f32 v6, v32  }
0x9e: {  	[tilespmem:s23], [sflag:$0xD] =	stream.linear.gather [hbm4b:s5+s10], $0x80, $0x38;
	v7 =	vmax.f32 v7, v8;
	v4 =	vmin.f32 v4, v10;
	v5 =	vmax.f32 v5, v33;
	[tilespmem:$0x13D60] =	vst v63  }
0x9f: {  	_ =	swait.ge [sflag:s12], $0x80;
	v8 =	vperm.xlane v6, v3;
	v34 =	vperm.xlane v7, v3;
	v10 =	vsub.f32 v5, v4  }
0xa0: {  	[sflag:s12] =	ssyncset.done $0x0  }
0xa1: {  	[sflag:s12] =	ssyncadd.s32 $0xFFFFFF80;
	v5 =	vmin.f32 v6, v8;
	v6 =	vmax.f32 v7, v34;
	v7 =	vadd.f32 $9.999999930e-09, v10  }
0xa2: {  	v38 =	vld [tilespmem:$0x3580];
	v6 =	vsub.f32 v6, v5  }
0xa3: {  	v40 =	vld [tilespmem:$0x3590];
	(erf) = vrcp.f32 v7  }
0xa4: {  	v42 =	vld [tilespmem:$0x35A0];
	v6 =	vadd.f32 $9.999999930e-09, v6  }
0xa5: {  	v8 =	vld [tilespmem:$0x3570]  }
0xa6: {  	(erf) = vrcp.f32 v6;
	v6 =	vld [tilespmem:$0x3560]  }
0xa7: {  	v44 =	vld [tilespmem:$0x35B0]  }
0xa8: {  	v46 =	vld [tilespmem:$0x35C0]  }
0xa9: {  	v48 =	vld [tilespmem:$0x35D0]  }
0xaa: {  	v12 =	vsub.f32 v38, v4;
	v14 =	vsub.f32 v40, v4;
	v7 =	vld [tilespmem:$0x3760]  }
0xab: {  	v36 =	vld [tilespmem:$0x3770];
	v8 =	vsub.f32 v8, v4;
	v35 =	vsub.f32 v6, v4  }
0xac: {  	v39 =	vld [tilespmem:$0x3780];
	v16 =	vsub.f32 v42, v4;
	v18 =	vsub.f32 v44, v4;
	v6 =	vpop (erf)  }
0xad: {  	v41 =	vld [tilespmem:$0x3790];
	v20 =	vsub.f32 v46, v4;
	v9 =	vmul.f32 v35, v6;
	v8 =	vmul.f32 v8, v6  }
0xae: {  	v43 =	vld [tilespmem:$0x37A0];
	v55 =	vsub.f32 v48, v4;
	v12 =	vmul.f32 v12, v6;
	v14 =	vmul.f32 v14, v6  }
0xaf: {  	v45 =	vld [tilespmem:$0x37B0];
	v37 =	vsub.f32 v7, v5;
	v16 =	vmul.f32 v16, v6;
	v18 =	vmul.f32 v18, v6  }
0xb0: {  	v47 =	vld [tilespmem:$0x37C0];
	v10 =	vsub.f32 v36, v5;
	v52 =	vmul.f32 v20, v6;
	v59 =	vmul.f32 v55, v6;
	v7 =	vpop (erf)  }
0xb1: {  	v13 =	vsub.f32 v39, v5;
	v11 =	vmul.f32 v37, v7;
	v9 =	vmul.f32 $1.000000000e+04, v9  }
0xb2: {  	v15 =	vsub.f32 v41, v5;
	v8 =	vmul.f32 $1.000000000e+04, v8;
	v10 =	vmul.f32 v10, v7  }
0xb3: {  	v17 =	vsub.f32 v43, v5;
	v13 =	vmul.f32 v13, v7;
	v12 =	vmul.f32 $1.000000000e+04, v12  }
0xb4: {  	v19 =	vsub.f32 v45, v5;
	v14 =	vmul.f32 $1.000000000e+04, v14;
	v15 =	vmul.f32 v15, v7  }
0xb5: {  	v53 =	vsub.f32 v47, v5;
	v16 =	vmul.f32 $1.000000000e+04, v16;
	v17 =	vmul.f32 v17, v7  }
0xb6: {  	v18 =	vmul.f32 $1.000000000e+04, v18;
	v19 =	vmul.f32 v19, v7  }
0xb7: {  	v54 =	vmul.f32 $1.000000000e+04, v52;
	v56 =	vmul.f32 v53, v7  }
0xb8: {  	v61 =	vmul.f32 $1.000000000e+04, v59;
	v9 =	vtrunc.f32 v9  }
0xb9: {  	v11 =	vmul.f32 $1.000000000e+04, v11;
	v8 =	vtrunc.f32 v8  }
0xba: {  	v10 =	vmul.f32 $1.000000000e+04, v10;
	v12 =	vtrunc.f32 v12  }
0xbb: {  	v13 =	vmul.f32 $1.000000000e+04, v13;
	v14 =	vtrunc.f32 v14  }
0xbc: {  	v15 =	vmul.f32 $1.000000000e+04, v15;
	v16 =	vtrunc.f32 v16  }
0xbd: {  	v17 =	vmul.f32 $1.000000000e+04, v17;
	v18 =	vtrunc.f32 v18  }
0xbe: {  	v49 =	vld [tilespmem:$0x37D0];
	v51 =	vmul.f32 $1.000000000e+04, v19;
	v9 =	vcvt.f32.s32 v9  }
0xbf: {  	v8 =	vcvt.f32.s32 v8;
	v12 =	vcvt.f32.s32 v12  }
0xc0: {  	v14 =	vcvt.f32.s32 v14;
	v16 =	vcvt.f32.s32 v16  }
0xc1: {  	v18 =	vcvt.f32.s32 v18;
	v11 =	vtrunc.f32 v11  }
0xc2: {  	v10 =	vtrunc.f32 v10;
	v13 =	vtrunc.f32 v13  }
0xc3: {  	v57 =	vsub.f32 v49, v5;
	v15 =	vtrunc.f32 v15;
	v17 =	vtrunc.f32 v17  }
0xc4: {  	vm0 =	vgt.s32 v9, $0x0;
	v11 =	vcvt.f32.s32 v11;
	vm4 =	vgt.s32 v8, $0x0  }
0xc5: {  	v10 =	vcvt.f32.s32 v10;
	vm6 =	vgt.s32 v12, $0x0;
	v13 =	vcvt.f32.s32 v13  }
0xc6: {  	vm8 =	vgt.s32 v14, $0x0;
	v15 =	vcvt.f32.s32 v15;
	vm10 =	vgt.s32 v16, $0x0  }
0xc7: {  	v17 =	vcvt.f32.s32 v17;
	vm12 =	vgt.s32 v18, $0x0;
	v9 =	vnsel vm0, $0x0, v9  }
0xc8: {  	v8 =	vnsel vm4, $0x0, v8;
	v12 =	vnsel vm6, $0x0, v12;
	v14 =	vnsel vm8, $0x0, v14  }
0xc9: {  	v16 =	vnsel vm10, $0x0, v16;
	v58 =	vnsel vm12, $0x0, v18;
	v9 =	vmin.u32 v9, $0x270F  }
0xca: {  	vm15 =	vgt.s32 v11, $0x0;
	vm5 =	vgt.s32 v10, $0x0;
	v8 =	vmin.u32 v8, $0x270F  }
0xcb: {  	v12 =	vmin.u32 v12, $0x270F;
	vm7 =	vgt.s32 v13, $0x0;
	vm9 =	vgt.s32 v15, $0x0  }
0xcc: {  	v14 =	vmin.u32 v14, $0x270F;
	v16 =	vmin.u32 v16, $0x270F;
	vm11 =	vgt.s32 v17, $0x0;
	[tilespmem:$0x3960] =	vst v9  }
0xcd: {  	v11 =	vnsel vm15, $0x0, v11;
	v10 =	vnsel vm5, $0x0, v10;
	v13 =	vnsel vm7, $0x0, v13;
	[tilespmem:$0x3970] =	vst v8  }
0xce: {  	v15 =	vnsel vm9, $0x0, v15;
	v50 =	vnsel vm11, $0x0, v17;
	v8 =	vtrunc.f32 v51;
	[tilespmem:$0x3980] =	vst v12  }
0xcf: {  	v17 =	vtrunc.f32 v54;
	v12 =	vmin.u32 v58, $0x270F;
	[tilespmem:$0x3990] =	vst v14;
	v11 =	vmin.u32 v11, $0x270F  }
0xd0: {  	v14 =	vtrunc.f32 v61;
	v10 =	vmin.u32 v10, $0x270F;
	v8 =	vcvt.f32.s32 v8;
	[tilespmem:$0x3B60] =	vst v11  }
0xd1: {  	v13 =	vmin.u32 v13, $0x270F;
	[tilespmem:$0x3B70] =	vst v10;
	v10 =	vmul.f32 $1.000000000e+04, v56;
	v11 =	vmul.f32 v57, v7  }
0xd2: {  	[tilespmem:$0x39A0] =	vst v16;
	v15 =	vmin.u32 v15, $0x270F;
	v60 =	vcvt.f32.s32 v17;
	v62 =	vcvt.f32.s32 v14  }
0xd3: {  	v9 =	vmin.u32 v50, $0x270F;
	[tilespmem:$0x39B0] =	vst v12;
	v10 =	vtrunc.f32 v10;
	v11 =	vmul.f32 $1.000000000e+04, v11  }
0xd4: {  	[tilespmem:$0x3B80] =	vst v13;
	vm13 =	vgt.s32 v8, $0x0;
	vm14 =	vgt.s32 v60, $0x0;
	v10 =	vcvt.f32.s32 v10  }
0xd5: {  	[tilespmem:$0x3B90] =	vst v15;
	v8 =	vnsel vm13, $0x0, v8;
	v63 =	vnsel vm14, $0x0, v60;
	v11 =	vtrunc.f32 v11  }
0xd6: {  	[tilespmem:$0x3BA0] =	vst v9;
	v8 =	vmin.u32 v8, $0x270F;
	vm15 =	vgt.s32 v10, $0x0;
	v11 =	vcvt.f32.s32 v11  }
0xd7: {  	vm4 =	vgt.s32 v62, $0x0;
	[tilespmem:$0x3BB0] =	vst v8;
	v8 =	vmin.u32 v63, $0x270F;
	v10 =	vnsel vm15, $0x0, v10  }
0xd8: {  	v9 =	vnsel vm4, $0x0, v62;
	[tilespmem:$0x39C0] =	vst v8;
	v8 =	vmin.u32 v10, $0x270F;
	vm5 =	vgt.s32 v11, $0x0  }
0xd9: {  	[tilespmem:$0x3BC0] =	vst v8;
	v8 =	vmin.u32 v9, $0x270F;
	v15 =	vnsel vm5, $0x0, v11  }
0xda: {  	[tilespmem:$0x39D0] =	vst v8;
	v8 =	vmin.u32 v15, $0x270F  }
0xdb: {  	[tilespmem:$0x3BD0] =	vst v8  }
0xdc: {  	[tilespmem:s25], [sflag:$0x5] =	stream.indirect.gather [hbm4b:s7+s15], $0x40, s4, s15, $0xb8;
	[tilespmem:$0x13D60] =	vst v63  }
0xdd: {  	_ = 	snop  }
0xde: {  	[tilespmem:s29], [sflag:$0x5] =	stream.indirect.gather [hbm4b:s7+s15], $0x40, s11, s15, $0xb8;
	[tilespmem:$0x13D60] =	vst v63  }
0xdf: {  	s6 =	rddreg [dreg:$0x9]  }
0xe0: {  	[tilespmem:s19], [sflag:$0x1] =	stream.linear.gather [hbm4b:s6+s10], $0x80, $0x38;
	[tilespmem:$0x13D60] =	vst v63  }
0xe1: {  	s11 =	rddreg [dreg:$0xa]  }
0xe2: {  	[tilespmem:s23], [sflag:$0x1] =	stream.linear.gather [hbm4b:s11+s10], $0x80, $0x38;
	[tilespmem:$0x13D60] =	vst v63  }
0xe3: {  	s19 =	rddreg [dreg:$0xb]  }
0xe4: {  	[tilespmem:s18], [sflag:$0xD] =	stream.linear.gather [hbm4b:s19+s10], $0x80, $0x38;
	[tilespmem:$0x13D60] =	vst v63  }
0xe5: {  	_ =	swait.ge [sflag:s12], $0x80  }
0xe6: {  	[sflag:s12] =	ssyncset.done $0x0  }
0xe7: {  	s31 =	simm.s32 $0x37E0;
	s23 =	rddreg [dreg:$0xc];
	[sflag:s12] =	ssyncadd.s32 $0xFFFFFF80  }
0xe8: {  	[tilespmem:s31], [sflag:$0xD] =	stream.linear.gather [hbm4b:s23+s10], $0x80, $0x38;
	[tilespmem:$0x13D60] =	vst v63  }
0xe9: {  	_ =	swait.ge [sflag:s12], $0x80  }
0xea: {  	[sflag:s12] =	ssyncset.done $0x0  }
0xeb: {  	[sflag:s12] =	ssyncadd.s32 $0xFFFFFF80  }
0xec: {  	v8 =	vld [tilespmem:$0x35E0]  }
0xed: {  	v16 =	vld [tilespmem:$0x37E0]  }
0xee: {  	v17 =	vld [tilespmem:$0x35F0]  }
0xef: {  	v18 =	vld [tilespmem:$0x37F0]  }
0xf0: {  	v19 =	vld [tilespmem:$0x3600]  }
0xf1: {  	v20 =	vld [tilespmem:$0x3800]  }
0xf2: {  	v21 =	vld [tilespmem:$0x3610]  }
0xf3: {  	v22 =	vld [tilespmem:$0x3810]  }
0xf4: {  	v23 =	vld [tilespmem:$0x3620]  }
0xf5: {  	v24 =	vld [tilespmem:$0x3820];
	v8 =	vsub.f32 v8, v4  }
0xf6: {  	v25 =	vld [tilespmem:$0x3630];
	v9 =	vsub.f32 v16, v5;
	v10 =	vsub.f32 v17, v4  }
0xf7: {  	v26 =	vld [tilespmem:$0x3830];
	v11 =	vsub.f32 v18, v5;
	v12 =	vsub.f32 v19, v4  }
0xf8: {  	v27 =	vld [tilespmem:$0x3640];
	v13 =	vsub.f32 v20, v5;
	v14 =	vsub.f32 v21, v4  }
0xf9: {  	v29 =	vld [tilespmem:$0x3650];
	v15 =	vsub.f32 v22, v5;
	v16 =	vsub.f32 v23, v4;
	v8 =	vmul.f32 v8, v6  }
0xfa: {  	v17 =	vsub.f32 v24, v5;
	v9 =	vmul.f32 v9, v7;
	v10 =	vmul.f32 v10, v6  }
0xfb: {  	v18 =	vsub.f32 v25, v4;
	v11 =	vmul.f32 v11, v7;
	v12 =	vmul.f32 v12, v6  }
0xfc: {  	v19 =	vsub.f32 v26, v5;
	v13 =	vmul.f32 v13, v7;
	v14 =	vmul.f32 v14, v6  }
0xfd: {  	v20 =	vsub.f32 v27, v4;
	v15 =	vmul.f32 v15, v7;
	v16 =	vmul.f32 v16, v6  }
0xfe: {  	v36 =	vsub.f32 v29, v4;
	v17 =	vmul.f32 v17, v7;
	v18 =	vmul.f32 v18, v6  }
0xff: {  	v19 =	vmul.f32 v19, v7;
	v32 =	vmul.f32 v20, v6  }
0x100: {  	v39 =	vmul.f32 v36, v6;
	v8 =	vmul.f32 $1.000000000e+04, v8  }
0x101: {  	v9 =	vmul.f32 $1.000000000e+04, v9;
	v10 =	vmul.f32 $1.000000000e+04, v10  }
0x102: {  	v11 =	vmul.f32 $1.000000000e+04, v11;
	v12 =	vmul.f32 $1.000000000e+04, v12  }
0x103: {  	v13 =	vmul.f32 $1.000000000e+04, v13;
	v14 =	vmul.f32 $1.000000000e+04, v14  }
0x104: {  	v15 =	vmul.f32 $1.000000000e+04, v15;
	v16 =	vmul.f32 $1.000000000e+04, v16  }
0x105: {  	v17 =	vmul.f32 $1.000000000e+04, v17;
	v18 =	vmul.f32 $1.000000000e+04, v18  }
0x106: {  	v31 =	vmul.f32 $1.000000000e+04, v19;
	v35 =	vmul.f32 $1.000000000e+04, v32  }
0x107: {  	v41 =	vmul.f32 $1.000000000e+04, v39;
	v8 =	vtrunc.f32 v8  }
0x108: {  	v9 =	vtrunc.f32 v9;
	v10 =	vtrunc.f32 v10  }
0x109: {  	v11 =	vtrunc.f32 v11;
	v12 =	vtrunc.f32 v12  }
0x10a: {  	v13 =	vtrunc.f32 v13;
	v14 =	vtrunc.f32 v14  }
0x10b: {  	v28 =	vld [tilespmem:$0x3840];
	v15 =	vtrunc.f32 v15;
	v16 =	vtrunc.f32 v16  }
0x10c: {  	v30 =	vld [tilespmem:$0x3850];
	v17 =	vtrunc.f32 v17;
	v18 =	vtrunc.f32 v18  }
0x10d: {  	v34 =	vtrunc.f32 v31;
	v8 =	vcvt.f32.s32 v8  }
0x10e: {  	v9 =	vcvt.f32.s32 v9;
	v10 =	vcvt.f32.s32 v10  }
0x10f: {  	v11 =	vcvt.f32.s32 v11;
	v12 =	vcvt.f32.s32 v12  }
0x110: {  	v33 =	vsub.f32 v28, v5;
	v13 =	vcvt.f32.s32 v13;
	v14 =	vcvt.f32.s32 v14  }
0x111: {  	v37 =	vsub.f32 v30, v5;
	v15 =	vcvt.f32.s32 v15;
	v16 =	vcvt.f32.s32 v16  }
0x112: {  	v17 =	vcvt.f32.s32 v17;
	v18 =	vcvt.f32.s32 v18;
	vm6 =	vgt.s32 v8, $0x0  }
0x113: {  	vm7 =	vgt.s32 v9, $0x0;
	vm8 =	vgt.s32 v10, $0x0;
	vm9 =	vgt.s32 v11, $0x0  }
0x114: {  	vm10 =	vgt.s32 v12, $0x0;
	vm11 =	vgt.s32 v13, $0x0;
	vm12 =	vgt.s32 v14, $0x0  }
0x115: {  	vm13 =	vgt.s32 v15, $0x0;
	vm14 =	vgt.s32 v16, $0x0;
	vm15 =	vgt.s32 v17, $0x0  }
0x116: {  	vm4 =	vgt.s32 v18, $0x0;
	v8 =	vnsel vm6, $0x0, v8;
	v9 =	vnsel vm7, $0x0, v9  }
0x117: {  	v10 =	vnsel vm8, $0x0, v10;
	v11 =	vnsel vm9, $0x0, v11;
	v12 =	vnsel vm10, $0x0, v12  }
0x118: {  	v13 =	vnsel vm11, $0x0, v13;
	v14 =	vnsel vm12, $0x0, v14;
	v8 =	vmin.u32 v8, $0x270F  }
0x119: {  	v15 =	vnsel vm13, $0x0, v15;
	v16 =	vnsel vm14, $0x0, v16;
	v9 =	vmin.u32 v9, $0x270F;
	[tilespmem:$0x39E0] =	vst v8  }
0x11a: {  	v38 =	vnsel vm4, $0x0, v18;
	v10 =	vmin.u32 v10, $0x270F;
	v11 =	vmin.u32 v11, $0x270F;
	[tilespmem:$0x3BE0] =	vst v9  }
0x11b: {  	v12 =	vmin.u32 v12, $0x270F;
	v13 =	vmin.u32 v13, $0x270F;
	v14 =	vmin.u32 v14, $0x270F;
	[tilespmem:$0x39F0] =	vst v10  }
0x11c: {  	v15 =	vmin.u32 v15, $0x270F;
	v16 =	vmin.u32 v16, $0x270F;
	[tilespmem:$0x3BF0] =	vst v11;
	v10 =	vcvt.f32.s32 v34  }
0x11d: {  	v8 =	vnsel vm15, $0x0, v17;
	v9 =	vmul.f32 v33, v7;
	[tilespmem:$0x3A00] =	vst v12;
	v17 =	vtrunc.f32 v35  }
0x11e: {  	v12 =	vmin.u32 v38, $0x270F;
	v11 =	vmul.f32 v37, v7;
	[tilespmem:$0x3A10] =	vst v14;
	v14 =	vtrunc.f32 v41  }
0x11f: {  	[tilespmem:$0x3C00] =	vst v13;
	v8 =	vmin.u32 v8, $0x270F;
	v40 =	vcvt.f32.s32 v17;
	v9 =	vmul.f32 $1.000000000e+04, v9  }
0x120: {  	vm5 =	vgt.s32 v10, $0x0;
	v11 =	vmul.f32 $1.000000000e+04, v11;
	[tilespmem:$0x3C20] =	vst v8;
	v8 =	vcvt.f32.s32 v14  }
0x121: {  	[tilespmem:$0x3C10] =	vst v15;
	v10 =	vnsel vm5, $0x0, v10;
	vm6 =	vgt.s32 v40, $0x0;
	v9 =	vtrunc.f32 v9  }
0x122: {  	[tilespmem:$0x3A20] =	vst v16;
	v10 =	vmin.u32 v10, $0x270F;
	v11 =	vtrunc.f32 v11;
	v9 =	vcvt.f32.s32 v9  }
0x123: {  	[tilespmem:$0x3A30] =	vst v12;
	v42 =	vnsel vm6, $0x0, v40;
	vm8 =	vgt.s32 v8, $0x0;
	v11 =	vcvt.f32.s32 v11  }
0x124: {  	[tilespmem:$0x3C30] =	vst v10;
	v43 =	vmin.u32 v42, $0x270F;
	v8 =	vnsel vm8, $0x0, v8;
	vm7 =	vgt.s32 v9, $0x0  }
0x125: {  	[tilespmem:$0x3A40] =	vst v43;
	v8 =	vmin.u32 v8, $0x270F;
	vm9 =	vgt.s32 v11, $0x0;
	v9 =	vnsel vm7, $0x0, v9  }
0x126: {  	[tilespmem:$0x3A50] =	vst v8;
	v44 =	vnsel vm9, $0x0, v11;
	v9 =	vmin.u32 v9, $0x270F  }
0x127: {  	v8 =	vmin.u32 v44, $0x270F;
	[tilespmem:$0x3C40] =	vst v9  }
0x128: {  	s2 =	simm.s32 $0x39E0;
	s11 =	simm.s32 $0x5D60;
	[tilespmem:$0x3C50] =	vst v8  }
0x129: {  	[tilespmem:s11], [sflag:$0x6] =	stream.indirect.gather [hbm4b:s7+s15], $0x40, s2, s15, $0xb8;
	[tilespmem:$0x13D60] =	vst v63  }
0x12a: {  	s1 =	simm.s32 $0xDD60;
	s5 =	simm.s32 $0x3BE0  }
0x12b: {  	[tilespmem:s1], [sflag:$0x6] =	stream.indirect.gather [hbm4b:s7+s15], $0x40, s5, s15, $0xb8;
	[tilespmem:$0x13D60] =	vst v63  }
0x12c: {  	s6 =	rddreg [dreg:$0xd]  }
0x12d: {  	[tilespmem:s18], [sflag:$0x2] =	stream.linear.gather [hbm4b:s6+s10], $0x80, $0x38;
	[tilespmem:$0x13D60] =	vst v63  }
0x12e: {  	s19 =	rddreg [dreg:$0xe]  }
0x12f: {  	[tilespmem:s31], [sflag:$0x2] =	stream.linear.gather [hbm4b:s19+s10], $0x80, $0x38;
	[tilespmem:$0x13D60] =	vst v63  }
0x130: {  	s23 =	rddreg [dreg:$0xf];
	s2 =	simm.s32 $0x3660  }
0x131: {  	[tilespmem:s2], [sflag:$0xD] =	stream.linear.gather [hbm4b:s23+s10], $0x80, $0x38;
	[tilespmem:$0x13D60] =	vst v63  }
0x132: {  	_ =	swait.ge [sflag:s12], $0x80  }
0x133: {  	[sflag:s12] =	ssyncset.done $0x0  }
0x134: {  	s4 =	simm.s32 $0x3860;
	s31 =	rddreg [dreg:$0x10];
	[sflag:s12] =	ssyncadd.s32 $0xFFFFFF80  }
0x135: {  	[tilespmem:s4], [sflag:$0xD] =	stream.linear.gather [hbm4b:s31+s10], $0x80, $0x38;
	[tilespmem:$0x13D60] =	vst v63  }
0x136: {  	_ =	swait.ge [sflag:s12], $0x80  }
0x137: {  	[sflag:s12] =	ssyncset.done $0x0  }
0x138: {  	[sflag:s12] =	ssyncadd.s32 $0xFFFFFF80  }
0x139: {  	v8 =	vld [tilespmem:$0x3660]  }
0x13a: {  	v45 =	vld [tilespmem:$0x3860]  }
0x13b: {  	v46 =	vld [tilespmem:$0x3670]  }
0x13c: {  	v47 =	vld [tilespmem:$0x3870]  }
0x13d: {  	v48 =	vld [tilespmem:$0x3680]  }
0x13e: {  	v49 =	vld [tilespmem:$0x3880]  }
0x13f: {  	v50 =	vld [tilespmem:$0x3690]  }
0x140: {  	v51 =	vld [tilespmem:$0x3890]  }
0x141: {  	v52 =	vld [tilespmem:$0x36A0]  }
0x142: {  	v53 =	vld [tilespmem:$0x38A0];
	v8 =	vsub.f32 v8, v4  }
0x143: {  	v54 =	vld [tilespmem:$0x36B0];
	v9 =	vsub.f32 v45, v5;
	v10 =	vsub.f32 v46, v4  }
0x144: {  	v55 =	vld [tilespmem:$0x38B0];
	v11 =	vsub.f32 v47, v5;
	v12 =	vsub.f32 v48, v4  }
0x145: {  	v56 =	vld [tilespmem:$0x36C0];
	v13 =	vsub.f32 v49, v5;
	v14 =	vsub.f32 v50, v4  }
0x146: {  	v58 =	vld [tilespmem:$0x36D0];
	v15 =	vsub.f32 v51, v5;
	v16 =	vsub.f32 v52, v4;
	v8 =	vmul.f32 v8, v6  }
0x147: {  	v17 =	vsub.f32 v53, v5;
	v9 =	vmul.f32 v9, v7;
	v10 =	vmul.f32 v10, v6  }
0x148: {  	v18 =	vsub.f32 v54, v4;
	v11 =	vmul.f32 v11, v7;
	v12 =	vmul.f32 v12, v6  }
0x149: {  	v19 =	vsub.f32 v55, v5;
	v13 =	vmul.f32 v13, v7;
	v14 =	vmul.f32 v14, v6  }
0x14a: {  	v20 =	vsub.f32 v56, v4;
	v15 =	vmul.f32 v15, v7;
	v16 =	vmul.f32 v16, v6  }
0x14b: {  	v22 =	vsub.f32 v58, v4;
	v17 =	vmul.f32 v17, v7;
	v18 =	vmul.f32 v18, v6  }
0x14c: {  	v19 =	vmul.f32 v19, v7;
	v61 =	vmul.f32 v20, v6  }
0x14d: {  	v26 =	vmul.f32 v22, v6;
	v8 =	vmul.f32 $1.000000000e+04, v8  }
0x14e: {  	v9 =	vmul.f32 $1.000000000e+04, v9;
	v10 =	vmul.f32 $1.000000000e+04, v10  }
0x14f: {  	v11 =	vmul.f32 $1.000000000e+04, v11;
	v12 =	vmul.f32 $1.000000000e+04, v12  }
0x150: {  	v13 =	vmul.f32 $1.000000000e+04, v13;
	v14 =	vmul.f32 $1.000000000e+04, v14  }
0x151: {  	v15 =	vmul.f32 $1.000000000e+04, v15;
	v16 =	vmul.f32 $1.000000000e+04, v16  }
0x152: {  	v17 =	vmul.f32 $1.000000000e+04, v17;
	v18 =	vmul.f32 $1.000000000e+04, v18  }
0x153: {  	v60 =	vmul.f32 $1.000000000e+04, v19;
	v21 =	vmul.f32 $1.000000000e+04, v61  }
0x154: {  	v28 =	vmul.f32 $1.000000000e+04, v26;
	v8 =	vtrunc.f32 v8  }
0x155: {  	v9 =	vtrunc.f32 v9;
	v10 =	vtrunc.f32 v10  }
0x156: {  	v11 =	vtrunc.f32 v11;
	v12 =	vtrunc.f32 v12  }
0x157: {  	v13 =	vtrunc.f32 v13;
	v14 =	vtrunc.f32 v14  }
0x158: {  	v57 =	vld [tilespmem:$0x38C0];
	v15 =	vtrunc.f32 v15;
	v16 =	vtrunc.f32 v16  }
0x159: {  	v59 =	vld [tilespmem:$0x38D0];
	v17 =	vtrunc.f32 v17;
	v18 =	vtrunc.f32 v18  }
0x15a: {  	v63 =	vtrunc.f32 v60;
	v8 =	vcvt.f32.s32 v8  }
0x15b: {  	v9 =	vcvt.f32.s32 v9;
	v10 =	vcvt.f32.s32 v10  }
0x15c: {  	v11 =	vcvt.f32.s32 v11;
	v12 =	vcvt.f32.s32 v12  }
0x15d: {  	v62 =	vsub.f32 v57, v5;
	v13 =	vcvt.f32.s32 v13;
	v14 =	vcvt.f32.s32 v14  }
0x15e: {  	v24 =	vsub.f32 v59, v5;
	v15 =	vcvt.f32.s32 v15;
	v16 =	vcvt.f32.s32 v16  }
0x15f: {  	v17 =	vcvt.f32.s32 v17;
	v18 =	vcvt.f32.s32 v18;
	vm10 =	vgt.s32 v8, $0x0  }
0x160: {  	vm11 =	vgt.s32 v9, $0x0;
	vm12 =	vgt.s32 v10, $0x0;
	vm13 =	vgt.s32 v11, $0x0  }
0x161: {  	vm14 =	vgt.s32 v12, $0x0;
	vm15 =	vgt.s32 v13, $0x0;
	vm4 =	vgt.s32 v14, $0x0  }
0x162: {  	vm5 =	vgt.s32 v15, $0x0;
	vm6 =	vgt.s32 v16, $0x0;
	vm7 =	vgt.s32 v17, $0x0  }
0x163: {  	vm8 =	vgt.s32 v18, $0x0;
	v8 =	vnsel vm10, $0x0, v8;
	v9 =	vnsel vm11, $0x0, v9  }
0x164: {  	v10 =	vnsel vm12, $0x0, v10;
	v11 =	vnsel vm13, $0x0, v11;
	v12 =	vnsel vm14, $0x0, v12  }
0x165: {  	v13 =	vnsel vm15, $0x0, v13;
	v14 =	vnsel vm4, $0x0, v14;
	v8 =	vmin.u32 v8, $0x270F  }
0x166: {  	v15 =	vnsel vm5, $0x0, v15;
	v16 =	vnsel vm6, $0x0, v16;
	v9 =	vmin.u32 v9, $0x270F;
	[tilespmem:$0x3A60] =	vst v8  }
0x167: {  	v25 =	vnsel vm8, $0x0, v18;
	v10 =	vmin.u32 v10, $0x270F;
	v11 =	vmin.u32 v11, $0x270F;
	[tilespmem:$0x3C60] =	vst v9  }
0x168: {  	v12 =	vmin.u32 v12, $0x270F;
	v13 =	vmin.u32 v13, $0x270F;
	v14 =	vmin.u32 v14, $0x270F;
	[tilespmem:$0x3A70] =	vst v10  }
0x169: {  	v15 =	vmin.u32 v15, $0x270F;
	v16 =	vmin.u32 v16, $0x270F;
	[tilespmem:$0x3C70] =	vst v11;
	v10 =	vcvt.f32.s32 v63  }
0x16a: {  	v8 =	vnsel vm7, $0x0, v17;
	v9 =	vmul.f32 v62, v7;
	[tilespmem:$0x3A80] =	vst v12;
	v17 =	vtrunc.f32 v21  }
0x16b: {  	v12 =	vmin.u32 v25, $0x270F;
	v11 =	vmul.f32 v24, v7;
	[tilespmem:$0x3A90] =	vst v14;
	v14 =	vtrunc.f32 v28  }
0x16c: {  	[tilespmem:$0x3C80] =	vst v13;
	v8 =	vmin.u32 v8, $0x270F;
	v27 =	vcvt.f32.s32 v17;
	v9 =	vmul.f32 $1.000000000e+04, v9  }
0x16d: {  	vm9 =	vgt.s32 v10, $0x0;
	v11 =	vmul.f32 $1.000000000e+04, v11;
	[tilespmem:$0x3CA0] =	vst v8;
	v8 =	vcvt.f32.s32 v14  }
0x16e: {  	[tilespmem:$0x3C90] =	vst v15;
	v10 =	vnsel vm9, $0x0, v10;
	vm10 =	vgt.s32 v27, $0x0;
	v9 =	vtrunc.f32 v9  }
0x16f: {  	[tilespmem:$0x3AA0] =	vst v16;
	v10 =	vmin.u32 v10, $0x270F;
	v11 =	vtrunc.f32 v11;
	v9 =	vcvt.f32.s32 v9  }
0x170: {  	[tilespmem:$0x3AB0] =	vst v12;
	v29 =	vnsel vm10, $0x0, v27;
	vm12 =	vgt.s32 v8, $0x0;
	v11 =	vcvt.f32.s32 v11  }
0x171: {  	[tilespmem:$0x3CB0] =	vst v10;
	v30 =	vmin.u32 v29, $0x270F;
	v8 =	vnsel vm12, $0x0, v8;
	vm11 =	vgt.s32 v9, $0x0  }
0x172: {  	[tilespmem:$0x3AC0] =	vst v30;
	v8 =	vmin.u32 v8, $0x270F;
	vm13 =	vgt.s32 v11, $0x0;
	v9 =	vnsel vm11, $0x0, v9  }
0x173: {  	[tilespmem:$0x3AD0] =	vst v8;
	v31 =	vnsel vm13, $0x0, v11;
	v9 =	vmin.u32 v9, $0x270F  }
0x174: {  	v8 =	vmin.u32 v31, $0x270F;
	[tilespmem:$0x3CC0] =	vst v9  }
0x175: {  	s3 =	simm.s32 $0x3A60;
	s5 =	simm.s32 $0x7D60;
	[tilespmem:$0x3CD0] =	vst v8  }
0x176: {  	[tilespmem:s5], [sflag:$0x7] =	stream.indirect.gather [hbm4b:s7+s15], $0x40, s3, s15, $0xb8;
	[tilespmem:$0x13D60] =	vst v63  }
0x177: {  	s6 =	simm.s32 $0x3C60;
	s19 =	simm.s32 $0xFD60  }
0x178: {  	[tilespmem:s19], [sflag:$0x7] =	stream.indirect.gather [hbm4b:s7+s15], $0x40, s6, s15, $0xb8;
	[tilespmem:$0x13D60] =	vst v63  }
0x179: {  	s23 =	rddreg [dreg:$0x11]  }
0x17a: {  	[tilespmem:s2], [sflag:$0x3] =	stream.linear.gather [hbm4b:s23+s10], $0x80, $0x38;
	[tilespmem:$0x13D60] =	vst v63  }
0x17b: {  	s31 =	rddreg [dreg:$0x12]  }
0x17c: {  	[tilespmem:s4], [sflag:$0x3] =	stream.linear.gather [hbm4b:s31+s10], $0x80, $0x38;
	[tilespmem:$0x13D60] =	vst v63  }
0x17d: {  	s2 =	rddreg [dreg:$0x15];
	s4 =	simm.s32 $0x36E0  }
0x17e: {  	[tilespmem:s4], [sflag:$0xD] =	stream.linear.gather [hbm4b:s2+s10], $0x80, $0x38;
	[tilespmem:$0x13D60] =	vst v63  }
0x17f: {  	_ =	swait.ge [sflag:s12], $0x80  }
0x180: {  	[sflag:s12] =	ssyncset.done $0x0  }
0x181: {  	s23 =	simm.s32 $0x38E0;
	s19 =	rddreg [dreg:$0x16];
	[sflag:s12] =	ssyncadd.s32 $0xFFFFFF80  }
0x182: {  	[tilespmem:s23], [sflag:$0xD] =	stream.linear.gather [hbm4b:s19+s10], $0x80, $0x38;
	[tilespmem:$0x13D60] =	vst v63  }
0x183: {  	_ =	swait.ge [sflag:s12], $0x80  }
0x184: {  	[sflag:s12] =	ssyncset.done $0x0  }
0x185: {  	[sflag:s12] =	ssyncadd.s32 $0xFFFFFF80  }
0x186: {  	v8 =	vld [tilespmem:$0x36E0]  }
0x187: {  	v32 =	vld [tilespmem:$0x38E0]  }
0x188: {  	v33 =	vld [tilespmem:$0x36F0]  }
0x189: {  	v34 =	vld [tilespmem:$0x38F0]  }
0x18a: {  	v35 =	vld [tilespmem:$0x3700]  }
0x18b: {  	v36 =	vld [tilespmem:$0x3900]  }
0x18c: {  	v37 =	vld [tilespmem:$0x3710]  }
0x18d: {  	v38 =	vld [tilespmem:$0x3910]  }
0x18e: {  	v39 =	vld [tilespmem:$0x3720]  }
0x18f: {  	v40 =	vld [tilespmem:$0x3920];
	v8 =	vsub.f32 v8, v4  }
0x190: {  	v41 =	vld [tilespmem:$0x3730];
	v9 =	vsub.f32 v32, v5;
	v10 =	vsub.f32 v33, v4  }
0x191: {  	v42 =	vld [tilespmem:$0x3930];
	v11 =	vsub.f32 v34, v5;
	v12 =	vsub.f32 v35, v4  }
0x192: {  	v43 =	vld [tilespmem:$0x3740];
	v13 =	vsub.f32 v36, v5;
	v14 =	vsub.f32 v37, v4  }
0x193: {  	v15 =	vsub.f32 v38, v5;
	v16 =	vsub.f32 v39, v4;
	v8 =	vmul.f32 v8, v6  }
0x194: {  	v17 =	vsub.f32 v40, v5;
	v9 =	vmul.f32 v9, v7;
	v10 =	vmul.f32 v10, v6  }
0x195: {  	v18 =	vsub.f32 v41, v4;
	v11 =	vmul.f32 v11, v7;
	v12 =	vmul.f32 v12, v6  }
0x196: {  	v19 =	vsub.f32 v42, v5;
	v13 =	vmul.f32 v13, v7;
	v14 =	vmul.f32 v14, v6  }
0x197: {  	v20 =	vsub.f32 v43, v4;
	v15 =	vmul.f32 v15, v7;
	v16 =	vmul.f32 v16, v6  }
0x198: {  	v17 =	vmul.f32 v17, v7;
	v18 =	vmul.f32 v18, v6  }
0x199: {  	v19 =	vmul.f32 v19, v7;
	v48 =	vmul.f32 v20, v6  }
0x19a: {  	v8 =	vmul.f32 $1.000000000e+04, v8;
	v9 =	vmul.f32 $1.000000000e+04, v9  }
0x19b: {  	v10 =	vmul.f32 $1.000000000e+04, v10;
	v11 =	vmul.f32 $1.000000000e+04, v11  }
0x19c: {  	v12 =	vmul.f32 $1.000000000e+04, v12;
	v13 =	vmul.f32 $1.000000000e+04, v13  }
0x19d: {  	v14 =	vmul.f32 $1.000000000e+04, v14;
	v15 =	vmul.f32 $1.000000000e+04, v15  }
0x19e: {  	v16 =	vmul.f32 $1.000000000e+04, v16;
	v17 =	vmul.f32 $1.000000000e+04, v17  }
0x19f: {  	v18 =	vmul.f32 $1.000000000e+04, v18;
	v19 =	vmul.f32 $1.000000000e+04, v19  }
0x1a0: {  	v8 =	vtrunc.f32 v8;
	v9 =	vtrunc.f32 v9  }
0x1a1: {  	v10 =	vtrunc.f32 v10;
	v11 =	vtrunc.f32 v11  }
0x1a2: {  	v12 =	vtrunc.f32 v12;
	v13 =	vtrunc.f32 v13  }
0x1a3: {  	v14 =	vtrunc.f32 v14;
	v15 =	vtrunc.f32 v15  }
0x1a4: {  	v44 =	vld [tilespmem:$0x3940];
	v16 =	vtrunc.f32 v16;
	v17 =	vtrunc.f32 v17  }
0x1a5: {  	v45 =	vld [tilespmem:$0x3750];
	v18 =	vtrunc.f32 v18;
	v19 =	vtrunc.f32 v19  }
0x1a6: {  	v46 =	vld [tilespmem:$0x3950];
	v8 =	vcvt.f32.s32 v8;
	v9 =	vcvt.f32.s32 v9  }
0x1a7: {  	v10 =	vcvt.f32.s32 v10;
	v11 =	vcvt.f32.s32 v11  }
0x1a8: {  	v12 =	vcvt.f32.s32 v12;
	v13 =	vcvt.f32.s32 v13  }
0x1a9: {  	v50 =	vsub.f32 v44, v5;
	v14 =	vcvt.f32.s32 v14;
	v15 =	vcvt.f32.s32 v15  }
0x1aa: {  	v52 =	vsub.f32 v45, v4;
	v16 =	vcvt.f32.s32 v16;
	v17 =	vcvt.f32.s32 v17  }
0x1ab: {  	v53 =	vsub.f32 v46, v5;
	v18 =	vcvt.f32.s32 v18;
	v19 =	vcvt.f32.s32 v19  }
0x1ac: {  	vm14 =	vgt.s32 v8, $0x0;
	vm15 =	vgt.s32 v9, $0x0;
	vm4 =	vgt.s32 v10, $0x0  }
0x1ad: {  	vm5 =	vgt.s32 v11, $0x0;
	vm6 =	vgt.s32 v12, $0x0;
	vm7 =	vgt.s32 v13, $0x0  }
0x1ae: {  	vm8 =	vgt.s32 v14, $0x0;
	vm9 =	vgt.s32 v15, $0x0;
	vm1 =	vgt.s32 v16, $0x0  }
0x1af: {  	vm2 =	vgt.s32 v17, $0x0;
	vm10 =	vgt.s32 v18, $0x0;
	vm11 =	vgt.s32 v19, $0x0  }
0x1b0: {  	v8 =	vnsel vm14, $0x0, v8;
	v9 =	vnsel vm15, $0x0, v9;
	v10 =	vnsel vm4, $0x0, v10  }
0x1b1: {  	v11 =	vnsel vm5, $0x0, v11;
	v12 =	vnsel vm6, $0x0, v12;
	v13 =	vnsel vm7, $0x0, v13  }
0x1b2: {  	v14 =	vnsel vm8, $0x0, v14;
	v15 =	vnsel vm9, $0x0, v15;
	v8 =	vmin.u32 v8, $0x270F  }
0x1b3: {  	v16 =	vnsel vm1, $0x0, v16;
	v17 =	vnsel vm2, $0x0, v17;
	v47 =	vmin.u32 v10, $0x270F;
	[tilespmem:$0x3AE0] =	vst v8  }
0x1b4: {  	v18 =	vnsel vm10, $0x0, v18;
	v19 =	vnsel vm11, $0x0, v19;
	v49 =	vmin.u32 v12, $0x270F;
	[tilespmem:$0x3AF0] =	vst v47  }
0x1b5: {  	v51 =	vmin.u32 v13, $0x270F;
	v10 =	vmul.f32 $1.000000000e+04, v48;
	v12 =	vmul.f32 v50, v7;
	[tilespmem:$0x3B00] =	vst v49  }
0x1b6: {  	v54 =	vmin.u32 v15, $0x270F;
	v13 =	vmul.f32 v52, v6;
	v8 =	vmin.u32 v9, $0x270F;
	[tilespmem:$0x3D00] =	vst v51  }
0x1b7: {  	v55 =	vmin.u32 v16, $0x270F;
	[tilespmem:$0x3CE0] =	vst v8;
	v8 =	vmin.u32 v11, $0x270F;
	v10 =	vtrunc.f32 v10  }
0x1b8: {  	v12 =	vmul.f32 $1.000000000e+04, v12;
	[tilespmem:$0x3CF0] =	vst v8;
	v8 =	vmin.u32 v14, $0x270F;
	v14 =	vmul.f32 v53, v7  }
0x1b9: {  	v56 =	vmin.u32 v18, $0x270F;
	[tilespmem:$0x3D10] =	vst v54;
	v13 =	vmul.f32 $1.000000000e+04, v13;
	v10 =	vcvt.f32.s32 v10  }
0x1ba: {  	v57 =	vmin.u32 v19, $0x270F;
	[tilespmem:$0x3B20] =	vst v55;
	v12 =	vtrunc.f32 v12;
	v14 =	vmul.f32 $1.000000000e+04, v14  }
0x1bb: {  	[tilespmem:$0x3B10] =	vst v8;
	v8 =	vmin.u32 v17, $0x270F;
	v13 =	vtrunc.f32 v13;
	v12 =	vcvt.f32.s32 v12  }
0x1bc: {  	[tilespmem:$0x3D20] =	vst v8;
	vm12 =	vgt.s32 v10, $0x0;
	v8 =	vcvt.f32.s32 v13;
	v58 =	vtrunc.f32 v14  }
0x1bd: {  	[tilespmem:$0x3B30] =	vst v56;
	v10 =	vnsel vm12, $0x0, v10;
	vm13 =	vgt.s32 v12, $0x0;
	v59 =	vcvt.f32.s32 v58  }
0x1be: {  	[tilespmem:$0x3D30] =	vst v57;
	v60 =	vmin.u32 v10, $0x270F;
	vm14 =	vgt.s32 v8, $0x0;
	v61 =	vnsel vm13, $0x0, v12  }
0x1bf: {  	[tilespmem:$0x3B40] =	vst v60;
	v8 =	vnsel vm14, $0x0, v8;
	v62 =	vmin.u32 v61, $0x270F;
	vm15 =	vgt.s32 v59, $0x0  }
0x1c0: {  	v8 =	vmin.u32 v8, $0x270F;
	[tilespmem:$0x3D40] =	vst v62;
	v63 =	vnsel vm15, $0x0, v59  }
0x1c1: {  	[tilespmem:$0x3B50] =	vst v8;
	v8 =	vmin.u32 v63, $0x270F  }
0x1c2: {  	s5 =	simm.s32 $0x3AE0;
	s31 =	simm.s32 $0x9D60;
	[tilespmem:$0x3D50] =	vst v8  }
0x1c3: {  	[tilespmem:s31], [sflag:$0x8] =	stream.indirect.gather [hbm4b:s7+s15], $0x40, s5, s15, $0xb8;
	[tilespmem:$0x13D60] =	vst v63  }
0x1c4: {  	s6 =	simm.s32 $0x3CE0;
	s12 =	simm.s32 $0x11D60  }
0x1c5: {  	[tilespmem:s12], [sflag:$0x8] =	stream.indirect.gather [hbm4b:s7+s15], $0x40, s6, s15, $0xb8;
	[tilespmem:$0x13D60] =	vst v63  }
0x1c6: {  	s18 =	rddreg [dreg:$0x17]  }
0x1c7: {  	[tilespmem:s4], [sflag:$0x4] =	stream.linear.gather [hbm4b:s18+s10], $0x80, $0x38;
	[tilespmem:$0x13D60] =	vst v63  }
0x1c8: {  	s19 =	rddreg [dreg:$0x18]  }
0x1c9: {  	[tilespmem:s23], [sflag:$0x4] =	stream.linear.gather [hbm4b:s19+s10], $0x80, $0x38;
	[tilespmem:$0x13D60] =	vst v63  }
0x1ca: {  	_ =	swait.ge [sflag:s22], $0x2000  }
0x1cb: {  	[sflag:s22] =	ssyncset.done $0x0  }
0x1cc: {  	[sflag:s22] =	ssyncadd.s32 $0xFFFFE000  }
0x1cd: {  	_ =	swait.ge [sflag:s22], $0x2000  }
0x1ce: {  	[sflag:s22] =	ssyncset.done $0x0  }
0x1cf: {  	[sflag:s22] =	ssyncadd.s32 $0xFFFFE000;
	s22 =	rddreg [dreg:$0x19]  }
0x1d0: {  	[hbm4b:s22+s0] =	stream.strided.scatter [tilespmem:s25], [sflag:$0x9], $0x2000, s15, s0, $0x38;
	[tilespmem:$0x13D60] =	vst v63  }
0x1d1: {  	s23 =	rddreg [dreg:$0x1a]  }
0x1d2: {  	[hbm4b:s23+s0] =	stream.strided.scatter [tilespmem:s29], [sflag:$0x9], $0x2000, s15, s0, $0x38;
	[tilespmem:$0x13D60] =	vst v63  }
0x1d3: {  	_ =	swait.ge [sflag:s30], $0x2000  }
0x1d4: {  	[sflag:s30] =	ssyncset.done $0x0  }
0x1d5: {  	[sflag:s30] =	ssyncadd.s32 $0xFFFFE000  }
0x1d6: {  	_ =	swait.ge [sflag:s30], $0x2000  }
0x1d7: {  	s25 =	rddreg [dreg:$0x1b]  }
0x1d8: {  	[sflag:s30] =	ssyncset.done $0x0;
	s31 =	rddreg [dreg:$0x1c]  }
0x1d9: {  	s5 =	simm.s32 $0x4;
	s12 =	rddreg [dreg:$0x1f];
	[sflag:s30] =	ssyncadd.s32 $0xFFFFE000  }
0x1da: {  	[hbm4b:s25+s0] =	stream.strided.scatter [tilespmem:s11], [sflag:$0xA], $0x2000, s15, s0, $0x38;
	[tilespmem:$0x13D60] =	vst v63  }
0x1db: {  	s6 =	simm.s32 $0xC;
	s30 =	simm.s32 $0x5;
	s2 =	rddreg [dreg:$0x0]  }
0x1dc: {  	[hbm4b:s31+s0] =	stream.strided.scatter [tilespmem:s1], [sflag:$0xA], $0x2000, s15, s0, $0x38;
	[tilespmem:$0x13D60] =	vst v63  }
0x1dd: {  	s29 =	rddreg [dreg:$0x1];
	s25 =	simm.s32 $0x40;
	s0 =	simm.s32 $0x6  }
.LBB2_4:
0x1de: {  	_ =	swait.ge [sflag:s9], $0x80  }
0x1df: {  	[sflag:s9] =	ssyncset.done $0x0  }
0x1e0: {  	[sflag:s9] =	ssyncadd.s32 $0xFFFFFF80  }
0x1e1: {  	_ =	swait.ge [sflag:s9], $0x80  }
0x1e2: {  	[sflag:s9] =	ssyncset.done $0x0  }
0x1e3: {  	[sflag:s9] =	ssyncadd.s32 $0xFFFFFF80  }
0x1e4: {  	v8 =	vld [tilespmem:$0x3560]  }
0x1e5: {  	v9 =	vld [tilespmem:$0x3760]  }
0x1e6: {  	v10 =	vld [tilespmem:$0x3570]  }
0x1e7: {  	v11 =	vld [tilespmem:$0x3770]  }
0x1e8: {  	v12 =	vld [tilespmem:$0x3580]  }
0x1e9: {  	v13 =	vld [tilespmem:$0x3780]  }
0x1ea: {  	v14 =	vld [tilespmem:$0x3590]  }
0x1eb: {  	v15 =	vld [tilespmem:$0x3790]  }
0x1ec: {  	v16 =	vld [tilespmem:$0x35A0]  }
0x1ed: {  	v17 =	vld [tilespmem:$0x37A0];
	v8 =	vsub.f32 v8, v4  }
0x1ee: {  	v18 =	vld [tilespmem:$0x35B0];
	v9 =	vsub.f32 v9, v5;
	v10 =	vsub.f32 v10, v4  }
0x1ef: {  	v19 =	vld [tilespmem:$0x37B0];
	v11 =	vsub.f32 v11, v5;
	v12 =	vsub.f32 v12, v4  }
0x1f0: {  	v20 =	vld [tilespmem:$0x35C0];
	v13 =	vsub.f32 v13, v5;
	v14 =	vsub.f32 v14, v4  }
0x1f1: {  	v22 =	vld [tilespmem:$0x35D0];
	v15 =	vsub.f32 v15, v5;
	v16 =	vsub.f32 v16, v4;
	v8 =	vmul.f32 v8, v6  }
0x1f2: {  	v17 =	vsub.f32 v17, v5;
	v9 =	vmul.f32 v9, v7;
	v10 =	vmul.f32 v10, v6  }
0x1f3: {  	v18 =	vsub.f32 v18, v4;
	v11 =	vmul.f32 v11, v7;
	v12 =	vmul.f32 v12, v6  }
0x1f4: {  	v19 =	vsub.f32 v19, v5;
	v13 =	vmul.f32 v13, v7;
	v14 =	vmul.f32 v14, v6  }
0x1f5: {  	v20 =	vsub.f32 v20, v4;
	v15 =	vmul.f32 v15, v7;
	v16 =	vmul.f32 v16, v6  }
0x1f6: {  	v57 =	vsub.f32 v22, v4;
	v17 =	vmul.f32 v17, v7;
	v18 =	vmul.f32 v18, v6  }
0x1f7: {  	v19 =	vmul.f32 v19, v7;
	v53 =	vmul.f32 v20, v6  }
0x1f8: {  	v60 =	vmul.f32 v57, v6;
	v8 =	vmul.f32 $1.000000000e+04, v8  }
0x1f9: {  	v9 =	vmul.f32 $1.000000000e+04, v9;
	v10 =	vmul.f32 $1.000000000e+04, v10  }
0x1fa: {  	v11 =	vmul.f32 $1.000000000e+04, v11;
	v12 =	vmul.f32 $1.000000000e+04, v12  }
0x1fb: {  	v13 =	vmul.f32 $1.000000000e+04, v13;
	v14 =	vmul.f32 $1.000000000e+04, v14  }
0x1fc: {  	v15 =	vmul.f32 $1.000000000e+04, v15;
	v16 =	vmul.f32 $1.000000000e+04, v16  }
0x1fd: {  	v17 =	vmul.f32 $1.000000000e+04, v17;
	v18 =	vmul.f32 $1.000000000e+04, v18  }
0x1fe: {  	v52 =	vmul.f32 $1.000000000e+04, v19;
	v56 =	vmul.f32 $1.000000000e+04, v53  }
0x1ff: {  	v62 =	vmul.f32 $1.000000000e+04, v60;
	v8 =	vtrunc.f32 v8  }
0x200: {  	v9 =	vtrunc.f32 v9;
	v10 =	vtrunc.f32 v10  }
0x201: {  	v11 =	vtrunc.f32 v11;
	v12 =	vtrunc.f32 v12  }
0x202: {  	v13 =	vtrunc.f32 v13;
	v14 =	vtrunc.f32 v14  }
0x203: {  	v21 =	vld [tilespmem:$0x37C0];
	v15 =	vtrunc.f32 v15;
	v16 =	vtrunc.f32 v16  }
0x204: {  	v23 =	vld [tilespmem:$0x37D0];
	v17 =	vtrunc.f32 v17;
	v18 =	vtrunc.f32 v18  }
0x205: {  	v55 =	vtrunc.f32 v52;
	v8 =	vcvt.f32.s32 v8  }
0x206: {  	v9 =	vcvt.f32.s32 v9;
	v10 =	vcvt.f32.s32 v10  }
0x207: {  	v11 =	vcvt.f32.s32 v11;
	v12 =	vcvt.f32.s32 v12  }
0x208: {  	v54 =	vsub.f32 v21, v5;
	v13 =	vcvt.f32.s32 v13;
	v14 =	vcvt.f32.s32 v14  }
0x209: {  	v58 =	vsub.f32 v23, v5;
	v15 =	vcvt.f32.s32 v15;
	v16 =	vcvt.f32.s32 v16  }
0x20a: {  	v17 =	vcvt.f32.s32 v17;
	v18 =	vcvt.f32.s32 v18;
	vm0 =	vgt.s32 v8, $0x0  }
0x20b: {  	vm15 =	vgt.s32 v9, $0x0;
	vm4 =	vgt.s32 v10, $0x0;
	vm5 =	vgt.s32 v11, $0x0  }
0x20c: {  	vm6 =	vgt.s32 v12, $0x0;
	vm7 =	vgt.s32 v13, $0x0;
	vm8 =	vgt.s32 v14, $0x0  }
0x20d: {  	vm9 =	vgt.s32 v15, $0x0;
	vm10 =	vgt.s32 v16, $0x0;
	vm11 =	vgt.s32 v17, $0x0  }
0x20e: {  	vm12 =	vgt.s32 v18, $0x0;
	v8 =	vnsel vm0, $0x0, v8;
	v9 =	vnsel vm15, $0x0, v9  }
0x20f: {  	v10 =	vnsel vm4, $0x0, v10;
	v11 =	vnsel vm5, $0x0, v11;
	v12 =	vnsel vm6, $0x0, v12  }
0x210: {  	v13 =	vnsel vm7, $0x0, v13;
	v14 =	vnsel vm8, $0x0, v14;
	v8 =	vmin.u32 v8, $0x270F  }
0x211: {  	v15 =	vnsel vm9, $0x0, v15;
	v16 =	vnsel vm10, $0x0, v16;
	v9 =	vmin.u32 v9, $0x270F;
	[tilespmem:$0x3960] =	vst v8  }
0x212: {  	v59 =	vnsel vm12, $0x0, v18;
	v10 =	vmin.u32 v10, $0x270F;
	v11 =	vmin.u32 v11, $0x270F;
	[tilespmem:$0x3B60] =	vst v9  }
0x213: {  	v12 =	vmin.u32 v12, $0x270F;
	v13 =	vmin.u32 v13, $0x270F;
	v14 =	vmin.u32 v14, $0x270F;
	[tilespmem:$0x3970] =	vst v10  }
0x214: {  	v15 =	vmin.u32 v15, $0x270F;
	v16 =	vmin.u32 v16, $0x270F;
	[tilespmem:$0x3B70] =	vst v11;
	v10 =	vcvt.f32.s32 v55  }
0x215: {  	v8 =	vnsel vm11, $0x0, v17;
	v9 =	vmul.f32 v54, v7;
	[tilespmem:$0x3980] =	vst v12;
	v17 =	vtrunc.f32 v56  }
0x216: {  	v12 =	vmin.u32 v59, $0x270F;
	v11 =	vmul.f32 v58, v7;
	[tilespmem:$0x3990] =	vst v14;
	v14 =	vtrunc.f32 v62  }
0x217: {  	[tilespmem:$0x3B80] =	vst v13;
	v8 =	vmin.u32 v8, $0x270F;
	v61 =	vcvt.f32.s32 v17;
	v9 =	vmul.f32 $1.000000000e+04, v9  }
0x218: {  	vm13 =	vgt.s32 v10, $0x0;
	v11 =	vmul.f32 $1.000000000e+04, v11;
	[tilespmem:$0x3BA0] =	vst v8;
	v8 =	vcvt.f32.s32 v14  }
0x219: {  	s3 =	sadd.s32 s10, s8;
	[tilespmem:$0x3B90] =	vst v15;
	v10 =	vnsel vm13, $0x0, v10;
	vm14 =	vgt.s32 v61, $0x0;
	v9 =	vtrunc.f32 v9  }
0x21a: {  	s8 =	sadd.s32 $0x100, s3;
	[tilespmem:$0x39A0] =	vst v16;
	v10 =	vmin.u32 v10, $0x270F;
	v11 =	vtrunc.f32 v11;
	v9 =	vcvt.f32.s32 v9  }
0x21b: {  	p0 =	slt.s32 s8, $0x30D;
	[tilespmem:$0x39B0] =	vst v12;
	v63 =	vnsel vm14, $0x0, v61;
	vm4 =	vgt.s32 v8, $0x0;
	v11 =	vcvt.f32.s32 v11  }
0x21c: {  	s8 =	simm.s32 @!p0 $0x30D;
	[tilespmem:$0x3BB0] =	vst v10;
	v14 =	vmin.u32 v63, $0x270F;
	v8 =	vnsel vm4, $0x0, v8;
	vm15 =	vgt.s32 v9, $0x0  }
0x21d: {  	s8 =	sshll.u32 s8, $0x7;
	[tilespmem:$0x39C0] =	vst v14;
	v8 =	vmin.u32 v8, $0x270F;
	vm5 =	vgt.s32 v11, $0x0;
	v9 =	vnsel vm15, $0x0, v9  }
0x21e: {  	s8 =	smin.u32 s8, $0x18620;
	[tilespmem:$0x39D0] =	vst v8;
	v15 =	vnsel vm5, $0x0, v11;
	v9 =	vmin.u32 v9, $0x270F  }
0x21f: {  	s8 =	sshrl.u32 s8, $0x3;
	v8 =	vmin.u32 v15, $0x270F;
	[tilespmem:$0x3BC0] =	vst v9  }
0x220: {  	s1 =	simm.s32 $0x3560;
	s23 =	sadd.s32 s2, s8;
	[tilespmem:$0x3BD0] =	vst v8  }
0x221: {  	[tilespmem:s1], [sflag:$0x1] =	stream.linear.gather [hbm4b:s23+s24], $0x80, $0x38;
	[tilespmem:$0x13D60] =	vst v63  }
0x222: {  	s4 =	simm.s32 $0x3760;
	s8 =	sadd.s32 s29, s8  }
0x223: {  	[tilespmem:s4], [sflag:$0x1] =	stream.linear.gather [hbm4b:s8+s24], $0x80, $0x38;
	[tilespmem:$0x13D60] =	vst v63  }
0x224: {  	_ =	swait.ge [sflag:s16], $0x2000  }
0x225: {  	[sflag:s16] =	ssyncset.done $0x0  }
0x226: {  	[sflag:s16] =	ssyncadd.s32 $0xFFFFE000  }
0x227: {  	_ =	swait.ge [sflag:s16], $0x2000  }
0x228: {  	[sflag:s16] =	ssyncset.done $0x0  }
0x229: {  	s18 =	simm.s32 $0x3D60;
	s8 =	simm.s32 $0x3960;
	[sflag:s16] =	ssyncadd.s32 $0xFFFFE000  }
0x22a: {  	[tilespmem:s18], [sflag:$0x5] =	stream.indirect.gather [hbm4b:s7+s15], $0x40, s8, s15, $0xb8;
	[tilespmem:$0x13D60] =	vst v63  }
0x22b: {  	s11 =	simm.s32 $0x3B60;
	s23 =	simm.s32 $0xBD60  }
0x22c: {  	[tilespmem:s23], [sflag:$0x5] =	stream.indirect.gather [hbm4b:s7+s15], $0x40, s11, s15, $0xb8;
	[tilespmem:$0x13D60] =	vst v63  }
0x22d: {  	_ =	swait.ge [sflag:s13], $0x2000  }
0x22e: {  	[sflag:s13] =	ssyncset.done $0x0  }
0x22f: {  	[sflag:s13] =	ssyncadd.s32 $0xFFFFE000  }
0x230: {  	_ =	swait.ge [sflag:s13], $0x2000  }
0x231: {  	s19 =	smov.u32 s17;
	[sflag:s13] =	ssyncset.done $0x0  }
0x232: {  	s17 =	sadd.s32 $0xFFFEFFF8, s12;
	s4 =	simm.s32 $0x7D60;
	[sflag:s13] =	ssyncadd.s32 $0xFFFFE000  }
0x233: {  	[hbm4b:s17+s25] =	stream.strided.scatter [tilespmem:s4], [sflag:$0xB], $0x2000, s15, s25, $0x38;
	[tilespmem:$0x13D60] =	vst v63  }
0x234: {  	s22 =	sadd.s32 $0xFFFF0000, s12;
	s11 =	simm.s32 $0xFD60  }
0x235: {  	[hbm4b:s22+s25] =	stream.strided.scatter [tilespmem:s11], [sflag:$0xB], $0x2000, s15, s25, $0x38;
	[tilespmem:$0x13D60] =	vst v63  }
0x236: {  	_ =	swait.ge [sflag:s14], $0x80  }
0x237: {  	[sflag:s14] =	ssyncset.done $0x0  }
0x238: {  	[sflag:s14] =	ssyncadd.s32 $0xFFFFFF80  }
0x239: {  	_ =	swait.ge [sflag:s14], $0x80  }
0x23a: {  	[sflag:s14] =	ssyncset.done $0x0  }
0x23b: {  	[sflag:s14] =	ssyncadd.s32 $0xFFFFFF80  }
0x23c: {  	v8 =	vld [tilespmem:$0x35E0]  }
0x23d: {  	v16 =	vld [tilespmem:$0x37E0]  }
0x23e: {  	v17 =	vld [tilespmem:$0x35F0]  }
0x23f: {  	v18 =	vld [tilespmem:$0x37F0]  }
0x240: {  	v19 =	vld [tilespmem:$0x3600]  }
0x241: {  	v20 =	vld [tilespmem:$0x3800]  }
0x242: {  	v21 =	vld [tilespmem:$0x3610]  }
0x243: {  	v22 =	vld [tilespmem:$0x3810]  }
0x244: {  	v23 =	vld [tilespmem:$0x3620]  }
0x245: {  	v24 =	vld [tilespmem:$0x3820];
	v8 =	vsub.f32 v8, v4  }
0x246: {  	v25 =	vld [tilespmem:$0x3630];
	v9 =	vsub.f32 v16, v5;
	v10 =	vsub.f32 v17, v4  }
0x247: {  	v26 =	vld [tilespmem:$0x3830];
	v11 =	vsub.f32 v18, v5;
	v12 =	vsub.f32 v19, v4  }
0x248: {  	v27 =	vld [tilespmem:$0x3640];
	v13 =	vsub.f32 v20, v5;
	v14 =	vsub.f32 v21, v4  }
0x249: {  	v29 =	vld [tilespmem:$0x3650];
	v15 =	vsub.f32 v22, v5;
	v16 =	vsub.f32 v23, v4;
	v8 =	vmul.f32 v8, v6  }
0x24a: {  	v17 =	vsub.f32 v24, v5;
	v9 =	vmul.f32 v9, v7;
	v10 =	vmul.f32 v10, v6  }
0x24b: {  	v18 =	vsub.f32 v25, v4;
	v11 =	vmul.f32 v11, v7;
	v12 =	vmul.f32 v12, v6  }
0x24c: {  	v19 =	vsub.f32 v26, v5;
	v13 =	vmul.f32 v13, v7;
	v14 =	vmul.f32 v14, v6  }
0x24d: {  	v20 =	vsub.f32 v27, v4;
	v15 =	vmul.f32 v15, v7;
	v16 =	vmul.f32 v16, v6  }
0x24e: {  	v36 =	vsub.f32 v29, v4;
	v17 =	vmul.f32 v17, v7;
	v18 =	vmul.f32 v18, v6  }
0x24f: {  	v19 =	vmul.f32 v19, v7;
	v32 =	vmul.f32 v20, v6  }
0x250: {  	v39 =	vmul.f32 v36, v6;
	v8 =	vmul.f32 $1.000000000e+04, v8  }
0x251: {  	v9 =	vmul.f32 $1.000000000e+04, v9;
	v10 =	vmul.f32 $1.000000000e+04, v10  }
0x252: {  	v11 =	vmul.f32 $1.000000000e+04, v11;
	v12 =	vmul.f32 $1.000000000e+04, v12  }
0x253: {  	v13 =	vmul.f32 $1.000000000e+04, v13;
	v14 =	vmul.f32 $1.000000000e+04, v14  }
0x254: {  	v15 =	vmul.f32 $1.000000000e+04, v15;
	v16 =	vmul.f32 $1.000000000e+04, v16  }
0x255: {  	v17 =	vmul.f32 $1.000000000e+04, v17;
	v18 =	vmul.f32 $1.000000000e+04, v18  }
0x256: {  	v31 =	vmul.f32 $1.000000000e+04, v19;
	v35 =	vmul.f32 $1.000000000e+04, v32  }
0x257: {  	v41 =	vmul.f32 $1.000000000e+04, v39;
	v8 =	vtrunc.f32 v8  }
0x258: {  	v9 =	vtrunc.f32 v9;
	v10 =	vtrunc.f32 v10  }
0x259: {  	v11 =	vtrunc.f32 v11;
	v12 =	vtrunc.f32 v12  }
0x25a: {  	v13 =	vtrunc.f32 v13;
	v14 =	vtrunc.f32 v14  }
0x25b: {  	v28 =	vld [tilespmem:$0x3840];
	v15 =	vtrunc.f32 v15;
	v16 =	vtrunc.f32 v16  }
0x25c: {  	v30 =	vld [tilespmem:$0x3850];
	v17 =	vtrunc.f32 v17;
	v18 =	vtrunc.f32 v18  }
0x25d: {  	v34 =	vtrunc.f32 v31;
	v8 =	vcvt.f32.s32 v8  }
0x25e: {  	v9 =	vcvt.f32.s32 v9;
	v10 =	vcvt.f32.s32 v10  }
0x25f: {  	v11 =	vcvt.f32.s32 v11;
	v12 =	vcvt.f32.s32 v12  }
0x260: {  	v33 =	vsub.f32 v28, v5;
	v13 =	vcvt.f32.s32 v13;
	v14 =	vcvt.f32.s32 v14  }
0x261: {  	v37 =	vsub.f32 v30, v5;
	v15 =	vcvt.f32.s32 v15;
	v16 =	vcvt.f32.s32 v16  }
0x262: {  	v17 =	vcvt.f32.s32 v17;
	v18 =	vcvt.f32.s32 v18;
	vm6 =	vgt.s32 v8, $0x0  }
0x263: {  	vm7 =	vgt.s32 v9, $0x0;
	vm8 =	vgt.s32 v10, $0x0;
	vm9 =	vgt.s32 v11, $0x0  }
0x264: {  	vm10 =	vgt.s32 v12, $0x0;
	vm11 =	vgt.s32 v13, $0x0;
	vm12 =	vgt.s32 v14, $0x0  }
0x265: {  	vm13 =	vgt.s32 v15, $0x0;
	vm14 =	vgt.s32 v16, $0x0;
	vm15 =	vgt.s32 v17, $0x0  }
0x266: {  	vm4 =	vgt.s32 v18, $0x0;
	v8 =	vnsel vm6, $0x0, v8;
	v9 =	vnsel vm7, $0x0, v9  }
0x267: {  	v10 =	vnsel vm8, $0x0, v10;
	v11 =	vnsel vm9, $0x0, v11;
	v12 =	vnsel vm10, $0x0, v12  }
0x268: {  	v13 =	vnsel vm11, $0x0, v13;
	v14 =	vnsel vm12, $0x0, v14;
	v8 =	vmin.u32 v8, $0x270F  }
0x269: {  	v15 =	vnsel vm13, $0x0, v15;
	v16 =	vnsel vm14, $0x0, v16;
	v9 =	vmin.u32 v9, $0x270F;
	[tilespmem:$0x39E0] =	vst v8  }
0x26a: {  	v38 =	vnsel vm4, $0x0, v18;
	v10 =	vmin.u32 v10, $0x270F;
	v11 =	vmin.u32 v11, $0x270F;
	[tilespmem:$0x3BE0] =	vst v9  }
0x26b: {  	v12 =	vmin.u32 v12, $0x270F;
	v13 =	vmin.u32 v13, $0x270F;
	v14 =	vmin.u32 v14, $0x270F;
	[tilespmem:$0x39F0] =	vst v10  }
0x26c: {  	v15 =	vmin.u32 v15, $0x270F;
	v16 =	vmin.u32 v16, $0x270F;
	[tilespmem:$0x3BF0] =	vst v11;
	v10 =	vcvt.f32.s32 v34  }
0x26d: {  	v8 =	vnsel vm15, $0x0, v17;
	v9 =	vmul.f32 v33, v7;
	[tilespmem:$0x3A00] =	vst v12;
	v17 =	vtrunc.f32 v35  }
0x26e: {  	v12 =	vmin.u32 v38, $0x270F;
	v11 =	vmul.f32 v37, v7;
	[tilespmem:$0x3A10] =	vst v14;
	v14 =	vtrunc.f32 v41  }
0x26f: {  	[tilespmem:$0x3C00] =	vst v13;
	v8 =	vmin.u32 v8, $0x270F;
	v40 =	vcvt.f32.s32 v17;
	v9 =	vmul.f32 $1.000000000e+04, v9  }
0x270: {  	vm5 =	vgt.s32 v10, $0x0;
	v11 =	vmul.f32 $1.000000000e+04, v11;
	[tilespmem:$0x3C20] =	vst v8;
	v8 =	vcvt.f32.s32 v14  }
0x271: {  	[tilespmem:$0x3C10] =	vst v15;
	v10 =	vnsel vm5, $0x0, v10;
	vm6 =	vgt.s32 v40, $0x0;
	v9 =	vtrunc.f32 v9  }
0x272: {  	s8 =	sadd.s32 $0x120, s3;
	[tilespmem:$0x3A20] =	vst v16;
	v10 =	vmin.u32 v10, $0x270F;
	v11 =	vtrunc.f32 v11;
	v9 =	vcvt.f32.s32 v9  }
0x273: {  	p0 =	slt.s32 s8, $0x30D;
	[tilespmem:$0x3A30] =	vst v12;
	v42 =	vnsel vm6, $0x0, v40;
	vm8 =	vgt.s32 v8, $0x0;
	v11 =	vcvt.f32.s32 v11  }
0x274: {  	s8 =	simm.s32 @!p0 $0x30D;
	[tilespmem:$0x3C30] =	vst v10;
	v43 =	vmin.u32 v42, $0x270F;
	v8 =	vnsel vm8, $0x0, v8;
	vm7 =	vgt.s32 v9, $0x0  }
0x275: {  	s8 =	sshll.u32 s8, $0x7;
	[tilespmem:$0x3A40] =	vst v43;
	v8 =	vmin.u32 v8, $0x270F;
	vm9 =	vgt.s32 v11, $0x0;
	v9 =	vnsel vm7, $0x0, v9  }
0x276: {  	s8 =	smin.u32 s8, $0x18620;
	[tilespmem:$0x3A50] =	vst v8;
	v44 =	vnsel vm9, $0x0, v11;
	v9 =	vmin.u32 v9, $0x270F  }
0x277: {  	s8 =	sshrl.u32 s8, $0x3;
	v8 =	vmin.u32 v44, $0x270F;
	[tilespmem:$0x3C40] =	vst v9  }
0x278: {  	s1 =	sadd.s32 s2, s8;
	s22 =	simm.s32 $0x35E0;
	[tilespmem:$0x3C50] =	vst v8  }
0x279: {  	[tilespmem:s22], [sflag:$0x2] =	stream.linear.gather [hbm4b:s1+s24], $0x80, $0x38;
	[tilespmem:$0x13D60] =	vst v63  }
0x27a: {  	s8 =	sadd.s32 s29, s8;
	s1 =	simm.s32 $0x37E0  }
0x27b: {  	[tilespmem:s1], [sflag:$0x2] =	stream.linear.gather [hbm4b:s8+s24], $0x80, $0x38;
	[tilespmem:$0x13D60] =	vst v63  }
0x27c: {  	_ =	swait.ge [sflag:s20], $0x2000  }
0x27d: {  	[sflag:s20] =	ssyncset.done $0x0  }
0x27e: {  	[sflag:s20] =	ssyncadd.s32 $0xFFFFE000  }
0x27f: {  	_ =	swait.ge [sflag:s20], $0x2000  }
0x280: {  	[sflag:s20] =	ssyncset.done $0x0  }
0x281: {  	s17 =	simm.s32 $0x39E0;
	s22 =	simm.s32 $0x5D60;
	[sflag:s20] =	ssyncadd.s32 $0xFFFFE000  }
0x282: {  	[tilespmem:s22], [sflag:$0x6] =	stream.indirect.gather [hbm4b:s7+s15], $0x40, s17, s15, $0xb8;
	[tilespmem:$0x13D60] =	vst v63  }
0x283: {  	s17 =	simm.s32 $0x3BE0;
	s22 =	simm.s32 $0xDD60  }
0x284: {  	[tilespmem:s22], [sflag:$0x6] =	stream.indirect.gather [hbm4b:s7+s15], $0x40, s17, s15, $0xb8;
	[tilespmem:$0x13D60] =	vst v63  }
0x285: {  	_ =	swait.ge [sflag:s21], $0x2000  }
0x286: {  	[sflag:s21] =	ssyncset.done $0x0  }
0x287: {  	[sflag:s21] =	ssyncadd.s32 $0xFFFFE000  }
0x288: {  	_ =	swait.ge [sflag:s21], $0x2000  }
0x289: {  	[sflag:s21] =	ssyncset.done $0x0  }
0x28a: {  	s1 =	sadd.s32 $0xFFFFFFF8, s12;
	s22 =	simm.s32 $0x9D60;
	[sflag:s21] =	ssyncadd.s32 $0xFFFFE000  }
0x28b: {  	[hbm4b:s1+s25] =	stream.strided.scatter [tilespmem:s22], [sflag:$0xC], $0x2000, s15, s25, $0x38;
	[tilespmem:$0x13D60] =	vst v63  }
0x28c: {  	s1 =	simm.s32 $0x11D60  }
0x28d: {  	[hbm4b:s12+s25] =	stream.strided.scatter [tilespmem:s1], [sflag:$0xC], $0x2000, s15, s25, $0x38;
	[tilespmem:$0x13D60] =	vst v63  }
0x28e: {  	_ =	swait.ge [sflag:s26], $0x80  }
0x28f: {  	[sflag:s26] =	ssyncset.done $0x0  }
0x290: {  	[sflag:s26] =	ssyncadd.s32 $0xFFFFFF80  }
0x291: {  	_ =	swait.ge [sflag:s26], $0x80  }
0x292: {  	[sflag:s26] =	ssyncset.done $0x0  }
0x293: {  	[sflag:s26] =	ssyncadd.s32 $0xFFFFFF80  }
0x294: {  	v8 =	vld [tilespmem:$0x3660]  }
0x295: {  	v45 =	vld [tilespmem:$0x3860]  }
0x296: {  	v46 =	vld [tilespmem:$0x3670]  }
0x297: {  	v47 =	vld [tilespmem:$0x3870]  }
0x298: {  	v48 =	vld [tilespmem:$0x3680]  }
0x299: {  	v49 =	vld [tilespmem:$0x3880]  }
0x29a: {  	v50 =	vld [tilespmem:$0x3690]  }
0x29b: {  	v51 =	vld [tilespmem:$0x3890]  }
0x29c: {  	v52 =	vld [tilespmem:$0x36A0]  }
0x29d: {  	v53 =	vld [tilespmem:$0x38A0];
	v8 =	vsub.f32 v8, v4  }
0x29e: {  	v54 =	vld [tilespmem:$0x36B0];
	v9 =	vsub.f32 v45, v5;
	v10 =	vsub.f32 v46, v4  }
0x29f: {  	v55 =	vld [tilespmem:$0x38B0];
	v11 =	vsub.f32 v47, v5;
	v12 =	vsub.f32 v48, v4  }
0x2a0: {  	v56 =	vld [tilespmem:$0x36C0];
	v13 =	vsub.f32 v49, v5;
	v14 =	vsub.f32 v50, v4  }
0x2a1: {  	v58 =	vld [tilespmem:$0x36D0];
	v15 =	vsub.f32 v51, v5;
	v16 =	vsub.f32 v52, v4;
	v8 =	vmul.f32 v8, v6  }
0x2a2: {  	v17 =	vsub.f32 v53, v5;
	v9 =	vmul.f32 v9, v7;
	v10 =	vmul.f32 v10, v6  }
0x2a3: {  	v18 =	vsub.f32 v54, v4;
	v11 =	vmul.f32 v11, v7;
	v12 =	vmul.f32 v12, v6  }
0x2a4: {  	v19 =	vsub.f32 v55, v5;
	v13 =	vmul.f32 v13, v7;
	v14 =	vmul.f32 v14, v6  }
0x2a5: {  	v20 =	vsub.f32 v56, v4;
	v15 =	vmul.f32 v15, v7;
	v16 =	vmul.f32 v16, v6  }
0x2a6: {  	v22 =	vsub.f32 v58, v4;
	v17 =	vmul.f32 v17, v7;
	v18 =	vmul.f32 v18, v6  }
0x2a7: {  	v19 =	vmul.f32 v19, v7;
	v61 =	vmul.f32 v20, v6  }
0x2a8: {  	v26 =	vmul.f32 v22, v6;
	v8 =	vmul.f32 $1.000000000e+04, v8  }
0x2a9: {  	v9 =	vmul.f32 $1.000000000e+04, v9;
	v10 =	vmul.f32 $1.000000000e+04, v10  }
0x2aa: {  	v11 =	vmul.f32 $1.000000000e+04, v11;
	v12 =	vmul.f32 $1.000000000e+04, v12  }
0x2ab: {  	v13 =	vmul.f32 $1.000000000e+04, v13;
	v14 =	vmul.f32 $1.000000000e+04, v14  }
0x2ac: {  	v15 =	vmul.f32 $1.000000000e+04, v15;
	v16 =	vmul.f32 $1.000000000e+04, v16  }
0x2ad: {  	v17 =	vmul.f32 $1.000000000e+04, v17;
	v18 =	vmul.f32 $1.000000000e+04, v18  }
0x2ae: {  	v60 =	vmul.f32 $1.000000000e+04, v19;
	v21 =	vmul.f32 $1.000000000e+04, v61  }
0x2af: {  	v28 =	vmul.f32 $1.000000000e+04, v26;
	v8 =	vtrunc.f32 v8  }
0x2b0: {  	v9 =	vtrunc.f32 v9;
	v10 =	vtrunc.f32 v10  }
0x2b1: {  	v11 =	vtrunc.f32 v11;
	v12 =	vtrunc.f32 v12  }
0x2b2: {  	v13 =	vtrunc.f32 v13;
	v14 =	vtrunc.f32 v14  }
0x2b3: {  	v57 =	vld [tilespmem:$0x38C0];
	v15 =	vtrunc.f32 v15;
	v16 =	vtrunc.f32 v16  }
0x2b4: {  	v59 =	vld [tilespmem:$0x38D0];
	v17 =	vtrunc.f32 v17;
	v18 =	vtrunc.f32 v18  }
0x2b5: {  	v63 =	vtrunc.f32 v60;
	v8 =	vcvt.f32.s32 v8  }
0x2b6: {  	v9 =	vcvt.f32.s32 v9;
	v10 =	vcvt.f32.s32 v10  }
0x2b7: {  	v11 =	vcvt.f32.s32 v11;
	v12 =	vcvt.f32.s32 v12  }
0x2b8: {  	v62 =	vsub.f32 v57, v5;
	v13 =	vcvt.f32.s32 v13;
	v14 =	vcvt.f32.s32 v14  }
0x2b9: {  	v24 =	vsub.f32 v59, v5;
	v15 =	vcvt.f32.s32 v15;
	v16 =	vcvt.f32.s32 v16  }
0x2ba: {  	v17 =	vcvt.f32.s32 v17;
	v18 =	vcvt.f32.s32 v18;
	vm10 =	vgt.s32 v8, $0x0  }
0x2bb: {  	vm11 =	vgt.s32 v9, $0x0;
	vm12 =	vgt.s32 v10, $0x0;
	vm13 =	vgt.s32 v11, $0x0  }
0x2bc: {  	vm14 =	vgt.s32 v12, $0x0;
	vm15 =	vgt.s32 v13, $0x0;
	vm4 =	vgt.s32 v14, $0x0  }
0x2bd: {  	vm5 =	vgt.s32 v15, $0x0;
	vm6 =	vgt.s32 v16, $0x0;
	vm7 =	vgt.s32 v17, $0x0  }
0x2be: {  	vm8 =	vgt.s32 v18, $0x0;
	v8 =	vnsel vm10, $0x0, v8;
	v9 =	vnsel vm11, $0x0, v9  }
0x2bf: {  	v10 =	vnsel vm12, $0x0, v10;
	v11 =	vnsel vm13, $0x0, v11;
	v12 =	vnsel vm14, $0x0, v12  }
0x2c0: {  	v13 =	vnsel vm15, $0x0, v13;
	v14 =	vnsel vm4, $0x0, v14;
	v8 =	vmin.u32 v8, $0x270F  }
0x2c1: {  	v15 =	vnsel vm5, $0x0, v15;
	v16 =	vnsel vm6, $0x0, v16;
	v9 =	vmin.u32 v9, $0x270F;
	[tilespmem:$0x3A60] =	vst v8  }
0x2c2: {  	v25 =	vnsel vm8, $0x0, v18;
	v10 =	vmin.u32 v10, $0x270F;
	v11 =	vmin.u32 v11, $0x270F;
	[tilespmem:$0x3C60] =	vst v9  }
0x2c3: {  	v12 =	vmin.u32 v12, $0x270F;
	v13 =	vmin.u32 v13, $0x270F;
	v14 =	vmin.u32 v14, $0x270F;
	[tilespmem:$0x3A70] =	vst v10  }
0x2c4: {  	v15 =	vmin.u32 v15, $0x270F;
	v16 =	vmin.u32 v16, $0x270F;
	[tilespmem:$0x3C70] =	vst v11;
	v10 =	vcvt.f32.s32 v63  }
0x2c5: {  	v8 =	vnsel vm7, $0x0, v17;
	v9 =	vmul.f32 v62, v7;
	[tilespmem:$0x3A80] =	vst v12;
	v17 =	vtrunc.f32 v21  }
0x2c6: {  	v12 =	vmin.u32 v25, $0x270F;
	v11 =	vmul.f32 v24, v7;
	[tilespmem:$0x3A90] =	vst v14;
	v14 =	vtrunc.f32 v28  }
0x2c7: {  	[tilespmem:$0x3C80] =	vst v13;
	v8 =	vmin.u32 v8, $0x270F;
	v27 =	vcvt.f32.s32 v17;
	v9 =	vmul.f32 $1.000000000e+04, v9  }
0x2c8: {  	vm9 =	vgt.s32 v10, $0x0;
	v11 =	vmul.f32 $1.000000000e+04, v11;
	[tilespmem:$0x3CA0] =	vst v8;
	v8 =	vcvt.f32.s32 v14  }
0x2c9: {  	[tilespmem:$0x3C90] =	vst v15;
	v10 =	vnsel vm9, $0x0, v10;
	vm10 =	vgt.s32 v27, $0x0;
	v9 =	vtrunc.f32 v9  }
0x2ca: {  	s8 =	sadd.s32 $0x140, s3;
	[tilespmem:$0x3AA0] =	vst v16;
	v10 =	vmin.u32 v10, $0x270F;
	v11 =	vtrunc.f32 v11;
	v9 =	vcvt.f32.s32 v9  }
0x2cb: {  	p0 =	slt.s32 s8, $0x30D;
	[tilespmem:$0x3AB0] =	vst v12;
	v29 =	vnsel vm10, $0x0, v27;
	vm12 =	vgt.s32 v8, $0x0;
	v11 =	vcvt.f32.s32 v11  }
0x2cc: {  	s8 =	simm.s32 @!p0 $0x30D;
	[tilespmem:$0x3CB0] =	vst v10;
	v30 =	vmin.u32 v29, $0x270F;
	v8 =	vnsel vm12, $0x0, v8;
	vm11 =	vgt.s32 v9, $0x0  }
0x2cd: {  	s8 =	sshll.u32 s8, $0x7;
	[tilespmem:$0x3AC0] =	vst v30;
	v8 =	vmin.u32 v8, $0x270F;
	vm13 =	vgt.s32 v11, $0x0;
	v9 =	vnsel vm11, $0x0, v9  }
0x2ce: {  	s8 =	smin.u32 s8, $0x18620;
	[tilespmem:$0x3AD0] =	vst v8;
	v31 =	vnsel vm13, $0x0, v11;
	v9 =	vmin.u32 v9, $0x270F  }
0x2cf: {  	s8 =	sshrl.u32 s8, $0x3;
	v8 =	vmin.u32 v31, $0x270F;
	[tilespmem:$0x3CC0] =	vst v9  }
0x2d0: {  	s31 =	simm.s32 $0x3660;
	s17 =	sadd.s32 s2, s8;
	[tilespmem:$0x3CD0] =	vst v8  }
0x2d1: {  	[tilespmem:s31], [sflag:$0x3] =	stream.linear.gather [hbm4b:s17+s24], $0x80, $0x38;
	[tilespmem:$0x13D60] =	vst v63  }
0x2d2: {  	s8 =	sadd.s32 s29, s8;
	s17 =	simm.s32 $0x3860  }
0x2d3: {  	[tilespmem:s17], [sflag:$0x3] =	stream.linear.gather [hbm4b:s8+s24], $0x80, $0x38;
	[tilespmem:$0x13D60] =	vst v63  }
0x2d4: {  	_ =	swait.ge [sflag:s28], $0x2000  }
0x2d5: {  	[sflag:s28] =	ssyncset.done $0x0  }
0x2d6: {  	[sflag:s28] =	ssyncadd.s32 $0xFFFFE000  }
0x2d7: {  	_ =	swait.ge [sflag:s28], $0x2000  }
0x2d8: {  	[sflag:s28] =	ssyncset.done $0x0  }
0x2d9: {  	s17 =	simm.s32 $0x3A60;
	[sflag:s28] =	ssyncadd.s32 $0xFFFFE000  }
0x2da: {  	[tilespmem:s4], [sflag:$0x7] =	stream.indirect.gather [hbm4b:s7+s15], $0x40, s17, s15, $0xb8;
	[tilespmem:$0x13D60] =	vst v63  }
0x2db: {  	s8 =	sadd.s32 $0x80, s3;
	s17 =	simm.s32 $0x3C60  }
0x2dc: {  	[tilespmem:s11], [sflag:$0x7] =	stream.indirect.gather [hbm4b:s7+s15], $0x40, s17, s15, $0xb8;
	[tilespmem:$0x13D60] =	vst v63  }
0x2dd: {  	p0 =	slt.s32 s8, $0x30D;
	_ =	swait.ge [sflag:s30], $0x2000  }
0x2de: {  	s8 =	simm.s32 @!p0 $0x30D;
	[sflag:s30] =	ssyncset.done $0x0  }
0x2df: {  	s8 =	sshll.u32 s8, $0x7;
	[sflag:s30] =	ssyncadd.s32 $0xFFFFE000  }
0x2e0: {  	s8 =	smin.u32 s8, $0x18620;
	_ =	swait.ge [sflag:s30], $0x2000  }
0x2e1: {  	s8 =	sshll.u32 s8, $0x4;
	[sflag:s30] =	ssyncset.done $0x0  }
0x2e2: {  	s11 =	sadd.s32 s19, s8;
	[sflag:s30] =	ssyncadd.s32 $0xFFFFE000  }
0x2e3: {  	[hbm4b:s11+s25] =	stream.strided.scatter [tilespmem:s18], [sflag:$0x9], $0x2000, s15, s25, $0x38;
	[tilespmem:$0x13D60] =	vst v63  }
0x2e4: {  	s18 =	sld [smem:$0x7FB];
	_ =	sdelay $0x2  }
0x2e5: {  	s8 =	sadd.s32 s8, s18  }
0x2e6: {  	[hbm4b:s8+s25] =	stream.strided.scatter [tilespmem:s23], [sflag:$0x9], $0x2000, s15, s25, $0x38;
	[tilespmem:$0x13D60] =	vst v63  }
0x2e7: {  	_ =	swait.ge [sflag:s5], $0x80  }
0x2e8: {  	[sflag:s5] =	ssyncset.done $0x0  }
0x2e9: {  	[sflag:s5] =	ssyncadd.s32 $0xFFFFFF80  }
0x2ea: {  	_ =	swait.ge [sflag:s5], $0x80  }
0x2eb: {  	[sflag:s5] =	ssyncset.done $0x0  }
0x2ec: {  	[sflag:s5] =	ssyncadd.s32 $0xFFFFFF80  }
0x2ed: {  	v8 =	vld [tilespmem:$0x36E0]  }
0x2ee: {  	v32 =	vld [tilespmem:$0x38E0]  }
0x2ef: {  	v33 =	vld [tilespmem:$0x36F0]  }
0x2f0: {  	v34 =	vld [tilespmem:$0x38F0]  }
0x2f1: {  	v35 =	vld [tilespmem:$0x3700]  }
0x2f2: {  	v36 =	vld [tilespmem:$0x3900]  }
0x2f3: {  	v37 =	vld [tilespmem:$0x3710]  }
0x2f4: {  	v38 =	vld [tilespmem:$0x3910]  }
0x2f5: {  	v39 =	vld [tilespmem:$0x3720]  }
0x2f6: {  	v40 =	vld [tilespmem:$0x3920];
	v8 =	vsub.f32 v8, v4  }
0x2f7: {  	v41 =	vld [tilespmem:$0x3730];
	v9 =	vsub.f32 v32, v5;
	v10 =	vsub.f32 v33, v4  }
0x2f8: {  	v42 =	vld [tilespmem:$0x3930];
	v11 =	vsub.f32 v34, v5;
	v12 =	vsub.f32 v35, v4  }
0x2f9: {  	v43 =	vld [tilespmem:$0x3740];
	v13 =	vsub.f32 v36, v5;
	v14 =	vsub.f32 v37, v4  }
0x2fa: {  	v15 =	vsub.f32 v38, v5;
	v16 =	vsub.f32 v39, v4;
	v8 =	vmul.f32 v8, v6  }
0x2fb: {  	v17 =	vsub.f32 v40, v5;
	v9 =	vmul.f32 v9, v7;
	v10 =	vmul.f32 v10, v6  }
0x2fc: {  	v18 =	vsub.f32 v41, v4;
	v11 =	vmul.f32 v11, v7;
	v12 =	vmul.f32 v12, v6  }
0x2fd: {  	v19 =	vsub.f32 v42, v5;
	v13 =	vmul.f32 v13, v7;
	v14 =	vmul.f32 v14, v6  }
0x2fe: {  	v20 =	vsub.f32 v43, v4;
	v15 =	vmul.f32 v15, v7;
	v16 =	vmul.f32 v16, v6  }
0x2ff: {  	v17 =	vmul.f32 v17, v7;
	v18 =	vmul.f32 v18, v6  }
0x300: {  	v19 =	vmul.f32 v19, v7;
	v48 =	vmul.f32 v20, v6  }
0x301: {  	v8 =	vmul.f32 $1.000000000e+04, v8;
	v9 =	vmul.f32 $1.000000000e+04, v9  }
0x302: {  	v10 =	vmul.f32 $1.000000000e+04, v10;
	v11 =	vmul.f32 $1.000000000e+04, v11  }
0x303: {  	v12 =	vmul.f32 $1.000000000e+04, v12;
	v13 =	vmul.f32 $1.000000000e+04, v13  }
0x304: {  	v14 =	vmul.f32 $1.000000000e+04, v14;
	v15 =	vmul.f32 $1.000000000e+04, v15  }
0x305: {  	v16 =	vmul.f32 $1.000000000e+04, v16;
	v17 =	vmul.f32 $1.000000000e+04, v17  }
0x306: {  	v18 =	vmul.f32 $1.000000000e+04, v18;
	v19 =	vmul.f32 $1.000000000e+04, v19  }
0x307: {  	v8 =	vtrunc.f32 v8;
	v9 =	vtrunc.f32 v9  }
0x308: {  	v10 =	vtrunc.f32 v10;
	v11 =	vtrunc.f32 v11  }
0x309: {  	v12 =	vtrunc.f32 v12;
	v13 =	vtrunc.f32 v13  }
0x30a: {  	v14 =	vtrunc.f32 v14;
	v15 =	vtrunc.f32 v15  }
0x30b: {  	v44 =	vld [tilespmem:$0x3940];
	v16 =	vtrunc.f32 v16;
	v17 =	vtrunc.f32 v17  }
0x30c: {  	v45 =	vld [tilespmem:$0x3750];
	v18 =	vtrunc.f32 v18;
	v19 =	vtrunc.f32 v19  }
0x30d: {  	v46 =	vld [tilespmem:$0x3950];
	v8 =	vcvt.f32.s32 v8;
	v9 =	vcvt.f32.s32 v9  }
0x30e: {  	v10 =	vcvt.f32.s32 v10;
	v11 =	vcvt.f32.s32 v11  }
0x30f: {  	v12 =	vcvt.f32.s32 v12;
	v13 =	vcvt.f32.s32 v13  }
0x310: {  	v50 =	vsub.f32 v44, v5;
	v14 =	vcvt.f32.s32 v14;
	v15 =	vcvt.f32.s32 v15  }
0x311: {  	v52 =	vsub.f32 v45, v4;
	v16 =	vcvt.f32.s32 v16;
	v17 =	vcvt.f32.s32 v17  }
0x312: {  	v53 =	vsub.f32 v46, v5;
	v18 =	vcvt.f32.s32 v18;
	v19 =	vcvt.f32.s32 v19  }
0x313: {  	vm14 =	vgt.s32 v8, $0x0;
	vm15 =	vgt.s32 v9, $0x0;
	vm4 =	vgt.s32 v10, $0x0  }
0x314: {  	vm5 =	vgt.s32 v11, $0x0;
	vm6 =	vgt.s32 v12, $0x0;
	vm7 =	vgt.s32 v13, $0x0  }
0x315: {  	vm8 =	vgt.s32 v14, $0x0;
	vm9 =	vgt.s32 v15, $0x0;
	vm1 =	vgt.s32 v16, $0x0  }
0x316: {  	vm2 =	vgt.s32 v17, $0x0;
	vm10 =	vgt.s32 v18, $0x0;
	vm11 =	vgt.s32 v19, $0x0  }
0x317: {  	v8 =	vnsel vm14, $0x0, v8;
	v9 =	vnsel vm15, $0x0, v9;
	v10 =	vnsel vm4, $0x0, v10  }
0x318: {  	v11 =	vnsel vm5, $0x0, v11;
	v12 =	vnsel vm6, $0x0, v12;
	v13 =	vnsel vm7, $0x0, v13  }
0x319: {  	v14 =	vnsel vm8, $0x0, v14;
	v15 =	vnsel vm9, $0x0, v15;
	v8 =	vmin.u32 v8, $0x270F  }
0x31a: {  	v16 =	vnsel vm1, $0x0, v16;
	v17 =	vnsel vm2, $0x0, v17;
	v47 =	vmin.u32 v10, $0x270F;
	[tilespmem:$0x3AE0] =	vst v8  }
0x31b: {  	v18 =	vnsel vm10, $0x0, v18;
	v19 =	vnsel vm11, $0x0, v19;
	v49 =	vmin.u32 v12, $0x270F;
	[tilespmem:$0x3AF0] =	vst v47  }
0x31c: {  	v51 =	vmin.u32 v13, $0x270F;
	v10 =	vmul.f32 $1.000000000e+04, v48;
	v12 =	vmul.f32 v50, v7;
	[tilespmem:$0x3B00] =	vst v49  }
0x31d: {  	v54 =	vmin.u32 v15, $0x270F;
	v13 =	vmul.f32 v52, v6;
	v8 =	vmin.u32 v9, $0x270F;
	[tilespmem:$0x3D00] =	vst v51  }
0x31e: {  	v55 =	vmin.u32 v16, $0x270F;
	[tilespmem:$0x3CE0] =	vst v8;
	v8 =	vmin.u32 v11, $0x270F;
	v10 =	vtrunc.f32 v10  }
0x31f: {  	v12 =	vmul.f32 $1.000000000e+04, v12;
	[tilespmem:$0x3CF0] =	vst v8;
	v8 =	vmin.u32 v14, $0x270F;
	v14 =	vmul.f32 v53, v7  }
0x320: {  	v56 =	vmin.u32 v18, $0x270F;
	[tilespmem:$0x3D10] =	vst v54;
	v13 =	vmul.f32 $1.000000000e+04, v13;
	v10 =	vcvt.f32.s32 v10  }
0x321: {  	v57 =	vmin.u32 v19, $0x270F;
	[tilespmem:$0x3B20] =	vst v55;
	v12 =	vtrunc.f32 v12;
	v14 =	vmul.f32 $1.000000000e+04, v14  }
0x322: {  	[tilespmem:$0x3B10] =	vst v8;
	v8 =	vmin.u32 v17, $0x270F;
	v13 =	vtrunc.f32 v13;
	v12 =	vcvt.f32.s32 v12  }
0x323: {  	s8 =	sadd.s32 $0x160, s3;
	[tilespmem:$0x3D20] =	vst v8;
	vm12 =	vgt.s32 v10, $0x0;
	v8 =	vcvt.f32.s32 v13;
	v58 =	vtrunc.f32 v14  }
0x324: {  	p0 =	slt.s32 s8, $0x30D;
	[tilespmem:$0x3B30] =	vst v56;
	v10 =	vnsel vm12, $0x0, v10;
	vm13 =	vgt.s32 v12, $0x0;
	v59 =	vcvt.f32.s32 v58  }
0x325: {  	s8 =	simm.s32 @!p0 $0x30D;
	[tilespmem:$0x3D30] =	vst v57;
	v60 =	vmin.u32 v10, $0x270F;
	vm14 =	vgt.s32 v8, $0x0;
	v61 =	vnsel vm13, $0x0, v12  }
0x326: {  	s8 =	sshll.u32 s8, $0x7;
	[tilespmem:$0x3B40] =	vst v60;
	v8 =	vnsel vm14, $0x0, v8;
	v62 =	vmin.u32 v61, $0x270F;
	vm15 =	vgt.s32 v59, $0x0  }
0x327: {  	s8 =	smin.u32 s8, $0x18620;
	v8 =	vmin.u32 v8, $0x270F;
	[tilespmem:$0x3D40] =	vst v62;
	v63 =	vnsel vm15, $0x0, v59  }
0x328: {  	s8 =	sshrl.u32 s8, $0x3;
	[tilespmem:$0x3B50] =	vst v8;
	v8 =	vmin.u32 v63, $0x270F  }
0x329: {  	s23 =	simm.s32 $0x36E0;
	s11 =	sadd.s32 s2, s8;
	[tilespmem:$0x3D50] =	vst v8  }
0x32a: {  	[tilespmem:s23], [sflag:$0x4] =	stream.linear.gather [hbm4b:s11+s24], $0x80, $0x38;
	[tilespmem:$0x13D60] =	vst v63  }
0x32b: {  	s8 =	sadd.s32 s29, s8;
	s23 =	simm.s32 $0x38E0  }
0x32c: {  	[tilespmem:s23], [sflag:$0x4] =	stream.linear.gather [hbm4b:s8+s24], $0x80, $0x38;
	[tilespmem:$0x13D60] =	vst v63  }
0x32d: {  	_ =	swait.ge [sflag:s6], $0x2000  }
0x32e: {  	[sflag:s6] =	ssyncset.done $0x0  }
0x32f: {  	[sflag:s6] =	ssyncadd.s32 $0xFFFFE000  }
0x330: {  	_ =	swait.ge [sflag:s6], $0x2000  }
0x331: {  	s12 =	sadd.s32 $0x40000, s12;
	s17 =	smov.u32 s19;
	[sflag:s6] =	ssyncset.done $0x0  }
0x332: {  	s19 =	simm.s32 $0x3AE0;
	s3 =	sadd.s32 $0xA0, s3;
	[sflag:s6] =	ssyncadd.s32 $0xFFFFE000  }
0x333: {  	[tilespmem:s22], [sflag:$0x8] =	stream.indirect.gather [hbm4b:s7+s15], $0x40, s19, s15, $0xb8;
	[tilespmem:$0x13D60] =	vst v63  }
0x334: {  	s31 =	simm.s32 $0x7D60;
	p0 =	slt.s32 s3, $0x30D;
	s23 =	simm.s32 $0x3CE0  }
0x335: {  	[tilespmem:s1], [sflag:$0x8] =	stream.indirect.gather [hbm4b:s7+s15], $0x40, s23, s15, $0xb8;
	[tilespmem:$0x13D60] =	vst v63  }
0x336: {  	s4 =	simm.s32 $0xFD60;
	s3 =	simm.s32 @!p0 $0x30D;
	_ =	swait.ge [sflag:s0], $0x2000  }
0x337: {  	p0 =	sne.s32 s10, $0x280;
	s3 =	sshll.u32 s3, $0x7;
	[sflag:s0] =	ssyncset.done $0x0  }
0x338: {  	s10 =	sadd.s32 $0x80, s10;
	s3 =	smin.u32 s3, $0x18620;
	[sflag:s0] =	ssyncadd.s32 $0xFFFFE000  }
0x339: {  	s3 =	sshll.u32 s3, $0x4;
	s11 =	simm.s32 $0x9D60;
	_ =	swait.ge [sflag:s0], $0x2000  }
.Ltmp1:
0x33a: {  	s19 =	simm.s32 $0x11D60;
	[sflag:s0] =	ssyncset.done $0x0;
	(pc) =	sbr.rel @p0 .LBB2_4-.Ltmp1, $4  }
0x33b: {  	s22 =	simm.s32 $0x5D60;
	s1 =	sadd.s32 s17, s3;
	[sflag:s0] =	ssyncadd.s32 $0xFFFFE000  }
0x33c: {  	[hbm4b:s1+s25] =	stream.strided.scatter [tilespmem:s22], [sflag:$0xA], $0x2000, s15, s25, $0x38;
	[tilespmem:$0x13D60] =	vst v63  }
0x33d: {  	s3 =	sadd.s32 s3, s18;
	s23 =	simm.s32 $0xDD60;
	s8 =	sld [smem:$0x7FD]  }
0x33e: {  	[hbm4b:s3+s25] =	stream.strided.scatter [tilespmem:s23], [sflag:$0xA], $0x2000, s15, s25, $0x38;
	[tilespmem:$0x13D60] =	vst v63  }
0x33f: {  	_ =	swait.ge [sflag:s13], $0x2000  }
0x340: {  	[sflag:s13] =	ssyncset.done $0x0  }
0x341: {  	[sflag:s13] =	ssyncadd.s32 $0xFFFFE000  }
0x342: {  	_ =	swait.ge [sflag:s13], $0x2000  }
0x343: {  	[sflag:s13] =	ssyncset.done $0x0;
	s3 =	rddreg [dreg:$0x1e]  }
0x344: {  	s10 =	sld [smem:$0x7FC];
	[sflag:s13] =	ssyncadd.s32 $0xFFFFE000  }
0x345: {  	[hbm4b:s3+s25] =	stream.strided.scatter [tilespmem:s31], [sflag:$0xB], $0x2000, s15, s25, $0x38;
	[tilespmem:$0x13D60] =	vst v63  }
0x346: {  	_ = 	snop  }
0x347: {  	[hbm4b:s10+s25] =	stream.strided.scatter [tilespmem:s4], [sflag:$0xB], $0x2000, s15, s25, $0x38;
	[tilespmem:$0x13D60] =	vst v63  }
0x348: {  	_ =	swait.ge [sflag:s21], $0x2000  }
0x349: {  	[sflag:s21] =	ssyncset.done $0x0  }
0x34a: {  	[sflag:s21] =	ssyncadd.s32 $0xFFFFE000  }
0x34b: {  	_ =	swait.ge [sflag:s21], $0x2000  }
0x34c: {  	[sflag:s21] =	ssyncset.done $0x0  }
0x34d: {  	[sflag:s21] =	ssyncadd.s32 $0xFFFFE000  }
0x34e: {  	[hbm4b:s3+s25] =	stream.strided.scatter [tilespmem:s11], [sflag:$0xC], $0x2000, s15, s25, $0x38;
	[tilespmem:$0x13D60] =	vst v63  }
0x34f: {  	_ = 	snop  }
0x350: {  	[hbm4b:s10+s25] =	stream.strided.scatter [tilespmem:s19], [sflag:$0xC], $0x2000, s15, s25, $0x38;
	[tilespmem:$0x13D60] =	vst v63  }
0x351: {  	_ =	swait.ge [sflag:s9], $0x80  }
0x352: {  	[sflag:s9] =	ssyncset.done $0x0  }
0x353: {  	[sflag:s9] =	ssyncadd.s32 $0xFFFFFF80  }
0x354: {  	_ =	swait.ge [sflag:s9], $0x80  }
0x355: {  	[sflag:s9] =	ssyncset.done $0x0  }
0x356: {  	[sflag:s9] =	ssyncadd.s32 $0xFFFFFF80  }
0x357: {  	_ =	swait.ge [sflag:s16], $0x2000  }
0x358: {  	[sflag:s16] =	ssyncset.done $0x0  }
0x359: {  	[sflag:s16] =	ssyncadd.s32 $0xFFFFE000  }
0x35a: {  	_ =	swait.ge [sflag:s16], $0x2000  }
0x35b: {  	[sflag:s16] =	ssyncset.done $0x0  }
0x35c: {  	[sflag:s16] =	ssyncadd.s32 $0xFFFFE000  }
0x35d: {  	_ =	swait.ge [sflag:s14], $0x80  }
0x35e: {  	[sflag:s14] =	ssyncset.done $0x0  }
0x35f: {  	[sflag:s14] =	ssyncadd.s32 $0xFFFFFF80  }
0x360: {  	_ =	swait.ge [sflag:s14], $0x80  }
0x361: {  	[sflag:s14] =	ssyncset.done $0x0  }
0x362: {  	[sflag:s14] =	ssyncadd.s32 $0xFFFFFF80  }
0x363: {  	_ =	swait.ge [sflag:s20], $0x2000  }
0x364: {  	[sflag:s20] =	ssyncset.done $0x0  }
0x365: {  	[sflag:s20] =	ssyncadd.s32 $0xFFFFE000  }
0x366: {  	_ =	swait.ge [sflag:s20], $0x2000  }
0x367: {  	[sflag:s20] =	ssyncset.done $0x0  }
0x368: {  	[sflag:s20] =	ssyncadd.s32 $0xFFFFE000  }
0x369: {  	_ =	swait.ge [sflag:s26], $0x80  }
0x36a: {  	[sflag:s26] =	ssyncset.done $0x0  }
0x36b: {  	[sflag:s26] =	ssyncadd.s32 $0xFFFFFF80  }
0x36c: {  	_ =	swait.ge [sflag:s26], $0x80  }
0x36d: {  	[sflag:s26] =	ssyncset.done $0x0  }
0x36e: {  	[sflag:s26] =	ssyncadd.s32 $0xFFFFFF80  }
0x36f: {  	_ =	swait.ge [sflag:s28], $0x2000  }
0x370: {  	[sflag:s28] =	ssyncset.done $0x0  }
0x371: {  	[sflag:s28] =	ssyncadd.s32 $0xFFFFE000  }
0x372: {  	_ =	swait.ge [sflag:s28], $0x2000  }
0x373: {  	[sflag:s28] =	ssyncset.done $0x0  }
0x374: {  	[sflag:s28] =	ssyncadd.s32 $0xFFFFE000  }
0x375: {  	_ =	swait.ge [sflag:s5], $0x80  }
0x376: {  	[sflag:s5] =	ssyncset.done $0x0  }
0x377: {  	[sflag:s5] =	ssyncadd.s32 $0xFFFFFF80  }
0x378: {  	_ =	swait.ge [sflag:s5], $0x80  }
0x379: {  	[sflag:s5] =	ssyncset.done $0x0  }
0x37a: {  	[sflag:s5] =	ssyncadd.s32 $0xFFFFFF80  }
0x37b: {  	_ =	swait.ge [sflag:s6], $0x2000  }
0x37c: {  	[sflag:s6] =	ssyncset.done $0x0  }
0x37d: {  	[sflag:s6] =	ssyncadd.s32 $0xFFFFE000  }
0x37e: {  	_ =	swait.ge [sflag:s6], $0x2000  }
0x37f: {  	s25 =	sld [smem:$0x7FA];
	_ =	sdelay $0x2  }
0x380: {  	s31 =	rddreg [dreg:$0x1d];
	s10 =	sadd.s32 $0x1, s25  }
0x381: {  	p0 =	sne.s32 s10, s31  }
.Ltmp2:
0x382: {  	s12 =	simm.s32 $0xD;
	s23 =	simm.s32 $0x3760;
	(pc) =	sbr.rel @p0 .LBB2_1-.Ltmp2, $4  }
0x383: {  	s29 =	simm.s32 $0xBD60;
	s18 =	simm.s32 $0x35E0;
	s22 =	simm.s32 $0x5  }
0x384: {  	s30 =	simm.s32 $0x6;
	s0 =	simm.s32 $0x40;
	s4 =	simm.s32 $0x3960  }
0x385: {  	s11 =	simm.s32 $0x3B60;
	s19 =	simm.s32 $0x3560;
	[sflag:s6] =	ssyncset.done $0x0  }
0x386: {  	[sflag:s6] =	ssyncadd.s32 $0xFFFFE000;
	s6 =	simm.s32 $0x0;
	s25 =	simm.s32 $0x3D60  }
0x387: {  	_ =	sfence.sel $0x180000  }
0x388: {  	[bflag:$0x0] =	sbarrier.arrive $0xFFFF  }
0x389: {  	_ =	strace $0x90000047  }
0x38a: {  	s0 =	stileid.u32;
	[bflag:$0x2] =	sbarrier.arrive $0xFFFF  }
0x38b: {  	p0 =	sne.s32 s0, $0x0;
	s0 =	rddreg [dreg:$0x5]  }
0x38c: {  	s0 =	sadd.s32 @!p0 $0x100000, s0  }
0x38d: {  	[sflag:s0] =	ssyncadd.tile.s32 @!p0 $0x1;
	_ =	shalt  }
.Lfunc_end2:
_tile_overlayer_lowered:
.L_overlay_start_2:
0x38e: {  	(tag) =	ssettag $0x2  }
0x38f: {  	s0 =	rddreg [dreg:$0x0];
	s2 =	stileid.u32  }
0x390: {  	s1 =	rddreg [dreg:$0x1];
	p0 =	sne.s32 s2, $0x0  }
0x391: {  	s3 =	rddreg [dreg:$0x2];
	[bflag:$0x3] =	sbarrier.arrive $0xFFFF;
	s2 =	simm.s32 @!p0 $0x1C0D  }
0x392: {  	[timem:s3], [sflag:s2] =	dma.local @!p0 [hbm:s0], s1  }
0x393: {  	s0 =	simm.s32 @!p0 $0xD  }
0x394: {  	_ =	swait.ge @!p0 [sflag:s0], s1  }
0x395: {  	s1 =	ssub.s32 @!p0 $0x0, s1;
	[sflag:s0] =	ssyncset.done @!p0 $0x0  }
0x396: {  	[sflag:s0] =	ssyncadd.s32 @!p0 s1  }
0x397: {  	[bflag:$0x3] =	sbarrier.arrive $0xFFFF  }
0x398: {  	_ =	shalt  }

</sc_bundles>
